<compile_context>
chip_gen: v7x
topology: tpu7x:2x2x1
jax: 0.10.2.dev20260603
libtpu: 0.0.44.dev20260713+nightly
codegen_flags: <defaults>
</compile_context>

<pallas_src>
import functools

import jax
import jax.numpy as jnp
from jax import lax
from jax.experimental import pallas as pl
from jax.experimental.pallas import tpu as pltpu
from jax.experimental.pallas import tpu_sc as plsc

N_I = 10000
N_D = 10000
E = 320000
D = 128

NC = 2
NS = 16
NW = NC * NS
EPW = E // NW
C = 50
NBLK = 5
IB = 40
BE = IB * C
AR = 10240
RPT = AR // NS
ZB = 40
ZR = 128
NBUF = 4


def _sc_body(edge_hbm, table_hbm, out_hbm,
             sidx, didx, r0, r1, r2, r3, acc, s0, s1, s2, s3, isem):
    c = lax.axis_index("c")
    s = lax.axis_index("s")
    w = c * NS + s
    rows = (r0, r1, r2, r3)
    sems = (s0, s1, s2, s3)

    src_all = edge_hbm.at[0]
    dst_all = edge_hbm.at[1]

    def mk(page):
        sq, dq = sidx.at[page], didx.at[page]

        def start_g(t, p):
            pltpu.async_copy(table_hbm.at[sq.at[t]], rows[p], sems[p])

        def wait_g(t, p):
            pltpu.make_async_copy(table_hbm.at[sq.at[t]], rows[p],
                                  sems[p]).wait()

        def start_s(t, p):
            pltpu.async_copy(rows[p], acc.at[dq.at[t]], sems[p], add=True)

        def wait_s(t, p):
            pltpu.make_async_copy(rows[p], acc.at[dq.at[t]], sems[p]).wait()

        return start_g, wait_g, start_s, wait_s

    pltpu.sync_copy(src_all.at[w, 0], sidx.at[0])
    pltpu.sync_copy(dst_all.at[w, 0], didx.at[0])
    g0_start_g, _, _, _ = mk(0)
    g0_start_g(0, 0)
    g0_start_g(1, 1)
    g0_start_g(2, 2)

    zero = jnp.zeros((16,), jnp.float32)

    @pl.loop(0, ZB)
    def _(i):
        @pl.loop(0, D // 16)
        def _(k):
            r3[i, pl.ds(k * 16, 16)] = zero

    zsrc = r3.at[pl.ds(0, ZB)]
    for r in range(RPT // ZB):
        pltpu.async_copy(zsrc, acc.at[pl.ds(s * RPT + r * ZB, ZB)], isem)
    for r in range(RPT // ZB):
        pltpu.make_async_copy(zsrc, acc.at[pl.ds(s * RPT, ZB)], isem).wait()
    plsc.subcore_barrier()

    for b in range(NBLK):
        q = b % 2
        start_g, wait_g, start_s, wait_s = mk(q)
        start_gn, _, _, _ = mk(1 - q)

        if b + 1 < NBLK:
            pltpu.async_copy(src_all.at[w, b + 1], sidx.at[1 - q], isem)
            pltpu.async_copy(dst_all.at[w, b + 1], didx.at[1 - q], isem)

        if b == 0:
            wait_g(0, 0); start_s(0, 0); start_g(3, 3)
            wait_s(0, 0); start_g(4, 0); wait_g(1, 1); start_s(1, 1)
            wait_s(1, 1); start_g(5, 1); wait_g(2, 2); start_s(2, 2)
            wait_s(2, 2); start_g(6, 2); wait_g(3, 3); start_s(3, 3)
            lo = 4
        else:
            lo = 0

        @pl.loop(lo, IB - 4, step=NBUF)
        def _(g):
            for p in range(NBUF):
                t = g + p
                qq = (p + 3) % NBUF
                wait_s(jnp.maximum(t - 1, 0), qq)
                start_g(t + 3, qq)
                wait_g(t, p)
                start_s(t, p)

        if b + 1 < NBLK:
            pltpu.make_async_copy(src_all.at[w, b + 1], sidx.at[1 - q],
                                  isem).wait()
            pltpu.make_async_copy(dst_all.at[w, b + 1], didx.at[1 - q],
                                  isem).wait()
        wait_s(IB - 5, 3); start_g(IB - 1, 3); wait_g(IB - 4, 0); start_s(IB - 4, 0)
        if b + 1 < NBLK:
            wait_s(IB - 4, 0); start_gn(0, 0); wait_g(IB - 3, 1); start_s(IB - 3, 1)
            wait_s(IB - 3, 1); start_gn(1, 1); wait_g(IB - 2, 2); start_s(IB - 2, 2)
            wait_s(IB - 2, 2); start_gn(2, 2); wait_g(IB - 1, 3); start_s(IB - 1, 3)
        else:
            wait_s(IB - 4, 0); wait_g(IB - 3, 1); start_s(IB - 3, 1)
            wait_s(IB - 3, 1); wait_g(IB - 2, 2); start_s(IB - 2, 2)
            wait_s(IB - 2, 2); wait_g(IB - 1, 3); start_s(IB - 1, 3)
            wait_s(IB - 1, 3)

    plsc.subcore_barrier()

    for r in range(RPT // ZR):
        base = s * RPT + r * ZR
        pltpu.async_copy(acc.at[pl.ds(base, ZR)],
                         out_hbm.at[c].at[pl.ds(base, ZR)], sems[r % NBUF])
    for r in range(RPT // ZR):
        base = s * RPT + r * ZR
        pltpu.make_async_copy(acc.at[pl.ds(base, ZR)],
                              out_hbm.at[c].at[pl.ds(base, ZR)],
                              sems[r % NBUF]).wait()


@functools.cache
def _sc_call():
    return pl.kernel(
        _sc_body,
        out_type=jax.ShapeDtypeStruct((NC, AR, D), jnp.float32),
        mesh=plsc.VectorSubcoreMesh(core_axis_name="c", subcore_axis_name="s",
                                    num_cores=NC, num_subcores=NS),
        scratch_types=[
            pltpu.VMEM((2, IB, C), jnp.int32),
            pltpu.VMEM((2, IB, C), jnp.int32),
            pltpu.VMEM((C, D), jnp.float32),
            pltpu.VMEM((C, D), jnp.float32),
            pltpu.VMEM((C, D), jnp.float32),
            pltpu.VMEM((C, D), jnp.float32),
            pltpu.VMEM_SHARED((AR, D), jnp.float32),
            pltpu.SemaphoreType.DMA,
            pltpu.SemaphoreType.DMA,
            pltpu.SemaphoreType.DMA,
            pltpu.SemaphoreType.DMA,
            pltpu.SemaphoreType.DMA,
        ],
    )


def _combine_body(p_ref, o_ref):
    o_ref[...] = p_ref[0] + p_ref[1]


def kernel(i_node, edge_index):
    edges = edge_index.astype(jnp.int32).reshape(2, NW, NBLK, IB, C)
    partials = _sc_call()(edges, i_node)
    nb = 2
    rb = N_D // nb
    return pl.pallas_call(
        _combine_body,
        out_shape=jax.ShapeDtypeStruct((N_D, D), jnp.float32),
        grid=(nb,),
        in_specs=[pl.BlockSpec((NC, rb, D), lambda i: (0, i, 0))],
        out_specs=pl.BlockSpec((rb, D), lambda i: (i, 0)),
    )(partials)

# --- scband reference (transcript-rebuilt; emitter-appended) ---
"""Pipeline reference for scband-i2s-layer-481036337398 (READ-ONLY COPY).

The authoritative reference and input builder live on the scoring server;
editing this copy changes nothing except your own understanding.
"""

import jax, jax.numpy as jnp
import numpy as np

N_I = 10000
N_D = 10000
E = 320000
D_FEAT = 128

def setup_inputs(seed: int = 0) -> dict:
    key = jax.random.key(seed)
    k1, k2 = jax.random.split(key)
    i_node = jax.random.normal(k1, (N_I, D_FEAT), dtype=jnp.float32)
    edge_index = jax.random.randint(k2, (2, E), 0, N_I, dtype=jnp.int64)
    return {"i_node": i_node, "edge_index": edge_index}

def reference(i_node, edge_index):
    # DGL copy_u('h','mail') + sum('mail','h') on ('i_nd','i2d','d_nd'):
    # gather source-node features onto edges, scatter-add into destination nodes.
    src = edge_index[0]
    dst = edge_index[1]
    mail = jnp.take(i_node, src, axis=0)            # copy_u: [E, D_FEAT]
    d_node = jax.ops.segment_sum(mail, dst, num_segments=N_D)  # sum reduce at d_nd
    return d_node

if __name__ == "__main__":
    import jax
    _d = setup_inputs()
    print(jax.jit(kernel)(*tuple(_d.values())))

</pallas_src>

<mosaic_0001>
#map = affine_map<(d0, d1) -> (0, 0, 0, 0, 0)>
#map1 = affine_map<(d0, d1) -> (0, 0)>
#map2 = affine_map<(d0, d1) -> (0, 0, 0)>
module attributes {stable_mosaic.version = 14 : i64} {
  func.func @_sc_body(%arg0: i32, %arg1: i32, %arg2: memref<2x32x5x40x50xi32, #tpu.memory_space<hbm>>, %arg3: memref<10000x128xf32, #tpu.memory_space<hbm>>, %arg4: memref<2x10240x128xf32, #tpu.memory_space<hbm>>, %arg5: memref<2x40x50xi32, #tpu.memory_space<vmem>>, %arg6: memref<2x40x50xi32, #tpu.memory_space<vmem>>, %arg7: memref<50x128xf32, #tpu.memory_space<vmem>>, %arg8: memref<50x128xf32, #tpu.memory_space<vmem>>, %arg9: memref<50x128xf32, #tpu.memory_space<vmem>>, %arg10: memref<50x128xf32, #tpu.memory_space<vmem>>, %arg11: memref<10240x128xf32, #tpu.memory_space<vmem_shared>>, %arg12: memref<!tpu.dma_semaphore, #tpu.memory_space<semaphore_mem>>, %arg13: memref<!tpu.dma_semaphore, #tpu.memory_space<semaphore_mem>>, %arg14: memref<!tpu.dma_semaphore, #tpu.memory_space<semaphore_mem>>, %arg15: memref<!tpu.dma_semaphore, #tpu.memory_space<semaphore_mem>>, %arg16: memref<!tpu.dma_semaphore, #tpu.memory_space<semaphore_mem>>) attributes {dimension_semantics = [#tpu.dimension_semantics<core_parallel>, #tpu.dimension_semantics<subcore_parallel>], iteration_bounds = array<i64: 2, 16>, scalar_prefetch = 0 : i64, scratch_operands = 12 : i64, tpu.core_type = #tpu.core_type<sc_vector_subcore>, window_params = [{transform_indices = #map}, {transform_indices = #map1}, {transform_indices = #map2}]} {
    %mul3A = arith.constant 16 : i32
    %mul3A_0 = arith.muli %arg0, %mul3A : i32
    %add3A = arith.addi %mul3A_0, %arg1 : i32
    %run_scoped3A = arith.constant 0 : i32
    %run_scoped3A_1 = arith.constant 0 : i32
    %run_scoped3A_2 = arith.constant 0 : i32
    "tpu.region"() ({
      %run_scoped3A_2229 = tpu.sem_alloc : memref<!tpu.dma_semaphore, #tpu.memory_space<semaphore_mem>>
      %dma_start3A_2230 = arith.constant 0 : i32
      %dma_start3A_2231 = arith.constant 0 : i32
      %dma_start3A_2232 = tpu.memref_slice %arg5[%run_scoped3A_2, %dma_start3A_2230, %dma_start3A_2231] : memref<2x40x50xi32, #tpu.memory_space<vmem>> -> memref<1x40x50xi32, #tpu.memory_space<vmem>>
      %dma_start3A_2233 = tpu.memref_squeeze %dma_start3A_2232 : memref<1x40x50xi32, #tpu.memory_space<vmem>> -> memref<40x50xi32, #tpu.memory_space<vmem>>
      %dma_start3A_2234 = arith.constant 0 : i32
      %dma_start3A_2235 = arith.constant 0 : i32
      %dma_start3A_2236 = arith.constant 0 : i32
      %dma_start3A_2237 = arith.constant 0 : i32
      %dma_start3A_2238 = tpu.memref_slice %arg2[%run_scoped3A, %dma_start3A_2234, %dma_start3A_2235, %dma_start3A_2236, %dma_start3A_2237] : memref<2x32x5x40x50xi32, #tpu.memory_space<hbm>> -> memref<1x32x5x40x50xi32, #tpu.memory_space<hbm>>
      %dma_start3A_2239 = tpu.memref_squeeze %dma_start3A_2238 : memref<1x32x5x40x50xi32, #tpu.memory_space<hbm>> -> memref<32x5x40x50xi32, #tpu.memory_space<hbm>>
      %dma_start3A_2240 = arith.constant 0 : i32
      %dma_start3A_2241 = arith.constant 0 : i32
      %dma_start3A_2242 = tpu.memref_slice %dma_start3A_2239[%add3A, %run_scoped3A_1, %dma_start3A_2240, %dma_start3A_2241] : memref<32x5x40x50xi32, #tpu.memory_space<hbm>> -> memref<1x1x40x50xi32, #tpu.memory_space<hbm>>
      %dma_start3A_2243 = tpu.memref_squeeze %dma_start3A_2242 : memref<1x1x40x50xi32, #tpu.memory_space<hbm>> -> memref<40x50xi32, #tpu.memory_space<hbm>>
      %dma_start3A_2244 = arith.constant 0 : i32
      %dma_start3A_2245 = arith.constant 0 : i32
      %dma_start3A_2246 = tpu.memref_slice %arg5[%run_scoped3A_2, %dma_start3A_2244, %dma_start3A_2245] : memref<2x40x50xi32, #tpu.memory_space<vmem>> -> memref<1x40x50xi32, #tpu.memory_space<vmem>>
      %dma_start3A_2247 = tpu.memref_squeeze %dma_start3A_2246 : memref<1x40x50xi32, #tpu.memory_space<vmem>> -> memref<40x50xi32, #tpu.memory_space<vmem>>
      %dma_start3A_2248 = arith.constant 0 : i32
      %dma_start3A_2249 = arith.constant 0 : i32
      %dma_start3A_2250 = arith.constant 0 : i32
      %dma_start3A_2251 = arith.constant 0 : i32
      %dma_start3A_2252 = tpu.memref_slice %arg2[%run_scoped3A, %dma_start3A_2248, %dma_start3A_2249, %dma_start3A_2250, %dma_start3A_2251] : memref<2x32x5x40x50xi32, #tpu.memory_space<hbm>> -> memref<1x32x5x40x50xi32, #tpu.memory_space<hbm>>
      %dma_start3A_2253 = tpu.memref_squeeze %dma_start3A_2252 : memref<1x32x5x40x50xi32, #tpu.memory_space<hbm>> -> memref<32x5x40x50xi32, #tpu.memory_space<hbm>>
      %dma_start3A_2254 = arith.constant 0 : i32
      %dma_start3A_2255 = arith.constant 0 : i32
      %dma_start3A_2256 = tpu.memref_slice %dma_start3A_2253[%add3A, %run_scoped3A_1, %dma_start3A_2254, %dma_start3A_2255] : memref<32x5x40x50xi32, #tpu.memory_space<hbm>> -> memref<1x1x40x50xi32, #tpu.memory_space<hbm>>
      %dma_start3A_2257 = tpu.memref_squeeze %dma_start3A_2256 : memref<1x1x40x50xi32, #tpu.memory_space<hbm>> -> memref<40x50xi32, #tpu.memory_space<hbm>>
      tpu.enqueue_dma source(%dma_start3A_2257 : memref<40x50xi32, #tpu.memory_space<hbm>>) target(%dma_start3A_2247 : memref<40x50xi32, #tpu.memory_space<vmem>>) target_semaphore(%run_scoped3A_2229 : memref<!tpu.dma_semaphore, #tpu.memory_space<semaphore_mem>>)
      %dma_wait3A_2258 = arith.constant 0 : i32
      %dma_wait3A_2259 = arith.constant 0 : i32
      %dma_wait3A_2260 = tpu.memref_slice %arg5[%run_scoped3A_2, %dma_wait3A_2258, %dma_wait3A_2259] : memref<2x40x50xi32, #tpu.memory_space<vmem>> -> memref<1x40x50xi32, #tpu.memory_space<vmem>>
      %dma_wait3A_2261 = tpu.memref_squeeze %dma_wait3A_2260 : memref<1x40x50xi32, #tpu.memory_space<vmem>> -> memref<40x50xi32, #tpu.memory_space<vmem>>
      %dma_wait3A_2262 = arith.constant 0 : i32
      %dma_wait3A_2263 = arith.constant 0 : i32
      %dma_wait3A_2264 = arith.constant 0 : i32
      %dma_wait3A_2265 = arith.constant 0 : i32
      %dma_wait3A_2266 = tpu.memref_slice %arg2[%run_scoped3A, %dma_wait3A_2262, %dma_wait3A_2263, %dma_wait3A_2264, %dma_wait3A_2265] : memref<2x32x5x40x50xi32, #tpu.memory_space<hbm>> -> memref<1x32x5x40x50xi32, #tpu.memory_space<hbm>>
      %dma_wait3A_2267 = tpu.memref_squeeze %dma_wait3A_2266 : memref<1x32x5x40x50xi32, #tpu.memory_space<hbm>> -> memref<32x5x40x50xi32, #tpu.memory_space<hbm>>
      %dma_wait3A_2268 = arith.constant 0 : i32
      %dma_wait3A_2269 = arith.constant 0 : i32
      %dma_wait3A_2270 = tpu.memref_slice %dma_wait3A_2267[%add3A, %run_scoped3A_1, %dma_wait3A_2268, %dma_wait3A_2269] : memref<32x5x40x50xi32, #tpu.memory_space<hbm>> -> memref<1x1x40x50xi32, #tpu.memory_space<hbm>>
      %dma_wait3A_2271 = tpu.memref_squeeze %dma_wait3A_2270 : memref<1x1x40x50xi32, #tpu.memory_space<hbm>> -> memref<40x50xi32, #tpu.memory_space<hbm>>
      %dma_wait3A_2272 = arith.constant 0 : i32
      %dma_wait3A_2273 = arith.constant 0 : i32
      %dma_wait3A_2274 = tpu.memref_slice %arg5[%run_scoped3A_2, %dma_wait3A_2272, %dma_wait3A_2273] : memref<2x40x50xi32, #tpu.memory_space<vmem>> -> memref<1x40x50xi32, #tpu.memory_space<vmem>>
      %dma_wait3A_2275 = tpu.memref_squeeze %dma_wait3A_2274 : memref<1x40x50xi32, #tpu.memory_space<vmem>> -> memref<40x50xi32, #tpu.memory_space<vmem>>
      %dma_wait3A_2276 = arith.constant 0 : i32
      %dma_wait3A_2277 = arith.constant 0 : i32
      %dma_wait3A_2278 = arith.constant 0 : i32
      %dma_wait3A_2279 = arith.constant 0 : i32
      %dma_wait3A_2280 = tpu.memref_slice %arg2[%run_scoped3A, %dma_wait3A_2276, %dma_wait3A_2277, %dma_wait3A_2278, %dma_wait3A_2279] : memref<2x32x5x40x50xi32, #tpu.memory_space<hbm>> -> memref<1x32x5x40x50xi32, #tpu.memory_space<hbm>>
      %dma_wait3A_2281 = tpu.memref_squeeze %dma_wait3A_2280 : memref<1x32x5x40x50xi32, #tpu.memory_space<hbm>> -> memref<32x5x40x50xi32, #tpu.memory_space<hbm>>
      %dma_wait3A_2282 = arith.constant 0 : i32
      %dma_wait3A_2283 = arith.constant 0 : i32
      %dma_wait3A_2284 = tpu.memref_slice %dma_wait3A_2281[%add3A, %run_scoped3A_1, %dma_wait3A_2282, %dma_wait3A_2283] : memref<32x5x40x50xi32, #tpu.memory_space<hbm>> -> memref<1x1x40x50xi32, #tpu.memory_space<hbm>>
      %dma_wait3A_2285 = tpu.memref_squeeze %dma_wait3A_2284 : memref<1x1x40x50xi32, #tpu.memory_space<hbm>> -> memref<40x50xi32, #tpu.memory_space<hbm>>
      tpu.wait_dma2 semaphore(%run_scoped3A_2229 : memref<!tpu.dma_semaphore, #tpu.memory_space<semaphore_mem>>) src(%dma_wait3A_2285 : memref<40x50xi32, #tpu.memory_space<hbm>>) dst(%dma_wait3A_2275 : memref<40x50xi32, #tpu.memory_space<vmem>>)
      tpu.yield
    }) : () -> ()
    %run_scoped3A_3 = arith.constant 1 : i32
    %run_scoped3A_4 = arith.constant 0 : i32
    %run_scoped3A_5 = arith.constant 0 : i32
    "tpu.region"() ({
      %run_scoped3A_2229 = tpu.sem_alloc : memref<!tpu.dma_semaphore, #tpu.memory_space<semaphore_mem>>
      %dma_start3A_2230 = arith.constant 0 : i32
      %dma_start3A_2231 = arith.constant 0 : i32
      %dma_start3A_2232 = tpu.memref_slice %arg6[%run_scoped3A_5, %dma_start3A_2230, %dma_start3A_2231] : memref<2x40x50xi32, #tpu.memory_space<vmem>> -> memref<1x40x50xi32, #tpu.memory_space<vmem>>
      %dma_start3A_2233 = tpu.memref_squeeze %dma_start3A_2232 : memref<1x40x50xi32, #tpu.memory_space<vmem>> -> memref<40x50xi32, #tpu.memory_space<vmem>>
      %dma_start3A_2234 = arith.constant 0 : i32
      %dma_start3A_2235 = arith.constant 0 : i32
      %dma_start3A_2236 = arith.constant 0 : i32
      %dma_start3A_2237 = arith.constant 0 : i32
      %dma_start3A_2238 = tpu.memref_slice %arg2[%run_scoped3A_3, %dma_start3A_2234, %dma_start3A_2235, %dma_start3A_2236, %dma_start3A_2237] : memref<2x32x5x40x50xi32, #tpu.memory_space<hbm>> -> memref<1x32x5x40x50xi32, #tpu.memory_space<hbm>>
      %dma_start3A_2239 = tpu.memref_squeeze %dma_start3A_2238 : memref<1x32x5x40x50xi32, #tpu.memory_space<hbm>> -> memref<32x5x40x50xi32, #tpu.memory_space<hbm>>
      %dma_start3A_2240 = arith.constant 0 : i32
      %dma_start3A_2241 = arith.constant 0 : i32
      %dma_start3A_2242 = tpu.memref_slice %dma_start3A_2239[%add3A, %run_scoped3A_4, %dma_start3A_2240, %dma_start3A_2241] : memref<32x5x40x50xi32, #tpu.memory_space<hbm>> -> memref<1x1x40x50xi32, #tpu.memory_space<hbm>>
      %dma_start3A_2243 = tpu.memref_squeeze %dma_start3A_2242 : memref<1x1x40x50xi32, #tpu.memory_space<hbm>> -> memref<40x50xi32, #tpu.memory_space<hbm>>
      %dma_start3A_2244 = arith.constant 0 : i32
      %dma_start3A_2245 = arith.constant 0 : i32
      %dma_start3A_2246 = tpu.memref_slice %arg6[%run_scoped3A_5, %dma_start3A_2244, %dma_start3A_2245] : memref<2x40x50xi32, #tpu.memory_space<vmem>> -> memref<1x40x50xi32, #tpu.memory_space<vmem>>
      %dma_start3A_2247 = tpu.memref_squeeze %dma_start3A_2246 : memref<1x40x50xi32, #tpu.memory_space<vmem>> -> memref<40x50xi32, #tpu.memory_space<vmem>>
      %dma_start3A_2248 = arith.constant 0 : i32
      %dma_start3A_2249 = arith.constant 0 : i32
      %dma_start3A_2250 = arith.constant 0 : i32
      %dma_start3A_2251 = arith.constant 0 : i32
      %dma_start3A_2252 = tpu.memref_slice %arg2[%run_scoped3A_3, %dma_start3A_2248, %dma_start3A_2249, %dma_start3A_2250, %dma_start3A_2251] : memref<2x32x5x40x50xi32, #tpu.memory_space<hbm>> -> memref<1x32x5x40x50xi32, #tpu.memory_space<hbm>>
      %dma_start3A_2253 = tpu.memref_squeeze %dma_start3A_2252 : memref<1x32x5x40x50xi32, #tpu.memory_space<hbm>> -> memref<32x5x40x50xi32, #tpu.memory_space<hbm>>
      %dma_start3A_2254 = arith.constant 0 : i32
      %dma_start3A_2255 = arith.constant 0 : i32
      %dma_start3A_2256 = tpu.memref_slice %dma_start3A_2253[%add3A, %run_scoped3A_4, %dma_start3A_2254, %dma_start3A_2255] : memref<32x5x40x50xi32, #tpu.memory_space<hbm>> -> memref<1x1x40x50xi32, #tpu.memory_space<hbm>>
      %dma_start3A_2257 = tpu.memref_squeeze %dma_start3A_2256 : memref<1x1x40x50xi32, #tpu.memory_space<hbm>> -> memref<40x50xi32, #tpu.memory_space<hbm>>
      tpu.enqueue_dma source(%dma_start3A_2257 : memref<40x50xi32, #tpu.memory_space<hbm>>) target(%dma_start3A_2247 : memref<40x50xi32, #tpu.memory_space<vmem>>) target_semaphore(%run_scoped3A_2229 : memref<!tpu.dma_semaphore, #tpu.memory_space<semaphore_mem>>)
      %dma_wait3A_2258 = arith.constant 0 : i32
      %dma_wait3A_2259 = arith.constant 0 : i32
      %dma_wait3A_2260 = tpu.memref_slice %arg6[%run_scoped3A_5, %dma_wait3A_2258, %dma_wait3A_2259] : memref<2x40x50xi32, #tpu.memory_space<vmem>> -> memref<1x40x50xi32, #tpu.memory_space<vmem>>
      %dma_wait3A_2261 = tpu.memref_squeeze %dma_wait3A_2260 : memref<1x40x50xi32, #tpu.memory_space<vmem>> -> memref<40x50xi32, #tpu.memory_space<vmem>>
      %dma_wait3A_2262 = arith.constant 0 : i32
      %dma_wait3A_2263 = arith.constant 0 : i32
      %dma_wait3A_2264 = arith.constant 0 : i32
      %dma_wait3A_2265 = arith.constant 0 : i32
      %dma_wait3A_2266 = tpu.memref_slice %arg2[%run_scoped3A_3, %dma_wait3A_2262, %dma_wait3A_2263, %dma_wait3A_2264, %dma_wait3A_2265] : memref<2x32x5x40x50xi32, #tpu.memory_space<hbm>> -> memref<1x32x5x40x50xi32, #tpu.memory_space<hbm>>
      %dma_wait3A_2267 = tpu.memref_squeeze %dma_wait3A_2266 : memref<1x32x5x40x50xi32, #tpu.memory_space<hbm>> -> memref<32x5x40x50xi32, #tpu.memory_space<hbm>>
      %dma_wait3A_2268 = arith.constant 0 : i32
      %dma_wait3A_2269 = arith.constant 0 : i32
      %dma_wait3A_2270 = tpu.memref_slice %dma_wait3A_2267[%add3A, %run_scoped3A_4, %dma_wait3A_2268, %dma_wait3A_2269] : memref<32x5x40x50xi32, #tpu.memory_space<hbm>> -> memref<1x1x40x50xi32, #tpu.memory_space<hbm>>
      %dma_wait3A_2271 = tpu.memref_squeeze %dma_wait3A_2270 : memref<1x1x40x50xi32, #tpu.memory_space<hbm>> -> memref<40x50xi32, #tpu.memory_space<hbm>>
      %dma_wait3A_2272 = arith.constant 0 : i32
      %dma_wait3A_2273 = arith.constant 0 : i32
      %dma_wait3A_2274 = tpu.memref_slice %arg6[%run_scoped3A_5, %dma_wait3A_2272, %dma_wait3A_2273] : memref<2x40x50xi32, #tpu.memory_space<vmem>> -> memref<1x40x50xi32, #tpu.memory_space<vmem>>
      %dma_wait3A_2275 = tpu.memref_squeeze %dma_wait3A_2274 : memref<1x40x50xi32, #tpu.memory_space<vmem>> -> memref<40x50xi32, #tpu.memory_space<vmem>>
      %dma_wait3A_2276 = arith.constant 0 : i32
      %dma_wait3A_2277 = arith.constant 0 : i32
      %dma_wait3A_2278 = arith.constant 0 : i32
      %dma_wait3A_2279 = arith.constant 0 : i32
      %dma_wait3A_2280 = tpu.memref_slice %arg2[%run_scoped3A_3, %dma_wait3A_2276, %dma_wait3A_2277, %dma_wait3A_2278, %dma_wait3A_2279] : memref<2x32x5x40x50xi32, #tpu.memory_space<hbm>> -> memref<1x32x5x40x50xi32, #tpu.memory_space<hbm>>
      %dma_wait3A_2281 = tpu.memref_squeeze %dma_wait3A_2280 : memref<1x32x5x40x50xi32, #tpu.memory_space<hbm>> -> memref<32x5x40x50xi32, #tpu.memory_space<hbm>>
      %dma_wait3A_2282 = arith.constant 0 : i32
      %dma_wait3A_2283 = arith.constant 0 : i32
      %dma_wait3A_2284 = tpu.memref_slice %dma_wait3A_2281[%add3A, %run_scoped3A_4, %dma_wait3A_2282, %dma_wait3A_2283] : memref<32x5x40x50xi32, #tpu.memory_space<hbm>> -> memref<1x1x40x50xi32, #tpu.memory_space<hbm>>
      %dma_wait3A_2285 = tpu.memref_squeeze %dma_wait3A_2284 : memref<1x1x40x50xi32, #tpu.memory_space<hbm>> -> memref<40x50xi32, #tpu.memory_space<hbm>>
      tpu.wait_dma2 semaphore(%run_scoped3A_2229 : memref<!tpu.dma_semaphore, #tpu.memory_space<semaphore_mem>>) src(%dma_wait3A_2285 : memref<40x50xi32, #tpu.memory_space<hbm>>) dst(%dma_wait3A_2275 : memref<40x50xi32, #tpu.memory_space<vmem>>)
      tpu.yield
    }) : () -> ()
    %dma_start3A = arith.constant 0 : i32
    %dma_start3A_6 = arith.constant 0 : i32
    %dma_start3A_7 = arith.constant 0 : i32
    %dma_start3A_8 = arith.constant 0 : i32
    %dma_start3A_9 = tpu.memref_slice %arg5[%dma_start3A, %dma_start3A_7, %dma_start3A_8] : memref<2x40x50xi32, #tpu.memory_space<vmem>> -> memref<1x40x50xi32, #tpu.memory_space<vmem>>
    %dma_start3A_10 = tpu.memref_squeeze %dma_start3A_9 : memref<1x40x50xi32, #tpu.memory_space<vmem>> -> memref<40x50xi32, #tpu.memory_space<vmem>>
    %dma_start3A_11 = arith.constant 0 : i32
    %dma_start3A_12 = tpu.memref_slice %dma_start3A_10[%dma_start3A_6, %dma_start3A_11] : memref<40x50xi32, #tpu.memory_space<vmem>> -> memref<1x50xi32, #tpu.memory_space<vmem>>
    %dma_start3A_13 = tpu.memref_squeeze %dma_start3A_12 : memref<1x50xi32, #tpu.memory_space<vmem>> -> memref<50xi32, #tpu.memory_space<vmem>>
    %dma_start3A_14 = arith.constant 0 : i32
    %dma_start3A_15 = arith.constant 0 : i32
    %dma_start3A_16 = tpu.memref_slice %arg3[%dma_start3A_14, %dma_start3A_15] : memref<10000x128xf32, #tpu.memory_space<hbm>> -> memref<10000x128xf32, #tpu.memory_space<hbm>>
    tpu.enqueue_indirect_dma source(%dma_start3A_16 : memref<10000x128xf32, #tpu.memory_space<hbm>>) target(%arg7 : memref<50x128xf32, #tpu.memory_space<vmem>>) offsets(%dma_start3A_13 : memref<50xi32, #tpu.memory_space<vmem>>) semaphore(%arg12 : memref<!tpu.dma_semaphore, #tpu.memory_space<semaphore_mem>>)
    %dma_start3A_17 = arith.constant 0 : i32
    %dma_start3A_18 = arith.constant 1 : i32
    %dma_start3A_19 = arith.constant 0 : i32
    %dma_start3A_20 = arith.constant 0 : i32
    %dma_start3A_21 = tpu.memref_slice %arg5[%dma_start3A_17, %dma_start3A_19, %dma_start3A_20] : memref<2x40x50xi32, #tpu.memory_space<vmem>> -> memref<1x40x50xi32, #tpu.memory_space<vmem>>
    %dma_start3A_22 = tpu.memref_squeeze %dma_start3A_21 : memref<1x40x50xi32, #tpu.memory_space<vmem>> -> memref<40x50xi32, #tpu.memory_space<vmem>>
    %dma_start3A_23 = arith.constant 0 : i32
    %dma_start3A_24 = tpu.memref_slice %dma_start3A_22[%dma_start3A_18, %dma_start3A_23] : memref<40x50xi32, #tpu.memory_space<vmem>> -> memref<1x50xi32, #tpu.memory_space<vmem>>
    %dma_start3A_25 = tpu.memref_squeeze %dma_start3A_24 : memref<1x50xi32, #tpu.memory_space<vmem>> -> memref<50xi32, #tpu.memory_space<vmem>>
    %dma_start3A_26 = arith.constant 0 : i32
    %dma_start3A_27 = arith.constant 0 : i32
    %dma_start3A_28 = tpu.memref_slice %arg3[%dma_start3A_26, %dma_start3A_27] : memref<10000x128xf32, #tpu.memory_space<hbm>> -> memref<10000x128xf32, #tpu.memory_space<hbm>>
    tpu.enqueue_indirect_dma source(%dma_start3A_28 : memref<10000x128xf32, #tpu.memory_space<hbm>>) target(%arg8 : memref<50x128xf32, #tpu.memory_space<vmem>>) offsets(%dma_start3A_25 : memref<50xi32, #tpu.memory_space<vmem>>) semaphore(%arg13 : memref<!tpu.dma_semaphore, #tpu.memory_space<semaphore_mem>>)
    %dma_start3A_29 = arith.constant 0 : i32
    %dma_start3A_30 = arith.constant 2 : i32
    %dma_start3A_31 = arith.constant 0 : i32
    %dma_start3A_32 = arith.constant 0 : i32
    %dma_start3A_33 = tpu.memref_slice %arg5[%dma_start3A_29, %dma_start3A_31, %dma_start3A_32] : memref<2x40x50xi32, #tpu.memory_space<vmem>> -> memref<1x40x50xi32, #tpu.memory_space<vmem>>
    %dma_start3A_34 = tpu.memref_squeeze %dma_start3A_33 : memref<1x40x50xi32, #tpu.memory_space<vmem>> -> memref<40x50xi32, #tpu.memory_space<vmem>>
    %dma_start3A_35 = arith.constant 0 : i32
    %dma_start3A_36 = tpu.memref_slice %dma_start3A_34[%dma_start3A_30, %dma_start3A_35] : memref<40x50xi32, #tpu.memory_space<vmem>> -> memref<1x50xi32, #tpu.memory_space<vmem>>
    %dma_start3A_37 = tpu.memref_squeeze %dma_start3A_36 : memref<1x50xi32, #tpu.memory_space<vmem>> -> memref<50xi32, #tpu.memory_space<vmem>>
    %dma_start3A_38 = arith.constant 0 : i32
    %dma_start3A_39 = arith.constant 0 : i32
    %dma_start3A_40 = tpu.memref_slice %arg3[%dma_start3A_38, %dma_start3A_39] : memref<10000x128xf32, #tpu.memory_space<hbm>> -> memref<10000x128xf32, #tpu.memory_space<hbm>>
    tpu.enqueue_indirect_dma source(%dma_start3A_40 : memref<10000x128xf32, #tpu.memory_space<hbm>>) target(%arg9 : memref<50x128xf32, #tpu.memory_space<vmem>>) offsets(%dma_start3A_37 : memref<50xi32, #tpu.memory_space<vmem>>) semaphore(%arg14 : memref<!tpu.dma_semaphore, #tpu.memory_space<semaphore_mem>>)
    %broadcast_in_dim3A = arith.constant 0.000000e+00 : f32
    %broadcast_in_dim3A_41 = vector.broadcast %broadcast_in_dim3A : f32 to vector<16xf32>
    %scan3A = arith.constant 0 : i32
    %scan3A_42 = arith.constant 40 : i32
    %scan3A_43 = arith.addi %scan3A, %scan3A_42 : i32
    %scan3A_44 = arith.constant 1 : i32
    scf.for %scan3A_2229 = %scan3A to %scan3A_43 step %scan3A_44  : i32 {
      %mul3A_2230 = arith.constant 1 : i32
      %mul3A_2231 = arith.muli %scan3A_2229, %mul3A_2230 : i32
      %add3A_2232 = arith.constant 0 : i32
      %add3A_2233 = arith.addi %add3A_2232, %mul3A_2231 : i32
      %scan3A_2234 = arith.constant 0 : i32
      %scan3A_2235 = arith.constant 8 : i32
      %scan3A_2236 = arith.addi %scan3A_2234, %scan3A_2235 : i32
      %scan3A_2237 = arith.constant 1 : i32
      scf.for %scan3A_2239 = %scan3A_2234 to %scan3A_2236 step %scan3A_2237  : i32 {
        %mul3A_2240 = arith.constant 1 : i32
        %mul3A_2241 = arith.muli %scan3A_2239, %mul3A_2240 : i32
        %add3A_2242 = arith.constant 0 : i32
        %add3A_2243 = arith.addi %add3A_2242, %mul3A_2241 : i32
        %mul3A_2244 = arith.constant 16 : i32
        %mul3A_2245 = arith.muli %add3A_2243, %mul3A_2244 : i32
        %swap3A = arith.index_cast %add3A_2233 : i32 to index
        %swap3A_2246 = arith.index_cast %mul3A_2245 : i32 to index
        %swap3A_2247 = tpu.vector_load %arg10[%swap3A, %swap3A_2246] {strides = array<i32>} : memref<50x128xf32, #tpu.memory_space<vmem>>, vector<1x16xf32>,
        %swap3A_2248 = vector.shape_cast %swap3A_2247 : vector<1x16xf32> to vector<16xf32>
        %swap3A_2249 = vector.shape_cast %broadcast_in_dim3A_41 : vector<16xf32> to vector<1x16xf32>
        tpu.vector_store %arg10[%swap3A, %swap3A_2246], %swap3A_2249 {strides = array<i32>} : memref<50x128xf32, #tpu.memory_space<vmem>>, vector<1x16xf32>,
      }
      %scan3A_2238 = arith.constant 8 : i32
    }
    %scan3A_45 = arith.constant 40 : i32
    %mul3A_46 = arith.constant 640 : i32
    %mul3A_47 = arith.muli %arg1, %mul3A_46 : i32
    %add3A_48 = arith.constant 0 : i32
    %add3A_49 = arith.addi %mul3A_47, %add3A_48 : i32
    %dma_start3A_50 = arith.constant 0 : i32
    %dma_start3A_51 = arith.constant 0 : i32
    %dma_start3A_52 = tpu.memref_slice %arg10[%dma_start3A_50, %dma_start3A_51] : memref<50x128xf32, #tpu.memory_space<vmem>> -> memref<40x128xf32, #tpu.memory_space<vmem>>
    %dma_start3A_53 = arith.constant 0 : i32
    %dma_start3A_54 = tpu.memref_slice %arg11[%add3A_49, %dma_start3A_53] : memref<10240x128xf32, #tpu.memory_space<vmem_shared>> -> memref<40x128xf32, #tpu.memory_space<vmem_shared>>
    %dma_start3A_55 = arith.constant 0 : i32
    %dma_start3A_56 = tpu.memref_slice %arg11[%add3A_49, %dma_start3A_55] : memref<10240x128xf32, #tpu.memory_space<vmem_shared>> -> memref<40x128xf32, #tpu.memory_space<vmem_shared>>
    %dma_start3A_57 = arith.constant 0 : i32
    %dma_start3A_58 = arith.constant 0 : i32
    %dma_start3A_59 = tpu.memref_slice %arg10[%dma_start3A_57, %dma_start3A_58] : memref<50x128xf32, #tpu.memory_space<vmem>> -> memref<40x128xf32, #tpu.memory_space<vmem>>
    tpu.enqueue_dma source(%dma_start3A_59 : memref<40x128xf32, #tpu.memory_space<vmem>>) target(%dma_start3A_56 : memref<40x128xf32, #tpu.memory_space<vmem_shared>>) target_semaphore(%arg16 : memref<!tpu.dma_semaphore, #tpu.memory_space<semaphore_mem>>)
    %mul3A_60 = arith.constant 640 : i32
    %mul3A_61 = arith.muli %arg1, %mul3A_60 : i32
    %add3A_62 = arith.constant 40 : i32
    %add3A_63 = arith.addi %mul3A_61, %add3A_62 : i32
    %dma_start3A_64 = arith.constant 0 : i32
    %dma_start3A_65 = arith.constant 0 : i32
    %dma_start3A_66 = tpu.memref_slice %arg10[%dma_start3A_64, %dma_start3A_65] : memref<50x128xf32, #tpu.memory_space<vmem>> -> memref<40x128xf32, #tpu.memory_space<vmem>>
    %dma_start3A_67 = arith.constant 0 : i32
    %dma_start3A_68 = tpu.memref_slice %arg11[%add3A_63, %dma_start3A_67] : memref<10240x128xf32, #tpu.memory_space<vmem_shared>> -> memref<40x128xf32, #tpu.memory_space<vmem_shared>>
    %dma_start3A_69 = arith.constant 0 : i32
    %dma_start3A_70 = tpu.memref_slice %arg11[%add3A_63, %dma_start3A_69] : memref<10240x128xf32, #tpu.memory_space<vmem_shared>> -> memref<40x128xf32, #tpu.memory_space<vmem_shared>>
    %dma_start3A_71 = arith.constant 0 : i32
    %dma_start3A_72 = arith.constant 0 : i32
    %dma_start3A_73 = tpu.memref_slice %arg10[%dma_start3A_71, %dma_start3A_72] : memref<50x128xf32, #tpu.memory_space<vmem>> -> memref<40x128xf32, #tpu.memory_space<vmem>>
    tpu.enqueue_dma source(%dma_start3A_73 : memref<40x128xf32, #tpu.memory_space<vmem>>) target(%dma_start3A_70 : memref<40x128xf32, #tpu.memory_space<vmem_shared>>) target_semaphore(%arg16 : memref<!tpu.dma_semaphore, #tpu.memory_space<semaphore_mem>>)
    %mul3A_74 = arith.constant 640 : i32
    %mul3A_75 = arith.muli %arg1, %mul3A_74 : i32
    %add3A_76 = arith.constant 80 : i32
    %add3A_77 = arith.addi %mul3A_75, %add3A_76 : i32
    %dma_start3A_78 = arith.constant 0 : i32
    %dma_start3A_79 = arith.constant 0 : i32
    %dma_start3A_80 = tpu.memref_slice %arg10[%dma_start3A_78, %dma_start3A_79] : memref<50x128xf32, #tpu.memory_space<vmem>> -> memref<40x128xf32, #tpu.memory_space<vmem>>
    %dma_start3A_81 = arith.constant 0 : i32
    %dma_start3A_82 = tpu.memref_slice %arg11[%add3A_77, %dma_start3A_81] : memref<10240x128xf32, #tpu.memory_space<vmem_shared>> -> memref<40x128xf32, #tpu.memory_space<vmem_shared>>
    %dma_start3A_83 = arith.constant 0 : i32
    %dma_start3A_84 = tpu.memref_slice %arg11[%add3A_77, %dma_start3A_83] : memref<10240x128xf32, #tpu.memory_space<vmem_shared>> -> memref<40x128xf32, #tpu.memory_space<vmem_shared>>
    %dma_start3A_85 = arith.constant 0 : i32
    %dma_start3A_86 = arith.constant 0 : i32
    %dma_start3A_87 = tpu.memref_slice %arg10[%dma_start3A_85, %dma_start3A_86] : memref<50x128xf32, #tpu.memory_space<vmem>> -> memref<40x128xf32, #tpu.memory_space<vmem>>
    tpu.enqueue_dma source(%dma_start3A_87 : memref<40x128xf32, #tpu.memory_space<vmem>>) target(%dma_start3A_84 : memref<40x128xf32, #tpu.memory_space<vmem_shared>>) target_semaphore(%arg16 : memref<!tpu.dma_semaphore, #tpu.memory_space<semaphore_mem>>)
    %mul3A_88 = arith.constant 640 : i32
    %mul3A_89 = arith.muli %arg1, %mul3A_88 : i32
    %add3A_90 = arith.constant 120 : i32
    %add3A_91 = arith.addi %mul3A_89, %add3A_90 : i32
    %dma_start3A_92 = arith.constant 0 : i32
    %dma_start3A_93 = arith.constant 0 : i32
    %dma_start3A_94 = tpu.memref_slice %arg10[%dma_start3A_92, %dma_start3A_93] : memref<50x128xf32, #tpu.memory_space<vmem>> -> memref<40x128xf32, #tpu.memory_space<vmem>>
    %dma_start3A_95 = arith.constant 0 : i32
    %dma_start3A_96 = tpu.memref_slice %arg11[%add3A_91, %dma_start3A_95] : memref<10240x128xf32, #tpu.memory_space<vmem_shared>> -> memref<40x128xf32, #tpu.memory_space<vmem_shared>>
    %dma_start3A_97 = arith.constant 0 : i32
    %dma_start3A_98 = tpu.memref_slice %arg11[%add3A_91, %dma_start3A_97] : memref<10240x128xf32, #tpu.memory_space<vmem_shared>> -> memref<40x128xf32, #tpu.memory_space<vmem_shared>>
    %dma_start3A_99 = arith.constant 0 : i32
    %dma_start3A_100 = arith.constant 0 : i32
    %dma_start3A_101 = tpu.memref_slice %arg10[%dma_start3A_99, %dma_start3A_100] : memref<50x128xf32, #tpu.memory_space<vmem>> -> memref<40x128xf32, #tpu.memory_space<vmem>>
    tpu.enqueue_dma source(%dma_start3A_101 : memref<40x128xf32, #tpu.memory_space<vmem>>) target(%dma_start3A_98 : memref<40x128xf32, #tpu.memory_space<vmem_shared>>) target_semaphore(%arg16 : memref<!tpu.dma_semaphore, #tpu.memory_space<semaphore_mem>>)
    %mul3A_102 = arith.constant 640 : i32
    %mul3A_103 = arith.muli %arg1, %mul3A_102 : i32
    %add3A_104 = arith.constant 160 : i32
    %add3A_105 = arith.addi %mul3A_103, %add3A_104 : i32
    %dma_start3A_106 = arith.constant 0 : i32
    %dma_start3A_107 = arith.constant 0 : i32
    %dma_start3A_108 = tpu.memref_slice %arg10[%dma_start3A_106, %dma_start3A_107] : memref<50x128xf32, #tpu.memory_space<vmem>> -> memref<40x128xf32, #tpu.memory_space<vmem>>
    %dma_start3A_109 = arith.constant 0 : i32
    %dma_start3A_110 = tpu.memref_slice %arg11[%add3A_105, %dma_start3A_109] : memref<10240x128xf32, #tpu.memory_space<vmem_shared>> -> memref<40x128xf32, #tpu.memory_space<vmem_shared>>
    %dma_start3A_111 = arith.constant 0 : i32
    %dma_start3A_112 = tpu.memref_slice %arg11[%add3A_105, %dma_start3A_111] : memref<10240x128xf32, #tpu.memory_space<vmem_shared>> -> memref<40x128xf32, #tpu.memory_space<vmem_shared>>
    %dma_start3A_113 = arith.constant 0 : i32
    %dma_start3A_114 = arith.constant 0 : i32
    %dma_start3A_115 = tpu.memref_slice %arg10[%dma_start3A_113, %dma_start3A_114] : memref<50x128xf32, #tpu.memory_space<vmem>> -> memref<40x128xf32, #tpu.memory_space<vmem>>
    tpu.enqueue_dma source(%dma_start3A_115 : memref<40x128xf32, #tpu.memory_space<vmem>>) target(%dma_start3A_112 : memref<40x128xf32, #tpu.memory_space<vmem_shared>>) target_semaphore(%arg16 : memref<!tpu.dma_semaphore, #tpu.memory_space<semaphore_mem>>)
    %mul3A_116 = arith.constant 640 : i32
    %mul3A_117 = arith.muli %arg1, %mul3A_116 : i32
    %add3A_118 = arith.constant 200 : i32
    %add3A_119 = arith.addi %mul3A_117, %add3A_118 : i32
    %dma_start3A_120 = arith.constant 0 : i32
    %dma_start3A_121 = arith.constant 0 : i32
    %dma_start3A_122 = tpu.memref_slice %arg10[%dma_start3A_120, %dma_start3A_121] : memref<50x128xf32, #tpu.memory_space<vmem>> -> memref<40x128xf32, #tpu.memory_space<vmem>>
    %dma_start3A_123 = arith.constant 0 : i32
    %dma_start3A_124 = tpu.memref_slice %arg11[%add3A_119, %dma_start3A_123] : memref<10240x128xf32, #tpu.memory_space<vmem_shared>> -> memref<40x128xf32, #tpu.memory_space<vmem_shared>>
    %dma_start3A_125 = arith.constant 0 : i32
    %dma_start3A_126 = tpu.memref_slice %arg11[%add3A_119, %dma_start3A_125] : memref<10240x128xf32, #tpu.memory_space<vmem_shared>> -> memref<40x128xf32, #tpu.memory_space<vmem_shared>>
    %dma_start3A_127 = arith.constant 0 : i32
    %dma_start3A_128 = arith.constant 0 : i32
    %dma_start3A_129 = tpu.memref_slice %arg10[%dma_start3A_127, %dma_start3A_128] : memref<50x128xf32, #tpu.memory_space<vmem>> -> memref<40x128xf32, #tpu.memory_space<vmem>>
    tpu.enqueue_dma source(%dma_start3A_129 : memref<40x128xf32, #tpu.memory_space<vmem>>) target(%dma_start3A_126 : memref<40x128xf32, #tpu.memory_space<vmem_shared>>) target_semaphore(%arg16 : memref<!tpu.dma_semaphore, #tpu.memory_space<semaphore_mem>>)
    %mul3A_130 = arith.constant 640 : i32
    %mul3A_131 = arith.muli %arg1, %mul3A_130 : i32
    %add3A_132 = arith.constant 240 : i32
    %add3A_133 = arith.addi %mul3A_131, %add3A_132 : i32
    %dma_start3A_134 = arith.constant 0 : i32
    %dma_start3A_135 = arith.constant 0 : i32
    %dma_start3A_136 = tpu.memref_slice %arg10[%dma_start3A_134, %dma_start3A_135] : memref<50x128xf32, #tpu.memory_space<vmem>> -> memref<40x128xf32, #tpu.memory_space<vmem>>
    %dma_start3A_137 = arith.constant 0 : i32
    %dma_start3A_138 = tpu.memref_slice %arg11[%add3A_133, %dma_start3A_137] : memref<10240x128xf32, #tpu.memory_space<vmem_shared>> -> memref<40x128xf32, #tpu.memory_space<vmem_shared>>
    %dma_start3A_139 = arith.constant 0 : i32
    %dma_start3A_140 = tpu.memref_slice %arg11[%add3A_133, %dma_start3A_139] : memref<10240x128xf32, #tpu.memory_space<vmem_shared>> -> memref<40x128xf32, #tpu.memory_space<vmem_shared>>
    %dma_start3A_141 = arith.constant 0 : i32
    %dma_start3A_142 = arith.constant 0 : i32
    %dma_start3A_143 = tpu.memref_slice %arg10[%dma_start3A_141, %dma_start3A_142] : memref<50x128xf32, #tpu.memory_space<vmem>> -> memref<40x128xf32, #tpu.memory_space<vmem>>
    tpu.enqueue_dma source(%dma_start3A_143 : memref<40x128xf32, #tpu.memory_space<vmem>>) target(%dma_start3A_140 : memref<40x128xf32, #tpu.memory_space<vmem_shared>>) target_semaphore(%arg16 : memref<!tpu.dma_semaphore, #tpu.memory_space<semaphore_mem>>)
    %mul3A_144 = arith.constant 640 : i32
    %mul3A_145 = arith.muli %arg1, %mul3A_144 : i32
    %add3A_146 = arith.constant 280 : i32
    %add3A_147 = arith.addi %mul3A_145, %add3A_146 : i32
    %dma_start3A_148 = arith.constant 0 : i32
    %dma_start3A_149 = arith.constant 0 : i32
    %dma_start3A_150 = tpu.memref_slice %arg10[%dma_start3A_148, %dma_start3A_149] : memref<50x128xf32, #tpu.memory_space<vmem>> -> memref<40x128xf32, #tpu.memory_space<vmem>>
    %dma_start3A_151 = arith.constant 0 : i32
    %dma_start3A_152 = tpu.memref_slice %arg11[%add3A_147, %dma_start3A_151] : memref<10240x128xf32, #tpu.memory_space<vmem_shared>> -> memref<40x128xf32, #tpu.memory_space<vmem_shared>>
    %dma_start3A_153 = arith.constant 0 : i32
    %dma_start3A_154 = tpu.memref_slice %arg11[%add3A_147, %dma_start3A_153] : memref<10240x128xf32, #tpu.memory_space<vmem_shared>> -> memref<40x128xf32, #tpu.memory_space<vmem_shared>>
    %dma_start3A_155 = arith.constant 0 : i32
    %dma_start3A_156 = arith.constant 0 : i32
    %dma_start3A_157 = tpu.memref_slice %arg10[%dma_start3A_155, %dma_start3A_156] : memref<50x128xf32, #tpu.memory_space<vmem>> -> memref<40x128xf32, #tpu.memory_space<vmem>>
    tpu.enqueue_dma source(%dma_start3A_157 : memref<40x128xf32, #tpu.memory_space<vmem>>) target(%dma_start3A_154 : memref<40x128xf32, #tpu.memory_space<vmem_shared>>) target_semaphore(%arg16 : memref<!tpu.dma_semaphore, #tpu.memory_space<semaphore_mem>>)
    %mul3A_158 = arith.constant 640 : i32
    %mul3A_159 = arith.muli %arg1, %mul3A_158 : i32
    %add3A_160 = arith.constant 320 : i32
    %add3A_161 = arith.addi %mul3A_159, %add3A_160 : i32
    %dma_start3A_162 = arith.constant 0 : i32
    %dma_start3A_163 = arith.constant 0 : i32
    %dma_start3A_164 = tpu.memref_slice %arg10[%dma_start3A_162, %dma_start3A_163] : memref<50x128xf32, #tpu.memory_space<vmem>> -> memref<40x128xf32, #tpu.memory_space<vmem>>
    %dma_start3A_165 = arith.constant 0 : i32
    %dma_start3A_166 = tpu.memref_slice %arg11[%add3A_161, %dma_start3A_165] : memref<10240x128xf32, #tpu.memory_space<vmem_shared>> -> memref<40x128xf32, #tpu.memory_space<vmem_shared>>
    %dma_start3A_167 = arith.constant 0 : i32
    %dma_start3A_168 = tpu.memref_slice %arg11[%add3A_161, %dma_start3A_167] : memref<10240x128xf32, #tpu.memory_space<vmem_shared>> -> memref<40x128xf32, #tpu.memory_space<vmem_shared>>
    %dma_start3A_169 = arith.constant 0 : i32
    %dma_start3A_170 = arith.constant 0 : i32
    %dma_start3A_171 = tpu.memref_slice %arg10[%dma_start3A_169, %dma_start3A_170] : memref<50x128xf32, #tpu.memory_space<vmem>> -> memref<40x128xf32, #tpu.memory_space<vmem>>
    tpu.enqueue_dma source(%dma_start3A_171 : memref<40x128xf32, #tpu.memory_space<vmem>>) target(%dma_start3A_168 : memref<40x128xf32, #tpu.memory_space<vmem_shared>>) target_semaphore(%arg16 : memref<!tpu.dma_semaphore, #tpu.memory_space<semaphore_mem>>)
    %mul3A_172 = arith.constant 640 : i32
    %mul3A_173 = arith.muli %arg1, %mul3A_172 : i32
    %add3A_174 = arith.constant 360 : i32
    %add3A_175 = arith.addi %mul3A_173, %add3A_174 : i32
    %dma_start3A_176 = arith.constant 0 : i32
    %dma_start3A_177 = arith.constant 0 : i32
    %dma_start3A_178 = tpu.memref_slice %arg10[%dma_start3A_176, %dma_start3A_177] : memref<50x128xf32, #tpu.memory_space<vmem>> -> memref<40x128xf32, #tpu.memory_space<vmem>>
    %dma_start3A_179 = arith.constant 0 : i32
    %dma_start3A_180 = tpu.memref_slice %arg11[%add3A_175, %dma_start3A_179] : memref<10240x128xf32, #tpu.memory_space<vmem_shared>> -> memref<40x128xf32, #tpu.memory_space<vmem_shared>>
    %dma_start3A_181 = arith.constant 0 : i32
    %dma_start3A_182 = tpu.memref_slice %arg11[%add3A_175, %dma_start3A_181] : memref<10240x128xf32, #tpu.memory_space<vmem_shared>> -> memref<40x128xf32, #tpu.memory_space<vmem_shared>>
    %dma_start3A_183 = arith.constant 0 : i32
    %dma_start3A_184 = arith.constant 0 : i32
    %dma_start3A_185 = tpu.memref_slice %arg10[%dma_start3A_183, %dma_start3A_184] : memref<50x128xf32, #tpu.memory_space<vmem>> -> memref<40x128xf32, #tpu.memory_space<vmem>>
    tpu.enqueue_dma source(%dma_start3A_185 : memref<40x128xf32, #tpu.memory_space<vmem>>) target(%dma_start3A_182 : memref<40x128xf32, #tpu.memory_space<vmem_shared>>) target_semaphore(%arg16 : memref<!tpu.dma_semaphore, #tpu.memory_space<semaphore_mem>>)
    %mul3A_186 = arith.constant 640 : i32
    %mul3A_187 = arith.muli %arg1, %mul3A_186 : i32
    %add3A_188 = arith.constant 400 : i32
    %add3A_189 = arith.addi %mul3A_187, %add3A_188 : i32
    %dma_start3A_190 = arith.constant 0 : i32
    %dma_start3A_191 = arith.constant 0 : i32
    %dma_start3A_192 = tpu.memref_slice %arg10[%dma_start3A_190, %dma_start3A_191] : memref<50x128xf32, #tpu.memory_space<vmem>> -> memref<40x128xf32, #tpu.memory_space<vmem>>
    %dma_start3A_193 = arith.constant 0 : i32
    %dma_start3A_194 = tpu.memref_slice %arg11[%add3A_189, %dma_start3A_193] : memref<10240x128xf32, #tpu.memory_space<vmem_shared>> -> memref<40x128xf32, #tpu.memory_space<vmem_shared>>
    %dma_start3A_195 = arith.constant 0 : i32
    %dma_start3A_196 = tpu.memref_slice %arg11[%add3A_189, %dma_start3A_195] : memref<10240x128xf32, #tpu.memory_space<vmem_shared>> -> memref<40x128xf32, #tpu.memory_space<vmem_shared>>
    %dma_start3A_197 = arith.constant 0 : i32
    %dma_start3A_198 = arith.constant 0 : i32
    %dma_start3A_199 = tpu.memref_slice %arg10[%dma_start3A_197, %dma_start3A_198] : memref<50x128xf32, #tpu.memory_space<vmem>> -> memref<40x128xf32, #tpu.memory_space<vmem>>
    tpu.enqueue_dma source(%dma_start3A_199 : memref<40x128xf32, #tpu.memory_space<vmem>>) target(%dma_start3A_196 : memref<40x128xf32, #tpu.memory_space<vmem_shared>>) target_semaphore(%arg16 : memref<!tpu.dma_semaphore, #tpu.memory_space<semaphore_mem>>)
    %mul3A_200 = arith.constant 640 : i32
    %mul3A_201 = arith.muli %arg1, %mul3A_200 : i32
    %add3A_202 = arith.constant 440 : i32
    %add3A_203 = arith.addi %mul3A_201, %add3A_202 : i32
    %dma_start3A_204 = arith.constant 0 : i32
    %dma_start3A_205 = arith.constant 0 : i32
    %dma_start3A_206 = tpu.memref_slice %arg10[%dma_start3A_204, %dma_start3A_205] : memref<50x128xf32, #tpu.memory_space<vmem>> -> memref<40x128xf32, #tpu.memory_space<vmem>>
    %dma_start3A_207 = arith.constant 0 : i32
    %dma_start3A_208 = tpu.memref_slice %arg11[%add3A_203, %dma_start3A_207] : memref<10240x128xf32, #tpu.memory_space<vmem_shared>> -> memref<40x128xf32, #tpu.memory_space<vmem_shared>>
    %dma_start3A_209 = arith.constant 0 : i32
    %dma_start3A_210 = tpu.memref_slice %arg11[%add3A_203, %dma_start3A_209] : memref<10240x128xf32, #tpu.memory_space<vmem_shared>> -> memref<40x128xf32, #tpu.memory_space<vmem_shared>>
    %dma_start3A_211 = arith.constant 0 : i32
    %dma_start3A_212 = arith.constant 0 : i32
    %dma_start3A_213 = tpu.memref_slice %arg10[%dma_start3A_211, %dma_start3A_212] : memref<50x128xf32, #tpu.memory_space<vmem>> -> memref<40x128xf32, #tpu.memory_space<vmem>>
    tpu.enqueue_dma source(%dma_start3A_213 : memref<40x128xf32, #tpu.memory_space<vmem>>) target(%dma_start3A_210 : memref<40x128xf32, #tpu.memory_space<vmem_shared>>) target_semaphore(%arg16 : memref<!tpu.dma_semaphore, #tpu.memory_space<semaphore_mem>>)
    %mul3A_214 = arith.constant 640 : i32
    %mul3A_215 = arith.muli %arg1, %mul3A_214 : i32
    %add3A_216 = arith.constant 480 : i32
    %add3A_217 = arith.addi %mul3A_215, %add3A_216 : i32
    %dma_start3A_218 = arith.constant 0 : i32
    %dma_start3A_219 = arith.constant 0 : i32
    %dma_start3A_220 = tpu.memref_slice %arg10[%dma_start3A_218, %dma_start3A_219] : memref<50x128xf32, #tpu.memory_space<vmem>> -> memref<40x128xf32, #tpu.memory_space<vmem>>
    %dma_start3A_221 = arith.constant 0 : i32
    %dma_start3A_222 = tpu.memref_slice %arg11[%add3A_217, %dma_start3A_221] : memref<10240x128xf32, #tpu.memory_space<vmem_shared>> -> memref<40x128xf32, #tpu.memory_space<vmem_shared>>
    %dma_start3A_223 = arith.constant 0 : i32
    %dma_start3A_224 = tpu.memref_slice %arg11[%add3A_217, %dma_start3A_223] : memref<10240x128xf32, #tpu.memory_space<vmem_shared>> -> memref<40x128xf32, #tpu.memory_space<vmem_shared>>
    %dma_start3A_225 = arith.constant 0 : i32
    %dma_start3A_226 = arith.constant 0 : i32
    %dma_start3A_227 = tpu.memref_slice %arg10[%dma_start3A_225, %dma_start3A_226] : memref<50x128xf32, #tpu.memory_space<vmem>> -> memref<40x128xf32, #tpu.memory_space<vmem>>
    tpu.enqueue_dma source(%dma_start3A_227 : memref<40x128xf32, #tpu.memory_space<vmem>>) target(%dma_start3A_224 : memref<40x128xf32, #tpu.memory_space<vmem_shared>>) target_semaphore(%arg16 : memref<!tpu.dma_semaphore, #tpu.memory_space<semaphore_mem>>)
    %mul3A_228 = arith.constant 640 : i32
    %mul3A_229 = arith.muli %arg1, %mul3A_228 : i32
    %add3A_230 = arith.constant 520 : i32
    %add3A_231 = arith.addi %mul3A_229, %add3A_230 : i32
    %dma_start3A_232 = arith.constant 0 : i32
    %dma_start3A_233 = arith.constant 0 : i32
    %dma_start3A_234 = tpu.memref_slice %arg10[%dma_start3A_232, %dma_start3A_233] : memref<50x128xf32, #tpu.memory_space<vmem>> -> memref<40x128xf32, #tpu.memory_space<vmem>>
    %dma_start3A_235 = arith.constant 0 : i32
    %dma_start3A_236 = tpu.memref_slice %arg11[%add3A_231, %dma_start3A_235] : memref<10240x128xf32, #tpu.memory_space<vmem_shared>> -> memref<40x128xf32, #tpu.memory_space<vmem_shared>>
    %dma_start3A_237 = arith.constant 0 : i32
    %dma_start3A_238 = tpu.memref_slice %arg11[%add3A_231, %dma_start3A_237] : memref<10240x128xf32, #tpu.memory_space<vmem_shared>> -> memref<40x128xf32, #tpu.memory_space<vmem_shared>>
    %dma_start3A_239 = arith.constant 0 : i32
    %dma_start3A_240 = arith.constant 0 : i32
    %dma_start3A_241 = tpu.memref_slice %arg10[%dma_start3A_239, %dma_start3A_240] : memref<50x128xf32, #tpu.memory_space<vmem>> -> memref<40x128xf32, #tpu.memory_space<vmem>>
    tpu.enqueue_dma source(%dma_start3A_241 : memref<40x128xf32, #tpu.memory_space<vmem>>) target(%dma_start3A_238 : memref<40x128xf32, #tpu.memory_space<vmem_shared>>) target_semaphore(%arg16 : memref<!tpu.dma_semaphore, #tpu.memory_space<semaphore_mem>>)
    %mul3A_242 = arith.constant 640 : i32
    %mul3A_243 = arith.muli %arg1, %mul3A_242 : i32
    %add3A_244 = arith.constant 560 : i32
    %add3A_245 = arith.addi %mul3A_243, %add3A_244 : i32
    %dma_start3A_246 = arith.constant 0 : i32
    %dma_start3A_247 = arith.constant 0 : i32
    %dma_start3A_248 = tpu.memref_slice %arg10[%dma_start3A_246, %dma_start3A_247] : memref<50x128xf32, #tpu.memory_space<vmem>> -> memref<40x128xf32, #tpu.memory_space<vmem>>
    %dma_start3A_249 = arith.constant 0 : i32
    %dma_start3A_250 = tpu.memref_slice %arg11[%add3A_245, %dma_start3A_249] : memref<10240x128xf32, #tpu.memory_space<vmem_shared>> -> memref<40x128xf32, #tpu.memory_space<vmem_shared>>
    %dma_start3A_251 = arith.constant 0 : i32
    %dma_start3A_252 = tpu.memref_slice %arg11[%add3A_245, %dma_start3A_251] : memref<10240x128xf32, #tpu.memory_space<vmem_shared>> -> memref<40x128xf32, #tpu.memory_space<vmem_shared>>
    %dma_start3A_253 = arith.constant 0 : i32
    %dma_start3A_254 = arith.constant 0 : i32
    %dma_start3A_255 = tpu.memref_slice %arg10[%dma_start3A_253, %dma_start3A_254] : memref<50x128xf32, #tpu.memory_space<vmem>> -> memref<40x128xf32, #tpu.memory_space<vmem>>
    tpu.enqueue_dma source(%dma_start3A_255 : memref<40x128xf32, #tpu.memory_space<vmem>>) target(%dma_start3A_252 : memref<40x128xf32, #tpu.memory_space<vmem_shared>>) target_semaphore(%arg16 : memref<!tpu.dma_semaphore, #tpu.memory_space<semaphore_mem>>)
    %mul3A_256 = arith.constant 640 : i32
    %mul3A_257 = arith.muli %arg1, %mul3A_256 : i32
    %add3A_258 = arith.constant 600 : i32
    %add3A_259 = arith.addi %mul3A_257, %add3A_258 : i32
    %dma_start3A_260 = arith.constant 0 : i32
    %dma_start3A_261 = arith.constant 0 : i32
    %dma_start3A_262 = tpu.memref_slice %arg10[%dma_start3A_260, %dma_start3A_261] : memref<50x128xf32, #tpu.memory_space<vmem>> -> memref<40x128xf32, #tpu.memory_space<vmem>>
    %dma_start3A_263 = arith.constant 0 : i32
    %dma_start3A_264 = tpu.memref_slice %arg11[%add3A_259, %dma_start3A_263] : memref<10240x128xf32, #tpu.memory_space<vmem_shared>> -> memref<40x128xf32, #tpu.memory_space<vmem_shared>>
    %dma_start3A_265 = arith.constant 0 : i32
    %dma_start3A_266 = tpu.memref_slice %arg11[%add3A_259, %dma_start3A_265] : memref<10240x128xf32, #tpu.memory_space<vmem_shared>> -> memref<40x128xf32, #tpu.memory_space<vmem_shared>>
    %dma_start3A_267 = arith.constant 0 : i32
    %dma_start3A_268 = arith.constant 0 : i32
    %dma_start3A_269 = tpu.memref_slice %arg10[%dma_start3A_267, %dma_start3A_268] : memref<50x128xf32, #tpu.memory_space<vmem>> -> memref<40x128xf32, #tpu.memory_space<vmem>>
    tpu.enqueue_dma source(%dma_start3A_269 : memref<40x128xf32, #tpu.memory_space<vmem>>) target(%dma_start3A_266 : memref<40x128xf32, #tpu.memory_space<vmem_shared>>) target_semaphore(%arg16 : memref<!tpu.dma_semaphore, #tpu.memory_space<semaphore_mem>>)
    %mul3A_270 = arith.constant 640 : i32
    %mul3A_271 = arith.muli %arg1, %mul3A_270 : i32
    %dma_wait3A = arith.constant 0 : i32
    %dma_wait3A_272 = arith.constant 0 : i32
    %dma_wait3A_273 = tpu.memref_slice %arg10[%dma_wait3A, %dma_wait3A_272] : memref<50x128xf32, #tpu.memory_space<vmem>> -> memref<40x128xf32, #tpu.memory_space<vmem>>
    %dma_wait3A_274 = arith.constant 0 : i32
    %dma_wait3A_275 = tpu.memref_slice %arg11[%mul3A_271, %dma_wait3A_274] : memref<10240x128xf32, #tpu.memory_space<vmem_shared>> -> memref<40x128xf32, #tpu.memory_space<vmem_shared>>
    %dma_wait3A_276 = arith.constant 0 : i32
    %dma_wait3A_277 = tpu.memref_slice %arg11[%mul3A_271, %dma_wait3A_276] : memref<10240x128xf32, #tpu.memory_space<vmem_shared>> -> memref<40x128xf32, #tpu.memory_space<vmem_shared>>
    %dma_wait3A_278 = arith.constant 0 : i32
    %dma_wait3A_279 = arith.constant 0 : i32
    %dma_wait3A_280 = tpu.memref_slice %arg10[%dma_wait3A_278, %dma_wait3A_279] : memref<50x128xf32, #tpu.memory_space<vmem>> -> memref<40x128xf32, #tpu.memory_space<vmem>>
    tpu.wait_dma2 semaphore(%arg16 : memref<!tpu.dma_semaphore, #tpu.memory_space<semaphore_mem>>) src(%dma_wait3A_280 : memref<40x128xf32, #tpu.memory_space<vmem>>) dst(%dma_wait3A_277 : memref<40x128xf32, #tpu.memory_space<vmem_shared>>)
    %mul3A_281 = arith.constant 640 : i32
    %mul3A_282 = arith.muli %arg1, %mul3A_281 : i32
    %dma_wait3A_283 = arith.constant 0 : i32
    %dma_wait3A_284 = arith.constant 0 : i32
    %dma_wait3A_285 = tpu.memref_slice %arg10[%dma_wait3A_283, %dma_wait3A_284] : memref<50x128xf32, #tpu.memory_space<vmem>> -> memref<40x128xf32, #tpu.memory_space<vmem>>
    %dma_wait3A_286 = arith.constant 0 : i32
    %dma_wait3A_287 = tpu.memref_slice %arg11[%mul3A_282, %dma_wait3A_286] : memref<10240x128xf32, #tpu.memory_space<vmem_shared>> -> memref<40x128xf32, #tpu.memory_space<vmem_shared>>
    %dma_wait3A_288 = arith.constant 0 : i32
    %dma_wait3A_289 = tpu.memref_slice %arg11[%mul3A_282, %dma_wait3A_288] : memref<10240x128xf32, #tpu.memory_space<vmem_shared>> -> memref<40x128xf32, #tpu.memory_space<vmem_shared>>
    %dma_wait3A_290 = arith.constant 0 : i32
    %dma_wait3A_291 = arith.constant 0 : i32
    %dma_wait3A_292 = tpu.memref_slice %arg10[%dma_wait3A_290, %dma_wait3A_291] : memref<50x128xf32, #tpu.memory_space<vmem>> -> memref<40x128xf32, #tpu.memory_space<vmem>>
    tpu.wait_dma2 semaphore(%arg16 : memref<!tpu.dma_semaphore, #tpu.memory_space<semaphore_mem>>) src(%dma_wait3A_292 : memref<40x128xf32, #tpu.memory_space<vmem>>) dst(%dma_wait3A_289 : memref<40x128xf32, #tpu.memory_space<vmem_shared>>)
    %mul3A_293 = arith.constant 640 : i32
    %mul3A_294 = arith.muli %arg1, %mul3A_293 : i32
    %dma_wait3A_295 = arith.constant 0 : i32
    %dma_wait3A_296 = arith.constant 0 : i32
    %dma_wait3A_297 = tpu.memref_slice %arg10[%dma_wait3A_295, %dma_wait3A_296] : memref<50x128xf32, #tpu.memory_space<vmem>> -> memref<40x128xf32, #tpu.memory_space<vmem>>
    %dma_wait3A_298 = arith.constant 0 : i32
    %dma_wait3A_299 = tpu.memref_slice %arg11[%mul3A_294, %dma_wait3A_298] : memref<10240x128xf32, #tpu.memory_space<vmem_shared>> -> memref<40x128xf32, #tpu.memory_space<vmem_shared>>
    %dma_wait3A_300 = arith.constant 0 : i32
    %dma_wait3A_301 = tpu.memref_slice %arg11[%mul3A_294, %dma_wait3A_300] : memref<10240x128xf32, #tpu.memory_space<vmem_shared>> -> memref<40x128xf32, #tpu.memory_space<vmem_shared>>
    %dma_wait3A_302 = arith.constant 0 : i32
    %dma_wait3A_303 = arith.constant 0 : i32
    %dma_wait3A_304 = tpu.memref_slice %arg10[%dma_wait3A_302, %dma_wait3A_303] : memref<50x128xf32, #tpu.memory_space<vmem>> -> memref<40x128xf32, #tpu.memory_space<vmem>>
    tpu.wait_dma2 semaphore(%arg16 : memref<!tpu.dma_semaphore, #tpu.memory_space<semaphore_mem>>) src(%dma_wait3A_304 : memref<40x128xf32, #tpu.memory_space<vmem>>) dst(%dma_wait3A_301 : memref<40x128xf32, #tpu.memory_space<vmem_shared>>)
    %mul3A_305 = arith.constant 640 : i32
    %mul3A_306 = arith.muli %arg1, %mul3A_305 : i32
    %dma_wait3A_307 = arith.constant 0 : i32
    %dma_wait3A_308 = arith.constant 0 : i32
    %dma_wait3A_309 = tpu.memref_slice %arg10[%dma_wait3A_307, %dma_wait3A_308] : memref<50x128xf32, #tpu.memory_space<vmem>> -> memref<40x128xf32, #tpu.memory_space<vmem>>
    %dma_wait3A_310 = arith.constant 0 : i32
    %dma_wait3A_311 = tpu.memref_slice %arg11[%mul3A_306, %dma_wait3A_310] : memref<10240x128xf32, #tpu.memory_space<vmem_shared>> -> memref<40x128xf32, #tpu.memory_space<vmem_shared>>
    %dma_wait3A_312 = arith.constant 0 : i32
    %dma_wait3A_313 = tpu.memref_slice %arg11[%mul3A_306, %dma_wait3A_312] : memref<10240x128xf32, #tpu.memory_space<vmem_shared>> -> memref<40x128xf32, #tpu.memory_space<vmem_shared>>
    %dma_wait3A_314 = arith.constant 0 : i32
    %dma_wait3A_315 = arith.constant 0 : i32
    %dma_wait3A_316 = tpu.memref_slice %arg10[%dma_wait3A_314, %dma_wait3A_315] : memref<50x128xf32, #tpu.memory_space<vmem>> -> memref<40x128xf32, #tpu.memory_space<vmem>>
    tpu.wait_dma2 semaphore(%arg16 : memref<!tpu.dma_semaphore, #tpu.memory_space<semaphore_mem>>) src(%dma_wait3A_316 : memref<40x128xf32, #tpu.memory_space<vmem>>) dst(%dma_wait3A_313 : memref<40x128xf32, #tpu.memory_space<vmem_shared>>)
    %mul3A_317 = arith.constant 640 : i32
    %mul3A_318 = arith.muli %arg1, %mul3A_317 : i32
    %dma_wait3A_319 = arith.constant 0 : i32
    %dma_wait3A_320 = arith.constant 0 : i32
    %dma_wait3A_321 = tpu.memref_slice %arg10[%dma_wait3A_319, %dma_wait3A_320] : memref<50x128xf32, #tpu.memory_space<vmem>> -> memref<40x128xf32, #tpu.memory_space<vmem>>
    %dma_wait3A_322 = arith.constant 0 : i32
    %dma_wait3A_323 = tpu.memref_slice %arg11[%mul3A_318, %dma_wait3A_322] : memref<10240x128xf32, #tpu.memory_space<vmem_shared>> -> memref<40x128xf32, #tpu.memory_space<vmem_shared>>
    %dma_wait3A_324 = arith.constant 0 : i32
    %dma_wait3A_325 = tpu.memref_slice %arg11[%mul3A_318, %dma_wait3A_324] : memref<10240x128xf32, #tpu.memory_space<vmem_shared>> -> memref<40x128xf32, #tpu.memory_space<vmem_shared>>
    %dma_wait3A_326 = arith.constant 0 : i32
    %dma_wait3A_327 = arith.constant 0 : i32
    %dma_wait3A_328 = tpu.memref_slice %arg10[%dma_wait3A_326, %dma_wait3A_327] : memref<50x128xf32, #tpu.memory_space<vmem>> -> memref<40x128xf32, #tpu.memory_space<vmem>>
    tpu.wait_dma2 semaphore(%arg16 : memref<!tpu.dma_semaphore, #tpu.memory_space<semaphore_mem>>) src(%dma_wait3A_328 : memref<40x128xf32, #tpu.memory_space<vmem>>) dst(%dma_wait3A_325 : memref<40x128xf32, #tpu.memory_space<vmem_shared>>)
    %mul3A_329 = arith.constant 640 : i32
    %mul3A_330 = arith.muli %arg1, %mul3A_329 : i32
    %dma_wait3A_331 = arith.constant 0 : i32
    %dma_wait3A_332 = arith.constant 0 : i32
    %dma_wait3A_333 = tpu.memref_slice %arg10[%dma_wait3A_331, %dma_wait3A_332] : memref<50x128xf32, #tpu.memory_space<vmem>> -> memref<40x128xf32, #tpu.memory_space<vmem>>
    %dma_wait3A_334 = arith.constant 0 : i32
    %dma_wait3A_335 = tpu.memref_slice %arg11[%mul3A_330, %dma_wait3A_334] : memref<10240x128xf32, #tpu.memory_space<vmem_shared>> -> memref<40x128xf32, #tpu.memory_space<vmem_shared>>
    %dma_wait3A_336 = arith.constant 0 : i32
    %dma_wait3A_337 = tpu.memref_slice %arg11[%mul3A_330, %dma_wait3A_336] : memref<10240x128xf32, #tpu.memory_space<vmem_shared>> -> memref<40x128xf32, #tpu.memory_space<vmem_shared>>
    %dma_wait3A_338 = arith.constant 0 : i32
    %dma_wait3A_339 = arith.constant 0 : i32
    %dma_wait3A_340 = tpu.memref_slice %arg10[%dma_wait3A_338, %dma_wait3A_339] : memref<50x128xf32, #tpu.memory_space<vmem>> -> memref<40x128xf32, #tpu.memory_space<vmem>>
    tpu.wait_dma2 semaphore(%arg16 : memref<!tpu.dma_semaphore, #tpu.memory_space<semaphore_mem>>) src(%dma_wait3A_340 : memref<40x128xf32, #tpu.memory_space<vmem>>) dst(%dma_wait3A_337 : memref<40x128xf32, #tpu.memory_space<vmem_shared>>)
    %mul3A_341 = arith.constant 640 : i32
    %mul3A_342 = arith.muli %arg1, %mul3A_341 : i32
    %dma_wait3A_343 = arith.constant 0 : i32
    %dma_wait3A_344 = arith.constant 0 : i32
    %dma_wait3A_345 = tpu.memref_slice %arg10[%dma_wait3A_343, %dma_wait3A_344] : memref<50x128xf32, #tpu.memory_space<vmem>> -> memref<40x128xf32, #tpu.memory_space<vmem>>
    %dma_wait3A_346 = arith.constant 0 : i32
    %dma_wait3A_347 = tpu.memref_slice %arg11[%mul3A_342, %dma_wait3A_346] : memref<10240x128xf32, #tpu.memory_space<vmem_shared>> -> memref<40x128xf32, #tpu.memory_space<vmem_shared>>
    %dma_wait3A_348 = arith.constant 0 : i32
    %dma_wait3A_349 = tpu.memref_slice %arg11[%mul3A_342, %dma_wait3A_348] : memref<10240x128xf32, #tpu.memory_space<vmem_shared>> -> memref<40x128xf32, #tpu.memory_space<vmem_shared>>
    %dma_wait3A_350 = arith.constant 0 : i32
    %dma_wait3A_351 = arith.constant 0 : i32
    %dma_wait3A_352 = tpu.memref_slice %arg10[%dma_wait3A_350, %dma_wait3A_351] : memref<50x128xf32, #tpu.memory_space<vmem>> -> memref<40x128xf32, #tpu.memory_space<vmem>>
    tpu.wait_dma2 semaphore(%arg16 : memref<!tpu.dma_semaphore, #tpu.memory_space<semaphore_mem>>) src(%dma_wait3A_352 : memref<40x128xf32, #tpu.memory_space<vmem>>) dst(%dma_wait3A_349 : memref<40x128xf32, #tpu.memory_space<vmem_shared>>)
    %mul3A_353 = arith.constant 640 : i32
    %mul3A_354 = arith.muli %arg1, %mul3A_353 : i32
    %dma_wait3A_355 = arith.constant 0 : i32
    %dma_wait3A_356 = arith.constant 0 : i32
    %dma_wait3A_357 = tpu.memref_slice %arg10[%dma_wait3A_355, %dma_wait3A_356] : memref<50x128xf32, #tpu.memory_space<vmem>> -> memref<40x128xf32, #tpu.memory_space<vmem>>
    %dma_wait3A_358 = arith.constant 0 : i32
    %dma_wait3A_359 = tpu.memref_slice %arg11[%mul3A_354, %dma_wait3A_358] : memref<10240x128xf32, #tpu.memory_space<vmem_shared>> -> memref<40x128xf32, #tpu.memory_space<vmem_shared>>
    %dma_wait3A_360 = arith.constant 0 : i32
    %dma_wait3A_361 = tpu.memref_slice %arg11[%mul3A_354, %dma_wait3A_360] : memref<10240x128xf32, #tpu.memory_space<vmem_shared>> -> memref<40x128xf32, #tpu.memory_space<vmem_shared>>
    %dma_wait3A_362 = arith.constant 0 : i32
    %dma_wait3A_363 = arith.constant 0 : i32
    %dma_wait3A_364 = tpu.memref_slice %arg10[%dma_wait3A_362, %dma_wait3A_363] : memref<50x128xf32, #tpu.memory_space<vmem>> -> memref<40x128xf32, #tpu.memory_space<vmem>>
    tpu.wait_dma2 semaphore(%arg16 : memref<!tpu.dma_semaphore, #tpu.memory_space<semaphore_mem>>) src(%dma_wait3A_364 : memref<40x128xf32, #tpu.memory_space<vmem>>) dst(%dma_wait3A_361 : memref<40x128xf32, #tpu.memory_space<vmem_shared>>)
    %mul3A_365 = arith.constant 640 : i32
    %mul3A_366 = arith.muli %arg1, %mul3A_365 : i32
    %dma_wait3A_367 = arith.constant 0 : i32
    %dma_wait3A_368 = arith.constant 0 : i32
    %dma_wait3A_369 = tpu.memref_slice %arg10[%dma_wait3A_367, %dma_wait3A_368] : memref<50x128xf32, #tpu.memory_space<vmem>> -> memref<40x128xf32, #tpu.memory_space<vmem>>
    %dma_wait3A_370 = arith.constant 0 : i32
    %dma_wait3A_371 = tpu.memref_slice %arg11[%mul3A_366, %dma_wait3A_370] : memref<10240x128xf32, #tpu.memory_space<vmem_shared>> -> memref<40x128xf32, #tpu.memory_space<vmem_shared>>
    %dma_wait3A_372 = arith.constant 0 : i32
    %dma_wait3A_373 = tpu.memref_slice %arg11[%mul3A_366, %dma_wait3A_372] : memref<10240x128xf32, #tpu.memory_space<vmem_shared>> -> memref<40x128xf32, #tpu.memory_space<vmem_shared>>
    %dma_wait3A_374 = arith.constant 0 : i32
    %dma_wait3A_375 = arith.constant 0 : i32
    %dma_wait3A_376 = tpu.memref_slice %arg10[%dma_wait3A_374, %dma_wait3A_375] : memref<50x128xf32, #tpu.memory_space<vmem>> -> memref<40x128xf32, #tpu.memory_space<vmem>>
    tpu.wait_dma2 semaphore(%arg16 : memref<!tpu.dma_semaphore, #tpu.memory_space<semaphore_mem>>) src(%dma_wait3A_376 : memref<40x128xf32, #tpu.memory_space<vmem>>) dst(%dma_wait3A_373 : memref<40x128xf32, #tpu.memory_space<vmem_shared>>)
    %mul3A_377 = arith.constant 640 : i32
    %mul3A_378 = arith.muli %arg1, %mul3A_377 : i32
    %dma_wait3A_379 = arith.constant 0 : i32
    %dma_wait3A_380 = arith.constant 0 : i32
    %dma_wait3A_381 = tpu.memref_slice %arg10[%dma_wait3A_379, %dma_wait3A_380] : memref<50x128xf32, #tpu.memory_space<vmem>> -> memref<40x128xf32, #tpu.memory_space<vmem>>
    %dma_wait3A_382 = arith.constant 0 : i32
    %dma_wait3A_383 = tpu.memref_slice %arg11[%mul3A_378, %dma_wait3A_382] : memref<10240x128xf32, #tpu.memory_space<vmem_shared>> -> memref<40x128xf32, #tpu.memory_space<vmem_shared>>
    %dma_wait3A_384 = arith.constant 0 : i32
    %dma_wait3A_385 = tpu.memref_slice %arg11[%mul3A_378, %dma_wait3A_384] : memref<10240x128xf32, #tpu.memory_space<vmem_shared>> -> memref<40x128xf32, #tpu.memory_space<vmem_shared>>
    %dma_wait3A_386 = arith.constant 0 : i32
    %dma_wait3A_387 = arith.constant 0 : i32
    %dma_wait3A_388 = tpu.memref_slice %arg10[%dma_wait3A_386, %dma_wait3A_387] : memref<50x128xf32, #tpu.memory_space<vmem>> -> memref<40x128xf32, #tpu.memory_space<vmem>>
    tpu.wait_dma2 semaphore(%arg16 : memref<!tpu.dma_semaphore, #tpu.memory_space<semaphore_mem>>) src(%dma_wait3A_388 : memref<40x128xf32, #tpu.memory_space<vmem>>) dst(%dma_wait3A_385 : memref<40x128xf32, #tpu.memory_space<vmem_shared>>)
    %mul3A_389 = arith.constant 640 : i32
    %mul3A_390 = arith.muli %arg1, %mul3A_389 : i32
    %dma_wait3A_391 = arith.constant 0 : i32
    %dma_wait3A_392 = arith.constant 0 : i32
    %dma_wait3A_393 = tpu.memref_slice %arg10[%dma_wait3A_391, %dma_wait3A_392] : memref<50x128xf32, #tpu.memory_space<vmem>> -> memref<40x128xf32, #tpu.memory_space<vmem>>
    %dma_wait3A_394 = arith.constant 0 : i32
    %dma_wait3A_395 = tpu.memref_slice %arg11[%mul3A_390, %dma_wait3A_394] : memref<10240x128xf32, #tpu.memory_space<vmem_shared>> -> memref<40x128xf32, #tpu.memory_space<vmem_shared>>
    %dma_wait3A_396 = arith.constant 0 : i32
    %dma_wait3A_397 = tpu.memref_slice %arg11[%mul3A_390, %dma_wait3A_396] : memref<10240x128xf32, #tpu.memory_space<vmem_shared>> -> memref<40x128xf32, #tpu.memory_space<vmem_shared>>
    %dma_wait3A_398 = arith.constant 0 : i32
    %dma_wait3A_399 = arith.constant 0 : i32
    %dma_wait3A_400 = tpu.memref_slice %arg10[%dma_wait3A_398, %dma_wait3A_399] : memref<50x128xf32, #tpu.memory_space<vmem>> -> memref<40x128xf32, #tpu.memory_space<vmem>>
    tpu.wait_dma2 semaphore(%arg16 : memref<!tpu.dma_semaphore, #tpu.memory_space<semaphore_mem>>) src(%dma_wait3A_400 : memref<40x128xf32, #tpu.memory_space<vmem>>) dst(%dma_wait3A_397 : memref<40x128xf32, #tpu.memory_space<vmem_shared>>)
    %mul3A_401 = arith.constant 640 : i32
    %mul3A_402 = arith.muli %arg1, %mul3A_401 : i32
    %dma_wait3A_403 = arith.constant 0 : i32
    %dma_wait3A_404 = arith.constant 0 : i32
    %dma_wait3A_405 = tpu.memref_slice %arg10[%dma_wait3A_403, %dma_wait3A_404] : memref<50x128xf32, #tpu.memory_space<vmem>> -> memref<40x128xf32, #tpu.memory_space<vmem>>
    %dma_wait3A_406 = arith.constant 0 : i32
    %dma_wait3A_407 = tpu.memref_slice %arg11[%mul3A_402, %dma_wait3A_406] : memref<10240x128xf32, #tpu.memory_space<vmem_shared>> -> memref<40x128xf32, #tpu.memory_space<vmem_shared>>
    %dma_wait3A_408 = arith.constant 0 : i32
    %dma_wait3A_409 = tpu.memref_slice %arg11[%mul3A_402, %dma_wait3A_408] : memref<10240x128xf32, #tpu.memory_space<vmem_shared>> -> memref<40x128xf32, #tpu.memory_space<vmem_shared>>
    %dma_wait3A_410 = arith.constant 0 : i32
    %dma_wait3A_411 = arith.constant 0 : i32
    %dma_wait3A_412 = tpu.memref_slice %arg10[%dma_wait3A_410, %dma_wait3A_411] : memref<50x128xf32, #tpu.memory_space<vmem>> -> memref<40x128xf32, #tpu.memory_space<vmem>>
    tpu.wait_dma2 semaphore(%arg16 : memref<!tpu.dma_semaphore, #tpu.memory_space<semaphore_mem>>) src(%dma_wait3A_412 : memref<40x128xf32, #tpu.memory_space<vmem>>) dst(%dma_wait3A_409 : memref<40x128xf32, #tpu.memory_space<vmem_shared>>)
    %mul3A_413 = arith.constant 640 : i32
    %mul3A_414 = arith.muli %arg1, %mul3A_413 : i32
    %dma_wait3A_415 = arith.constant 0 : i32
    %dma_wait3A_416 = arith.constant 0 : i32
    %dma_wait3A_417 = tpu.memref_slice %arg10[%dma_wait3A_415, %dma_wait3A_416] : memref<50x128xf32, #tpu.memory_space<vmem>> -> memref<40x128xf32, #tpu.memory_space<vmem>>
    %dma_wait3A_418 = arith.constant 0 : i32
    %dma_wait3A_419 = tpu.memref_slice %arg11[%mul3A_414, %dma_wait3A_418] : memref<10240x128xf32, #tpu.memory_space<vmem_shared>> -> memref<40x128xf32, #tpu.memory_space<vmem_shared>>
    %dma_wait3A_420 = arith.constant 0 : i32
    %dma_wait3A_421 = tpu.memref_slice %arg11[%mul3A_414, %dma_wait3A_420] : memref<10240x128xf32, #tpu.memory_space<vmem_shared>> -> memref<40x128xf32, #tpu.memory_space<vmem_shared>>
    %dma_wait3A_422 = arith.constant 0 : i32
    %dma_wait3A_423 = arith.constant 0 : i32
    %dma_wait3A_424 = tpu.memref_slice %arg10[%dma_wait3A_422, %dma_wait3A_423] : memref<50x128xf32, #tpu.memory_space<vmem>> -> memref<40x128xf32, #tpu.memory_space<vmem>>
    tpu.wait_dma2 semaphore(%arg16 : memref<!tpu.dma_semaphore, #tpu.memory_space<semaphore_mem>>) src(%dma_wait3A_424 : memref<40x128xf32, #tpu.memory_space<vmem>>) dst(%dma_wait3A_421 : memref<40x128xf32, #tpu.memory_space<vmem_shared>>)
    %mul3A_425 = arith.constant 640 : i32
    %mul3A_426 = arith.muli %arg1, %mul3A_425 : i32
    %dma_wait3A_427 = arith.constant 0 : i32
    %dma_wait3A_428 = arith.constant 0 : i32
    %dma_wait3A_429 = tpu.memref_slice %arg10[%dma_wait3A_427, %dma_wait3A_428] : memref<50x128xf32, #tpu.memory_space<vmem>> -> memref<40x128xf32, #tpu.memory_space<vmem>>
    %dma_wait3A_430 = arith.constant 0 : i32
    %dma_wait3A_431 = tpu.memref_slice %arg11[%mul3A_426, %dma_wait3A_430] : memref<10240x128xf32, #tpu.memory_space<vmem_shared>> -> memref<40x128xf32, #tpu.memory_space<vmem_shared>>
    %dma_wait3A_432 = arith.constant 0 : i32
    %dma_wait3A_433 = tpu.memref_slice %arg11[%mul3A_426, %dma_wait3A_432] : memref<10240x128xf32, #tpu.memory_space<vmem_shared>> -> memref<40x128xf32, #tpu.memory_space<vmem_shared>>
    %dma_wait3A_434 = arith.constant 0 : i32
    %dma_wait3A_435 = arith.constant 0 : i32
    %dma_wait3A_436 = tpu.memref_slice %arg10[%dma_wait3A_434, %dma_wait3A_435] : memref<50x128xf32, #tpu.memory_space<vmem>> -> memref<40x128xf32, #tpu.memory_space<vmem>>
    tpu.wait_dma2 semaphore(%arg16 : memref<!tpu.dma_semaphore, #tpu.memory_space<semaphore_mem>>) src(%dma_wait3A_436 : memref<40x128xf32, #tpu.memory_space<vmem>>) dst(%dma_wait3A_433 : memref<40x128xf32, #tpu.memory_space<vmem_shared>>)
    %mul3A_437 = arith.constant 640 : i32
    %mul3A_438 = arith.muli %arg1, %mul3A_437 : i32
    %dma_wait3A_439 = arith.constant 0 : i32
    %dma_wait3A_440 = arith.constant 0 : i32
    %dma_wait3A_441 = tpu.memref_slice %arg10[%dma_wait3A_439, %dma_wait3A_440] : memref<50x128xf32, #tpu.memory_space<vmem>> -> memref<40x128xf32, #tpu.memory_space<vmem>>
    %dma_wait3A_442 = arith.constant 0 : i32
    %dma_wait3A_443 = tpu.memref_slice %arg11[%mul3A_438, %dma_wait3A_442] : memref<10240x128xf32, #tpu.memory_space<vmem_shared>> -> memref<40x128xf32, #tpu.memory_space<vmem_shared>>
    %dma_wait3A_444 = arith.constant 0 : i32
    %dma_wait3A_445 = tpu.memref_slice %arg11[%mul3A_438, %dma_wait3A_444] : memref<10240x128xf32, #tpu.memory_space<vmem_shared>> -> memref<40x128xf32, #tpu.memory_space<vmem_shared>>
    %dma_wait3A_446 = arith.constant 0 : i32
    %dma_wait3A_447 = arith.constant 0 : i32
    %dma_wait3A_448 = tpu.memref_slice %arg10[%dma_wait3A_446, %dma_wait3A_447] : memref<50x128xf32, #tpu.memory_space<vmem>> -> memref<40x128xf32, #tpu.memory_space<vmem>>
    tpu.wait_dma2 semaphore(%arg16 : memref<!tpu.dma_semaphore, #tpu.memory_space<semaphore_mem>>) src(%dma_wait3A_448 : memref<40x128xf32, #tpu.memory_space<vmem>>) dst(%dma_wait3A_445 : memref<40x128xf32, #tpu.memory_space<vmem_shared>>)
    %mul3A_449 = arith.constant 640 : i32
    %mul3A_450 = arith.muli %arg1, %mul3A_449 : i32
    %dma_wait3A_451 = arith.constant 0 : i32
    %dma_wait3A_452 = arith.constant 0 : i32
    %dma_wait3A_453 = tpu.memref_slice %arg10[%dma_wait3A_451, %dma_wait3A_452] : memref<50x128xf32, #tpu.memory_space<vmem>> -> memref<40x128xf32, #tpu.memory_space<vmem>>
    %dma_wait3A_454 = arith.constant 0 : i32
    %dma_wait3A_455 = tpu.memref_slice %arg11[%mul3A_450, %dma_wait3A_454] : memref<10240x128xf32, #tpu.memory_space<vmem_shared>> -> memref<40x128xf32, #tpu.memory_space<vmem_shared>>
    %dma_wait3A_456 = arith.constant 0 : i32
    %dma_wait3A_457 = tpu.memref_slice %arg11[%mul3A_450, %dma_wait3A_456] : memref<10240x128xf32, #tpu.memory_space<vmem_shared>> -> memref<40x128xf32, #tpu.memory_space<vmem_shared>>
    %dma_wait3A_458 = arith.constant 0 : i32
    %dma_wait3A_459 = arith.constant 0 : i32
    %dma_wait3A_460 = tpu.memref_slice %arg10[%dma_wait3A_458, %dma_wait3A_459] : memref<50x128xf32, #tpu.memory_space<vmem>> -> memref<40x128xf32, #tpu.memory_space<vmem>>
    tpu.wait_dma2 semaphore(%arg16 : memref<!tpu.dma_semaphore, #tpu.memory_space<semaphore_mem>>) src(%dma_wait3A_460 : memref<40x128xf32, #tpu.memory_space<vmem>>) dst(%dma_wait3A_457 : memref<40x128xf32, #tpu.memory_space<vmem_shared>>)
    %barrier3A = arith.constant 0 : index
    tpu.barrier barrier_id(%barrier3A)
    %dma_start3A_461 = arith.constant 0 : i32
    %dma_start3A_462 = arith.constant 1 : i32
    %dma_start3A_463 = arith.constant 1 : i32
    %dma_start3A_464 = arith.constant 0 : i32
    %dma_start3A_465 = arith.constant 0 : i32
    %dma_start3A_466 = tpu.memref_slice %arg5[%dma_start3A_463, %dma_start3A_464, %dma_start3A_465] : memref<2x40x50xi32, #tpu.memory_space<vmem>> -> memref<1x40x50xi32, #tpu.memory_space<vmem>>
    %dma_start3A_467 = tpu.memref_squeeze %dma_start3A_466 : memref<1x40x50xi32, #tpu.memory_space<vmem>> -> memref<40x50xi32, #tpu.memory_space<vmem>>
    %dma_start3A_468 = arith.constant 0 : i32
    %dma_start3A_469 = arith.constant 0 : i32
    %dma_start3A_470 = arith.constant 0 : i32
    %dma_start3A_471 = arith.constant 0 : i32
    %dma_start3A_472 = tpu.memref_slice %arg2[%dma_start3A_461, %dma_start3A_468, %dma_start3A_469, %dma_start3A_470, %dma_start3A_471] : memref<2x32x5x40x50xi32, #tpu.memory_space<hbm>> -> memref<1x32x5x40x50xi32, #tpu.memory_space<hbm>>
    %dma_start3A_473 = tpu.memref_squeeze %dma_start3A_472 : memref<1x32x5x40x50xi32, #tpu.memory_space<hbm>> -> memref<32x5x40x50xi32, #tpu.memory_space<hbm>>
    %dma_start3A_474 = arith.constant 0 : i32
    %dma_start3A_475 = arith.constant 0 : i32
    %dma_start3A_476 = tpu.memref_slice %dma_start3A_473[%add3A, %dma_start3A_462, %dma_start3A_474, %dma_start3A_475] : memref<32x5x40x50xi32, #tpu.memory_space<hbm>> -> memref<1x1x40x50xi32, #tpu.memory_space<hbm>>
    %dma_start3A_477 = tpu.memref_squeeze %dma_start3A_476 : memref<1x1x40x50xi32, #tpu.memory_space<hbm>> -> memref<40x50xi32, #tpu.memory_space<hbm>>
    %dma_start3A_478 = arith.constant 0 : i32
    %dma_start3A_479 = arith.constant 0 : i32
    %dma_start3A_480 = tpu.memref_slice %arg5[%dma_start3A_463, %dma_start3A_478, %dma_start3A_479] : memref<2x40x50xi32, #tpu.memory_space<vmem>> -> memref<1x40x50xi32, #tpu.memory_space<vmem>>
    %dma_start3A_481 = tpu.memref_squeeze %dma_start3A_480 : memref<1x40x50xi32, #tpu.memory_space<vmem>> -> memref<40x50xi32, #tpu.memory_space<vmem>>
    %dma_start3A_482 = arith.constant 0 : i32
    %dma_start3A_483 = arith.constant 0 : i32
    %dma_start3A_484 = arith.constant 0 : i32
    %dma_start3A_485 = arith.constant 0 : i32
    %dma_start3A_486 = tpu.memref_slice %arg2[%dma_start3A_461, %dma_start3A_482, %dma_start3A_483, %dma_start3A_484, %dma_start3A_485] : memref<2x32x5x40x50xi32, #tpu.memory_space<hbm>> -> memref<1x32x5x40x50xi32, #tpu.memory_space<hbm>>
    %dma_start3A_487 = tpu.memref_squeeze %dma_start3A_486 : memref<1x32x5x40x50xi32, #tpu.memory_space<hbm>> -> memref<32x5x40x50xi32, #tpu.memory_space<hbm>>
    %dma_start3A_488 = arith.constant 0 : i32
    %dma_start3A_489 = arith.constant 0 : i32
    %dma_start3A_490 = tpu.memref_slice %dma_start3A_487[%add3A, %dma_start3A_462, %dma_start3A_488, %dma_start3A_489] : memref<32x5x40x50xi32, #tpu.memory_space<hbm>> -> memref<1x1x40x50xi32, #tpu.memory_space<hbm>>
    %dma_start3A_491 = tpu.memref_squeeze %dma_start3A_490 : memref<1x1x40x50xi32, #tpu.memory_space<hbm>> -> memref<40x50xi32, #tpu.memory_space<hbm>>
    tpu.enqueue_dma source(%dma_start3A_491 : memref<40x50xi32, #tpu.memory_space<hbm>>) target(%dma_start3A_481 : memref<40x50xi32, #tpu.memory_space<vmem>>) target_semaphore(%arg16 : memref<!tpu.dma_semaphore, #tpu.memory_space<semaphore_mem>>)
    %dma_start3A_492 = arith.constant 1 : i32
    %dma_start3A_493 = arith.constant 1 : i32
    %dma_start3A_494 = arith.constant 1 : i32
    %dma_start3A_495 = arith.constant 0 : i32
    %dma_start3A_496 = arith.constant 0 : i32
    %dma_start3A_497 = tpu.memref_slice %arg6[%dma_start3A_494, %dma_start3A_495, %dma_start3A_496] : memref<2x40x50xi32, #tpu.memory_space<vmem>> -> memref<1x40x50xi32, #tpu.memory_space<vmem>>
    %dma_start3A_498 = tpu.memref_squeeze %dma_start3A_497 : memref<1x40x50xi32, #tpu.memory_space<vmem>> -> memref<40x50xi32, #tpu.memory_space<vmem>>
    %dma_start3A_499 = arith.constant 0 : i32
    %dma_start3A_500 = arith.constant 0 : i32
    %dma_start3A_501 = arith.constant 0 : i32
    %dma_start3A_502 = arith.constant 0 : i32
    %dma_start3A_503 = tpu.memref_slice %arg2[%dma_start3A_492, %dma_start3A_499, %dma_start3A_500, %dma_start3A_501, %dma_start3A_502] : memref<2x32x5x40x50xi32, #tpu.memory_space<hbm>> -> memref<1x32x5x40x50xi32, #tpu.memory_space<hbm>>
    %dma_start3A_504 = tpu.memref_squeeze %dma_start3A_503 : memref<1x32x5x40x50xi32, #tpu.memory_space<hbm>> -> memref<32x5x40x50xi32, #tpu.memory_space<hbm>>
    %dma_start3A_505 = arith.constant 0 : i32
    %dma_start3A_506 = arith.constant 0 : i32
    %dma_start3A_507 = tpu.memref_slice %dma_start3A_504[%add3A, %dma_start3A_493, %dma_start3A_505, %dma_start3A_506] : memref<32x5x40x50xi32, #tpu.memory_space<hbm>> -> memref<1x1x40x50xi32, #tpu.memory_space<hbm>>
    %dma_start3A_508 = tpu.memref_squeeze %dma_start3A_507 : memref<1x1x40x50xi32, #tpu.memory_space<hbm>> -> memref<40x50xi32, #tpu.memory_space<hbm>>
    %dma_start3A_509 = arith.constant 0 : i32
    %dma_start3A_510 = arith.constant 0 : i32
    %dma_start3A_511 = tpu.memref_slice %arg6[%dma_start3A_494, %dma_start3A_509, %dma_start3A_510] : memref<2x40x50xi32, #tpu.memory_space<vmem>> -> memref<1x40x50xi32, #tpu.memory_space<vmem>>
    %dma_start3A_512 = tpu.memref_squeeze %dma_start3A_511 : memref<1x40x50xi32, #tpu.memory_space<vmem>> -> memref<40x50xi32, #tpu.memory_space<vmem>>
    %dma_start3A_513 = arith.constant 0 : i32
    %dma_start3A_514 = arith.constant 0 : i32
    %dma_start3A_515 = arith.constant 0 : i32
    %dma_start3A_516 = arith.constant 0 : i32
    %dma_start3A_517 = tpu.memref_slice %arg2[%dma_start3A_492, %dma_start3A_513, %dma_start3A_514, %dma_start3A_515, %dma_start3A_516] : memref<2x32x5x40x50xi32, #tpu.memory_space<hbm>> -> memref<1x32x5x40x50xi32, #tpu.memory_space<hbm>>
    %dma_start3A_518 = tpu.memref_squeeze %dma_start3A_517 : memref<1x32x5x40x50xi32, #tpu.memory_space<hbm>> -> memref<32x5x40x50xi32, #tpu.memory_space<hbm>>
    %dma_start3A_519 = arith.constant 0 : i32
    %dma_start3A_520 = arith.constant 0 : i32
    %dma_start3A_521 = tpu.memref_slice %dma_start3A_518[%add3A, %dma_start3A_493, %dma_start3A_519, %dma_start3A_520] : memref<32x5x40x50xi32, #tpu.memory_space<hbm>> -> memref<1x1x40x50xi32, #tpu.memory_space<hbm>>
    %dma_start3A_522 = tpu.memref_squeeze %dma_start3A_521 : memref<1x1x40x50xi32, #tpu.memory_space<hbm>> -> memref<40x50xi32, #tpu.memory_space<hbm>>
    tpu.enqueue_dma source(%dma_start3A_522 : memref<40x50xi32, #tpu.memory_space<hbm>>) target(%dma_start3A_512 : memref<40x50xi32, #tpu.memory_space<vmem>>) target_semaphore(%arg16 : memref<!tpu.dma_semaphore, #tpu.memory_space<semaphore_mem>>)
    %dma_wait3A_523 = arith.constant 0 : i32
    %dma_wait3A_524 = arith.constant 0 : i32
    %dma_wait3A_525 = arith.constant 0 : i32
    %dma_wait3A_526 = arith.constant 0 : i32
    %dma_wait3A_527 = tpu.memref_slice %arg5[%dma_wait3A_523, %dma_wait3A_525, %dma_wait3A_526] : memref<2x40x50xi32, #tpu.memory_space<vmem>> -> memref<1x40x50xi32, #tpu.memory_space<vmem>>
    %dma_wait3A_528 = tpu.memref_squeeze %dma_wait3A_527 : memref<1x40x50xi32, #tpu.memory_space<vmem>> -> memref<40x50xi32, #tpu.memory_space<vmem>>
    %dma_wait3A_529 = arith.constant 0 : i32
    %dma_wait3A_530 = tpu.memref_slice %dma_wait3A_528[%dma_wait3A_524, %dma_wait3A_529] : memref<40x50xi32, #tpu.memory_space<vmem>> -> memref<1x50xi32, #tpu.memory_space<vmem>>
    %dma_wait3A_531 = tpu.memref_squeeze %dma_wait3A_530 : memref<1x50xi32, #tpu.memory_space<vmem>> -> memref<50xi32, #tpu.memory_space<vmem>>
    %dma_wait3A_532 = arith.constant 0 : i32
    %dma_wait3A_533 = arith.constant 0 : i32
    %dma_wait3A_534 = tpu.memref_slice %arg3[%dma_wait3A_532, %dma_wait3A_533] : memref<10000x128xf32, #tpu.memory_space<hbm>> -> memref<10000x128xf32, #tpu.memory_space<hbm>>
    tpu.wait_indirect_dma semaphore(%arg12 : memref<!tpu.dma_semaphore, #tpu.memory_space<semaphore_mem>>) src(%dma_wait3A_534 : memref<10000x128xf32, #tpu.memory_space<hbm>>) dst(%arg7 : memref<50x128xf32, #tpu.memory_space<vmem>>)
    %dma_start3A_535 = arith.constant 0 : i32
    %dma_start3A_536 = arith.constant 0 : i32
    %dma_start3A_537 = arith.constant 0 : i32
    %dma_start3A_538 = arith.constant 0 : i32
    %dma_start3A_539 = tpu.memref_slice %arg6[%dma_start3A_535, %dma_start3A_537, %dma_start3A_538] : memref<2x40x50xi32, #tpu.memory_space<vmem>> -> memref<1x40x50xi32, #tpu.memory_space<vmem>>
    %dma_start3A_540 = tpu.memref_squeeze %dma_start3A_539 : memref<1x40x50xi32, #tpu.memory_space<vmem>> -> memref<40x50xi32, #tpu.memory_space<vmem>>
    %dma_start3A_541 = arith.constant 0 : i32
    %dma_start3A_542 = tpu.memref_slice %dma_start3A_540[%dma_start3A_536, %dma_start3A_541] : memref<40x50xi32, #tpu.memory_space<vmem>> -> memref<1x50xi32, #tpu.memory_space<vmem>>
    %dma_start3A_543 = tpu.memref_squeeze %dma_start3A_542 : memref<1x50xi32, #tpu.memory_space<vmem>> -> memref<50xi32, #tpu.memory_space<vmem>>
    %dma_start3A_544 = arith.constant 0 : i32
    %dma_start3A_545 = arith.constant 0 : i32
    %dma_start3A_546 = tpu.memref_slice %arg11[%dma_start3A_544, %dma_start3A_545] : memref<10240x128xf32, #tpu.memory_space<vmem_shared>> -> memref<10240x128xf32, #tpu.memory_space<vmem_shared>>
    tpu.enqueue_indirect_dma source(%arg7 : memref<50x128xf32, #tpu.memory_space<vmem>>) target(%dma_start3A_546 : memref<10240x128xf32, #tpu.memory_space<vmem_shared>>) offsets(%dma_start3A_543 : memref<50xi32, #tpu.memory_space<vmem>>) semaphore(%arg12 : memref<!tpu.dma_semaphore, #tpu.memory_space<semaphore_mem>>) {add = true}
    %dma_start3A_547 = arith.constant 0 : i32
    %dma_start3A_548 = arith.constant 3 : i32
    %dma_start3A_549 = arith.constant 0 : i32
    %dma_start3A_550 = arith.constant 0 : i32
    %dma_start3A_551 = tpu.memref_slice %arg5[%dma_start3A_547, %dma_start3A_549, %dma_start3A_550] : memref<2x40x50xi32, #tpu.memory_space<vmem>> -> memref<1x40x50xi32, #tpu.memory_space<vmem>>
    %dma_start3A_552 = tpu.memref_squeeze %dma_start3A_551 : memref<1x40x50xi32, #tpu.memory_space<vmem>> -> memref<40x50xi32, #tpu.memory_space<vmem>>
    %dma_start3A_553 = arith.constant 0 : i32
    %dma_start3A_554 = tpu.memref_slice %dma_start3A_552[%dma_start3A_548, %dma_start3A_553] : memref<40x50xi32, #tpu.memory_space<vmem>> -> memref<1x50xi32, #tpu.memory_space<vmem>>
    %dma_start3A_555 = tpu.memref_squeeze %dma_start3A_554 : memref<1x50xi32, #tpu.memory_space<vmem>> -> memref<50xi32, #tpu.memory_space<vmem>>
    %dma_start3A_556 = arith.constant 0 : i32
    %dma_start3A_557 = arith.constant 0 : i32
    %dma_start3A_558 = tpu.memref_slice %arg3[%dma_start3A_556, %dma_start3A_557] : memref<10000x128xf32, #tpu.memory_space<hbm>> -> memref<10000x128xf32, #tpu.memory_space<hbm>>
    tpu.enqueue_indirect_dma source(%dma_start3A_558 : memref<10000x128xf32, #tpu.memory_space<hbm>>) target(%arg10 : memref<50x128xf32, #tpu.memory_space<vmem>>) offsets(%dma_start3A_555 : memref<50xi32, #tpu.memory_space<vmem>>) semaphore(%arg15 : memref<!tpu.dma_semaphore, #tpu.memory_space<semaphore_mem>>)
    %dma_wait3A_559 = arith.constant 0 : i32
    %dma_wait3A_560 = arith.constant 0 : i32
    %dma_wait3A_561 = arith.constant 0 : i32
    %dma_wait3A_562 = arith.constant 0 : i32
    %dma_wait3A_563 = tpu.memref_slice %arg6[%dma_wait3A_559, %dma_wait3A_561, %dma_wait3A_562] : memref<2x40x50xi32, #tpu.memory_space<vmem>> -> memref<1x40x50xi32, #tpu.memory_space<vmem>>
    %dma_wait3A_564 = tpu.memref_squeeze %dma_wait3A_563 : memref<1x40x50xi32, #tpu.memory_space<vmem>> -> memref<40x50xi32, #tpu.memory_space<vmem>>
    %dma_wait3A_565 = arith.constant 0 : i32
    %dma_wait3A_566 = tpu.memref_slice %dma_wait3A_564[%dma_wait3A_560, %dma_wait3A_565] : memref<40x50xi32, #tpu.memory_space<vmem>> -> memref<1x50xi32, #tpu.memory_space<vmem>>
    %dma_wait3A_567 = tpu.memref_squeeze %dma_wait3A_566 : memref<1x50xi32, #tpu.memory_space<vmem>> -> memref<50xi32, #tpu.memory_space<vmem>>
    %dma_wait3A_568 = arith.constant 0 : i32
    %dma_wait3A_569 = arith.constant 0 : i32
    %dma_wait3A_570 = tpu.memref_slice %arg11[%dma_wait3A_568, %dma_wait3A_569] : memref<10240x128xf32, #tpu.memory_space<vmem_shared>> -> memref<10240x128xf32, #tpu.memory_space<vmem_shared>>
    tpu.wait_indirect_dma semaphore(%arg12 : memref<!tpu.dma_semaphore, #tpu.memory_space<semaphore_mem>>) src(%arg7 : memref<50x128xf32, #tpu.memory_space<vmem>>) dst(%dma_wait3A_570 : memref<10240x128xf32, #tpu.memory_space<vmem_shared>>)
    %dma_start3A_571 = arith.constant 0 : i32
    %dma_start3A_572 = arith.constant 4 : i32
    %dma_start3A_573 = arith.constant 0 : i32
    %dma_start3A_574 = arith.constant 0 : i32
    %dma_start3A_575 = tpu.memref_slice %arg5[%dma_start3A_571, %dma_start3A_573, %dma_start3A_574] : memref<2x40x50xi32, #tpu.memory_space<vmem>> -> memref<1x40x50xi32, #tpu.memory_space<vmem>>
    %dma_start3A_576 = tpu.memref_squeeze %dma_start3A_575 : memref<1x40x50xi32, #tpu.memory_space<vmem>> -> memref<40x50xi32, #tpu.memory_space<vmem>>
    %dma_start3A_577 = arith.constant 0 : i32
    %dma_start3A_578 = tpu.memref_slice %dma_start3A_576[%dma_start3A_572, %dma_start3A_577] : memref<40x50xi32, #tpu.memory_space<vmem>> -> memref<1x50xi32, #tpu.memory_space<vmem>>
    %dma_start3A_579 = tpu.memref_squeeze %dma_start3A_578 : memref<1x50xi32, #tpu.memory_space<vmem>> -> memref<50xi32, #tpu.memory_space<vmem>>
    %dma_start3A_580 = arith.constant 0 : i32
    %dma_start3A_581 = arith.constant 0 : i32
    %dma_start3A_582 = tpu.memref_slice %arg3[%dma_start3A_580, %dma_start3A_581] : memref<10000x128xf32, #tpu.memory_space<hbm>> -> memref<10000x128xf32, #tpu.memory_space<hbm>>
    tpu.enqueue_indirect_dma source(%dma_start3A_582 : memref<10000x128xf32, #tpu.memory_space<hbm>>) target(%arg7 : memref<50x128xf32, #tpu.memory_space<vmem>>) offsets(%dma_start3A_579 : memref<50xi32, #tpu.memory_space<vmem>>) semaphore(%arg12 : memref<!tpu.dma_semaphore, #tpu.memory_space<semaphore_mem>>)
    %dma_wait3A_583 = arith.constant 0 : i32
    %dma_wait3A_584 = arith.constant 1 : i32
    %dma_wait3A_585 = arith.constant 0 : i32
    %dma_wait3A_586 = arith.constant 0 : i32
    %dma_wait3A_587 = tpu.memref_slice %arg5[%dma_wait3A_583, %dma_wait3A_585, %dma_wait3A_586] : memref<2x40x50xi32, #tpu.memory_space<vmem>> -> memref<1x40x50xi32, #tpu.memory_space<vmem>>
    %dma_wait3A_588 = tpu.memref_squeeze %dma_wait3A_587 : memref<1x40x50xi32, #tpu.memory_space<vmem>> -> memref<40x50xi32, #tpu.memory_space<vmem>>
    %dma_wait3A_589 = arith.constant 0 : i32
    %dma_wait3A_590 = tpu.memref_slice %dma_wait3A_588[%dma_wait3A_584, %dma_wait3A_589] : memref<40x50xi32, #tpu.memory_space<vmem>> -> memref<1x50xi32, #tpu.memory_space<vmem>>
    %dma_wait3A_591 = tpu.memref_squeeze %dma_wait3A_590 : memref<1x50xi32, #tpu.memory_space<vmem>> -> memref<50xi32, #tpu.memory_space<vmem>>
    %dma_wait3A_592 = arith.constant 0 : i32
    %dma_wait3A_593 = arith.constant 0 : i32
    %dma_wait3A_594 = tpu.memref_slice %arg3[%dma_wait3A_592, %dma_wait3A_593] : memref<10000x128xf32, #tpu.memory_space<hbm>> -> memref<10000x128xf32, #tpu.memory_space<hbm>>
    tpu.wait_indirect_dma semaphore(%arg13 : memref<!tpu.dma_semaphore, #tpu.memory_space<semaphore_mem>>) src(%dma_wait3A_594 : memref<10000x128xf32, #tpu.memory_space<hbm>>) dst(%arg8 : memref<50x128xf32, #tpu.memory_space<vmem>>)
    %dma_start3A_595 = arith.constant 0 : i32
    %dma_start3A_596 = arith.constant 1 : i32
    %dma_start3A_597 = arith.constant 0 : i32
    %dma_start3A_598 = arith.constant 0 : i32
    %dma_start3A_599 = tpu.memref_slice %arg6[%dma_start3A_595, %dma_start3A_597, %dma_start3A_598] : memref<2x40x50xi32, #tpu.memory_space<vmem>> -> memref<1x40x50xi32, #tpu.memory_space<vmem>>
    %dma_start3A_600 = tpu.memref_squeeze %dma_start3A_599 : memref<1x40x50xi32, #tpu.memory_space<vmem>> -> memref<40x50xi32, #tpu.memory_space<vmem>>
    %dma_start3A_601 = arith.constant 0 : i32
    %dma_start3A_602 = tpu.memref_slice %dma_start3A_600[%dma_start3A_596, %dma_start3A_601] : memref<40x50xi32, #tpu.memory_space<vmem>> -> memref<1x50xi32, #tpu.memory_space<vmem>>
    %dma_start3A_603 = tpu.memref_squeeze %dma_start3A_602 : memref<1x50xi32, #tpu.memory_space<vmem>> -> memref<50xi32, #tpu.memory_space<vmem>>
    %dma_start3A_604 = arith.constant 0 : i32
    %dma_start3A_605 = arith.constant 0 : i32
    %dma_start3A_606 = tpu.memref_slice %arg11[%dma_start3A_604, %dma_start3A_605] : memref<10240x128xf32, #tpu.memory_space<vmem_shared>> -> memref<10240x128xf32, #tpu.memory_space<vmem_shared>>
    tpu.enqueue_indirect_dma source(%arg8 : memref<50x128xf32, #tpu.memory_space<vmem>>) target(%dma_start3A_606 : memref<10240x128xf32, #tpu.memory_space<vmem_shared>>) offsets(%dma_start3A_603 : memref<50xi32, #tpu.memory_space<vmem>>) semaphore(%arg13 : memref<!tpu.dma_semaphore, #tpu.memory_space<semaphore_mem>>) {add = true}
    %dma_wait3A_607 = arith.constant 0 : i32
    %dma_wait3A_608 = arith.constant 1 : i32
    %dma_wait3A_609 = arith.constant 0 : i32
    %dma_wait3A_610 = arith.constant 0 : i32
    %dma_wait3A_611 = tpu.memref_slice %arg6[%dma_wait3A_607, %dma_wait3A_609, %dma_wait3A_610] : memref<2x40x50xi32, #tpu.memory_space<vmem>> -> memref<1x40x50xi32, #tpu.memory_space<vmem>>
    %dma_wait3A_612 = tpu.memref_squeeze %dma_wait3A_611 : memref<1x40x50xi32, #tpu.memory_space<vmem>> -> memref<40x50xi32, #tpu.memory_space<vmem>>
    %dma_wait3A_613 = arith.constant 0 : i32
    %dma_wait3A_614 = tpu.memref_slice %dma_wait3A_612[%dma_wait3A_608, %dma_wait3A_613] : memref<40x50xi32, #tpu.memory_space<vmem>> -> memref<1x50xi32, #tpu.memory_space<vmem>>
    %dma_wait3A_615 = tpu.memref_squeeze %dma_wait3A_614 : memref<1x50xi32, #tpu.memory_space<vmem>> -> memref<50xi32, #tpu.memory_space<vmem>>
    %dma_wait3A_616 = arith.constant 0 : i32
    %dma_wait3A_617 = arith.constant 0 : i32
    %dma_wait3A_618 = tpu.memref_slice %arg11[%dma_wait3A_616, %dma_wait3A_617] : memref<10240x128xf32, #tpu.memory_space<vmem_shared>> -> memref<10240x128xf32, #tpu.memory_space<vmem_shared>>
    tpu.wait_indirect_dma semaphore(%arg13 : memref<!tpu.dma_semaphore, #tpu.memory_space<semaphore_mem>>) src(%arg8 : memref<50x128xf32, #tpu.memory_space<vmem>>) dst(%dma_wait3A_618 : memref<10240x128xf32, #tpu.memory_space<vmem_shared>>)
    %dma_start3A_619 = arith.constant 0 : i32
    %dma_start3A_620 = arith.constant 5 : i32
    %dma_start3A_621 = arith.constant 0 : i32
    %dma_start3A_622 = arith.constant 0 : i32
    %dma_start3A_623 = tpu.memref_slice %arg5[%dma_start3A_619, %dma_start3A_621, %dma_start3A_622] : memref<2x40x50xi32, #tpu.memory_space<vmem>> -> memref<1x40x50xi32, #tpu.memory_space<vmem>>
    %dma_start3A_624 = tpu.memref_squeeze %dma_start3A_623 : memref<1x40x50xi32, #tpu.memory_space<vmem>> -> memref<40x50xi32, #tpu.memory_space<vmem>>
    %dma_start3A_625 = arith.constant 0 : i32
    %dma_start3A_626 = tpu.memref_slice %dma_start3A_624[%dma_start3A_620, %dma_start3A_625] : memref<40x50xi32, #tpu.memory_space<vmem>> -> memref<1x50xi32, #tpu.memory_space<vmem>>
    %dma_start3A_627 = tpu.memref_squeeze %dma_start3A_626 : memref<1x50xi32, #tpu.memory_space<vmem>> -> memref<50xi32, #tpu.memory_space<vmem>>
    %dma_start3A_628 = arith.constant 0 : i32
    %dma_start3A_629 = arith.constant 0 : i32
    %dma_start3A_630 = tpu.memref_slice %arg3[%dma_start3A_628, %dma_start3A_629] : memref<10000x128xf32, #tpu.memory_space<hbm>> -> memref<10000x128xf32, #tpu.memory_space<hbm>>
    tpu.enqueue_indirect_dma source(%dma_start3A_630 : memref<10000x128xf32, #tpu.memory_space<hbm>>) target(%arg8 : memref<50x128xf32, #tpu.memory_space<vmem>>) offsets(%dma_start3A_627 : memref<50xi32, #tpu.memory_space<vmem>>) semaphore(%arg13 : memref<!tpu.dma_semaphore, #tpu.memory_space<semaphore_mem>>)
    %dma_wait3A_631 = arith.constant 0 : i32
    %dma_wait3A_632 = arith.constant 2 : i32
    %dma_wait3A_633 = arith.constant 0 : i32
    %dma_wait3A_634 = arith.constant 0 : i32
    %dma_wait3A_635 = tpu.memref_slice %arg5[%dma_wait3A_631, %dma_wait3A_633, %dma_wait3A_634] : memref<2x40x50xi32, #tpu.memory_space<vmem>> -> memref<1x40x50xi32, #tpu.memory_space<vmem>>
    %dma_wait3A_636 = tpu.memref_squeeze %dma_wait3A_635 : memref<1x40x50xi32, #tpu.memory_space<vmem>> -> memref<40x50xi32, #tpu.memory_space<vmem>>
    %dma_wait3A_637 = arith.constant 0 : i32
    %dma_wait3A_638 = tpu.memref_slice %dma_wait3A_636[%dma_wait3A_632, %dma_wait3A_637] : memref<40x50xi32, #tpu.memory_space<vmem>> -> memref<1x50xi32, #tpu.memory_space<vmem>>
    %dma_wait3A_639 = tpu.memref_squeeze %dma_wait3A_638 : memref<1x50xi32, #tpu.memory_space<vmem>> -> memref<50xi32, #tpu.memory_space<vmem>>
    %dma_wait3A_640 = arith.constant 0 : i32
    %dma_wait3A_641 = arith.constant 0 : i32
    %dma_wait3A_642 = tpu.memref_slice %arg3[%dma_wait3A_640, %dma_wait3A_641] : memref<10000x128xf32, #tpu.memory_space<hbm>> -> memref<10000x128xf32, #tpu.memory_space<hbm>>
    tpu.wait_indirect_dma semaphore(%arg14 : memref<!tpu.dma_semaphore, #tpu.memory_space<semaphore_mem>>) src(%dma_wait3A_642 : memref<10000x128xf32, #tpu.memory_space<hbm>>) dst(%arg9 : memref<50x128xf32, #tpu.memory_space<vmem>>)
    %dma_start3A_643 = arith.constant 0 : i32
    %dma_start3A_644 = arith.constant 2 : i32
    %dma_start3A_645 = arith.constant 0 : i32
    %dma_start3A_646 = arith.constant 0 : i32
    %dma_start3A_647 = tpu.memref_slice %arg6[%dma_start3A_643, %dma_start3A_645, %dma_start3A_646] : memref<2x40x50xi32, #tpu.memory_space<vmem>> -> memref<1x40x50xi32, #tpu.memory_space<vmem>>
    %dma_start3A_648 = tpu.memref_squeeze %dma_start3A_647 : memref<1x40x50xi32, #tpu.memory_space<vmem>> -> memref<40x50xi32, #tpu.memory_space<vmem>>
    %dma_start3A_649 = arith.constant 0 : i32
    %dma_start3A_650 = tpu.memref_slice %dma_start3A_648[%dma_start3A_644, %dma_start3A_649] : memref<40x50xi32, #tpu.memory_space<vmem>> -> memref<1x50xi32, #tpu.memory_space<vmem>>
    %dma_start3A_651 = tpu.memref_squeeze %dma_start3A_650 : memref<1x50xi32, #tpu.memory_space<vmem>> -> memref<50xi32, #tpu.memory_space<vmem>>
    %dma_start3A_652 = arith.constant 0 : i32
    %dma_start3A_653 = arith.constant 0 : i32
    %dma_start3A_654 = tpu.memref_slice %arg11[%dma_start3A_652, %dma_start3A_653] : memref<10240x128xf32, #tpu.memory_space<vmem_shared>> -> memref<10240x128xf32, #tpu.memory_space<vmem_shared>>
    tpu.enqueue_indirect_dma source(%arg9 : memref<50x128xf32, #tpu.memory_space<vmem>>) target(%dma_start3A_654 : memref<10240x128xf32, #tpu.memory_space<vmem_shared>>) offsets(%dma_start3A_651 : memref<50xi32, #tpu.memory_space<vmem>>) semaphore(%arg14 : memref<!tpu.dma_semaphore, #tpu.memory_space<semaphore_mem>>) {add = true}
    %dma_wait3A_655 = arith.constant 0 : i32
    %dma_wait3A_656 = arith.constant 2 : i32
    %dma_wait3A_657 = arith.constant 0 : i32
    %dma_wait3A_658 = arith.constant 0 : i32
    %dma_wait3A_659 = tpu.memref_slice %arg6[%dma_wait3A_655, %dma_wait3A_657, %dma_wait3A_658] : memref<2x40x50xi32, #tpu.memory_space<vmem>> -> memref<1x40x50xi32, #tpu.memory_space<vmem>>
    %dma_wait3A_660 = tpu.memref_squeeze %dma_wait3A_659 : memref<1x40x50xi32, #tpu.memory_space<vmem>> -> memref<40x50xi32, #tpu.memory_space<vmem>>
    %dma_wait3A_661 = arith.constant 0 : i32
    %dma_wait3A_662 = tpu.memref_slice %dma_wait3A_660[%dma_wait3A_656, %dma_wait3A_661] : memref<40x50xi32, #tpu.memory_space<vmem>> -> memref<1x50xi32, #tpu.memory_space<vmem>>
    %dma_wait3A_663 = tpu.memref_squeeze %dma_wait3A_662 : memref<1x50xi32, #tpu.memory_space<vmem>> -> memref<50xi32, #tpu.memory_space<vmem>>
    %dma_wait3A_664 = arith.constant 0 : i32
    %dma_wait3A_665 = arith.constant 0 : i32
    %dma_wait3A_666 = tpu.memref_slice %arg11[%dma_wait3A_664, %dma_wait3A_665] : memref<10240x128xf32, #tpu.memory_space<vmem_shared>> -> memref<10240x128xf32, #tpu.memory_space<vmem_shared>>
    tpu.wait_indirect_dma semaphore(%arg14 : memref<!tpu.dma_semaphore, #tpu.memory_space<semaphore_mem>>) src(%arg9 : memref<50x128xf32, #tpu.memory_space<vmem>>) dst(%dma_wait3A_666 : memref<10240x128xf32, #tpu.memory_space<vmem_shared>>)
    %dma_start3A_667 = arith.constant 0 : i32
    %dma_start3A_668 = arith.constant 6 : i32
    %dma_start3A_669 = arith.constant 0 : i32
    %dma_start3A_670 = arith.constant 0 : i32
    %dma_start3A_671 = tpu.memref_slice %arg5[%dma_start3A_667, %dma_start3A_669, %dma_start3A_670] : memref<2x40x50xi32, #tpu.memory_space<vmem>> -> memref<1x40x50xi32, #tpu.memory_space<vmem>>
    %dma_start3A_672 = tpu.memref_squeeze %dma_start3A_671 : memref<1x40x50xi32, #tpu.memory_space<vmem>> -> memref<40x50xi32, #tpu.memory_space<vmem>>
    %dma_start3A_673 = arith.constant 0 : i32
    %dma_start3A_674 = tpu.memref_slice %dma_start3A_672[%dma_start3A_668, %dma_start3A_673] : memref<40x50xi32, #tpu.memory_space<vmem>> -> memref<1x50xi32, #tpu.memory_space<vmem>>
    %dma_start3A_675 = tpu.memref_squeeze %dma_start3A_674 : memref<1x50xi32, #tpu.memory_space<vmem>> -> memref<50xi32, #tpu.memory_space<vmem>>
    %dma_start3A_676 = arith.constant 0 : i32
    %dma_start3A_677 = arith.constant 0 : i32
    %dma_start3A_678 = tpu.memref_slice %arg3[%dma_start3A_676, %dma_start3A_677] : memref<10000x128xf32, #tpu.memory_space<hbm>> -> memref<10000x128xf32, #tpu.memory_space<hbm>>
    tpu.enqueue_indirect_dma source(%dma_start3A_678 : memref<10000x128xf32, #tpu.memory_space<hbm>>) target(%arg9 : memref<50x128xf32, #tpu.memory_space<vmem>>) offsets(%dma_start3A_675 : memref<50xi32, #tpu.memory_space<vmem>>) semaphore(%arg14 : memref<!tpu.dma_semaphore, #tpu.memory_space<semaphore_mem>>)
    %dma_wait3A_679 = arith.constant 0 : i32
    %dma_wait3A_680 = arith.constant 3 : i32
    %dma_wait3A_681 = arith.constant 0 : i32
    %dma_wait3A_682 = arith.constant 0 : i32
    %dma_wait3A_683 = tpu.memref_slice %arg5[%dma_wait3A_679, %dma_wait3A_681, %dma_wait3A_682] : memref<2x40x50xi32, #tpu.memory_space<vmem>> -> memref<1x40x50xi32, #tpu.memory_space<vmem>>
    %dma_wait3A_684 = tpu.memref_squeeze %dma_wait3A_683 : memref<1x40x50xi32, #tpu.memory_space<vmem>> -> memref<40x50xi32, #tpu.memory_space<vmem>>
    %dma_wait3A_685 = arith.constant 0 : i32
    %dma_wait3A_686 = tpu.memref_slice %dma_wait3A_684[%dma_wait3A_680, %dma_wait3A_685] : memref<40x50xi32, #tpu.memory_space<vmem>> -> memref<1x50xi32, #tpu.memory_space<vmem>>
    %dma_wait3A_687 = tpu.memref_squeeze %dma_wait3A_686 : memref<1x50xi32, #tpu.memory_space<vmem>> -> memref<50xi32, #tpu.memory_space<vmem>>
    %dma_wait3A_688 = arith.constant 0 : i32
    %dma_wait3A_689 = arith.constant 0 : i32
    %dma_wait3A_690 = tpu.memref_slice %arg3[%dma_wait3A_688, %dma_wait3A_689] : memref<10000x128xf32, #tpu.memory_space<hbm>> -> memref<10000x128xf32, #tpu.memory_space<hbm>>
    tpu.wait_indirect_dma semaphore(%arg15 : memref<!tpu.dma_semaphore, #tpu.memory_space<semaphore_mem>>) src(%dma_wait3A_690 : memref<10000x128xf32, #tpu.memory_space<hbm>>) dst(%arg10 : memref<50x128xf32, #tpu.memory_space<vmem>>)
    %dma_start3A_691 = arith.constant 0 : i32
    %dma_start3A_692 = arith.constant 3 : i32
    %dma_start3A_693 = arith.constant 0 : i32
    %dma_start3A_694 = arith.constant 0 : i32
    %dma_start3A_695 = tpu.memref_slice %arg6[%dma_start3A_691, %dma_start3A_693, %dma_start3A_694] : memref<2x40x50xi32, #tpu.memory_space<vmem>> -> memref<1x40x50xi32, #tpu.memory_space<vmem>>
    %dma_start3A_696 = tpu.memref_squeeze %dma_start3A_695 : memref<1x40x50xi32, #tpu.memory_space<vmem>> -> memref<40x50xi32, #tpu.memory_space<vmem>>
    %dma_start3A_697 = arith.constant 0 : i32
    %dma_start3A_698 = tpu.memref_slice %dma_start3A_696[%dma_start3A_692, %dma_start3A_697] : memref<40x50xi32, #tpu.memory_space<vmem>> -> memref<1x50xi32, #tpu.memory_space<vmem>>
    %dma_start3A_699 = tpu.memref_squeeze %dma_start3A_698 : memref<1x50xi32, #tpu.memory_space<vmem>> -> memref<50xi32, #tpu.memory_space<vmem>>
    %dma_start3A_700 = arith.constant 0 : i32
    %dma_start3A_701 = arith.constant 0 : i32
    %dma_start3A_702 = tpu.memref_slice %arg11[%dma_start3A_700, %dma_start3A_701] : memref<10240x128xf32, #tpu.memory_space<vmem_shared>> -> memref<10240x128xf32, #tpu.memory_space<vmem_shared>>
    tpu.enqueue_indirect_dma source(%arg10 : memref<50x128xf32, #tpu.memory_space<vmem>>) target(%dma_start3A_702 : memref<10240x128xf32, #tpu.memory_space<vmem_shared>>) offsets(%dma_start3A_699 : memref<50xi32, #tpu.memory_space<vmem>>) semaphore(%arg15 : memref<!tpu.dma_semaphore, #tpu.memory_space<semaphore_mem>>) {add = true}
    %scan3A_703 = arith.constant 0 : i32
    %scan3A_704 = arith.constant 0 : i32
    %scan3A_705 = arith.constant 0 : i32
    %scan3A_706 = arith.constant 8 : i32
    %scan3A_707 = arith.addi %scan3A_705, %scan3A_706 : i32
    %scan3A_708 = arith.constant 1 : i32
    scf.for %scan3A_2229 = %scan3A_705 to %scan3A_707 step %scan3A_708  : i32 {
      %mul3A_2230 = arith.constant 4 : i32
      %mul3A_2231 = arith.muli %scan3A_2229, %mul3A_2230 : i32
      %add3A_2232 = arith.constant 4 : i32
      %add3A_2233 = arith.addi %add3A_2232, %mul3A_2231 : i32
      %add3A_2234 = arith.constant 0 : i32
      %add3A_2235 = arith.addi %add3A_2233, %add3A_2234 : i32
      %sub3A = arith.constant 1 : i32
      %sub3A_2236 = arith.subi %add3A_2235, %sub3A : i32
      %max3A = arith.constant 0 : i32
      %max3A_2237 = arith.maxsi %sub3A_2236, %max3A : i32
      %dma_wait3A_2238 = arith.constant 0 : i32
      %dma_wait3A_2239 = arith.constant 0 : i32
      %dma_wait3A_2240 = tpu.memref_slice %arg6[%scan3A_703, %dma_wait3A_2238, %dma_wait3A_2239] : memref<2x40x50xi32, #tpu.memory_space<vmem>> -> memref<1x40x50xi32, #tpu.memory_space<vmem>>
      %dma_wait3A_2241 = tpu.memref_squeeze %dma_wait3A_2240 : memref<1x40x50xi32, #tpu.memory_space<vmem>> -> memref<40x50xi32, #tpu.memory_space<vmem>>
      %dma_wait3A_2242 = arith.constant 0 : i32
      %dma_wait3A_2243 = tpu.memref_slice %dma_wait3A_2241[%max3A_2237, %dma_wait3A_2242] : memref<40x50xi32, #tpu.memory_space<vmem>> -> memref<1x50xi32, #tpu.memory_space<vmem>>
      %dma_wait3A_2244 = tpu.memref_squeeze %dma_wait3A_2243 : memref<1x50xi32, #tpu.memory_space<vmem>> -> memref<50xi32, #tpu.memory_space<vmem>>
      %dma_wait3A_2245 = arith.constant 0 : i32
      %dma_wait3A_2246 = arith.constant 0 : i32
      %dma_wait3A_2247 = tpu.memref_slice %arg11[%dma_wait3A_2245, %dma_wait3A_2246] : memref<10240x128xf32, #tpu.memory_space<vmem_shared>> -> memref<10240x128xf32, #tpu.memory_space<vmem_shared>>
      tpu.wait_indirect_dma semaphore(%arg15 : memref<!tpu.dma_semaphore, #tpu.memory_space<semaphore_mem>>) src(%arg10 : memref<50x128xf32, #tpu.memory_space<vmem>>) dst(%dma_wait3A_2247 : memref<10240x128xf32, #tpu.memory_space<vmem_shared>>)
      %add3A_2248 = arith.constant 3 : i32
      %add3A_2249 = arith.addi %add3A_2235, %add3A_2248 : i32
      %dma_start3A_2250 = arith.constant 0 : i32
      %dma_start3A_2251 = arith.constant 0 : i32
      %dma_start3A_2252 = tpu.memref_slice %arg5[%scan3A_704, %dma_start3A_2250, %dma_start3A_2251] : memref<2x40x50xi32, #tpu.memory_space<vmem>> -> memref<1x40x50xi32, #tpu.memory_space<vmem>>
      %dma_start3A_2253 = tpu.memref_squeeze %dma_start3A_2252 : memref<1x40x50xi32, #tpu.memory_space<vmem>> -> memref<40x50xi32, #tpu.memory_space<vmem>>
      %dma_start3A_2254 = arith.constant 0 : i32
      %dma_start3A_2255 = tpu.memref_slice %dma_start3A_2253[%add3A_2249, %dma_start3A_2254] : memref<40x50xi32, #tpu.memory_space<vmem>> -> memref<1x50xi32, #tpu.memory_space<vmem>>
      %dma_start3A_2256 = tpu.memref_squeeze %dma_start3A_2255 : memref<1x50xi32, #tpu.memory_space<vmem>> -> memref<50xi32, #tpu.memory_space<vmem>>
      %dma_start3A_2257 = arith.constant 0 : i32
      %dma_start3A_2258 = arith.constant 0 : i32
      %dma_start3A_2259 = tpu.memref_slice %arg3[%dma_start3A_2257, %dma_start3A_2258] : memref<10000x128xf32, #tpu.memory_space<hbm>> -> memref<10000x128xf32, #tpu.memory_space<hbm>>
      tpu.enqueue_indirect_dma source(%dma_start3A_2259 : memref<10000x128xf32, #tpu.memory_space<hbm>>) target(%arg10 : memref<50x128xf32, #tpu.memory_space<vmem>>) offsets(%dma_start3A_2256 : memref<50xi32, #tpu.memory_space<vmem>>) semaphore(%arg15 : memref<!tpu.dma_semaphore, #tpu.memory_space<semaphore_mem>>)
      %dma_wait3A_2260 = arith.constant 0 : i32
      %dma_wait3A_2261 = arith.constant 0 : i32
      %dma_wait3A_2262 = tpu.memref_slice %arg5[%scan3A_704, %dma_wait3A_2260, %dma_wait3A_2261] : memref<2x40x50xi32, #tpu.memory_space<vmem>> -> memref<1x40x50xi32, #tpu.memory_space<vmem>>
      %dma_wait3A_2263 = tpu.memref_squeeze %dma_wait3A_2262 : memref<1x40x50xi32, #tpu.memory_space<vmem>> -> memref<40x50xi32, #tpu.memory_space<vmem>>
      %dma_wait3A_2264 = arith.constant 0 : i32
      %dma_wait3A_2265 = tpu.memref_slice %dma_wait3A_2263[%add3A_2235, %dma_wait3A_2264] : memref<40x50xi32, #tpu.memory_space<vmem>> -> memref<1x50xi32, #tpu.memory_space<vmem>>
      %dma_wait3A_2266 = tpu.memref_squeeze %dma_wait3A_2265 : memref<1x50xi32, #tpu.memory_space<vmem>> -> memref<50xi32, #tpu.memory_space<vmem>>
      %dma_wait3A_2267 = arith.constant 0 : i32
      %dma_wait3A_2268 = arith.constant 0 : i32
      %dma_wait3A_2269 = tpu.memref_slice %arg3[%dma_wait3A_2267, %dma_wait3A_2268] : memref<10000x128xf32, #tpu.memory_space<hbm>> -> memref<10000x128xf32, #tpu.memory_space<hbm>>
      tpu.wait_indirect_dma semaphore(%arg12 : memref<!tpu.dma_semaphore, #tpu.memory_space<semaphore_mem>>) src(%dma_wait3A_2269 : memref<10000x128xf32, #tpu.memory_space<hbm>>) dst(%arg7 : memref<50x128xf32, #tpu.memory_space<vmem>>)
      %dma_start3A_2270 = arith.constant 0 : i32
      %dma_start3A_2271 = arith.constant 0 : i32
      %dma_start3A_2272 = tpu.memref_slice %arg6[%scan3A_703, %dma_start3A_2270, %dma_start3A_2271] : memref<2x40x50xi32, #tpu.memory_space<vmem>> -> memref<1x40x50xi32, #tpu.memory_space<vmem>>
      %dma_start3A_2273 = tpu.memref_squeeze %dma_start3A_2272 : memref<1x40x50xi32, #tpu.memory_space<vmem>> -> memref<40x50xi32, #tpu.memory_space<vmem>>
      %dma_start3A_2274 = arith.constant 0 : i32
      %dma_start3A_2275 = tpu.memref_slice %dma_start3A_2273[%add3A_2235, %dma_start3A_2274] : memref<40x50xi32, #tpu.memory_space<vmem>> -> memref<1x50xi32, #tpu.memory_space<vmem>>
      %dma_start3A_2276 = tpu.memref_squeeze %dma_start3A_2275 : memref<1x50xi32, #tpu.memory_space<vmem>> -> memref<50xi32, #tpu.memory_space<vmem>>
      %dma_start3A_2277 = arith.constant 0 : i32
      %dma_start3A_2278 = arith.constant 0 : i32
      %dma_start3A_2279 = tpu.memref_slice %arg11[%dma_start3A_2277, %dma_start3A_2278] : memref<10240x128xf32, #tpu.memory_space<vmem_shared>> -> memref<10240x128xf32, #tpu.memory_space<vmem_shared>>
      tpu.enqueue_indirect_dma source(%arg7 : memref<50x128xf32, #tpu.memory_space<vmem>>) target(%dma_start3A_2279 : memref<10240x128xf32, #tpu.memory_space<vmem_shared>>) offsets(%dma_start3A_2276 : memref<50xi32, #tpu.memory_space<vmem>>) semaphore(%arg12 : memref<!tpu.dma_semaphore, #tpu.memory_space<semaphore_mem>>) {add = true}
      %add3A_2280 = arith.constant 1 : i32
      %add3A_2281 = arith.addi %add3A_2233, %add3A_2280 : i32
      %sub3A_2282 = arith.constant 1 : i32
      %sub3A_2283 = arith.subi %add3A_2281, %sub3A_2282 : i32
      %max3A_2284 = arith.constant 0 : i32
      %max3A_2285 = arith.maxsi %sub3A_2283, %max3A_2284 : i32
      %dma_wait3A_2286 = arith.constant 0 : i32
      %dma_wait3A_2287 = arith.constant 0 : i32
      %dma_wait3A_2288 = tpu.memref_slice %arg6[%scan3A_703, %dma_wait3A_2286, %dma_wait3A_2287] : memref<2x40x50xi32, #tpu.memory_space<vmem>> -> memref<1x40x50xi32, #tpu.memory_space<vmem>>
      %dma_wait3A_2289 = tpu.memref_squeeze %dma_wait3A_2288 : memref<1x40x50xi32, #tpu.memory_space<vmem>> -> memref<40x50xi32, #tpu.memory_space<vmem>>
      %dma_wait3A_2290 = arith.constant 0 : i32
      %dma_wait3A_2291 = tpu.memref_slice %dma_wait3A_2289[%max3A_2285, %dma_wait3A_2290] : memref<40x50xi32, #tpu.memory_space<vmem>> -> memref<1x50xi32, #tpu.memory_space<vmem>>
      %dma_wait3A_2292 = tpu.memref_squeeze %dma_wait3A_2291 : memref<1x50xi32, #tpu.memory_space<vmem>> -> memref<50xi32, #tpu.memory_space<vmem>>
      %dma_wait3A_2293 = arith.constant 0 : i32
      %dma_wait3A_2294 = arith.constant 0 : i32
      %dma_wait3A_2295 = tpu.memref_slice %arg11[%dma_wait3A_2293, %dma_wait3A_2294] : memref<10240x128xf32, #tpu.memory_space<vmem_shared>> -> memref<10240x128xf32, #tpu.memory_space<vmem_shared>>
      tpu.wait_indirect_dma semaphore(%arg12 : memref<!tpu.dma_semaphore, #tpu.memory_space<semaphore_mem>>) src(%arg7 : memref<50x128xf32, #tpu.memory_space<vmem>>) dst(%dma_wait3A_2295 : memref<10240x128xf32, #tpu.memory_space<vmem_shared>>)
      %add3A_2296 = arith.constant 3 : i32
      %add3A_2297 = arith.addi %add3A_2281, %add3A_2296 : i32
      %dma_start3A_2298 = arith.constant 0 : i32
      %dma_start3A_2299 = arith.constant 0 : i32
      %dma_start3A_2300 = tpu.memref_slice %arg5[%scan3A_704, %dma_start3A_2298, %dma_start3A_2299] : memref<2x40x50xi32, #tpu.memory_space<vmem>> -> memref<1x40x50xi32, #tpu.memory_space<vmem>>
      %dma_start3A_2301 = tpu.memref_squeeze %dma_start3A_2300 : memref<1x40x50xi32, #tpu.memory_space<vmem>> -> memref<40x50xi32, #tpu.memory_space<vmem>>
      %dma_start3A_2302 = arith.constant 0 : i32
      %dma_start3A_2303 = tpu.memref_slice %dma_start3A_2301[%add3A_2297, %dma_start3A_2302] : memref<40x50xi32, #tpu.memory_space<vmem>> -> memref<1x50xi32, #tpu.memory_space<vmem>>
      %dma_start3A_2304 = tpu.memref_squeeze %dma_start3A_2303 : memref<1x50xi32, #tpu.memory_space<vmem>> -> memref<50xi32, #tpu.memory_space<vmem>>
      %dma_start3A_2305 = arith.constant 0 : i32
      %dma_start3A_2306 = arith.constant 0 : i32
      %dma_start3A_2307 = tpu.memref_slice %arg3[%dma_start3A_2305, %dma_start3A_2306] : memref<10000x128xf32, #tpu.memory_space<hbm>> -> memref<10000x128xf32, #tpu.memory_space<hbm>>
      tpu.enqueue_indirect_dma source(%dma_start3A_2307 : memref<10000x128xf32, #tpu.memory_space<hbm>>) target(%arg7 : memref<50x128xf32, #tpu.memory_space<vmem>>) offsets(%dma_start3A_2304 : memref<50xi32, #tpu.memory_space<vmem>>) semaphore(%arg12 : memref<!tpu.dma_semaphore, #tpu.memory_space<semaphore_mem>>)
      %dma_wait3A_2308 = arith.constant 0 : i32
      %dma_wait3A_2309 = arith.constant 0 : i32
      %dma_wait3A_2310 = tpu.memref_slice %arg5[%scan3A_704, %dma_wait3A_2308, %dma_wait3A_2309] : memref<2x40x50xi32, #tpu.memory_space<vmem>> -> memref<1x40x50xi32, #tpu.memory_space<vmem>>
      %dma_wait3A_2311 = tpu.memref_squeeze %dma_wait3A_2310 : memref<1x40x50xi32, #tpu.memory_space<vmem>> -> memref<40x50xi32, #tpu.memory_space<vmem>>
      %dma_wait3A_2312 = arith.constant 0 : i32
      %dma_wait3A_2313 = tpu.memref_slice %dma_wait3A_2311[%add3A_2281, %dma_wait3A_2312] : memref<40x50xi32, #tpu.memory_space<vmem>> -> memref<1x50xi32, #tpu.memory_space<vmem>>
      %dma_wait3A_2314 = tpu.memref_squeeze %dma_wait3A_2313 : memref<1x50xi32, #tpu.memory_space<vmem>> -> memref<50xi32, #tpu.memory_space<vmem>>
      %dma_wait3A_2315 = arith.constant 0 : i32
      %dma_wait3A_2316 = arith.constant 0 : i32
      %dma_wait3A_2317 = tpu.memref_slice %arg3[%dma_wait3A_2315, %dma_wait3A_2316] : memref<10000x128xf32, #tpu.memory_space<hbm>> -> memref<10000x128xf32, #tpu.memory_space<hbm>>
      tpu.wait_indirect_dma semaphore(%arg13 : memref<!tpu.dma_semaphore, #tpu.memory_space<semaphore_mem>>) src(%dma_wait3A_2317 : memref<10000x128xf32, #tpu.memory_space<hbm>>) dst(%arg8 : memref<50x128xf32, #tpu.memory_space<vmem>>)
      %dma_start3A_2318 = arith.constant 0 : i32
      %dma_start3A_2319 = arith.constant 0 : i32
      %dma_start3A_2320 = tpu.memref_slice %arg6[%scan3A_703, %dma_start3A_2318, %dma_start3A_2319] : memref<2x40x50xi32, #tpu.memory_space<vmem>> -> memref<1x40x50xi32, #tpu.memory_space<vmem>>
      %dma_start3A_2321 = tpu.memref_squeeze %dma_start3A_2320 : memref<1x40x50xi32, #tpu.memory_space<vmem>> -> memref<40x50xi32, #tpu.memory_space<vmem>>
      %dma_start3A_2322 = arith.constant 0 : i32
      %dma_start3A_2323 = tpu.memref_slice %dma_start3A_2321[%add3A_2281, %dma_start3A_2322] : memref<40x50xi32, #tpu.memory_space<vmem>> -> memref<1x50xi32, #tpu.memory_space<vmem>>
      %dma_start3A_2324 = tpu.memref_squeeze %dma_start3A_2323 : memref<1x50xi32, #tpu.memory_space<vmem>> -> memref<50xi32, #tpu.memory_space<vmem>>
      %dma_start3A_2325 = arith.constant 0 : i32
      %dma_start3A_2326 = arith.constant 0 : i32
      %dma_start3A_2327 = tpu.memref_slice %arg11[%dma_start3A_2325, %dma_start3A_2326] : memref<10240x128xf32, #tpu.memory_space<vmem_shared>> -> memref<10240x128xf32, #tpu.memory_space<vmem_shared>>
      tpu.enqueue_indirect_dma source(%arg8 : memref<50x128xf32, #tpu.memory_space<vmem>>) target(%dma_start3A_2327 : memref<10240x128xf32, #tpu.memory_space<vmem_shared>>) offsets(%dma_start3A_2324 : memref<50xi32, #tpu.memory_space<vmem>>) semaphore(%arg13 : memref<!tpu.dma_semaphore, #tpu.memory_space<semaphore_mem>>) {add = true}
      %add3A_2328 = arith.constant 2 : i32
      %add3A_2329 = arith.addi %add3A_2233, %add3A_2328 : i32
      %sub3A_2330 = arith.constant 1 : i32
      %sub3A_2331 = arith.subi %add3A_2329, %sub3A_2330 : i32
      %max3A_2332 = arith.constant 0 : i32
      %max3A_2333 = arith.maxsi %sub3A_2331, %max3A_2332 : i32
      %dma_wait3A_2334 = arith.constant 0 : i32
      %dma_wait3A_2335 = arith.constant 0 : i32
      %dma_wait3A_2336 = tpu.memref_slice %arg6[%scan3A_703, %dma_wait3A_2334, %dma_wait3A_2335] : memref<2x40x50xi32, #tpu.memory_space<vmem>> -> memref<1x40x50xi32, #tpu.memory_space<vmem>>
      %dma_wait3A_2337 = tpu.memref_squeeze %dma_wait3A_2336 : memref<1x40x50xi32, #tpu.memory_space<vmem>> -> memref<40x50xi32, #tpu.memory_space<vmem>>
      %dma_wait3A_2338 = arith.constant 0 : i32
      %dma_wait3A_2339 = tpu.memref_slice %dma_wait3A_2337[%max3A_2333, %dma_wait3A_2338] : memref<40x50xi32, #tpu.memory_space<vmem>> -> memref<1x50xi32, #tpu.memory_space<vmem>>
      %dma_wait3A_2340 = tpu.memref_squeeze %dma_wait3A_2339 : memref<1x50xi32, #tpu.memory_space<vmem>> -> memref<50xi32, #tpu.memory_space<vmem>>
      %dma_wait3A_2341 = arith.constant 0 : i32
      %dma_wait3A_2342 = arith.constant 0 : i32
      %dma_wait3A_2343 = tpu.memref_slice %arg11[%dma_wait3A_2341, %dma_wait3A_2342] : memref<10240x128xf32, #tpu.memory_space<vmem_shared>> -> memref<10240x128xf32, #tpu.memory_space<vmem_shared>>
      tpu.wait_indirect_dma semaphore(%arg13 : memref<!tpu.dma_semaphore, #tpu.memory_space<semaphore_mem>>) src(%arg8 : memref<50x128xf32, #tpu.memory_space<vmem>>) dst(%dma_wait3A_2343 : memref<10240x128xf32, #tpu.memory_space<vmem_shared>>)
      %add3A_2344 = arith.constant 3 : i32
      %add3A_2345 = arith.addi %add3A_2329, %add3A_2344 : i32
      %dma_start3A_2346 = arith.constant 0 : i32
      %dma_start3A_2347 = arith.constant 0 : i32
      %dma_start3A_2348 = tpu.memref_slice %arg5[%scan3A_704, %dma_start3A_2346, %dma_start3A_2347] : memref<2x40x50xi32, #tpu.memory_space<vmem>> -> memref<1x40x50xi32, #tpu.memory_space<vmem>>
      %dma_start3A_2349 = tpu.memref_squeeze %dma_start3A_2348 : memref<1x40x50xi32, #tpu.memory_space<vmem>> -> memref<40x50xi32, #tpu.memory_space<vmem>>
      %dma_start3A_2350 = arith.constant 0 : i32
      %dma_start3A_2351 = tpu.memref_slice %dma_start3A_2349[%add3A_2345, %dma_start3A_2350] : memref<40x50xi32, #tpu.memory_space<vmem>> -> memref<1x50xi32, #tpu.memory_space<vmem>>
      %dma_start3A_2352 = tpu.memref_squeeze %dma_start3A_2351 : memref<1x50xi32, #tpu.memory_space<vmem>> -> memref<50xi32, #tpu.memory_space<vmem>>
      %dma_start3A_2353 = arith.constant 0 : i32
      %dma_start3A_2354 = arith.constant 0 : i32
      %dma_start3A_2355 = tpu.memref_slice %arg3[%dma_start3A_2353, %dma_start3A_2354] : memref<10000x128xf32, #tpu.memory_space<hbm>> -> memref<10000x128xf32, #tpu.memory_space<hbm>>
      tpu.enqueue_indirect_dma source(%dma_start3A_2355 : memref<10000x128xf32, #tpu.memory_space<hbm>>) target(%arg8 : memref<50x128xf32, #tpu.memory_space<vmem>>) offsets(%dma_start3A_2352 : memref<50xi32, #tpu.memory_space<vmem>>) semaphore(%arg13 : memref<!tpu.dma_semaphore, #tpu.memory_space<semaphore_mem>>)
      %dma_wait3A_2356 = arith.constant 0 : i32
      %dma_wait3A_2357 = arith.constant 0 : i32
      %dma_wait3A_2358 = tpu.memref_slice %arg5[%scan3A_704, %dma_wait3A_2356, %dma_wait3A_2357] : memref<2x40x50xi32, #tpu.memory_space<vmem>> -> memref<1x40x50xi32, #tpu.memory_space<vmem>>
      %dma_wait3A_2359 = tpu.memref_squeeze %dma_wait3A_2358 : memref<1x40x50xi32, #tpu.memory_space<vmem>> -> memref<40x50xi32, #tpu.memory_space<vmem>>
      %dma_wait3A_2360 = arith.constant 0 : i32
      %dma_wait3A_2361 = tpu.memref_slice %dma_wait3A_2359[%add3A_2329, %dma_wait3A_2360] : memref<40x50xi32, #tpu.memory_space<vmem>> -> memref<1x50xi32, #tpu.memory_space<vmem>>
      %dma_wait3A_2362 = tpu.memref_squeeze %dma_wait3A_2361 : memref<1x50xi32, #tpu.memory_space<vmem>> -> memref<50xi32, #tpu.memory_space<vmem>>
      %dma_wait3A_2363 = arith.constant 0 : i32
      %dma_wait3A_2364 = arith.constant 0 : i32
      %dma_wait3A_2365 = tpu.memref_slice %arg3[%dma_wait3A_2363, %dma_wait3A_2364] : memref<10000x128xf32, #tpu.memory_space<hbm>> -> memref<10000x128xf32, #tpu.memory_space<hbm>>
      tpu.wait_indirect_dma semaphore(%arg14 : memref<!tpu.dma_semaphore, #tpu.memory_space<semaphore_mem>>) src(%dma_wait3A_2365 : memref<10000x128xf32, #tpu.memory_space<hbm>>) dst(%arg9 : memref<50x128xf32, #tpu.memory_space<vmem>>)
      %dma_start3A_2366 = arith.constant 0 : i32
      %dma_start3A_2367 = arith.constant 0 : i32
      %dma_start3A_2368 = tpu.memref_slice %arg6[%scan3A_703, %dma_start3A_2366, %dma_start3A_2367] : memref<2x40x50xi32, #tpu.memory_space<vmem>> -> memref<1x40x50xi32, #tpu.memory_space<vmem>>
      %dma_start3A_2369 = tpu.memref_squeeze %dma_start3A_2368 : memref<1x40x50xi32, #tpu.memory_space<vmem>> -> memref<40x50xi32, #tpu.memory_space<vmem>>
      %dma_start3A_2370 = arith.constant 0 : i32
      %dma_start3A_2371 = tpu.memref_slice %dma_start3A_2369[%add3A_2329, %dma_start3A_2370] : memref<40x50xi32, #tpu.memory_space<vmem>> -> memref<1x50xi32, #tpu.memory_space<vmem>>
      %dma_start3A_2372 = tpu.memref_squeeze %dma_start3A_2371 : memref<1x50xi32, #tpu.memory_space<vmem>> -> memref<50xi32, #tpu.memory_space<vmem>>
      %dma_start3A_2373 = arith.constant 0 : i32
      %dma_start3A_2374 = arith.constant 0 : i32
      %dma_start3A_2375 = tpu.memref_slice %arg11[%dma_start3A_2373, %dma_start3A_2374] : memref<10240x128xf32, #tpu.memory_space<vmem_shared>> -> memref<10240x128xf32, #tpu.memory_space<vmem_shared>>
      tpu.enqueue_indirect_dma source(%arg9 : memref<50x128xf32, #tpu.memory_space<vmem>>) target(%dma_start3A_2375 : memref<10240x128xf32, #tpu.memory_space<vmem_shared>>) offsets(%dma_start3A_2372 : memref<50xi32, #tpu.memory_space<vmem>>) semaphore(%arg14 : memref<!tpu.dma_semaphore, #tpu.memory_space<semaphore_mem>>) {add = true}
      %add3A_2376 = arith.constant 3 : i32
      %add3A_2377 = arith.addi %add3A_2233, %add3A_2376 : i32
      %sub3A_2378 = arith.constant 1 : i32
      %sub3A_2379 = arith.subi %add3A_2377, %sub3A_2378 : i32
      %max3A_2380 = arith.constant 0 : i32
      %max3A_2381 = arith.maxsi %sub3A_2379, %max3A_2380 : i32
      %dma_wait3A_2382 = arith.constant 0 : i32
      %dma_wait3A_2383 = arith.constant 0 : i32
      %dma_wait3A_2384 = tpu.memref_slice %arg6[%scan3A_703, %dma_wait3A_2382, %dma_wait3A_2383] : memref<2x40x50xi32, #tpu.memory_space<vmem>> -> memref<1x40x50xi32, #tpu.memory_space<vmem>>
      %dma_wait3A_2385 = tpu.memref_squeeze %dma_wait3A_2384 : memref<1x40x50xi32, #tpu.memory_space<vmem>> -> memref<40x50xi32, #tpu.memory_space<vmem>>
      %dma_wait3A_2386 = arith.constant 0 : i32
      %dma_wait3A_2387 = tpu.memref_slice %dma_wait3A_2385[%max3A_2381, %dma_wait3A_2386] : memref<40x50xi32, #tpu.memory_space<vmem>> -> memref<1x50xi32, #tpu.memory_space<vmem>>
      %dma_wait3A_2388 = tpu.memref_squeeze %dma_wait3A_2387 : memref<1x50xi32, #tpu.memory_space<vmem>> -> memref<50xi32, #tpu.memory_space<vmem>>
      %dma_wait3A_2389 = arith.constant 0 : i32
      %dma_wait3A_2390 = arith.constant 0 : i32
      %dma_wait3A_2391 = tpu.memref_slice %arg11[%dma_wait3A_2389, %dma_wait3A_2390] : memref<10240x128xf32, #tpu.memory_space<vmem_shared>> -> memref<10240x128xf32, #tpu.memory_space<vmem_shared>>
      tpu.wait_indirect_dma semaphore(%arg14 : memref<!tpu.dma_semaphore, #tpu.memory_space<semaphore_mem>>) src(%arg9 : memref<50x128xf32, #tpu.memory_space<vmem>>) dst(%dma_wait3A_2391 : memref<10240x128xf32, #tpu.memory_space<vmem_shared>>)
      %add3A_2392 = arith.constant 3 : i32
      %add3A_2393 = arith.addi %add3A_2377, %add3A_2392 : i32
      %dma_start3A_2394 = arith.constant 0 : i32
      %dma_start3A_2395 = arith.constant 0 : i32
      %dma_start3A_2396 = tpu.memref_slice %arg5[%scan3A_704, %dma_start3A_2394, %dma_start3A_2395] : memref<2x40x50xi32, #tpu.memory_space<vmem>> -> memref<1x40x50xi32, #tpu.memory_space<vmem>>
      %dma_start3A_2397 = tpu.memref_squeeze %dma_start3A_2396 : memref<1x40x50xi32, #tpu.memory_space<vmem>> -> memref<40x50xi32, #tpu.memory_space<vmem>>
      %dma_start3A_2398 = arith.constant 0 : i32
      %dma_start3A_2399 = tpu.memref_slice %dma_start3A_2397[%add3A_2393, %dma_start3A_2398] : memref<40x50xi32, #tpu.memory_space<vmem>> -> memref<1x50xi32, #tpu.memory_space<vmem>>
      %dma_start3A_2400 = tpu.memref_squeeze %dma_start3A_2399 : memref<1x50xi32, #tpu.memory_space<vmem>> -> memref<50xi32, #tpu.memory_space<vmem>>
      %dma_start3A_2401 = arith.constant 0 : i32
      %dma_start3A_2402 = arith.constant 0 : i32
      %dma_start3A_2403 = tpu.memref_slice %arg3[%dma_start3A_2401, %dma_start3A_2402] : memref<10000x128xf32, #tpu.memory_space<hbm>> -> memref<10000x128xf32, #tpu.memory_space<hbm>>
      tpu.enqueue_indirect_dma source(%dma_start3A_2403 : memref<10000x128xf32, #tpu.memory_space<hbm>>) target(%arg9 : memref<50x128xf32, #tpu.memory_space<vmem>>) offsets(%dma_start3A_2400 : memref<50xi32, #tpu.memory_space<vmem>>) semaphore(%arg14 : memref<!tpu.dma_semaphore, #tpu.memory_space<semaphore_mem>>)
      %dma_wait3A_2404 = arith.constant 0 : i32
      %dma_wait3A_2405 = arith.constant 0 : i32
      %dma_wait3A_2406 = tpu.memref_slice %arg5[%scan3A_704, %dma_wait3A_2404, %dma_wait3A_2405] : memref<2x40x50xi32, #tpu.memory_space<vmem>> -> memref<1x40x50xi32, #tpu.memory_space<vmem>>
      %dma_wait3A_2407 = tpu.memref_squeeze %dma_wait3A_2406 : memref<1x40x50xi32, #tpu.memory_space<vmem>> -> memref<40x50xi32, #tpu.memory_space<vmem>>
      %dma_wait3A_2408 = arith.constant 0 : i32
      %dma_wait3A_2409 = tpu.memref_slice %dma_wait3A_2407[%add3A_2377, %dma_wait3A_2408] : memref<40x50xi32, #tpu.memory_space<vmem>> -> memref<1x50xi32, #tpu.memory_space<vmem>>
      %dma_wait3A_2410 = tpu.memref_squeeze %dma_wait3A_2409 : memref<1x50xi32, #tpu.memory_space<vmem>> -> memref<50xi32, #tpu.memory_space<vmem>>
      %dma_wait3A_2411 = arith.constant 0 : i32
      %dma_wait3A_2412 = arith.constant 0 : i32
      %dma_wait3A_2413 = tpu.memref_slice %arg3[%dma_wait3A_2411, %dma_wait3A_2412] : memref<10000x128xf32, #tpu.memory_space<hbm>> -> memref<10000x128xf32, #tpu.memory_space<hbm>>
      tpu.wait_indirect_dma semaphore(%arg15 : memref<!tpu.dma_semaphore, #tpu.memory_space<semaphore_mem>>) src(%dma_wait3A_2413 : memref<10000x128xf32, #tpu.memory_space<hbm>>) dst(%arg10 : memref<50x128xf32, #tpu.memory_space<vmem>>)
      %dma_start3A_2414 = arith.constant 0 : i32
      %dma_start3A_2415 = arith.constant 0 : i32
      %dma_start3A_2416 = tpu.memref_slice %arg6[%scan3A_703, %dma_start3A_2414, %dma_start3A_2415] : memref<2x40x50xi32, #tpu.memory_space<vmem>> -> memref<1x40x50xi32, #tpu.memory_space<vmem>>
      %dma_start3A_2417 = tpu.memref_squeeze %dma_start3A_2416 : memref<1x40x50xi32, #tpu.memory_space<vmem>> -> memref<40x50xi32, #tpu.memory_space<vmem>>
      %dma_start3A_2418 = arith.constant 0 : i32
      %dma_start3A_2419 = tpu.memref_slice %dma_start3A_2417[%add3A_2377, %dma_start3A_2418] : memref<40x50xi32, #tpu.memory_space<vmem>> -> memref<1x50xi32, #tpu.memory_space<vmem>>
      %dma_start3A_2420 = tpu.memref_squeeze %dma_start3A_2419 : memref<1x50xi32, #tpu.memory_space<vmem>> -> memref<50xi32, #tpu.memory_space<vmem>>
      %dma_start3A_2421 = arith.constant 0 : i32
      %dma_start3A_2422 = arith.constant 0 : i32
      %dma_start3A_2423 = tpu.memref_slice %arg11[%dma_start3A_2421, %dma_start3A_2422] : memref<10240x128xf32, #tpu.memory_space<vmem_shared>> -> memref<10240x128xf32, #tpu.memory_space<vmem_shared>>
      tpu.enqueue_indirect_dma source(%arg10 : memref<50x128xf32, #tpu.memory_space<vmem>>) target(%dma_start3A_2423 : memref<10240x128xf32, #tpu.memory_space<vmem_shared>>) offsets(%dma_start3A_2420 : memref<50xi32, #tpu.memory_space<vmem>>) semaphore(%arg15 : memref<!tpu.dma_semaphore, #tpu.memory_space<semaphore_mem>>) {add = true}
    }
    %scan3A_709 = arith.constant 8 : i32
    %dma_wait3A_710 = arith.constant 0 : i32
    %dma_wait3A_711 = arith.constant 1 : i32
    %dma_wait3A_712 = arith.constant 1 : i32
    %dma_wait3A_713 = arith.constant 0 : i32
    %dma_wait3A_714 = arith.constant 0 : i32
    %dma_wait3A_715 = tpu.memref_slice %arg5[%dma_wait3A_712, %dma_wait3A_713, %dma_wait3A_714] : memref<2x40x50xi32, #tpu.memory_space<vmem>> -> memref<1x40x50xi32, #tpu.memory_space<vmem>>
    %dma_wait3A_716 = tpu.memref_squeeze %dma_wait3A_715 : memref<1x40x50xi32, #tpu.memory_space<vmem>> -> memref<40x50xi32, #tpu.memory_space<vmem>>
    %dma_wait3A_717 = arith.constant 0 : i32
    %dma_wait3A_718 = arith.constant 0 : i32
    %dma_wait3A_719 = arith.constant 0 : i32
    %dma_wait3A_720 = arith.constant 0 : i32
    %dma_wait3A_721 = tpu.memref_slice %arg2[%dma_wait3A_710, %dma_wait3A_717, %dma_wait3A_718, %dma_wait3A_719, %dma_wait3A_720] : memref<2x32x5x40x50xi32, #tpu.memory_space<hbm>> -> memref<1x32x5x40x50xi32, #tpu.memory_space<hbm>>
    %dma_wait3A_722 = tpu.memref_squeeze %dma_wait3A_721 : memref<1x32x5x40x50xi32, #tpu.memory_space<hbm>> -> memref<32x5x40x50xi32, #tpu.memory_space<hbm>>
    %dma_wait3A_723 = arith.constant 0 : i32
    %dma_wait3A_724 = arith.constant 0 : i32
    %dma_wait3A_725 = tpu.memref_slice %dma_wait3A_722[%add3A, %dma_wait3A_711, %dma_wait3A_723, %dma_wait3A_724] : memref<32x5x40x50xi32, #tpu.memory_space<hbm>> -> memref<1x1x40x50xi32, #tpu.memory_space<hbm>>
    %dma_wait3A_726 = tpu.memref_squeeze %dma_wait3A_725 : memref<1x1x40x50xi32, #tpu.memory_space<hbm>> -> memref<40x50xi32, #tpu.memory_space<hbm>>
    %dma_wait3A_727 = arith.constant 0 : i32
    %dma_wait3A_728 = arith.constant 0 : i32
    %dma_wait3A_729 = tpu.memref_slice %arg5[%dma_wait3A_712, %dma_wait3A_727, %dma_wait3A_728] : memref<2x40x50xi32, #tpu.memory_space<vmem>> -> memref<1x40x50xi32, #tpu.memory_space<vmem>>
    %dma_wait3A_730 = tpu.memref_squeeze %dma_wait3A_729 : memref<1x40x50xi32, #tpu.memory_space<vmem>> -> memref<40x50xi32, #tpu.memory_space<vmem>>
    %dma_wait3A_731 = arith.constant 0 : i32
    %dma_wait3A_732 = arith.constant 0 : i32
    %dma_wait3A_733 = arith.constant 0 : i32
    %dma_wait3A_734 = arith.constant 0 : i32
    %dma_wait3A_735 = tpu.memref_slice %arg2[%dma_wait3A_710, %dma_wait3A_731, %dma_wait3A_732, %dma_wait3A_733, %dma_wait3A_734] : memref<2x32x5x40x50xi32, #tpu.memory_space<hbm>> -> memref<1x32x5x40x50xi32, #tpu.memory_space<hbm>>
    %dma_wait3A_736 = tpu.memref_squeeze %dma_wait3A_735 : memref<1x32x5x40x50xi32, #tpu.memory_space<hbm>> -> memref<32x5x40x50xi32, #tpu.memory_space<hbm>>
    %dma_wait3A_737 = arith.constant 0 : i32
    %dma_wait3A_738 = arith.constant 0 : i32
    %dma_wait3A_739 = tpu.memref_slice %dma_wait3A_736[%add3A, %dma_wait3A_711, %dma_wait3A_737, %dma_wait3A_738] : memref<32x5x40x50xi32, #tpu.memory_space<hbm>> -> memref<1x1x40x50xi32, #tpu.memory_space<hbm>>
    %dma_wait3A_740 = tpu.memref_squeeze %dma_wait3A_739 : memref<1x1x40x50xi32, #tpu.memory_space<hbm>> -> memref<40x50xi32, #tpu.memory_space<hbm>>
    tpu.wait_dma2 semaphore(%arg16 : memref<!tpu.dma_semaphore, #tpu.memory_space<semaphore_mem>>) src(%dma_wait3A_740 : memref<40x50xi32, #tpu.memory_space<hbm>>) dst(%dma_wait3A_730 : memref<40x50xi32, #tpu.memory_space<vmem>>)
    %dma_wait3A_741 = arith.constant 1 : i32
    %dma_wait3A_742 = arith.constant 1 : i32
    %dma_wait3A_743 = arith.constant 1 : i32
    %dma_wait3A_744 = arith.constant 0 : i32
    %dma_wait3A_745 = arith.constant 0 : i32
    %dma_wait3A_746 = tpu.memref_slice %arg6[%dma_wait3A_743, %dma_wait3A_744, %dma_wait3A_745] : memref<2x40x50xi32, #tpu.memory_space<vmem>> -> memref<1x40x50xi32, #tpu.memory_space<vmem>>
    %dma_wait3A_747 = tpu.memref_squeeze %dma_wait3A_746 : memref<1x40x50xi32, #tpu.memory_space<vmem>> -> memref<40x50xi32, #tpu.memory_space<vmem>>
    %dma_wait3A_748 = arith.constant 0 : i32
    %dma_wait3A_749 = arith.constant 0 : i32
    %dma_wait3A_750 = arith.constant 0 : i32
    %dma_wait3A_751 = arith.constant 0 : i32
    %dma_wait3A_752 = tpu.memref_slice %arg2[%dma_wait3A_741, %dma_wait3A_748, %dma_wait3A_749, %dma_wait3A_750, %dma_wait3A_751] : memref<2x32x5x40x50xi32, #tpu.memory_space<hbm>> -> memref<1x32x5x40x50xi32, #tpu.memory_space<hbm>>
    %dma_wait3A_753 = tpu.memref_squeeze %dma_wait3A_752 : memref<1x32x5x40x50xi32, #tpu.memory_space<hbm>> -> memref<32x5x40x50xi32, #tpu.memory_space<hbm>>
    %dma_wait3A_754 = arith.constant 0 : i32
    %dma_wait3A_755 = arith.constant 0 : i32
    %dma_wait3A_756 = tpu.memref_slice %dma_wait3A_753[%add3A, %dma_wait3A_742, %dma_wait3A_754, %dma_wait3A_755] : memref<32x5x40x50xi32, #tpu.memory_space<hbm>> -> memref<1x1x40x50xi32, #tpu.memory_space<hbm>>
    %dma_wait3A_757 = tpu.memref_squeeze %dma_wait3A_756 : memref<1x1x40x50xi32, #tpu.memory_space<hbm>> -> memref<40x50xi32, #tpu.memory_space<hbm>>
    %dma_wait3A_758 = arith.constant 0 : i32
    %dma_wait3A_759 = arith.constant 0 : i32
    %dma_wait3A_760 = tpu.memref_slice %arg6[%dma_wait3A_743, %dma_wait3A_758, %dma_wait3A_759] : memref<2x40x50xi32, #tpu.memory_space<vmem>> -> memref<1x40x50xi32, #tpu.memory_space<vmem>>
    %dma_wait3A_761 = tpu.memref_squeeze %dma_wait3A_760 : memref<1x40x50xi32, #tpu.memory_space<vmem>> -> memref<40x50xi32, #tpu.memory_space<vmem>>
    %dma_wait3A_762 = arith.constant 0 : i32
    %dma_wait3A_763 = arith.constant 0 : i32
    %dma_wait3A_764 = arith.constant 0 : i32
    %dma_wait3A_765 = arith.constant 0 : i32
    %dma_wait3A_766 = tpu.memref_slice %arg2[%dma_wait3A_741, %dma_wait3A_762, %dma_wait3A_763, %dma_wait3A_764, %dma_wait3A_765] : memref<2x32x5x40x50xi32, #tpu.memory_space<hbm>> -> memref<1x32x5x40x50xi32, #tpu.memory_space<hbm>>
    %dma_wait3A_767 = tpu.memref_squeeze %dma_wait3A_766 : memref<1x32x5x40x50xi32, #tpu.memory_space<hbm>> -> memref<32x5x40x50xi32, #tpu.memory_space<hbm>>
    %dma_wait3A_768 = arith.constant 0 : i32
    %dma_wait3A_769 = arith.constant 0 : i32
    %dma_wait3A_770 = tpu.memref_slice %dma_wait3A_767[%add3A, %dma_wait3A_742, %dma_wait3A_768, %dma_wait3A_769] : memref<32x5x40x50xi32, #tpu.memory_space<hbm>> -> memref<1x1x40x50xi32, #tpu.memory_space<hbm>>
    %dma_wait3A_771 = tpu.memref_squeeze %dma_wait3A_770 : memref<1x1x40x50xi32, #tpu.memory_space<hbm>> -> memref<40x50xi32, #tpu.memory_space<hbm>>
    tpu.wait_dma2 semaphore(%arg16 : memref<!tpu.dma_semaphore, #tpu.memory_space<semaphore_mem>>) src(%dma_wait3A_771 : memref<40x50xi32, #tpu.memory_space<hbm>>) dst(%dma_wait3A_761 : memref<40x50xi32, #tpu.memory_space<vmem>>)
    %dma_wait3A_772 = arith.constant 0 : i32
    %dma_wait3A_773 = arith.constant 35 : i32
    %dma_wait3A_774 = arith.constant 0 : i32
    %dma_wait3A_775 = arith.constant 0 : i32
    %dma_wait3A_776 = tpu.memref_slice %arg6[%dma_wait3A_772, %dma_wait3A_774, %dma_wait3A_775] : memref<2x40x50xi32, #tpu.memory_space<vmem>> -> memref<1x40x50xi32, #tpu.memory_space<vmem>>
    %dma_wait3A_777 = tpu.memref_squeeze %dma_wait3A_776 : memref<1x40x50xi32, #tpu.memory_space<vmem>> -> memref<40x50xi32, #tpu.memory_space<vmem>>
    %dma_wait3A_778 = arith.constant 0 : i32
    %dma_wait3A_779 = tpu.memref_slice %dma_wait3A_777[%dma_wait3A_773, %dma_wait3A_778] : memref<40x50xi32, #tpu.memory_space<vmem>> -> memref<1x50xi32, #tpu.memory_space<vmem>>
    %dma_wait3A_780 = tpu.memref_squeeze %dma_wait3A_779 : memref<1x50xi32, #tpu.memory_space<vmem>> -> memref<50xi32, #tpu.memory_space<vmem>>
    %dma_wait3A_781 = arith.constant 0 : i32
    %dma_wait3A_782 = arith.constant 0 : i32
    %dma_wait3A_783 = tpu.memref_slice %arg11[%dma_wait3A_781, %dma_wait3A_782] : memref<10240x128xf32, #tpu.memory_space<vmem_shared>> -> memref<10240x128xf32, #tpu.memory_space<vmem_shared>>
    tpu.wait_indirect_dma semaphore(%arg15 : memref<!tpu.dma_semaphore, #tpu.memory_space<semaphore_mem>>) src(%arg10 : memref<50x128xf32, #tpu.memory_space<vmem>>) dst(%dma_wait3A_783 : memref<10240x128xf32, #tpu.memory_space<vmem_shared>>)
    %dma_start3A_784 = arith.constant 0 : i32
    %dma_start3A_785 = arith.constant 39 : i32
    %dma_start3A_786 = arith.constant 0 : i32
    %dma_start3A_787 = arith.constant 0 : i32
    %dma_start3A_788 = tpu.memref_slice %arg5[%dma_start3A_784, %dma_start3A_786, %dma_start3A_787] : memref<2x40x50xi32, #tpu.memory_space<vmem>> -> memref<1x40x50xi32, #tpu.memory_space<vmem>>
    %dma_start3A_789 = tpu.memref_squeeze %dma_start3A_788 : memref<1x40x50xi32, #tpu.memory_space<vmem>> -> memref<40x50xi32, #tpu.memory_space<vmem>>
    %dma_start3A_790 = arith.constant 0 : i32
    %dma_start3A_791 = tpu.memref_slice %dma_start3A_789[%dma_start3A_785, %dma_start3A_790] : memref<40x50xi32, #tpu.memory_space<vmem>> -> memref<1x50xi32, #tpu.memory_space<vmem>>
    %dma_start3A_792 = tpu.memref_squeeze %dma_start3A_791 : memref<1x50xi32, #tpu.memory_space<vmem>> -> memref<50xi32, #tpu.memory_space<vmem>>
    %dma_start3A_793 = arith.constant 0 : i32
    %dma_start3A_794 = arith.constant 0 : i32
    %dma_start3A_795 = tpu.memref_slice %arg3[%dma_start3A_793, %dma_start3A_794] : memref<10000x128xf32, #tpu.memory_space<hbm>> -> memref<10000x128xf32, #tpu.memory_space<hbm>>
    tpu.enqueue_indirect_dma source(%dma_start3A_795 : memref<10000x128xf32, #tpu.memory_space<hbm>>) target(%arg10 : memref<50x128xf32, #tpu.memory_space<vmem>>) offsets(%dma_start3A_792 : memref<50xi32, #tpu.memory_space<vmem>>) semaphore(%arg15 : memref<!tpu.dma_semaphore, #tpu.memory_space<semaphore_mem>>)
    %dma_wait3A_796 = arith.constant 0 : i32
    %dma_wait3A_797 = arith.constant 36 : i32
    %dma_wait3A_798 = arith.constant 0 : i32
    %dma_wait3A_799 = arith.constant 0 : i32
    %dma_wait3A_800 = tpu.memref_slice %arg5[%dma_wait3A_796, %dma_wait3A_798, %dma_wait3A_799] : memref<2x40x50xi32, #tpu.memory_space<vmem>> -> memref<1x40x50xi32, #tpu.memory_space<vmem>>
    %dma_wait3A_801 = tpu.memref_squeeze %dma_wait3A_800 : memref<1x40x50xi32, #tpu.memory_space<vmem>> -> memref<40x50xi32, #tpu.memory_space<vmem>>
    %dma_wait3A_802 = arith.constant 0 : i32
    %dma_wait3A_803 = tpu.memref_slice %dma_wait3A_801[%dma_wait3A_797, %dma_wait3A_802] : memref<40x50xi32, #tpu.memory_space<vmem>> -> memref<1x50xi32, #tpu.memory_space<vmem>>
    %dma_wait3A_804 = tpu.memref_squeeze %dma_wait3A_803 : memref<1x50xi32, #tpu.memory_space<vmem>> -> memref<50xi32, #tpu.memory_space<vmem>>
    %dma_wait3A_805 = arith.constant 0 : i32
    %dma_wait3A_806 = arith.constant 0 : i32
    %dma_wait3A_807 = tpu.memref_slice %arg3[%dma_wait3A_805, %dma_wait3A_806] : memref<10000x128xf32, #tpu.memory_space<hbm>> -> memref<10000x128xf32, #tpu.memory_space<hbm>>
    tpu.wait_indirect_dma semaphore(%arg12 : memref<!tpu.dma_semaphore, #tpu.memory_space<semaphore_mem>>) src(%dma_wait3A_807 : memref<10000x128xf32, #tpu.memory_space<hbm>>) dst(%arg7 : memref<50x128xf32, #tpu.memory_space<vmem>>)
    %dma_start3A_808 = arith.constant 0 : i32
    %dma_start3A_809 = arith.constant 36 : i32
    %dma_start3A_810 = arith.constant 0 : i32
    %dma_start3A_811 = arith.constant 0 : i32
    %dma_start3A_812 = tpu.memref_slice %arg6[%dma_start3A_808, %dma_start3A_810, %dma_start3A_811] : memref<2x40x50xi32, #tpu.memory_space<vmem>> -> memref<1x40x50xi32, #tpu.memory_space<vmem>>
    %dma_start3A_813 = tpu.memref_squeeze %dma_start3A_812 : memref<1x40x50xi32, #tpu.memory_space<vmem>> -> memref<40x50xi32, #tpu.memory_space<vmem>>
    %dma_start3A_814 = arith.constant 0 : i32
    %dma_start3A_815 = tpu.memref_slice %dma_start3A_813[%dma_start3A_809, %dma_start3A_814] : memref<40x50xi32, #tpu.memory_space<vmem>> -> memref<1x50xi32, #tpu.memory_space<vmem>>
    %dma_start3A_816 = tpu.memref_squeeze %dma_start3A_815 : memref<1x50xi32, #tpu.memory_space<vmem>> -> memref<50xi32, #tpu.memory_space<vmem>>
    %dma_start3A_817 = arith.constant 0 : i32
    %dma_start3A_818 = arith.constant 0 : i32
    %dma_start3A_819 = tpu.memref_slice %arg11[%dma_start3A_817, %dma_start3A_818] : memref<10240x128xf32, #tpu.memory_space<vmem_shared>> -> memref<10240x128xf32, #tpu.memory_space<vmem_shared>>
    tpu.enqueue_indirect_dma source(%arg7 : memref<50x128xf32, #tpu.memory_space<vmem>>) target(%dma_start3A_819 : memref<10240x128xf32, #tpu.memory_space<vmem_shared>>) offsets(%dma_start3A_816 : memref<50xi32, #tpu.memory_space<vmem>>) semaphore(%arg12 : memref<!tpu.dma_semaphore, #tpu.memory_space<semaphore_mem>>) {add = true}
    %dma_wait3A_820 = arith.constant 0 : i32
    %dma_wait3A_821 = arith.constant 36 : i32
    %dma_wait3A_822 = arith.constant 0 : i32
    %dma_wait3A_823 = arith.constant 0 : i32
    %dma_wait3A_824 = tpu.memref_slice %arg6[%dma_wait3A_820, %dma_wait3A_822, %dma_wait3A_823] : memref<2x40x50xi32, #tpu.memory_space<vmem>> -> memref<1x40x50xi32, #tpu.memory_space<vmem>>
    %dma_wait3A_825 = tpu.memref_squeeze %dma_wait3A_824 : memref<1x40x50xi32, #tpu.memory_space<vmem>> -> memref<40x50xi32, #tpu.memory_space<vmem>>
    %dma_wait3A_826 = arith.constant 0 : i32
    %dma_wait3A_827 = tpu.memref_slice %dma_wait3A_825[%dma_wait3A_821, %dma_wait3A_826] : memref<40x50xi32, #tpu.memory_space<vmem>> -> memref<1x50xi32, #tpu.memory_space<vmem>>
    %dma_wait3A_828 = tpu.memref_squeeze %dma_wait3A_827 : memref<1x50xi32, #tpu.memory_space<vmem>> -> memref<50xi32, #tpu.memory_space<vmem>>
    %dma_wait3A_829 = arith.constant 0 : i32
    %dma_wait3A_830 = arith.constant 0 : i32
    %dma_wait3A_831 = tpu.memref_slice %arg11[%dma_wait3A_829, %dma_wait3A_830] : memref<10240x128xf32, #tpu.memory_space<vmem_shared>> -> memref<10240x128xf32, #tpu.memory_space<vmem_shared>>
    tpu.wait_indirect_dma semaphore(%arg12 : memref<!tpu.dma_semaphore, #tpu.memory_space<semaphore_mem>>) src(%arg7 : memref<50x128xf32, #tpu.memory_space<vmem>>) dst(%dma_wait3A_831 : memref<10240x128xf32, #tpu.memory_space<vmem_shared>>)
    %dma_start3A_832 = arith.constant 1 : i32
    %dma_start3A_833 = arith.constant 0 : i32
    %dma_start3A_834 = arith.constant 0 : i32
    %dma_start3A_835 = arith.constant 0 : i32
    %dma_start3A_836 = tpu.memref_slice %arg5[%dma_start3A_832, %dma_start3A_834, %dma_start3A_835] : memref<2x40x50xi32, #tpu.memory_space<vmem>> -> memref<1x40x50xi32, #tpu.memory_space<vmem>>
    %dma_start3A_837 = tpu.memref_squeeze %dma_start3A_836 : memref<1x40x50xi32, #tpu.memory_space<vmem>> -> memref<40x50xi32, #tpu.memory_space<vmem>>
    %dma_start3A_838 = arith.constant 0 : i32
    %dma_start3A_839 = tpu.memref_slice %dma_start3A_837[%dma_start3A_833, %dma_start3A_838] : memref<40x50xi32, #tpu.memory_space<vmem>> -> memref<1x50xi32, #tpu.memory_space<vmem>>
    %dma_start3A_840 = tpu.memref_squeeze %dma_start3A_839 : memref<1x50xi32, #tpu.memory_space<vmem>> -> memref<50xi32, #tpu.memory_space<vmem>>
    %dma_start3A_841 = arith.constant 0 : i32
    %dma_start3A_842 = arith.constant 0 : i32
    %dma_start3A_843 = tpu.memref_slice %arg3[%dma_start3A_841, %dma_start3A_842] : memref<10000x128xf32, #tpu.memory_space<hbm>> -> memref<10000x128xf32, #tpu.memory_space<hbm>>
    tpu.enqueue_indirect_dma source(%dma_start3A_843 : memref<10000x128xf32, #tpu.memory_space<hbm>>) target(%arg7 : memref<50x128xf32, #tpu.memory_space<vmem>>) offsets(%dma_start3A_840 : memref<50xi32, #tpu.memory_space<vmem>>) semaphore(%arg12 : memref<!tpu.dma_semaphore, #tpu.memory_space<semaphore_mem>>)
    %dma_wait3A_844 = arith.constant 0 : i32
    %dma_wait3A_845 = arith.constant 37 : i32
    %dma_wait3A_846 = arith.constant 0 : i32
    %dma_wait3A_847 = arith.constant 0 : i32
    %dma_wait3A_848 = tpu.memref_slice %arg5[%dma_wait3A_844, %dma_wait3A_846, %dma_wait3A_847] : memref<2x40x50xi32, #tpu.memory_space<vmem>> -> memref<1x40x50xi32, #tpu.memory_space<vmem>>
    %dma_wait3A_849 = tpu.memref_squeeze %dma_wait3A_848 : memref<1x40x50xi32, #tpu.memory_space<vmem>> -> memref<40x50xi32, #tpu.memory_space<vmem>>
    %dma_wait3A_850 = arith.constant 0 : i32
    %dma_wait3A_851 = tpu.memref_slice %dma_wait3A_849[%dma_wait3A_845, %dma_wait3A_850] : memref<40x50xi32, #tpu.memory_space<vmem>> -> memref<1x50xi32, #tpu.memory_space<vmem>>
    %dma_wait3A_852 = tpu.memref_squeeze %dma_wait3A_851 : memref<1x50xi32, #tpu.memory_space<vmem>> -> memref<50xi32, #tpu.memory_space<vmem>>
    %dma_wait3A_853 = arith.constant 0 : i32
    %dma_wait3A_854 = arith.constant 0 : i32
    %dma_wait3A_855 = tpu.memref_slice %arg3[%dma_wait3A_853, %dma_wait3A_854] : memref<10000x128xf32, #tpu.memory_space<hbm>> -> memref<10000x128xf32, #tpu.memory_space<hbm>>
    tpu.wait_indirect_dma semaphore(%arg13 : memref<!tpu.dma_semaphore, #tpu.memory_space<semaphore_mem>>) src(%dma_wait3A_855 : memref<10000x128xf32, #tpu.memory_space<hbm>>) dst(%arg8 : memref<50x128xf32, #tpu.memory_space<vmem>>)
    %dma_start3A_856 = arith.constant 0 : i32
    %dma_start3A_857 = arith.constant 37 : i32
    %dma_start3A_858 = arith.constant 0 : i32
    %dma_start3A_859 = arith.constant 0 : i32
    %dma_start3A_860 = tpu.memref_slice %arg6[%dma_start3A_856, %dma_start3A_858, %dma_start3A_859] : memref<2x40x50xi32, #tpu.memory_space<vmem>> -> memref<1x40x50xi32, #tpu.memory_space<vmem>>
    %dma_start3A_861 = tpu.memref_squeeze %dma_start3A_860 : memref<1x40x50xi32, #tpu.memory_space<vmem>> -> memref<40x50xi32, #tpu.memory_space<vmem>>
    %dma_start3A_862 = arith.constant 0 : i32
    %dma_start3A_863 = tpu.memref_slice %dma_start3A_861[%dma_start3A_857, %dma_start3A_862] : memref<40x50xi32, #tpu.memory_space<vmem>> -> memref<1x50xi32, #tpu.memory_space<vmem>>
    %dma_start3A_864 = tpu.memref_squeeze %dma_start3A_863 : memref<1x50xi32, #tpu.memory_space<vmem>> -> memref<50xi32, #tpu.memory_space<vmem>>
    %dma_start3A_865 = arith.constant 0 : i32
    %dma_start3A_866 = arith.constant 0 : i32
    %dma_start3A_867 = tpu.memref_slice %arg11[%dma_start3A_865, %dma_start3A_866] : memref<10240x128xf32, #tpu.memory_space<vmem_shared>> -> memref<10240x128xf32, #tpu.memory_space<vmem_shared>>
    tpu.enqueue_indirect_dma source(%arg8 : memref<50x128xf32, #tpu.memory_space<vmem>>) target(%dma_start3A_867 : memref<10240x128xf32, #tpu.memory_space<vmem_shared>>) offsets(%dma_start3A_864 : memref<50xi32, #tpu.memory_space<vmem>>) semaphore(%arg13 : memref<!tpu.dma_semaphore, #tpu.memory_space<semaphore_mem>>) {add = true}
    %dma_wait3A_868 = arith.constant 0 : i32
    %dma_wait3A_869 = arith.constant 37 : i32
    %dma_wait3A_870 = arith.constant 0 : i32
    %dma_wait3A_871 = arith.constant 0 : i32
    %dma_wait3A_872 = tpu.memref_slice %arg6[%dma_wait3A_868, %dma_wait3A_870, %dma_wait3A_871] : memref<2x40x50xi32, #tpu.memory_space<vmem>> -> memref<1x40x50xi32, #tpu.memory_space<vmem>>
    %dma_wait3A_873 = tpu.memref_squeeze %dma_wait3A_872 : memref<1x40x50xi32, #tpu.memory_space<vmem>> -> memref<40x50xi32, #tpu.memory_space<vmem>>
    %dma_wait3A_874 = arith.constant 0 : i32
    %dma_wait3A_875 = tpu.memref_slice %dma_wait3A_873[%dma_wait3A_869, %dma_wait3A_874] : memref<40x50xi32, #tpu.memory_space<vmem>> -> memref<1x50xi32, #tpu.memory_space<vmem>>
    %dma_wait3A_876 = tpu.memref_squeeze %dma_wait3A_875 : memref<1x50xi32, #tpu.memory_space<vmem>> -> memref<50xi32, #tpu.memory_space<vmem>>
    %dma_wait3A_877 = arith.constant 0 : i32
    %dma_wait3A_878 = arith.constant 0 : i32
    %dma_wait3A_879 = tpu.memref_slice %arg11[%dma_wait3A_877, %dma_wait3A_878] : memref<10240x128xf32, #tpu.memory_space<vmem_shared>> -> memref<10240x128xf32, #tpu.memory_space<vmem_shared>>
    tpu.wait_indirect_dma semaphore(%arg13 : memref<!tpu.dma_semaphore, #tpu.memory_space<semaphore_mem>>) src(%arg8 : memref<50x128xf32, #tpu.memory_space<vmem>>) dst(%dma_wait3A_879 : memref<10240x128xf32, #tpu.memory_space<vmem_shared>>)
    %dma_start3A_880 = arith.constant 1 : i32
    %dma_start3A_881 = arith.constant 1 : i32
    %dma_start3A_882 = arith.constant 0 : i32
    %dma_start3A_883 = arith.constant 0 : i32
    %dma_start3A_884 = tpu.memref_slice %arg5[%dma_start3A_880, %dma_start3A_882, %dma_start3A_883] : memref<2x40x50xi32, #tpu.memory_space<vmem>> -> memref<1x40x50xi32, #tpu.memory_space<vmem>>
    %dma_start3A_885 = tpu.memref_squeeze %dma_start3A_884 : memref<1x40x50xi32, #tpu.memory_space<vmem>> -> memref<40x50xi32, #tpu.memory_space<vmem>>
    %dma_start3A_886 = arith.constant 0 : i32
    %dma_start3A_887 = tpu.memref_slice %dma_start3A_885[%dma_start3A_881, %dma_start3A_886] : memref<40x50xi32, #tpu.memory_space<vmem>> -> memref<1x50xi32, #tpu.memory_space<vmem>>
    %dma_start3A_888 = tpu.memref_squeeze %dma_start3A_887 : memref<1x50xi32, #tpu.memory_space<vmem>> -> memref<50xi32, #tpu.memory_space<vmem>>
    %dma_start3A_889 = arith.constant 0 : i32
    %dma_start3A_890 = arith.constant 0 : i32
    %dma_start3A_891 = tpu.memref_slice %arg3[%dma_start3A_889, %dma_start3A_890] : memref<10000x128xf32, #tpu.memory_space<hbm>> -> memref<10000x128xf32, #tpu.memory_space<hbm>>
    tpu.enqueue_indirect_dma source(%dma_start3A_891 : memref<10000x128xf32, #tpu.memory_space<hbm>>) target(%arg8 : memref<50x128xf32, #tpu.memory_space<vmem>>) offsets(%dma_start3A_888 : memref<50xi32, #tpu.memory_space<vmem>>) semaphore(%arg13 : memref<!tpu.dma_semaphore, #tpu.memory_space<semaphore_mem>>)
    %dma_wait3A_892 = arith.constant 0 : i32
    %dma_wait3A_893 = arith.constant 38 : i32
    %dma_wait3A_894 = arith.constant 0 : i32
    %dma_wait3A_895 = arith.constant 0 : i32
    %dma_wait3A_896 = tpu.memref_slice %arg5[%dma_wait3A_892, %dma_wait3A_894, %dma_wait3A_895] : memref<2x40x50xi32, #tpu.memory_space<vmem>> -> memref<1x40x50xi32, #tpu.memory_space<vmem>>
    %dma_wait3A_897 = tpu.memref_squeeze %dma_wait3A_896 : memref<1x40x50xi32, #tpu.memory_space<vmem>> -> memref<40x50xi32, #tpu.memory_space<vmem>>
    %dma_wait3A_898 = arith.constant 0 : i32
    %dma_wait3A_899 = tpu.memref_slice %dma_wait3A_897[%dma_wait3A_893, %dma_wait3A_898] : memref<40x50xi32, #tpu.memory_space<vmem>> -> memref<1x50xi32, #tpu.memory_space<vmem>>
    %dma_wait3A_900 = tpu.memref_squeeze %dma_wait3A_899 : memref<1x50xi32, #tpu.memory_space<vmem>> -> memref<50xi32, #tpu.memory_space<vmem>>
    %dma_wait3A_901 = arith.constant 0 : i32
    %dma_wait3A_902 = arith.constant 0 : i32
    %dma_wait3A_903 = tpu.memref_slice %arg3[%dma_wait3A_901, %dma_wait3A_902] : memref<10000x128xf32, #tpu.memory_space<hbm>> -> memref<10000x128xf32, #tpu.memory_space<hbm>>
    tpu.wait_indirect_dma semaphore(%arg14 : memref<!tpu.dma_semaphore, #tpu.memory_space<semaphore_mem>>) src(%dma_wait3A_903 : memref<10000x128xf32, #tpu.memory_space<hbm>>) dst(%arg9 : memref<50x128xf32, #tpu.memory_space<vmem>>)
    %dma_start3A_904 = arith.constant 0 : i32
    %dma_start3A_905 = arith.constant 38 : i32
    %dma_start3A_906 = arith.constant 0 : i32
    %dma_start3A_907 = arith.constant 0 : i32
    %dma_start3A_908 = tpu.memref_slice %arg6[%dma_start3A_904, %dma_start3A_906, %dma_start3A_907] : memref<2x40x50xi32, #tpu.memory_space<vmem>> -> memref<1x40x50xi32, #tpu.memory_space<vmem>>
    %dma_start3A_909 = tpu.memref_squeeze %dma_start3A_908 : memref<1x40x50xi32, #tpu.memory_space<vmem>> -> memref<40x50xi32, #tpu.memory_space<vmem>>
    %dma_start3A_910 = arith.constant 0 : i32
    %dma_start3A_911 = tpu.memref_slice %dma_start3A_909[%dma_start3A_905, %dma_start3A_910] : memref<40x50xi32, #tpu.memory_space<vmem>> -> memref<1x50xi32, #tpu.memory_space<vmem>>
    %dma_start3A_912 = tpu.memref_squeeze %dma_start3A_911 : memref<1x50xi32, #tpu.memory_space<vmem>> -> memref<50xi32, #tpu.memory_space<vmem>>
    %dma_start3A_913 = arith.constant 0 : i32
    %dma_start3A_914 = arith.constant 0 : i32
    %dma_start3A_915 = tpu.memref_slice %arg11[%dma_start3A_913, %dma_start3A_914] : memref<10240x128xf32, #tpu.memory_space<vmem_shared>> -> memref<10240x128xf32, #tpu.memory_space<vmem_shared>>
    tpu.enqueue_indirect_dma source(%arg9 : memref<50x128xf32, #tpu.memory_space<vmem>>) target(%dma_start3A_915 : memref<10240x128xf32, #tpu.memory_space<vmem_shared>>) offsets(%dma_start3A_912 : memref<50xi32, #tpu.memory_space<vmem>>) semaphore(%arg14 : memref<!tpu.dma_semaphore, #tpu.memory_space<semaphore_mem>>) {add = true}
    %dma_wait3A_916 = arith.constant 0 : i32
    %dma_wait3A_917 = arith.constant 38 : i32
    %dma_wait3A_918 = arith.constant 0 : i32
    %dma_wait3A_919 = arith.constant 0 : i32
    %dma_wait3A_920 = tpu.memref_slice %arg6[%dma_wait3A_916, %dma_wait3A_918, %dma_wait3A_919] : memref<2x40x50xi32, #tpu.memory_space<vmem>> -> memref<1x40x50xi32, #tpu.memory_space<vmem>>
    %dma_wait3A_921 = tpu.memref_squeeze %dma_wait3A_920 : memref<1x40x50xi32, #tpu.memory_space<vmem>> -> memref<40x50xi32, #tpu.memory_space<vmem>>
    %dma_wait3A_922 = arith.constant 0 : i32
    %dma_wait3A_923 = tpu.memref_slice %dma_wait3A_921[%dma_wait3A_917, %dma_wait3A_922] : memref<40x50xi32, #tpu.memory_space<vmem>> -> memref<1x50xi32, #tpu.memory_space<vmem>>
    %dma_wait3A_924 = tpu.memref_squeeze %dma_wait3A_923 : memref<1x50xi32, #tpu.memory_space<vmem>> -> memref<50xi32, #tpu.memory_space<vmem>>
    %dma_wait3A_925 = arith.constant 0 : i32
    %dma_wait3A_926 = arith.constant 0 : i32
    %dma_wait3A_927 = tpu.memref_slice %arg11[%dma_wait3A_925, %dma_wait3A_926] : memref<10240x128xf32, #tpu.memory_space<vmem_shared>> -> memref<10240x128xf32, #tpu.memory_space<vmem_shared>>
    tpu.wait_indirect_dma semaphore(%arg14 : memref<!tpu.dma_semaphore, #tpu.memory_space<semaphore_mem>>) src(%arg9 : memref<50x128xf32, #tpu.memory_space<vmem>>) dst(%dma_wait3A_927 : memref<10240x128xf32, #tpu.memory_space<vmem_shared>>)
    %dma_start3A_928 = arith.constant 1 : i32
    %dma_start3A_929 = arith.constant 2 : i32
    %dma_start3A_930 = arith.constant 0 : i32
    %dma_start3A_931 = arith.constant 0 : i32
    %dma_start3A_932 = tpu.memref_slice %arg5[%dma_start3A_928, %dma_start3A_930, %dma_start3A_931] : memref<2x40x50xi32, #tpu.memory_space<vmem>> -> memref<1x40x50xi32, #tpu.memory_space<vmem>>
    %dma_start3A_933 = tpu.memref_squeeze %dma_start3A_932 : memref<1x40x50xi32, #tpu.memory_space<vmem>> -> memref<40x50xi32, #tpu.memory_space<vmem>>
    %dma_start3A_934 = arith.constant 0 : i32
    %dma_start3A_935 = tpu.memref_slice %dma_start3A_933[%dma_start3A_929, %dma_start3A_934] : memref<40x50xi32, #tpu.memory_space<vmem>> -> memref<1x50xi32, #tpu.memory_space<vmem>>
    %dma_start3A_936 = tpu.memref_squeeze %dma_start3A_935 : memref<1x50xi32, #tpu.memory_space<vmem>> -> memref<50xi32, #tpu.memory_space<vmem>>
    %dma_start3A_937 = arith.constant 0 : i32
    %dma_start3A_938 = arith.constant 0 : i32
    %dma_start3A_939 = tpu.memref_slice %arg3[%dma_start3A_937, %dma_start3A_938] : memref<10000x128xf32, #tpu.memory_space<hbm>> -> memref<10000x128xf32, #tpu.memory_space<hbm>>
    tpu.enqueue_indirect_dma source(%dma_start3A_939 : memref<10000x128xf32, #tpu.memory_space<hbm>>) target(%arg9 : memref<50x128xf32, #tpu.memory_space<vmem>>) offsets(%dma_start3A_936 : memref<50xi32, #tpu.memory_space<vmem>>) semaphore(%arg14 : memref<!tpu.dma_semaphore, #tpu.memory_space<semaphore_mem>>)
    %dma_wait3A_940 = arith.constant 0 : i32
    %dma_wait3A_941 = arith.constant 39 : i32
    %dma_wait3A_942 = arith.constant 0 : i32
    %dma_wait3A_943 = arith.constant 0 : i32
    %dma_wait3A_944 = tpu.memref_slice %arg5[%dma_wait3A_940, %dma_wait3A_942, %dma_wait3A_943] : memref<2x40x50xi32, #tpu.memory_space<vmem>> -> memref<1x40x50xi32, #tpu.memory_space<vmem>>
    %dma_wait3A_945 = tpu.memref_squeeze %dma_wait3A_944 : memref<1x40x50xi32, #tpu.memory_space<vmem>> -> memref<40x50xi32, #tpu.memory_space<vmem>>
    %dma_wait3A_946 = arith.constant 0 : i32
    %dma_wait3A_947 = tpu.memref_slice %dma_wait3A_945[%dma_wait3A_941, %dma_wait3A_946] : memref<40x50xi32, #tpu.memory_space<vmem>> -> memref<1x50xi32, #tpu.memory_space<vmem>>
    %dma_wait3A_948 = tpu.memref_squeeze %dma_wait3A_947 : memref<1x50xi32, #tpu.memory_space<vmem>> -> memref<50xi32, #tpu.memory_space<vmem>>
    %dma_wait3A_949 = arith.constant 0 : i32
    %dma_wait3A_950 = arith.constant 0 : i32
    %dma_wait3A_951 = tpu.memref_slice %arg3[%dma_wait3A_949, %dma_wait3A_950] : memref<10000x128xf32, #tpu.memory_space<hbm>> -> memref<10000x128xf32, #tpu.memory_space<hbm>>
    tpu.wait_indirect_dma semaphore(%arg15 : memref<!tpu.dma_semaphore, #tpu.memory_space<semaphore_mem>>) src(%dma_wait3A_951 : memref<10000x128xf32, #tpu.memory_space<hbm>>) dst(%arg10 : memref<50x128xf32, #tpu.memory_space<vmem>>)
    %dma_start3A_952 = arith.constant 0 : i32
    %dma_start3A_953 = arith.constant 39 : i32
    %dma_start3A_954 = arith.constant 0 : i32
    %dma_start3A_955 = arith.constant 0 : i32
    %dma_start3A_956 = tpu.memref_slice %arg6[%dma_start3A_952, %dma_start3A_954, %dma_start3A_955] : memref<2x40x50xi32, #tpu.memory_space<vmem>> -> memref<1x40x50xi32, #tpu.memory_space<vmem>>
    %dma_start3A_957 = tpu.memref_squeeze %dma_start3A_956 : memref<1x40x50xi32, #tpu.memory_space<vmem>> -> memref<40x50xi32, #tpu.memory_space<vmem>>
    %dma_start3A_958 = arith.constant 0 : i32
    %dma_start3A_959 = tpu.memref_slice %dma_start3A_957[%dma_start3A_953, %dma_start3A_958] : memref<40x50xi32, #tpu.memory_space<vmem>> -> memref<1x50xi32, #tpu.memory_space<vmem>>
    %dma_start3A_960 = tpu.memref_squeeze %dma_start3A_959 : memref<1x50xi32, #tpu.memory_space<vmem>> -> memref<50xi32, #tpu.memory_space<vmem>>
    %dma_start3A_961 = arith.constant 0 : i32
    %dma_start3A_962 = arith.constant 0 : i32
    %dma_start3A_963 = tpu.memref_slice %arg11[%dma_start3A_961, %dma_start3A_962] : memref<10240x128xf32, #tpu.memory_space<vmem_shared>> -> memref<10240x128xf32, #tpu.memory_space<vmem_shared>>
    tpu.enqueue_indirect_dma source(%arg10 : memref<50x128xf32, #tpu.memory_space<vmem>>) target(%dma_start3A_963 : memref<10240x128xf32, #tpu.memory_space<vmem_shared>>) offsets(%dma_start3A_960 : memref<50xi32, #tpu.memory_space<vmem>>) semaphore(%arg15 : memref<!tpu.dma_semaphore, #tpu.memory_space<semaphore_mem>>) {add = true}
    %dma_start3A_964 = arith.constant 0 : i32
    %dma_start3A_965 = arith.constant 2 : i32
    %dma_start3A_966 = arith.constant 0 : i32
    %dma_start3A_967 = arith.constant 0 : i32
    %dma_start3A_968 = arith.constant 0 : i32
    %dma_start3A_969 = tpu.memref_slice %arg5[%dma_start3A_966, %dma_start3A_967, %dma_start3A_968] : memref<2x40x50xi32, #tpu.memory_space<vmem>> -> memref<1x40x50xi32, #tpu.memory_space<vmem>>
    %dma_start3A_970 = tpu.memref_squeeze %dma_start3A_969 : memref<1x40x50xi32, #tpu.memory_space<vmem>> -> memref<40x50xi32, #tpu.memory_space<vmem>>
    %dma_start3A_971 = arith.constant 0 : i32
    %dma_start3A_972 = arith.constant 0 : i32
    %dma_start3A_973 = arith.constant 0 : i32
    %dma_start3A_974 = arith.constant 0 : i32
    %dma_start3A_975 = tpu.memref_slice %arg2[%dma_start3A_964, %dma_start3A_971, %dma_start3A_972, %dma_start3A_973, %dma_start3A_974] : memref<2x32x5x40x50xi32, #tpu.memory_space<hbm>> -> memref<1x32x5x40x50xi32, #tpu.memory_space<hbm>>
    %dma_start3A_976 = tpu.memref_squeeze %dma_start3A_975 : memref<1x32x5x40x50xi32, #tpu.memory_space<hbm>> -> memref<32x5x40x50xi32, #tpu.memory_space<hbm>>
    %dma_start3A_977 = arith.constant 0 : i32
    %dma_start3A_978 = arith.constant 0 : i32
    %dma_start3A_979 = tpu.memref_slice %dma_start3A_976[%add3A, %dma_start3A_965, %dma_start3A_977, %dma_start3A_978] : memref<32x5x40x50xi32, #tpu.memory_space<hbm>> -> memref<1x1x40x50xi32, #tpu.memory_space<hbm>>
    %dma_start3A_980 = tpu.memref_squeeze %dma_start3A_979 : memref<1x1x40x50xi32, #tpu.memory_space<hbm>> -> memref<40x50xi32, #tpu.memory_space<hbm>>
    %dma_start3A_981 = arith.constant 0 : i32
    %dma_start3A_982 = arith.constant 0 : i32
    %dma_start3A_983 = tpu.memref_slice %arg5[%dma_start3A_966, %dma_start3A_981, %dma_start3A_982] : memref<2x40x50xi32, #tpu.memory_space<vmem>> -> memref<1x40x50xi32, #tpu.memory_space<vmem>>
    %dma_start3A_984 = tpu.memref_squeeze %dma_start3A_983 : memref<1x40x50xi32, #tpu.memory_space<vmem>> -> memref<40x50xi32, #tpu.memory_space<vmem>>
    %dma_start3A_985 = arith.constant 0 : i32
    %dma_start3A_986 = arith.constant 0 : i32
    %dma_start3A_987 = arith.constant 0 : i32
    %dma_start3A_988 = arith.constant 0 : i32
    %dma_start3A_989 = tpu.memref_slice %arg2[%dma_start3A_964, %dma_start3A_985, %dma_start3A_986, %dma_start3A_987, %dma_start3A_988] : memref<2x32x5x40x50xi32, #tpu.memory_space<hbm>> -> memref<1x32x5x40x50xi32, #tpu.memory_space<hbm>>
    %dma_start3A_990 = tpu.memref_squeeze %dma_start3A_989 : memref<1x32x5x40x50xi32, #tpu.memory_space<hbm>> -> memref<32x5x40x50xi32, #tpu.memory_space<hbm>>
    %dma_start3A_991 = arith.constant 0 : i32
    %dma_start3A_992 = arith.constant 0 : i32
    %dma_start3A_993 = tpu.memref_slice %dma_start3A_990[%add3A, %dma_start3A_965, %dma_start3A_991, %dma_start3A_992] : memref<32x5x40x50xi32, #tpu.memory_space<hbm>> -> memref<1x1x40x50xi32, #tpu.memory_space<hbm>>
    %dma_start3A_994 = tpu.memref_squeeze %dma_start3A_993 : memref<1x1x40x50xi32, #tpu.memory_space<hbm>> -> memref<40x50xi32, #tpu.memory_space<hbm>>
    tpu.enqueue_dma source(%dma_start3A_994 : memref<40x50xi32, #tpu.memory_space<hbm>>) target(%dma_start3A_984 : memref<40x50xi32, #tpu.memory_space<vmem>>) target_semaphore(%arg16 : memref<!tpu.dma_semaphore, #tpu.memory_space<semaphore_mem>>)
    %dma_start3A_995 = arith.constant 1 : i32
    %dma_start3A_996 = arith.constant 2 : i32
    %dma_start3A_997 = arith.constant 0 : i32
    %dma_start3A_998 = arith.constant 0 : i32
    %dma_start3A_999 = arith.constant 0 : i32
    %dma_start3A_1000 = tpu.memref_slice %arg6[%dma_start3A_997, %dma_start3A_998, %dma_start3A_999] : memref<2x40x50xi32, #tpu.memory_space<vmem>> -> memref<1x40x50xi32, #tpu.memory_space<vmem>>
    %dma_start3A_1001 = tpu.memref_squeeze %dma_start3A_1000 : memref<1x40x50xi32, #tpu.memory_space<vmem>> -> memref<40x50xi32, #tpu.memory_space<vmem>>
    %dma_start3A_1002 = arith.constant 0 : i32
    %dma_start3A_1003 = arith.constant 0 : i32
    %dma_start3A_1004 = arith.constant 0 : i32
    %dma_start3A_1005 = arith.constant 0 : i32
    %dma_start3A_1006 = tpu.memref_slice %arg2[%dma_start3A_995, %dma_start3A_1002, %dma_start3A_1003, %dma_start3A_1004, %dma_start3A_1005] : memref<2x32x5x40x50xi32, #tpu.memory_space<hbm>> -> memref<1x32x5x40x50xi32, #tpu.memory_space<hbm>>
    %dma_start3A_1007 = tpu.memref_squeeze %dma_start3A_1006 : memref<1x32x5x40x50xi32, #tpu.memory_space<hbm>> -> memref<32x5x40x50xi32, #tpu.memory_space<hbm>>
    %dma_start3A_1008 = arith.constant 0 : i32
    %dma_start3A_1009 = arith.constant 0 : i32
    %dma_start3A_1010 = tpu.memref_slice %dma_start3A_1007[%add3A, %dma_start3A_996, %dma_start3A_1008, %dma_start3A_1009] : memref<32x5x40x50xi32, #tpu.memory_space<hbm>> -> memref<1x1x40x50xi32, #tpu.memory_space<hbm>>
    %dma_start3A_1011 = tpu.memref_squeeze %dma_start3A_1010 : memref<1x1x40x50xi32, #tpu.memory_space<hbm>> -> memref<40x50xi32, #tpu.memory_space<hbm>>
    %dma_start3A_1012 = arith.constant 0 : i32
    %dma_start3A_1013 = arith.constant 0 : i32
    %dma_start3A_1014 = tpu.memref_slice %arg6[%dma_start3A_997, %dma_start3A_1012, %dma_start3A_1013] : memref<2x40x50xi32, #tpu.memory_space<vmem>> -> memref<1x40x50xi32, #tpu.memory_space<vmem>>
    %dma_start3A_1015 = tpu.memref_squeeze %dma_start3A_1014 : memref<1x40x50xi32, #tpu.memory_space<vmem>> -> memref<40x50xi32, #tpu.memory_space<vmem>>
    %dma_start3A_1016 = arith.constant 0 : i32
    %dma_start3A_1017 = arith.constant 0 : i32
    %dma_start3A_1018 = arith.constant 0 : i32
    %dma_start3A_1019 = arith.constant 0 : i32
    %dma_start3A_1020 = tpu.memref_slice %arg2[%dma_start3A_995, %dma_start3A_1016, %dma_start3A_1017, %dma_start3A_1018, %dma_start3A_1019] : memref<2x32x5x40x50xi32, #tpu.memory_space<hbm>> -> memref<1x32x5x40x50xi32, #tpu.memory_space<hbm>>
    %dma_start3A_1021 = tpu.memref_squeeze %dma_start3A_1020 : memref<1x32x5x40x50xi32, #tpu.memory_space<hbm>> -> memref<32x5x40x50xi32, #tpu.memory_space<hbm>>
    %dma_start3A_1022 = arith.constant 0 : i32
    %dma_start3A_1023 = arith.constant 0 : i32
    %dma_start3A_1024 = tpu.memref_slice %dma_start3A_1021[%add3A, %dma_start3A_996, %dma_start3A_1022, %dma_start3A_1023] : memref<32x5x40x50xi32, #tpu.memory_space<hbm>> -> memref<1x1x40x50xi32, #tpu.memory_space<hbm>>
    %dma_start3A_1025 = tpu.memref_squeeze %dma_start3A_1024 : memref<1x1x40x50xi32, #tpu.memory_space<hbm>> -> memref<40x50xi32, #tpu.memory_space<hbm>>
    tpu.enqueue_dma source(%dma_start3A_1025 : memref<40x50xi32, #tpu.memory_space<hbm>>) target(%dma_start3A_1015 : memref<40x50xi32, #tpu.memory_space<vmem>>) target_semaphore(%arg16 : memref<!tpu.dma_semaphore, #tpu.memory_space<semaphore_mem>>)
    %scan3A_1026 = arith.constant 1 : i32
    %scan3A_1027 = arith.constant 1 : i32
    %scan3A_1028 = arith.constant 0 : i32
    %scan3A_1029 = arith.constant 9 : i32
    %scan3A_1030 = arith.addi %scan3A_1028, %scan3A_1029 : i32
    %scan3A_1031 = arith.constant 1 : i32
    scf.for %scan3A_2229 = %scan3A_1028 to %scan3A_1030 step %scan3A_1031  : i32 {
      %mul3A_2230 = arith.constant 4 : i32
      %mul3A_2231 = arith.muli %scan3A_2229, %mul3A_2230 : i32
      %add3A_2232 = arith.constant 0 : i32
      %add3A_2233 = arith.addi %add3A_2232, %mul3A_2231 : i32
      %add3A_2234 = arith.constant 0 : i32
      %add3A_2235 = arith.addi %add3A_2233, %add3A_2234 : i32
      %sub3A = arith.constant 1 : i32
      %sub3A_2236 = arith.subi %add3A_2235, %sub3A : i32
      %max3A = arith.constant 0 : i32
      %max3A_2237 = arith.maxsi %sub3A_2236, %max3A : i32
      %dma_wait3A_2238 = arith.constant 0 : i32
      %dma_wait3A_2239 = arith.constant 0 : i32
      %dma_wait3A_2240 = tpu.memref_slice %arg6[%scan3A_1026, %dma_wait3A_2238, %dma_wait3A_2239] : memref<2x40x50xi32, #tpu.memory_space<vmem>> -> memref<1x40x50xi32, #tpu.memory_space<vmem>>
      %dma_wait3A_2241 = tpu.memref_squeeze %dma_wait3A_2240 : memref<1x40x50xi32, #tpu.memory_space<vmem>> -> memref<40x50xi32, #tpu.memory_space<vmem>>
      %dma_wait3A_2242 = arith.constant 0 : i32
      %dma_wait3A_2243 = tpu.memref_slice %dma_wait3A_2241[%max3A_2237, %dma_wait3A_2242] : memref<40x50xi32, #tpu.memory_space<vmem>> -> memref<1x50xi32, #tpu.memory_space<vmem>>
      %dma_wait3A_2244 = tpu.memref_squeeze %dma_wait3A_2243 : memref<1x50xi32, #tpu.memory_space<vmem>> -> memref<50xi32, #tpu.memory_space<vmem>>
      %dma_wait3A_2245 = arith.constant 0 : i32
      %dma_wait3A_2246 = arith.constant 0 : i32
      %dma_wait3A_2247 = tpu.memref_slice %arg11[%dma_wait3A_2245, %dma_wait3A_2246] : memref<10240x128xf32, #tpu.memory_space<vmem_shared>> -> memref<10240x128xf32, #tpu.memory_space<vmem_shared>>
      tpu.wait_indirect_dma semaphore(%arg15 : memref<!tpu.dma_semaphore, #tpu.memory_space<semaphore_mem>>) src(%arg10 : memref<50x128xf32, #tpu.memory_space<vmem>>) dst(%dma_wait3A_2247 : memref<10240x128xf32, #tpu.memory_space<vmem_shared>>)
      %add3A_2248 = arith.constant 3 : i32
      %add3A_2249 = arith.addi %add3A_2235, %add3A_2248 : i32
      %dma_start3A_2250 = arith.constant 0 : i32
      %dma_start3A_2251 = arith.constant 0 : i32
      %dma_start3A_2252 = tpu.memref_slice %arg5[%scan3A_1027, %dma_start3A_2250, %dma_start3A_2251] : memref<2x40x50xi32, #tpu.memory_space<vmem>> -> memref<1x40x50xi32, #tpu.memory_space<vmem>>
      %dma_start3A_2253 = tpu.memref_squeeze %dma_start3A_2252 : memref<1x40x50xi32, #tpu.memory_space<vmem>> -> memref<40x50xi32, #tpu.memory_space<vmem>>
      %dma_start3A_2254 = arith.constant 0 : i32
      %dma_start3A_2255 = tpu.memref_slice %dma_start3A_2253[%add3A_2249, %dma_start3A_2254] : memref<40x50xi32, #tpu.memory_space<vmem>> -> memref<1x50xi32, #tpu.memory_space<vmem>>
      %dma_start3A_2256 = tpu.memref_squeeze %dma_start3A_2255 : memref<1x50xi32, #tpu.memory_space<vmem>> -> memref<50xi32, #tpu.memory_space<vmem>>
      %dma_start3A_2257 = arith.constant 0 : i32
      %dma_start3A_2258 = arith.constant 0 : i32
      %dma_start3A_2259 = tpu.memref_slice %arg3[%dma_start3A_2257, %dma_start3A_2258] : memref<10000x128xf32, #tpu.memory_space<hbm>> -> memref<10000x128xf32, #tpu.memory_space<hbm>>
      tpu.enqueue_indirect_dma source(%dma_start3A_2259 : memref<10000x128xf32, #tpu.memory_space<hbm>>) target(%arg10 : memref<50x128xf32, #tpu.memory_space<vmem>>) offsets(%dma_start3A_2256 : memref<50xi32, #tpu.memory_space<vmem>>) semaphore(%arg15 : memref<!tpu.dma_semaphore, #tpu.memory_space<semaphore_mem>>)
      %dma_wait3A_2260 = arith.constant 0 : i32
      %dma_wait3A_2261 = arith.constant 0 : i32
      %dma_wait3A_2262 = tpu.memref_slice %arg5[%scan3A_1027, %dma_wait3A_2260, %dma_wait3A_2261] : memref<2x40x50xi32, #tpu.memory_space<vmem>> -> memref<1x40x50xi32, #tpu.memory_space<vmem>>
      %dma_wait3A_2263 = tpu.memref_squeeze %dma_wait3A_2262 : memref<1x40x50xi32, #tpu.memory_space<vmem>> -> memref<40x50xi32, #tpu.memory_space<vmem>>
      %dma_wait3A_2264 = arith.constant 0 : i32
      %dma_wait3A_2265 = tpu.memref_slice %dma_wait3A_2263[%add3A_2235, %dma_wait3A_2264] : memref<40x50xi32, #tpu.memory_space<vmem>> -> memref<1x50xi32, #tpu.memory_space<vmem>>
      %dma_wait3A_2266 = tpu.memref_squeeze %dma_wait3A_2265 : memref<1x50xi32, #tpu.memory_space<vmem>> -> memref<50xi32, #tpu.memory_space<vmem>>
      %dma_wait3A_2267 = arith.constant 0 : i32
      %dma_wait3A_2268 = arith.constant 0 : i32
      %dma_wait3A_2269 = tpu.memref_slice %arg3[%dma_wait3A_2267, %dma_wait3A_2268] : memref<10000x128xf32, #tpu.memory_space<hbm>> -> memref<10000x128xf32, #tpu.memory_space<hbm>>
      tpu.wait_indirect_dma semaphore(%arg12 : memref<!tpu.dma_semaphore, #tpu.memory_space<semaphore_mem>>) src(%dma_wait3A_2269 : memref<10000x128xf32, #tpu.memory_space<hbm>>) dst(%arg7 : memref<50x128xf32, #tpu.memory_space<vmem>>)
      %dma_start3A_2270 = arith.constant 0 : i32
      %dma_start3A_2271 = arith.constant 0 : i32
      %dma_start3A_2272 = tpu.memref_slice %arg6[%scan3A_1026, %dma_start3A_2270, %dma_start3A_2271] : memref<2x40x50xi32, #tpu.memory_space<vmem>> -> memref<1x40x50xi32, #tpu.memory_space<vmem>>
      %dma_start3A_2273 = tpu.memref_squeeze %dma_start3A_2272 : memref<1x40x50xi32, #tpu.memory_space<vmem>> -> memref<40x50xi32, #tpu.memory_space<vmem>>
      %dma_start3A_2274 = arith.constant 0 : i32
      %dma_start3A_2275 = tpu.memref_slice %dma_start3A_2273[%add3A_2235, %dma_start3A_2274] : memref<40x50xi32, #tpu.memory_space<vmem>> -> memref<1x50xi32, #tpu.memory_space<vmem>>
      %dma_start3A_2276 = tpu.memref_squeeze %dma_start3A_2275 : memref<1x50xi32, #tpu.memory_space<vmem>> -> memref<50xi32, #tpu.memory_space<vmem>>
      %dma_start3A_2277 = arith.constant 0 : i32
      %dma_start3A_2278 = arith.constant 0 : i32
      %dma_start3A_2279 = tpu.memref_slice %arg11[%dma_start3A_2277, %dma_start3A_2278] : memref<10240x128xf32, #tpu.memory_space<vmem_shared>> -> memref<10240x128xf32, #tpu.memory_space<vmem_shared>>
      tpu.enqueue_indirect_dma source(%arg7 : memref<50x128xf32, #tpu.memory_space<vmem>>) target(%dma_start3A_2279 : memref<10240x128xf32, #tpu.memory_space<vmem_shared>>) offsets(%dma_start3A_2276 : memref<50xi32, #tpu.memory_space<vmem>>) semaphore(%arg12 : memref<!tpu.dma_semaphore, #tpu.memory_space<semaphore_mem>>) {add = true}
      %add3A_2280 = arith.constant 1 : i32
      %add3A_2281 = arith.addi %add3A_2233, %add3A_2280 : i32
      %sub3A_2282 = arith.constant 1 : i32
      %sub3A_2283 = arith.subi %add3A_2281, %sub3A_2282 : i32
      %max3A_2284 = arith.constant 0 : i32
      %max3A_2285 = arith.maxsi %sub3A_2283, %max3A_2284 : i32
      %dma_wait3A_2286 = arith.constant 0 : i32
      %dma_wait3A_2287 = arith.constant 0 : i32
      %dma_wait3A_2288 = tpu.memref_slice %arg6[%scan3A_1026, %dma_wait3A_2286, %dma_wait3A_2287] : memref<2x40x50xi32, #tpu.memory_space<vmem>> -> memref<1x40x50xi32, #tpu.memory_space<vmem>>
      %dma_wait3A_2289 = tpu.memref_squeeze %dma_wait3A_2288 : memref<1x40x50xi32, #tpu.memory_space<vmem>> -> memref<40x50xi32, #tpu.memory_space<vmem>>
      %dma_wait3A_2290 = arith.constant 0 : i32
      %dma_wait3A_2291 = tpu.memref_slice %dma_wait3A_2289[%max3A_2285, %dma_wait3A_2290] : memref<40x50xi32, #tpu.memory_space<vmem>> -> memref<1x50xi32, #tpu.memory_space<vmem>>
      %dma_wait3A_2292 = tpu.memref_squeeze %dma_wait3A_2291 : memref<1x50xi32, #tpu.memory_space<vmem>> -> memref<50xi32, #tpu.memory_space<vmem>>
      %dma_wait3A_2293 = arith.constant 0 : i32
      %dma_wait3A_2294 = arith.constant 0 : i32
      %dma_wait3A_2295 = tpu.memref_slice %arg11[%dma_wait3A_2293, %dma_wait3A_2294] : memref<10240x128xf32, #tpu.memory_space<vmem_shared>> -> memref<10240x128xf32, #tpu.memory_space<vmem_shared>>
      tpu.wait_indirect_dma semaphore(%arg12 : memref<!tpu.dma_semaphore, #tpu.memory_space<semaphore_mem>>) src(%arg7 : memref<50x128xf32, #tpu.memory_space<vmem>>) dst(%dma_wait3A_2295 : memref<10240x128xf32, #tpu.memory_space<vmem_shared>>)
      %add3A_2296 = arith.constant 3 : i32
      %add3A_2297 = arith.addi %add3A_2281, %add3A_2296 : i32
      %dma_start3A_2298 = arith.constant 0 : i32
      %dma_start3A_2299 = arith.constant 0 : i32
      %dma_start3A_2300 = tpu.memref_slice %arg5[%scan3A_1027, %dma_start3A_2298, %dma_start3A_2299] : memref<2x40x50xi32, #tpu.memory_space<vmem>> -> memref<1x40x50xi32, #tpu.memory_space<vmem>>
      %dma_start3A_2301 = tpu.memref_squeeze %dma_start3A_2300 : memref<1x40x50xi32, #tpu.memory_space<vmem>> -> memref<40x50xi32, #tpu.memory_space<vmem>>
      %dma_start3A_2302 = arith.constant 0 : i32
      %dma_start3A_2303 = tpu.memref_slice %dma_start3A_2301[%add3A_2297, %dma_start3A_2302] : memref<40x50xi32, #tpu.memory_space<vmem>> -> memref<1x50xi32, #tpu.memory_space<vmem>>
      %dma_start3A_2304 = tpu.memref_squeeze %dma_start3A_2303 : memref<1x50xi32, #tpu.memory_space<vmem>> -> memref<50xi32, #tpu.memory_space<vmem>>
      %dma_start3A_2305 = arith.constant 0 : i32
      %dma_start3A_2306 = arith.constant 0 : i32
      %dma_start3A_2307 = tpu.memref_slice %arg3[%dma_start3A_2305, %dma_start3A_2306] : memref<10000x128xf32, #tpu.memory_space<hbm>> -> memref<10000x128xf32, #tpu.memory_space<hbm>>
      tpu.enqueue_indirect_dma source(%dma_start3A_2307 : memref<10000x128xf32, #tpu.memory_space<hbm>>) target(%arg7 : memref<50x128xf32, #tpu.memory_space<vmem>>) offsets(%dma_start3A_2304 : memref<50xi32, #tpu.memory_space<vmem>>) semaphore(%arg12 : memref<!tpu.dma_semaphore, #tpu.memory_space<semaphore_mem>>)
      %dma_wait3A_2308 = arith.constant 0 : i32
      %dma_wait3A_2309 = arith.constant 0 : i32
      %dma_wait3A_2310 = tpu.memref_slice %arg5[%scan3A_1027, %dma_wait3A_2308, %dma_wait3A_2309] : memref<2x40x50xi32, #tpu.memory_space<vmem>> -> memref<1x40x50xi32, #tpu.memory_space<vmem>>
      %dma_wait3A_2311 = tpu.memref_squeeze %dma_wait3A_2310 : memref<1x40x50xi32, #tpu.memory_space<vmem>> -> memref<40x50xi32, #tpu.memory_space<vmem>>
      %dma_wait3A_2312 = arith.constant 0 : i32
      %dma_wait3A_2313 = tpu.memref_slice %dma_wait3A_2311[%add3A_2281, %dma_wait3A_2312] : memref<40x50xi32, #tpu.memory_space<vmem>> -> memref<1x50xi32, #tpu.memory_space<vmem>>
      %dma_wait3A_2314 = tpu.memref_squeeze %dma_wait3A_2313 : memref<1x50xi32, #tpu.memory_space<vmem>> -> memref<50xi32, #tpu.memory_space<vmem>>
      %dma_wait3A_2315 = arith.constant 0 : i32
      %dma_wait3A_2316 = arith.constant 0 : i32
      %dma_wait3A_2317 = tpu.memref_slice %arg3[%dma_wait3A_2315, %dma_wait3A_2316] : memref<10000x128xf32, #tpu.memory_space<hbm>> -> memref<10000x128xf32, #tpu.memory_space<hbm>>
      tpu.wait_indirect_dma semaphore(%arg13 : memref<!tpu.dma_semaphore, #tpu.memory_space<semaphore_mem>>) src(%dma_wait3A_2317 : memref<10000x128xf32, #tpu.memory_space<hbm>>) dst(%arg8 : memref<50x128xf32, #tpu.memory_space<vmem>>)
      %dma_start3A_2318 = arith.constant 0 : i32
      %dma_start3A_2319 = arith.constant 0 : i32
      %dma_start3A_2320 = tpu.memref_slice %arg6[%scan3A_1026, %dma_start3A_2318, %dma_start3A_2319] : memref<2x40x50xi32, #tpu.memory_space<vmem>> -> memref<1x40x50xi32, #tpu.memory_space<vmem>>
      %dma_start3A_2321 = tpu.memref_squeeze %dma_start3A_2320 : memref<1x40x50xi32, #tpu.memory_space<vmem>> -> memref<40x50xi32, #tpu.memory_space<vmem>>
      %dma_start3A_2322 = arith.constant 0 : i32
      %dma_start3A_2323 = tpu.memref_slice %dma_start3A_2321[%add3A_2281, %dma_start3A_2322] : memref<40x50xi32, #tpu.memory_space<vmem>> -> memref<1x50xi32, #tpu.memory_space<vmem>>
      %dma_start3A_2324 = tpu.memref_squeeze %dma_start3A_2323 : memref<1x50xi32, #tpu.memory_space<vmem>> -> memref<50xi32, #tpu.memory_space<vmem>>
      %dma_start3A_2325 = arith.constant 0 : i32
      %dma_start3A_2326 = arith.constant 0 : i32
      %dma_start3A_2327 = tpu.memref_slice %arg11[%dma_start3A_2325, %dma_start3A_2326] : memref<10240x128xf32, #tpu.memory_space<vmem_shared>> -> memref<10240x128xf32, #tpu.memory_space<vmem_shared>>
      tpu.enqueue_indirect_dma source(%arg8 : memref<50x128xf32, #tpu.memory_space<vmem>>) target(%dma_start3A_2327 : memref<10240x128xf32, #tpu.memory_space<vmem_shared>>) offsets(%dma_start3A_2324 : memref<50xi32, #tpu.memory_space<vmem>>) semaphore(%arg13 : memref<!tpu.dma_semaphore, #tpu.memory_space<semaphore_mem>>) {add = true}
      %add3A_2328 = arith.constant 2 : i32
      %add3A_2329 = arith.addi %add3A_2233, %add3A_2328 : i32
      %sub3A_2330 = arith.constant 1 : i32
      %sub3A_2331 = arith.subi %add3A_2329, %sub3A_2330 : i32
      %max3A_2332 = arith.constant 0 : i32
      %max3A_2333 = arith.maxsi %sub3A_2331, %max3A_2332 : i32
      %dma_wait3A_2334 = arith.constant 0 : i32
      %dma_wait3A_2335 = arith.constant 0 : i32
      %dma_wait3A_2336 = tpu.memref_slice %arg6[%scan3A_1026, %dma_wait3A_2334, %dma_wait3A_2335] : memref<2x40x50xi32, #tpu.memory_space<vmem>> -> memref<1x40x50xi32, #tpu.memory_space<vmem>>
      %dma_wait3A_2337 = tpu.memref_squeeze %dma_wait3A_2336 : memref<1x40x50xi32, #tpu.memory_space<vmem>> -> memref<40x50xi32, #tpu.memory_space<vmem>>
      %dma_wait3A_2338 = arith.constant 0 : i32
      %dma_wait3A_2339 = tpu.memref_slice %dma_wait3A_2337[%max3A_2333, %dma_wait3A_2338] : memref<40x50xi32, #tpu.memory_space<vmem>> -> memref<1x50xi32, #tpu.memory_space<vmem>>
      %dma_wait3A_2340 = tpu.memref_squeeze %dma_wait3A_2339 : memref<1x50xi32, #tpu.memory_space<vmem>> -> memref<50xi32, #tpu.memory_space<vmem>>
      %dma_wait3A_2341 = arith.constant 0 : i32
      %dma_wait3A_2342 = arith.constant 0 : i32
      %dma_wait3A_2343 = tpu.memref_slice %arg11[%dma_wait3A_2341, %dma_wait3A_2342] : memref<10240x128xf32, #tpu.memory_space<vmem_shared>> -> memref<10240x128xf32, #tpu.memory_space<vmem_shared>>
      tpu.wait_indirect_dma semaphore(%arg13 : memref<!tpu.dma_semaphore, #tpu.memory_space<semaphore_mem>>) src(%arg8 : memref<50x128xf32, #tpu.memory_space<vmem>>) dst(%dma_wait3A_2343 : memref<10240x128xf32, #tpu.memory_space<vmem_shared>>)
      %add3A_2344 = arith.constant 3 : i32
      %add3A_2345 = arith.addi %add3A_2329, %add3A_2344 : i32
      %dma_start3A_2346 = arith.constant 0 : i32
      %dma_start3A_2347 = arith.constant 0 : i32
      %dma_start3A_2348 = tpu.memref_slice %arg5[%scan3A_1027, %dma_start3A_2346, %dma_start3A_2347] : memref<2x40x50xi32, #tpu.memory_space<vmem>> -> memref<1x40x50xi32, #tpu.memory_space<vmem>>
      %dma_start3A_2349 = tpu.memref_squeeze %dma_start3A_2348 : memref<1x40x50xi32, #tpu.memory_space<vmem>> -> memref<40x50xi32, #tpu.memory_space<vmem>>
      %dma_start3A_2350 = arith.constant 0 : i32
      %dma_start3A_2351 = tpu.memref_slice %dma_start3A_2349[%add3A_2345, %dma_start3A_2350] : memref<40x50xi32, #tpu.memory_space<vmem>> -> memref<1x50xi32, #tpu.memory_space<vmem>>
      %dma_start3A_2352 = tpu.memref_squeeze %dma_start3A_2351 : memref<1x50xi32, #tpu.memory_space<vmem>> -> memref<50xi32, #tpu.memory_space<vmem>>
      %dma_start3A_2353 = arith.constant 0 : i32
      %dma_start3A_2354 = arith.constant 0 : i32
      %dma_start3A_2355 = tpu.memref_slice %arg3[%dma_start3A_2353, %dma_start3A_2354] : memref<10000x128xf32, #tpu.memory_space<hbm>> -> memref<10000x128xf32, #tpu.memory_space<hbm>>
      tpu.enqueue_indirect_dma source(%dma_start3A_2355 : memref<10000x128xf32, #tpu.memory_space<hbm>>) target(%arg8 : memref<50x128xf32, #tpu.memory_space<vmem>>) offsets(%dma_start3A_2352 : memref<50xi32, #tpu.memory_space<vmem>>) semaphore(%arg13 : memref<!tpu.dma_semaphore, #tpu.memory_space<semaphore_mem>>)
      %dma_wait3A_2356 = arith.constant 0 : i32
      %dma_wait3A_2357 = arith.constant 0 : i32
      %dma_wait3A_2358 = tpu.memref_slice %arg5[%scan3A_1027, %dma_wait3A_2356, %dma_wait3A_2357] : memref<2x40x50xi32, #tpu.memory_space<vmem>> -> memref<1x40x50xi32, #tpu.memory_space<vmem>>
      %dma_wait3A_2359 = tpu.memref_squeeze %dma_wait3A_2358 : memref<1x40x50xi32, #tpu.memory_space<vmem>> -> memref<40x50xi32, #tpu.memory_space<vmem>>
      %dma_wait3A_2360 = arith.constant 0 : i32
      %dma_wait3A_2361 = tpu.memref_slice %dma_wait3A_2359[%add3A_2329, %dma_wait3A_2360] : memref<40x50xi32, #tpu.memory_space<vmem>> -> memref<1x50xi32, #tpu.memory_space<vmem>>
      %dma_wait3A_2362 = tpu.memref_squeeze %dma_wait3A_2361 : memref<1x50xi32, #tpu.memory_space<vmem>> -> memref<50xi32, #tpu.memory_space<vmem>>
      %dma_wait3A_2363 = arith.constant 0 : i32
      %dma_wait3A_2364 = arith.constant 0 : i32
      %dma_wait3A_2365 = tpu.memref_slice %arg3[%dma_wait3A_2363, %dma_wait3A_2364] : memref<10000x128xf32, #tpu.memory_space<hbm>> -> memref<10000x128xf32, #tpu.memory_space<hbm>>
      tpu.wait_indirect_dma semaphore(%arg14 : memref<!tpu.dma_semaphore, #tpu.memory_space<semaphore_mem>>) src(%dma_wait3A_2365 : memref<10000x128xf32, #tpu.memory_space<hbm>>) dst(%arg9 : memref<50x128xf32, #tpu.memory_space<vmem>>)
      %dma_start3A_2366 = arith.constant 0 : i32
      %dma_start3A_2367 = arith.constant 0 : i32
      %dma_start3A_2368 = tpu.memref_slice %arg6[%scan3A_1026, %dma_start3A_2366, %dma_start3A_2367] : memref<2x40x50xi32, #tpu.memory_space<vmem>> -> memref<1x40x50xi32, #tpu.memory_space<vmem>>
      %dma_start3A_2369 = tpu.memref_squeeze %dma_start3A_2368 : memref<1x40x50xi32, #tpu.memory_space<vmem>> -> memref<40x50xi32, #tpu.memory_space<vmem>>
      %dma_start3A_2370 = arith.constant 0 : i32
      %dma_start3A_2371 = tpu.memref_slice %dma_start3A_2369[%add3A_2329, %dma_start3A_2370] : memref<40x50xi32, #tpu.memory_space<vmem>> -> memref<1x50xi32, #tpu.memory_space<vmem>>
      %dma_start3A_2372 = tpu.memref_squeeze %dma_start3A_2371 : memref<1x50xi32, #tpu.memory_space<vmem>> -> memref<50xi32, #tpu.memory_space<vmem>>
      %dma_start3A_2373 = arith.constant 0 : i32
      %dma_start3A_2374 = arith.constant 0 : i32
      %dma_start3A_2375 = tpu.memref_slice %arg11[%dma_start3A_2373, %dma_start3A_2374] : memref<10240x128xf32, #tpu.memory_space<vmem_shared>> -> memref<10240x128xf32, #tpu.memory_space<vmem_shared>>
      tpu.enqueue_indirect_dma source(%arg9 : memref<50x128xf32, #tpu.memory_space<vmem>>) target(%dma_start3A_2375 : memref<10240x128xf32, #tpu.memory_space<vmem_shared>>) offsets(%dma_start3A_2372 : memref<50xi32, #tpu.memory_space<vmem>>) semaphore(%arg14 : memref<!tpu.dma_semaphore, #tpu.memory_space<semaphore_mem>>) {add = true}
      %add3A_2376 = arith.constant 3 : i32
      %add3A_2377 = arith.addi %add3A_2233, %add3A_2376 : i32
      %sub3A_2378 = arith.constant 1 : i32
      %sub3A_2379 = arith.subi %add3A_2377, %sub3A_2378 : i32
      %max3A_2380 = arith.constant 0 : i32
      %max3A_2381 = arith.maxsi %sub3A_2379, %max3A_2380 : i32
      %dma_wait3A_2382 = arith.constant 0 : i32
      %dma_wait3A_2383 = arith.constant 0 : i32
      %dma_wait3A_2384 = tpu.memref_slice %arg6[%scan3A_1026, %dma_wait3A_2382, %dma_wait3A_2383] : memref<2x40x50xi32, #tpu.memory_space<vmem>> -> memref<1x40x50xi32, #tpu.memory_space<vmem>>
      %dma_wait3A_2385 = tpu.memref_squeeze %dma_wait3A_2384 : memref<1x40x50xi32, #tpu.memory_space<vmem>> -> memref<40x50xi32, #tpu.memory_space<vmem>>
      %dma_wait3A_2386 = arith.constant 0 : i32
      %dma_wait3A_2387 = tpu.memref_slice %dma_wait3A_2385[%max3A_2381, %dma_wait3A_2386] : memref<40x50xi32, #tpu.memory_space<vmem>> -> memref<1x50xi32, #tpu.memory_space<vmem>>
      %dma_wait3A_2388 = tpu.memref_squeeze %dma_wait3A_2387 : memref<1x50xi32, #tpu.memory_space<vmem>> -> memref<50xi32, #tpu.memory_space<vmem>>
      %dma_wait3A_2389 = arith.constant 0 : i32
      %dma_wait3A_2390 = arith.constant 0 : i32
      %dma_wait3A_2391 = tpu.memref_slice %arg11[%dma_wait3A_2389, %dma_wait3A_2390] : memref<10240x128xf32, #tpu.memory_space<vmem_shared>> -> memref<10240x128xf32, #tpu.memory_space<vmem_shared>>
      tpu.wait_indirect_dma semaphore(%arg14 : memref<!tpu.dma_semaphore, #tpu.memory_space<semaphore_mem>>) src(%arg9 : memref<50x128xf32, #tpu.memory_space<vmem>>) dst(%dma_wait3A_2391 : memref<10240x128xf32, #tpu.memory_space<vmem_shared>>)
      %add3A_2392 = arith.constant 3 : i32
      %add3A_2393 = arith.addi %add3A_2377, %add3A_2392 : i32
      %dma_start3A_2394 = arith.constant 0 : i32
      %dma_start3A_2395 = arith.constant 0 : i32
      %dma_start3A_2396 = tpu.memref_slice %arg5[%scan3A_1027, %dma_start3A_2394, %dma_start3A_2395] : memref<2x40x50xi32, #tpu.memory_space<vmem>> -> memref<1x40x50xi32, #tpu.memory_space<vmem>>
      %dma_start3A_2397 = tpu.memref_squeeze %dma_start3A_2396 : memref<1x40x50xi32, #tpu.memory_space<vmem>> -> memref<40x50xi32, #tpu.memory_space<vmem>>
      %dma_start3A_2398 = arith.constant 0 : i32
      %dma_start3A_2399 = tpu.memref_slice %dma_start3A_2397[%add3A_2393, %dma_start3A_2398] : memref<40x50xi32, #tpu.memory_space<vmem>> -> memref<1x50xi32, #tpu.memory_space<vmem>>
      %dma_start3A_2400 = tpu.memref_squeeze %dma_start3A_2399 : memref<1x50xi32, #tpu.memory_space<vmem>> -> memref<50xi32, #tpu.memory_space<vmem>>
      %dma_start3A_2401 = arith.constant 0 : i32
      %dma_start3A_2402 = arith.constant 0 : i32
      %dma_start3A_2403 = tpu.memref_slice %arg3[%dma_start3A_2401, %dma_start3A_2402] : memref<10000x128xf32, #tpu.memory_space<hbm>> -> memref<10000x128xf32, #tpu.memory_space<hbm>>
      tpu.enqueue_indirect_dma source(%dma_start3A_2403 : memref<10000x128xf32, #tpu.memory_space<hbm>>) target(%arg9 : memref<50x128xf32, #tpu.memory_space<vmem>>) offsets(%dma_start3A_2400 : memref<50xi32, #tpu.memory_space<vmem>>) semaphore(%arg14 : memref<!tpu.dma_semaphore, #tpu.memory_space<semaphore_mem>>)
      %dma_wait3A_2404 = arith.constant 0 : i32
      %dma_wait3A_2405 = arith.constant 0 : i32
      %dma_wait3A_2406 = tpu.memref_slice %arg5[%scan3A_1027, %dma_wait3A_2404, %dma_wait3A_2405] : memref<2x40x50xi32, #tpu.memory_space<vmem>> -> memref<1x40x50xi32, #tpu.memory_space<vmem>>
      %dma_wait3A_2407 = tpu.memref_squeeze %dma_wait3A_2406 : memref<1x40x50xi32, #tpu.memory_space<vmem>> -> memref<40x50xi32, #tpu.memory_space<vmem>>
      %dma_wait3A_2408 = arith.constant 0 : i32
      %dma_wait3A_2409 = tpu.memref_slice %dma_wait3A_2407[%add3A_2377, %dma_wait3A_2408] : memref<40x50xi32, #tpu.memory_space<vmem>> -> memref<1x50xi32, #tpu.memory_space<vmem>>
      %dma_wait3A_2410 = tpu.memref_squeeze %dma_wait3A_2409 : memref<1x50xi32, #tpu.memory_space<vmem>> -> memref<50xi32, #tpu.memory_space<vmem>>
      %dma_wait3A_2411 = arith.constant 0 : i32
      %dma_wait3A_2412 = arith.constant 0 : i32
      %dma_wait3A_2413 = tpu.memref_slice %arg3[%dma_wait3A_2411, %dma_wait3A_2412] : memref<10000x128xf32, #tpu.memory_space<hbm>> -> memref<10000x128xf32, #tpu.memory_space<hbm>>
      tpu.wait_indirect_dma semaphore(%arg15 : memref<!tpu.dma_semaphore, #tpu.memory_space<semaphore_mem>>) src(%dma_wait3A_2413 : memref<10000x128xf32, #tpu.memory_space<hbm>>) dst(%arg10 : memref<50x128xf32, #tpu.memory_space<vmem>>)
      %dma_start3A_2414 = arith.constant 0 : i32
      %dma_start3A_2415 = arith.constant 0 : i32
      %dma_start3A_2416 = tpu.memref_slice %arg6[%scan3A_1026, %dma_start3A_2414, %dma_start3A_2415] : memref<2x40x50xi32, #tpu.memory_space<vmem>> -> memref<1x40x50xi32, #tpu.memory_space<vmem>>
      %dma_start3A_2417 = tpu.memref_squeeze %dma_start3A_2416 : memref<1x40x50xi32, #tpu.memory_space<vmem>> -> memref<40x50xi32, #tpu.memory_space<vmem>>
      %dma_start3A_2418 = arith.constant 0 : i32
      %dma_start3A_2419 = tpu.memref_slice %dma_start3A_2417[%add3A_2377, %dma_start3A_2418] : memref<40x50xi32, #tpu.memory_space<vmem>> -> memref<1x50xi32, #tpu.memory_space<vmem>>
      %dma_start3A_2420 = tpu.memref_squeeze %dma_start3A_2419 : memref<1x50xi32, #tpu.memory_space<vmem>> -> memref<50xi32, #tpu.memory_space<vmem>>
      %dma_start3A_2421 = arith.constant 0 : i32
      %dma_start3A_2422 = arith.constant 0 : i32
      %dma_start3A_2423 = tpu.memref_slice %arg11[%dma_start3A_2421, %dma_start3A_2422] : memref<10240x128xf32, #tpu.memory_space<vmem_shared>> -> memref<10240x128xf32, #tpu.memory_space<vmem_shared>>
      tpu.enqueue_indirect_dma source(%arg10 : memref<50x128xf32, #tpu.memory_space<vmem>>) target(%dma_start3A_2423 : memref<10240x128xf32, #tpu.memory_space<vmem_shared>>) offsets(%dma_start3A_2420 : memref<50xi32, #tpu.memory_space<vmem>>) semaphore(%arg15 : memref<!tpu.dma_semaphore, #tpu.memory_space<semaphore_mem>>) {add = true}
    }
    %scan3A_1032 = arith.constant 9 : i32
    %dma_wait3A_1033 = arith.constant 0 : i32
    %dma_wait3A_1034 = arith.constant 2 : i32
    %dma_wait3A_1035 = arith.constant 0 : i32
    %dma_wait3A_1036 = arith.constant 0 : i32
    %dma_wait3A_1037 = arith.constant 0 : i32
    %dma_wait3A_1038 = tpu.memref_slice %arg5[%dma_wait3A_1035, %dma_wait3A_1036, %dma_wait3A_1037] : memref<2x40x50xi32, #tpu.memory_space<vmem>> -> memref<1x40x50xi32, #tpu.memory_space<vmem>>
    %dma_wait3A_1039 = tpu.memref_squeeze %dma_wait3A_1038 : memref<1x40x50xi32, #tpu.memory_space<vmem>> -> memref<40x50xi32, #tpu.memory_space<vmem>>
    %dma_wait3A_1040 = arith.constant 0 : i32
    %dma_wait3A_1041 = arith.constant 0 : i32
    %dma_wait3A_1042 = arith.constant 0 : i32
    %dma_wait3A_1043 = arith.constant 0 : i32
    %dma_wait3A_1044 = tpu.memref_slice %arg2[%dma_wait3A_1033, %dma_wait3A_1040, %dma_wait3A_1041, %dma_wait3A_1042, %dma_wait3A_1043] : memref<2x32x5x40x50xi32, #tpu.memory_space<hbm>> -> memref<1x32x5x40x50xi32, #tpu.memory_space<hbm>>
    %dma_wait3A_1045 = tpu.memref_squeeze %dma_wait3A_1044 : memref<1x32x5x40x50xi32, #tpu.memory_space<hbm>> -> memref<32x5x40x50xi32, #tpu.memory_space<hbm>>
    %dma_wait3A_1046 = arith.constant 0 : i32
    %dma_wait3A_1047 = arith.constant 0 : i32
    %dma_wait3A_1048 = tpu.memref_slice %dma_wait3A_1045[%add3A, %dma_wait3A_1034, %dma_wait3A_1046, %dma_wait3A_1047] : memref<32x5x40x50xi32, #tpu.memory_space<hbm>> -> memref<1x1x40x50xi32, #tpu.memory_space<hbm>>
    %dma_wait3A_1049 = tpu.memref_squeeze %dma_wait3A_1048 : memref<1x1x40x50xi32, #tpu.memory_space<hbm>> -> memref<40x50xi32, #tpu.memory_space<hbm>>
    %dma_wait3A_1050 = arith.constant 0 : i32
    %dma_wait3A_1051 = arith.constant 0 : i32
    %dma_wait3A_1052 = tpu.memref_slice %arg5[%dma_wait3A_1035, %dma_wait3A_1050, %dma_wait3A_1051] : memref<2x40x50xi32, #tpu.memory_space<vmem>> -> memref<1x40x50xi32, #tpu.memory_space<vmem>>
    %dma_wait3A_1053 = tpu.memref_squeeze %dma_wait3A_1052 : memref<1x40x50xi32, #tpu.memory_space<vmem>> -> memref<40x50xi32, #tpu.memory_space<vmem>>
    %dma_wait3A_1054 = arith.constant 0 : i32
    %dma_wait3A_1055 = arith.constant 0 : i32
    %dma_wait3A_1056 = arith.constant 0 : i32
    %dma_wait3A_1057 = arith.constant 0 : i32
    %dma_wait3A_1058 = tpu.memref_slice %arg2[%dma_wait3A_1033, %dma_wait3A_1054, %dma_wait3A_1055, %dma_wait3A_1056, %dma_wait3A_1057] : memref<2x32x5x40x50xi32, #tpu.memory_space<hbm>> -> memref<1x32x5x40x50xi32, #tpu.memory_space<hbm>>
    %dma_wait3A_1059 = tpu.memref_squeeze %dma_wait3A_1058 : memref<1x32x5x40x50xi32, #tpu.memory_space<hbm>> -> memref<32x5x40x50xi32, #tpu.memory_space<hbm>>
    %dma_wait3A_1060 = arith.constant 0 : i32
    %dma_wait3A_1061 = arith.constant 0 : i32
    %dma_wait3A_1062 = tpu.memref_slice %dma_wait3A_1059[%add3A, %dma_wait3A_1034, %dma_wait3A_1060, %dma_wait3A_1061] : memref<32x5x40x50xi32, #tpu.memory_space<hbm>> -> memref<1x1x40x50xi32, #tpu.memory_space<hbm>>
    %dma_wait3A_1063 = tpu.memref_squeeze %dma_wait3A_1062 : memref<1x1x40x50xi32, #tpu.memory_space<hbm>> -> memref<40x50xi32, #tpu.memory_space<hbm>>
    tpu.wait_dma2 semaphore(%arg16 : memref<!tpu.dma_semaphore, #tpu.memory_space<semaphore_mem>>) src(%dma_wait3A_1063 : memref<40x50xi32, #tpu.memory_space<hbm>>) dst(%dma_wait3A_1053 : memref<40x50xi32, #tpu.memory_space<vmem>>)
    %dma_wait3A_1064 = arith.constant 1 : i32
    %dma_wait3A_1065 = arith.constant 2 : i32
    %dma_wait3A_1066 = arith.constant 0 : i32
    %dma_wait3A_1067 = arith.constant 0 : i32
    %dma_wait3A_1068 = arith.constant 0 : i32
    %dma_wait3A_1069 = tpu.memref_slice %arg6[%dma_wait3A_1066, %dma_wait3A_1067, %dma_wait3A_1068] : memref<2x40x50xi32, #tpu.memory_space<vmem>> -> memref<1x40x50xi32, #tpu.memory_space<vmem>>
    %dma_wait3A_1070 = tpu.memref_squeeze %dma_wait3A_1069 : memref<1x40x50xi32, #tpu.memory_space<vmem>> -> memref<40x50xi32, #tpu.memory_space<vmem>>
    %dma_wait3A_1071 = arith.constant 0 : i32
    %dma_wait3A_1072 = arith.constant 0 : i32
    %dma_wait3A_1073 = arith.constant 0 : i32
    %dma_wait3A_1074 = arith.constant 0 : i32
    %dma_wait3A_1075 = tpu.memref_slice %arg2[%dma_wait3A_1064, %dma_wait3A_1071, %dma_wait3A_1072, %dma_wait3A_1073, %dma_wait3A_1074] : memref<2x32x5x40x50xi32, #tpu.memory_space<hbm>> -> memref<1x32x5x40x50xi32, #tpu.memory_space<hbm>>
    %dma_wait3A_1076 = tpu.memref_squeeze %dma_wait3A_1075 : memref<1x32x5x40x50xi32, #tpu.memory_space<hbm>> -> memref<32x5x40x50xi32, #tpu.memory_space<hbm>>
    %dma_wait3A_1077 = arith.constant 0 : i32
    %dma_wait3A_1078 = arith.constant 0 : i32
    %dma_wait3A_1079 = tpu.memref_slice %dma_wait3A_1076[%add3A, %dma_wait3A_1065, %dma_wait3A_1077, %dma_wait3A_1078] : memref<32x5x40x50xi32, #tpu.memory_space<hbm>> -> memref<1x1x40x50xi32, #tpu.memory_space<hbm>>
    %dma_wait3A_1080 = tpu.memref_squeeze %dma_wait3A_1079 : memref<1x1x40x50xi32, #tpu.memory_space<hbm>> -> memref<40x50xi32, #tpu.memory_space<hbm>>
    %dma_wait3A_1081 = arith.constant 0 : i32
    %dma_wait3A_1082 = arith.constant 0 : i32
    %dma_wait3A_1083 = tpu.memref_slice %arg6[%dma_wait3A_1066, %dma_wait3A_1081, %dma_wait3A_1082] : memref<2x40x50xi32, #tpu.memory_space<vmem>> -> memref<1x40x50xi32, #tpu.memory_space<vmem>>
    %dma_wait3A_1084 = tpu.memref_squeeze %dma_wait3A_1083 : memref<1x40x50xi32, #tpu.memory_space<vmem>> -> memref<40x50xi32, #tpu.memory_space<vmem>>
    %dma_wait3A_1085 = arith.constant 0 : i32
    %dma_wait3A_1086 = arith.constant 0 : i32
    %dma_wait3A_1087 = arith.constant 0 : i32
    %dma_wait3A_1088 = arith.constant 0 : i32
    %dma_wait3A_1089 = tpu.memref_slice %arg2[%dma_wait3A_1064, %dma_wait3A_1085, %dma_wait3A_1086, %dma_wait3A_1087, %dma_wait3A_1088] : memref<2x32x5x40x50xi32, #tpu.memory_space<hbm>> -> memref<1x32x5x40x50xi32, #tpu.memory_space<hbm>>
    %dma_wait3A_1090 = tpu.memref_squeeze %dma_wait3A_1089 : memref<1x32x5x40x50xi32, #tpu.memory_space<hbm>> -> memref<32x5x40x50xi32, #tpu.memory_space<hbm>>
    %dma_wait3A_1091 = arith.constant 0 : i32
    %dma_wait3A_1092 = arith.constant 0 : i32
    %dma_wait3A_1093 = tpu.memref_slice %dma_wait3A_1090[%add3A, %dma_wait3A_1065, %dma_wait3A_1091, %dma_wait3A_1092] : memref<32x5x40x50xi32, #tpu.memory_space<hbm>> -> memref<1x1x40x50xi32, #tpu.memory_space<hbm>>
    %dma_wait3A_1094 = tpu.memref_squeeze %dma_wait3A_1093 : memref<1x1x40x50xi32, #tpu.memory_space<hbm>> -> memref<40x50xi32, #tpu.memory_space<hbm>>
    tpu.wait_dma2 semaphore(%arg16 : memref<!tpu.dma_semaphore, #tpu.memory_space<semaphore_mem>>) src(%dma_wait3A_1094 : memref<40x50xi32, #tpu.memory_space<hbm>>) dst(%dma_wait3A_1084 : memref<40x50xi32, #tpu.memory_space<vmem>>)
    %dma_wait3A_1095 = arith.constant 1 : i32
    %dma_wait3A_1096 = arith.constant 35 : i32
    %dma_wait3A_1097 = arith.constant 0 : i32
    %dma_wait3A_1098 = arith.constant 0 : i32
    %dma_wait3A_1099 = tpu.memref_slice %arg6[%dma_wait3A_1095, %dma_wait3A_1097, %dma_wait3A_1098] : memref<2x40x50xi32, #tpu.memory_space<vmem>> -> memref<1x40x50xi32, #tpu.memory_space<vmem>>
    %dma_wait3A_1100 = tpu.memref_squeeze %dma_wait3A_1099 : memref<1x40x50xi32, #tpu.memory_space<vmem>> -> memref<40x50xi32, #tpu.memory_space<vmem>>
    %dma_wait3A_1101 = arith.constant 0 : i32
    %dma_wait3A_1102 = tpu.memref_slice %dma_wait3A_1100[%dma_wait3A_1096, %dma_wait3A_1101] : memref<40x50xi32, #tpu.memory_space<vmem>> -> memref<1x50xi32, #tpu.memory_space<vmem>>
    %dma_wait3A_1103 = tpu.memref_squeeze %dma_wait3A_1102 : memref<1x50xi32, #tpu.memory_space<vmem>> -> memref<50xi32, #tpu.memory_space<vmem>>
    %dma_wait3A_1104 = arith.constant 0 : i32
    %dma_wait3A_1105 = arith.constant 0 : i32
    %dma_wait3A_1106 = tpu.memref_slice %arg11[%dma_wait3A_1104, %dma_wait3A_1105] : memref<10240x128xf32, #tpu.memory_space<vmem_shared>> -> memref<10240x128xf32, #tpu.memory_space<vmem_shared>>
    tpu.wait_indirect_dma semaphore(%arg15 : memref<!tpu.dma_semaphore, #tpu.memory_space<semaphore_mem>>) src(%arg10 : memref<50x128xf32, #tpu.memory_space<vmem>>) dst(%dma_wait3A_1106 : memref<10240x128xf32, #tpu.memory_space<vmem_shared>>)
    %dma_start3A_1107 = arith.constant 1 : i32
    %dma_start3A_1108 = arith.constant 39 : i32
    %dma_start3A_1109 = arith.constant 0 : i32
    %dma_start3A_1110 = arith.constant 0 : i32
    %dma_start3A_1111 = tpu.memref_slice %arg5[%dma_start3A_1107, %dma_start3A_1109, %dma_start3A_1110] : memref<2x40x50xi32, #tpu.memory_space<vmem>> -> memref<1x40x50xi32, #tpu.memory_space<vmem>>
    %dma_start3A_1112 = tpu.memref_squeeze %dma_start3A_1111 : memref<1x40x50xi32, #tpu.memory_space<vmem>> -> memref<40x50xi32, #tpu.memory_space<vmem>>
    %dma_start3A_1113 = arith.constant 0 : i32
    %dma_start3A_1114 = tpu.memref_slice %dma_start3A_1112[%dma_start3A_1108, %dma_start3A_1113] : memref<40x50xi32, #tpu.memory_space<vmem>> -> memref<1x50xi32, #tpu.memory_space<vmem>>
    %dma_start3A_1115 = tpu.memref_squeeze %dma_start3A_1114 : memref<1x50xi32, #tpu.memory_space<vmem>> -> memref<50xi32, #tpu.memory_space<vmem>>
    %dma_start3A_1116 = arith.constant 0 : i32
    %dma_start3A_1117 = arith.constant 0 : i32
    %dma_start3A_1118 = tpu.memref_slice %arg3[%dma_start3A_1116, %dma_start3A_1117] : memref<10000x128xf32, #tpu.memory_space<hbm>> -> memref<10000x128xf32, #tpu.memory_space<hbm>>
    tpu.enqueue_indirect_dma source(%dma_start3A_1118 : memref<10000x128xf32, #tpu.memory_space<hbm>>) target(%arg10 : memref<50x128xf32, #tpu.memory_space<vmem>>) offsets(%dma_start3A_1115 : memref<50xi32, #tpu.memory_space<vmem>>) semaphore(%arg15 : memref<!tpu.dma_semaphore, #tpu.memory_space<semaphore_mem>>)
    %dma_wait3A_1119 = arith.constant 1 : i32
    %dma_wait3A_1120 = arith.constant 36 : i32
    %dma_wait3A_1121 = arith.constant 0 : i32
    %dma_wait3A_1122 = arith.constant 0 : i32
    %dma_wait3A_1123 = tpu.memref_slice %arg5[%dma_wait3A_1119, %dma_wait3A_1121, %dma_wait3A_1122] : memref<2x40x50xi32, #tpu.memory_space<vmem>> -> memref<1x40x50xi32, #tpu.memory_space<vmem>>
    %dma_wait3A_1124 = tpu.memref_squeeze %dma_wait3A_1123 : memref<1x40x50xi32, #tpu.memory_space<vmem>> -> memref<40x50xi32, #tpu.memory_space<vmem>>
    %dma_wait3A_1125 = arith.constant 0 : i32
    %dma_wait3A_1126 = tpu.memref_slice %dma_wait3A_1124[%dma_wait3A_1120, %dma_wait3A_1125] : memref<40x50xi32, #tpu.memory_space<vmem>> -> memref<1x50xi32, #tpu.memory_space<vmem>>
    %dma_wait3A_1127 = tpu.memref_squeeze %dma_wait3A_1126 : memref<1x50xi32, #tpu.memory_space<vmem>> -> memref<50xi32, #tpu.memory_space<vmem>>
    %dma_wait3A_1128 = arith.constant 0 : i32
    %dma_wait3A_1129 = arith.constant 0 : i32
    %dma_wait3A_1130 = tpu.memref_slice %arg3[%dma_wait3A_1128, %dma_wait3A_1129] : memref<10000x128xf32, #tpu.memory_space<hbm>> -> memref<10000x128xf32, #tpu.memory_space<hbm>>
    tpu.wait_indirect_dma semaphore(%arg12 : memref<!tpu.dma_semaphore, #tpu.memory_space<semaphore_mem>>) src(%dma_wait3A_1130 : memref<10000x128xf32, #tpu.memory_space<hbm>>) dst(%arg7 : memref<50x128xf32, #tpu.memory_space<vmem>>)
    %dma_start3A_1131 = arith.constant 1 : i32
    %dma_start3A_1132 = arith.constant 36 : i32
    %dma_start3A_1133 = arith.constant 0 : i32
    %dma_start3A_1134 = arith.constant 0 : i32
    %dma_start3A_1135 = tpu.memref_slice %arg6[%dma_start3A_1131, %dma_start3A_1133, %dma_start3A_1134] : memref<2x40x50xi32, #tpu.memory_space<vmem>> -> memref<1x40x50xi32, #tpu.memory_space<vmem>>
    %dma_start3A_1136 = tpu.memref_squeeze %dma_start3A_1135 : memref<1x40x50xi32, #tpu.memory_space<vmem>> -> memref<40x50xi32, #tpu.memory_space<vmem>>
    %dma_start3A_1137 = arith.constant 0 : i32
    %dma_start3A_1138 = tpu.memref_slice %dma_start3A_1136[%dma_start3A_1132, %dma_start3A_1137] : memref<40x50xi32, #tpu.memory_space<vmem>> -> memref<1x50xi32, #tpu.memory_space<vmem>>
    %dma_start3A_1139 = tpu.memref_squeeze %dma_start3A_1138 : memref<1x50xi32, #tpu.memory_space<vmem>> -> memref<50xi32, #tpu.memory_space<vmem>>
    %dma_start3A_1140 = arith.constant 0 : i32
    %dma_start3A_1141 = arith.constant 0 : i32
    %dma_start3A_1142 = tpu.memref_slice %arg11[%dma_start3A_1140, %dma_start3A_1141] : memref<10240x128xf32, #tpu.memory_space<vmem_shared>> -> memref<10240x128xf32, #tpu.memory_space<vmem_shared>>
    tpu.enqueue_indirect_dma source(%arg7 : memref<50x128xf32, #tpu.memory_space<vmem>>) target(%dma_start3A_1142 : memref<10240x128xf32, #tpu.memory_space<vmem_shared>>) offsets(%dma_start3A_1139 : memref<50xi32, #tpu.memory_space<vmem>>) semaphore(%arg12 : memref<!tpu.dma_semaphore, #tpu.memory_space<semaphore_mem>>) {add = true}
    %dma_wait3A_1143 = arith.constant 1 : i32
    %dma_wait3A_1144 = arith.constant 36 : i32
    %dma_wait3A_1145 = arith.constant 0 : i32
    %dma_wait3A_1146 = arith.constant 0 : i32
    %dma_wait3A_1147 = tpu.memref_slice %arg6[%dma_wait3A_1143, %dma_wait3A_1145, %dma_wait3A_1146] : memref<2x40x50xi32, #tpu.memory_space<vmem>> -> memref<1x40x50xi32, #tpu.memory_space<vmem>>
    %dma_wait3A_1148 = tpu.memref_squeeze %dma_wait3A_1147 : memref<1x40x50xi32, #tpu.memory_space<vmem>> -> memref<40x50xi32, #tpu.memory_space<vmem>>
    %dma_wait3A_1149 = arith.constant 0 : i32
    %dma_wait3A_1150 = tpu.memref_slice %dma_wait3A_1148[%dma_wait3A_1144, %dma_wait3A_1149] : memref<40x50xi32, #tpu.memory_space<vmem>> -> memref<1x50xi32, #tpu.memory_space<vmem>>
    %dma_wait3A_1151 = tpu.memref_squeeze %dma_wait3A_1150 : memref<1x50xi32, #tpu.memory_space<vmem>> -> memref<50xi32, #tpu.memory_space<vmem>>
    %dma_wait3A_1152 = arith.constant 0 : i32
    %dma_wait3A_1153 = arith.constant 0 : i32
    %dma_wait3A_1154 = tpu.memref_slice %arg11[%dma_wait3A_1152, %dma_wait3A_1153] : memref<10240x128xf32, #tpu.memory_space<vmem_shared>> -> memref<10240x128xf32, #tpu.memory_space<vmem_shared>>
    tpu.wait_indirect_dma semaphore(%arg12 : memref<!tpu.dma_semaphore, #tpu.memory_space<semaphore_mem>>) src(%arg7 : memref<50x128xf32, #tpu.memory_space<vmem>>) dst(%dma_wait3A_1154 : memref<10240x128xf32, #tpu.memory_space<vmem_shared>>)
    %dma_start3A_1155 = arith.constant 0 : i32
    %dma_start3A_1156 = arith.constant 0 : i32
    %dma_start3A_1157 = arith.constant 0 : i32
    %dma_start3A_1158 = arith.constant 0 : i32
    %dma_start3A_1159 = tpu.memref_slice %arg5[%dma_start3A_1155, %dma_start3A_1157, %dma_start3A_1158] : memref<2x40x50xi32, #tpu.memory_space<vmem>> -> memref<1x40x50xi32, #tpu.memory_space<vmem>>
    %dma_start3A_1160 = tpu.memref_squeeze %dma_start3A_1159 : memref<1x40x50xi32, #tpu.memory_space<vmem>> -> memref<40x50xi32, #tpu.memory_space<vmem>>
    %dma_start3A_1161 = arith.constant 0 : i32
    %dma_start3A_1162 = tpu.memref_slice %dma_start3A_1160[%dma_start3A_1156, %dma_start3A_1161] : memref<40x50xi32, #tpu.memory_space<vmem>> -> memref<1x50xi32, #tpu.memory_space<vmem>>
    %dma_start3A_1163 = tpu.memref_squeeze %dma_start3A_1162 : memref<1x50xi32, #tpu.memory_space<vmem>> -> memref<50xi32, #tpu.memory_space<vmem>>
    %dma_start3A_1164 = arith.constant 0 : i32
    %dma_start3A_1165 = arith.constant 0 : i32
    %dma_start3A_1166 = tpu.memref_slice %arg3[%dma_start3A_1164, %dma_start3A_1165] : memref<10000x128xf32, #tpu.memory_space<hbm>> -> memref<10000x128xf32, #tpu.memory_space<hbm>>
    tpu.enqueue_indirect_dma source(%dma_start3A_1166 : memref<10000x128xf32, #tpu.memory_space<hbm>>) target(%arg7 : memref<50x128xf32, #tpu.memory_space<vmem>>) offsets(%dma_start3A_1163 : memref<50xi32, #tpu.memory_space<vmem>>) semaphore(%arg12 : memref<!tpu.dma_semaphore, #tpu.memory_space<semaphore_mem>>)
    %dma_wait3A_1167 = arith.constant 1 : i32
    %dma_wait3A_1168 = arith.constant 37 : i32
    %dma_wait3A_1169 = arith.constant 0 : i32
    %dma_wait3A_1170 = arith.constant 0 : i32
    %dma_wait3A_1171 = tpu.memref_slice %arg5[%dma_wait3A_1167, %dma_wait3A_1169, %dma_wait3A_1170] : memref<2x40x50xi32, #tpu.memory_space<vmem>> -> memref<1x40x50xi32, #tpu.memory_space<vmem>>
    %dma_wait3A_1172 = tpu.memref_squeeze %dma_wait3A_1171 : memref<1x40x50xi32, #tpu.memory_space<vmem>> -> memref<40x50xi32, #tpu.memory_space<vmem>>
    %dma_wait3A_1173 = arith.constant 0 : i32
    %dma_wait3A_1174 = tpu.memref_slice %dma_wait3A_1172[%dma_wait3A_1168, %dma_wait3A_1173] : memref<40x50xi32, #tpu.memory_space<vmem>> -> memref<1x50xi32, #tpu.memory_space<vmem>>
    %dma_wait3A_1175 = tpu.memref_squeeze %dma_wait3A_1174 : memref<1x50xi32, #tpu.memory_space<vmem>> -> memref<50xi32, #tpu.memory_space<vmem>>
    %dma_wait3A_1176 = arith.constant 0 : i32
    %dma_wait3A_1177 = arith.constant 0 : i32
    %dma_wait3A_1178 = tpu.memref_slice %arg3[%dma_wait3A_1176, %dma_wait3A_1177] : memref<10000x128xf32, #tpu.memory_space<hbm>> -> memref<10000x128xf32, #tpu.memory_space<hbm>>
    tpu.wait_indirect_dma semaphore(%arg13 : memref<!tpu.dma_semaphore, #tpu.memory_space<semaphore_mem>>) src(%dma_wait3A_1178 : memref<10000x128xf32, #tpu.memory_space<hbm>>) dst(%arg8 : memref<50x128xf32, #tpu.memory_space<vmem>>)
    %dma_start3A_1179 = arith.constant 1 : i32
    %dma_start3A_1180 = arith.constant 37 : i32
    %dma_start3A_1181 = arith.constant 0 : i32
    %dma_start3A_1182 = arith.constant 0 : i32
    %dma_start3A_1183 = tpu.memref_slice %arg6[%dma_start3A_1179, %dma_start3A_1181, %dma_start3A_1182] : memref<2x40x50xi32, #tpu.memory_space<vmem>> -> memref<1x40x50xi32, #tpu.memory_space<vmem>>
    %dma_start3A_1184 = tpu.memref_squeeze %dma_start3A_1183 : memref<1x40x50xi32, #tpu.memory_space<vmem>> -> memref<40x50xi32, #tpu.memory_space<vmem>>
    %dma_start3A_1185 = arith.constant 0 : i32
    %dma_start3A_1186 = tpu.memref_slice %dma_start3A_1184[%dma_start3A_1180, %dma_start3A_1185] : memref<40x50xi32, #tpu.memory_space<vmem>> -> memref<1x50xi32, #tpu.memory_space<vmem>>
    %dma_start3A_1187 = tpu.memref_squeeze %dma_start3A_1186 : memref<1x50xi32, #tpu.memory_space<vmem>> -> memref<50xi32, #tpu.memory_space<vmem>>
    %dma_start3A_1188 = arith.constant 0 : i32
    %dma_start3A_1189 = arith.constant 0 : i32
    %dma_start3A_1190 = tpu.memref_slice %arg11[%dma_start3A_1188, %dma_start3A_1189] : memref<10240x128xf32, #tpu.memory_space<vmem_shared>> -> memref<10240x128xf32, #tpu.memory_space<vmem_shared>>
    tpu.enqueue_indirect_dma source(%arg8 : memref<50x128xf32, #tpu.memory_space<vmem>>) target(%dma_start3A_1190 : memref<10240x128xf32, #tpu.memory_space<vmem_shared>>) offsets(%dma_start3A_1187 : memref<50xi32, #tpu.memory_space<vmem>>) semaphore(%arg13 : memref<!tpu.dma_semaphore, #tpu.memory_space<semaphore_mem>>) {add = true}
    %dma_wait3A_1191 = arith.constant 1 : i32
    %dma_wait3A_1192 = arith.constant 37 : i32
    %dma_wait3A_1193 = arith.constant 0 : i32
    %dma_wait3A_1194 = arith.constant 0 : i32
    %dma_wait3A_1195 = tpu.memref_slice %arg6[%dma_wait3A_1191, %dma_wait3A_1193, %dma_wait3A_1194] : memref<2x40x50xi32, #tpu.memory_space<vmem>> -> memref<1x40x50xi32, #tpu.memory_space<vmem>>
    %dma_wait3A_1196 = tpu.memref_squeeze %dma_wait3A_1195 : memref<1x40x50xi32, #tpu.memory_space<vmem>> -> memref<40x50xi32, #tpu.memory_space<vmem>>
    %dma_wait3A_1197 = arith.constant 0 : i32
    %dma_wait3A_1198 = tpu.memref_slice %dma_wait3A_1196[%dma_wait3A_1192, %dma_wait3A_1197] : memref<40x50xi32, #tpu.memory_space<vmem>> -> memref<1x50xi32, #tpu.memory_space<vmem>>
    %dma_wait3A_1199 = tpu.memref_squeeze %dma_wait3A_1198 : memref<1x50xi32, #tpu.memory_space<vmem>> -> memref<50xi32, #tpu.memory_space<vmem>>
    %dma_wait3A_1200 = arith.constant 0 : i32
    %dma_wait3A_1201 = arith.constant 0 : i32
    %dma_wait3A_1202 = tpu.memref_slice %arg11[%dma_wait3A_1200, %dma_wait3A_1201] : memref<10240x128xf32, #tpu.memory_space<vmem_shared>> -> memref<10240x128xf32, #tpu.memory_space<vmem_shared>>
    tpu.wait_indirect_dma semaphore(%arg13 : memref<!tpu.dma_semaphore, #tpu.memory_space<semaphore_mem>>) src(%arg8 : memref<50x128xf32, #tpu.memory_space<vmem>>) dst(%dma_wait3A_1202 : memref<10240x128xf32, #tpu.memory_space<vmem_shared>>)
    %dma_start3A_1203 = arith.constant 0 : i32
    %dma_start3A_1204 = arith.constant 1 : i32
    %dma_start3A_1205 = arith.constant 0 : i32
    %dma_start3A_1206 = arith.constant 0 : i32
    %dma_start3A_1207 = tpu.memref_slice %arg5[%dma_start3A_1203, %dma_start3A_1205, %dma_start3A_1206] : memref<2x40x50xi32, #tpu.memory_space<vmem>> -> memref<1x40x50xi32, #tpu.memory_space<vmem>>
    %dma_start3A_1208 = tpu.memref_squeeze %dma_start3A_1207 : memref<1x40x50xi32, #tpu.memory_space<vmem>> -> memref<40x50xi32, #tpu.memory_space<vmem>>
    %dma_start3A_1209 = arith.constant 0 : i32
    %dma_start3A_1210 = tpu.memref_slice %dma_start3A_1208[%dma_start3A_1204, %dma_start3A_1209] : memref<40x50xi32, #tpu.memory_space<vmem>> -> memref<1x50xi32, #tpu.memory_space<vmem>>
    %dma_start3A_1211 = tpu.memref_squeeze %dma_start3A_1210 : memref<1x50xi32, #tpu.memory_space<vmem>> -> memref<50xi32, #tpu.memory_space<vmem>>
    %dma_start3A_1212 = arith.constant 0 : i32
    %dma_start3A_1213 = arith.constant 0 : i32
    %dma_start3A_1214 = tpu.memref_slice %arg3[%dma_start3A_1212, %dma_start3A_1213] : memref<10000x128xf32, #tpu.memory_space<hbm>> -> memref<10000x128xf32, #tpu.memory_space<hbm>>
    tpu.enqueue_indirect_dma source(%dma_start3A_1214 : memref<10000x128xf32, #tpu.memory_space<hbm>>) target(%arg8 : memref<50x128xf32, #tpu.memory_space<vmem>>) offsets(%dma_start3A_1211 : memref<50xi32, #tpu.memory_space<vmem>>) semaphore(%arg13 : memref<!tpu.dma_semaphore, #tpu.memory_space<semaphore_mem>>)
    %dma_wait3A_1215 = arith.constant 1 : i32
    %dma_wait3A_1216 = arith.constant 38 : i32
    %dma_wait3A_1217 = arith.constant 0 : i32
    %dma_wait3A_1218 = arith.constant 0 : i32
    %dma_wait3A_1219 = tpu.memref_slice %arg5[%dma_wait3A_1215, %dma_wait3A_1217, %dma_wait3A_1218] : memref<2x40x50xi32, #tpu.memory_space<vmem>> -> memref<1x40x50xi32, #tpu.memory_space<vmem>>
    %dma_wait3A_1220 = tpu.memref_squeeze %dma_wait3A_1219 : memref<1x40x50xi32, #tpu.memory_space<vmem>> -> memref<40x50xi32, #tpu.memory_space<vmem>>
    %dma_wait3A_1221 = arith.constant 0 : i32
    %dma_wait3A_1222 = tpu.memref_slice %dma_wait3A_1220[%dma_wait3A_1216, %dma_wait3A_1221] : memref<40x50xi32, #tpu.memory_space<vmem>> -> memref<1x50xi32, #tpu.memory_space<vmem>>
    %dma_wait3A_1223 = tpu.memref_squeeze %dma_wait3A_1222 : memref<1x50xi32, #tpu.memory_space<vmem>> -> memref<50xi32, #tpu.memory_space<vmem>>
    %dma_wait3A_1224 = arith.constant 0 : i32
    %dma_wait3A_1225 = arith.constant 0 : i32
    %dma_wait3A_1226 = tpu.memref_slice %arg3[%dma_wait3A_1224, %dma_wait3A_1225] : memref<10000x128xf32, #tpu.memory_space<hbm>> -> memref<10000x128xf32, #tpu.memory_space<hbm>>
    tpu.wait_indirect_dma semaphore(%arg14 : memref<!tpu.dma_semaphore, #tpu.memory_space<semaphore_mem>>) src(%dma_wait3A_1226 : memref<10000x128xf32, #tpu.memory_space<hbm>>) dst(%arg9 : memref<50x128xf32, #tpu.memory_space<vmem>>)
    %dma_start3A_1227 = arith.constant 1 : i32
    %dma_start3A_1228 = arith.constant 38 : i32
    %dma_start3A_1229 = arith.constant 0 : i32
    %dma_start3A_1230 = arith.constant 0 : i32
    %dma_start3A_1231 = tpu.memref_slice %arg6[%dma_start3A_1227, %dma_start3A_1229, %dma_start3A_1230] : memref<2x40x50xi32, #tpu.memory_space<vmem>> -> memref<1x40x50xi32, #tpu.memory_space<vmem>>
    %dma_start3A_1232 = tpu.memref_squeeze %dma_start3A_1231 : memref<1x40x50xi32, #tpu.memory_space<vmem>> -> memref<40x50xi32, #tpu.memory_space<vmem>>
    %dma_start3A_1233 = arith.constant 0 : i32
    %dma_start3A_1234 = tpu.memref_slice %dma_start3A_1232[%dma_start3A_1228, %dma_start3A_1233] : memref<40x50xi32, #tpu.memory_space<vmem>> -> memref<1x50xi32, #tpu.memory_space<vmem>>
    %dma_start3A_1235 = tpu.memref_squeeze %dma_start3A_1234 : memref<1x50xi32, #tpu.memory_space<vmem>> -> memref<50xi32, #tpu.memory_space<vmem>>
    %dma_start3A_1236 = arith.constant 0 : i32
    %dma_start3A_1237 = arith.constant 0 : i32
    %dma_start3A_1238 = tpu.memref_slice %arg11[%dma_start3A_1236, %dma_start3A_1237] : memref<10240x128xf32, #tpu.memory_space<vmem_shared>> -> memref<10240x128xf32, #tpu.memory_space<vmem_shared>>
    tpu.enqueue_indirect_dma source(%arg9 : memref<50x128xf32, #tpu.memory_space<vmem>>) target(%dma_start3A_1238 : memref<10240x128xf32, #tpu.memory_space<vmem_shared>>) offsets(%dma_start3A_1235 : memref<50xi32, #tpu.memory_space<vmem>>) semaphore(%arg14 : memref<!tpu.dma_semaphore, #tpu.memory_space<semaphore_mem>>) {add = true}
    %dma_wait3A_1239 = arith.constant 1 : i32
    %dma_wait3A_1240 = arith.constant 38 : i32
    %dma_wait3A_1241 = arith.constant 0 : i32
    %dma_wait3A_1242 = arith.constant 0 : i32
    %dma_wait3A_1243 = tpu.memref_slice %arg6[%dma_wait3A_1239, %dma_wait3A_1241, %dma_wait3A_1242] : memref<2x40x50xi32, #tpu.memory_space<vmem>> -> memref<1x40x50xi32, #tpu.memory_space<vmem>>
    %dma_wait3A_1244 = tpu.memref_squeeze %dma_wait3A_1243 : memref<1x40x50xi32, #tpu.memory_space<vmem>> -> memref<40x50xi32, #tpu.memory_space<vmem>>
    %dma_wait3A_1245 = arith.constant 0 : i32
    %dma_wait3A_1246 = tpu.memref_slice %dma_wait3A_1244[%dma_wait3A_1240, %dma_wait3A_1245] : memref<40x50xi32, #tpu.memory_space<vmem>> -> memref<1x50xi32, #tpu.memory_space<vmem>>
    %dma_wait3A_1247 = tpu.memref_squeeze %dma_wait3A_1246 : memref<1x50xi32, #tpu.memory_space<vmem>> -> memref<50xi32, #tpu.memory_space<vmem>>
    %dma_wait3A_1248 = arith.constant 0 : i32
    %dma_wait3A_1249 = arith.constant 0 : i32
    %dma_wait3A_1250 = tpu.memref_slice %arg11[%dma_wait3A_1248, %dma_wait3A_1249] : memref<10240x128xf32, #tpu.memory_space<vmem_shared>> -> memref<10240x128xf32, #tpu.memory_space<vmem_shared>>
    tpu.wait_indirect_dma semaphore(%arg14 : memref<!tpu.dma_semaphore, #tpu.memory_space<semaphore_mem>>) src(%arg9 : memref<50x128xf32, #tpu.memory_space<vmem>>) dst(%dma_wait3A_1250 : memref<10240x128xf32, #tpu.memory_space<vmem_shared>>)
    %dma_start3A_1251 = arith.constant 0 : i32
    %dma_start3A_1252 = arith.constant 2 : i32
    %dma_start3A_1253 = arith.constant 0 : i32
    %dma_start3A_1254 = arith.constant 0 : i32
    %dma_start3A_1255 = tpu.memref_slice %arg5[%dma_start3A_1251, %dma_start3A_1253, %dma_start3A_1254] : memref<2x40x50xi32, #tpu.memory_space<vmem>> -> memref<1x40x50xi32, #tpu.memory_space<vmem>>
    %dma_start3A_1256 = tpu.memref_squeeze %dma_start3A_1255 : memref<1x40x50xi32, #tpu.memory_space<vmem>> -> memref<40x50xi32, #tpu.memory_space<vmem>>
    %dma_start3A_1257 = arith.constant 0 : i32
    %dma_start3A_1258 = tpu.memref_slice %dma_start3A_1256[%dma_start3A_1252, %dma_start3A_1257] : memref<40x50xi32, #tpu.memory_space<vmem>> -> memref<1x50xi32, #tpu.memory_space<vmem>>
    %dma_start3A_1259 = tpu.memref_squeeze %dma_start3A_1258 : memref<1x50xi32, #tpu.memory_space<vmem>> -> memref<50xi32, #tpu.memory_space<vmem>>
    %dma_start3A_1260 = arith.constant 0 : i32
    %dma_start3A_1261 = arith.constant 0 : i32
    %dma_start3A_1262 = tpu.memref_slice %arg3[%dma_start3A_1260, %dma_start3A_1261] : memref<10000x128xf32, #tpu.memory_space<hbm>> -> memref<10000x128xf32, #tpu.memory_space<hbm>>
    tpu.enqueue_indirect_dma source(%dma_start3A_1262 : memref<10000x128xf32, #tpu.memory_space<hbm>>) target(%arg9 : memref<50x128xf32, #tpu.memory_space<vmem>>) offsets(%dma_start3A_1259 : memref<50xi32, #tpu.memory_space<vmem>>) semaphore(%arg14 : memref<!tpu.dma_semaphore, #tpu.memory_space<semaphore_mem>>)
    %dma_wait3A_1263 = arith.constant 1 : i32
    %dma_wait3A_1264 = arith.constant 39 : i32
    %dma_wait3A_1265 = arith.constant 0 : i32
    %dma_wait3A_1266 = arith.constant 0 : i32
    %dma_wait3A_1267 = tpu.memref_slice %arg5[%dma_wait3A_1263, %dma_wait3A_1265, %dma_wait3A_1266] : memref<2x40x50xi32, #tpu.memory_space<vmem>> -> memref<1x40x50xi32, #tpu.memory_space<vmem>>
    %dma_wait3A_1268 = tpu.memref_squeeze %dma_wait3A_1267 : memref<1x40x50xi32, #tpu.memory_space<vmem>> -> memref<40x50xi32, #tpu.memory_space<vmem>>
    %dma_wait3A_1269 = arith.constant 0 : i32
    %dma_wait3A_1270 = tpu.memref_slice %dma_wait3A_1268[%dma_wait3A_1264, %dma_wait3A_1269] : memref<40x50xi32, #tpu.memory_space<vmem>> -> memref<1x50xi32, #tpu.memory_space<vmem>>
    %dma_wait3A_1271 = tpu.memref_squeeze %dma_wait3A_1270 : memref<1x50xi32, #tpu.memory_space<vmem>> -> memref<50xi32, #tpu.memory_space<vmem>>
    %dma_wait3A_1272 = arith.constant 0 : i32
    %dma_wait3A_1273 = arith.constant 0 : i32
    %dma_wait3A_1274 = tpu.memref_slice %arg3[%dma_wait3A_1272, %dma_wait3A_1273] : memref<10000x128xf32, #tpu.memory_space<hbm>> -> memref<10000x128xf32, #tpu.memory_space<hbm>>
    tpu.wait_indirect_dma semaphore(%arg15 : memref<!tpu.dma_semaphore, #tpu.memory_space<semaphore_mem>>) src(%dma_wait3A_1274 : memref<10000x128xf32, #tpu.memory_space<hbm>>) dst(%arg10 : memref<50x128xf32, #tpu.memory_space<vmem>>)
    %dma_start3A_1275 = arith.constant 1 : i32
    %dma_start3A_1276 = arith.constant 39 : i32
    %dma_start3A_1277 = arith.constant 0 : i32
    %dma_start3A_1278 = arith.constant 0 : i32
    %dma_start3A_1279 = tpu.memref_slice %arg6[%dma_start3A_1275, %dma_start3A_1277, %dma_start3A_1278] : memref<2x40x50xi32, #tpu.memory_space<vmem>> -> memref<1x40x50xi32, #tpu.memory_space<vmem>>
    %dma_start3A_1280 = tpu.memref_squeeze %dma_start3A_1279 : memref<1x40x50xi32, #tpu.memory_space<vmem>> -> memref<40x50xi32, #tpu.memory_space<vmem>>
    %dma_start3A_1281 = arith.constant 0 : i32
    %dma_start3A_1282 = tpu.memref_slice %dma_start3A_1280[%dma_start3A_1276, %dma_start3A_1281] : memref<40x50xi32, #tpu.memory_space<vmem>> -> memref<1x50xi32, #tpu.memory_space<vmem>>
    %dma_start3A_1283 = tpu.memref_squeeze %dma_start3A_1282 : memref<1x50xi32, #tpu.memory_space<vmem>> -> memref<50xi32, #tpu.memory_space<vmem>>
    %dma_start3A_1284 = arith.constant 0 : i32
    %dma_start3A_1285 = arith.constant 0 : i32
    %dma_start3A_1286 = tpu.memref_slice %arg11[%dma_start3A_1284, %dma_start3A_1285] : memref<10240x128xf32, #tpu.memory_space<vmem_shared>> -> memref<10240x128xf32, #tpu.memory_space<vmem_shared>>
    tpu.enqueue_indirect_dma source(%arg10 : memref<50x128xf32, #tpu.memory_space<vmem>>) target(%dma_start3A_1286 : memref<10240x128xf32, #tpu.memory_space<vmem_shared>>) offsets(%dma_start3A_1283 : memref<50xi32, #tpu.memory_space<vmem>>) semaphore(%arg15 : memref<!tpu.dma_semaphore, #tpu.memory_space<semaphore_mem>>) {add = true}
    %dma_start3A_1287 = arith.constant 0 : i32
    %dma_start3A_1288 = arith.constant 3 : i32
    %dma_start3A_1289 = arith.constant 1 : i32
    %dma_start3A_1290 = arith.constant 0 : i32
    %dma_start3A_1291 = arith.constant 0 : i32
    %dma_start3A_1292 = tpu.memref_slice %arg5[%dma_start3A_1289, %dma_start3A_1290, %dma_start3A_1291] : memref<2x40x50xi32, #tpu.memory_space<vmem>> -> memref<1x40x50xi32, #tpu.memory_space<vmem>>
    %dma_start3A_1293 = tpu.memref_squeeze %dma_start3A_1292 : memref<1x40x50xi32, #tpu.memory_space<vmem>> -> memref<40x50xi32, #tpu.memory_space<vmem>>
    %dma_start3A_1294 = arith.constant 0 : i32
    %dma_start3A_1295 = arith.constant 0 : i32
    %dma_start3A_1296 = arith.constant 0 : i32
    %dma_start3A_1297 = arith.constant 0 : i32
    %dma_start3A_1298 = tpu.memref_slice %arg2[%dma_start3A_1287, %dma_start3A_1294, %dma_start3A_1295, %dma_start3A_1296, %dma_start3A_1297] : memref<2x32x5x40x50xi32, #tpu.memory_space<hbm>> -> memref<1x32x5x40x50xi32, #tpu.memory_space<hbm>>
    %dma_start3A_1299 = tpu.memref_squeeze %dma_start3A_1298 : memref<1x32x5x40x50xi32, #tpu.memory_space<hbm>> -> memref<32x5x40x50xi32, #tpu.memory_space<hbm>>
    %dma_start3A_1300 = arith.constant 0 : i32
    %dma_start3A_1301 = arith.constant 0 : i32
    %dma_start3A_1302 = tpu.memref_slice %dma_start3A_1299[%add3A, %dma_start3A_1288, %dma_start3A_1300, %dma_start3A_1301] : memref<32x5x40x50xi32, #tpu.memory_space<hbm>> -> memref<1x1x40x50xi32, #tpu.memory_space<hbm>>
    %dma_start3A_1303 = tpu.memref_squeeze %dma_start3A_1302 : memref<1x1x40x50xi32, #tpu.memory_space<hbm>> -> memref<40x50xi32, #tpu.memory_space<hbm>>
    %dma_start3A_1304 = arith.constant 0 : i32
    %dma_start3A_1305 = arith.constant 0 : i32
    %dma_start3A_1306 = tpu.memref_slice %arg5[%dma_start3A_1289, %dma_start3A_1304, %dma_start3A_1305] : memref<2x40x50xi32, #tpu.memory_space<vmem>> -> memref<1x40x50xi32, #tpu.memory_space<vmem>>
    %dma_start3A_1307 = tpu.memref_squeeze %dma_start3A_1306 : memref<1x40x50xi32, #tpu.memory_space<vmem>> -> memref<40x50xi32, #tpu.memory_space<vmem>>
    %dma_start3A_1308 = arith.constant 0 : i32
    %dma_start3A_1309 = arith.constant 0 : i32
    %dma_start3A_1310 = arith.constant 0 : i32
    %dma_start3A_1311 = arith.constant 0 : i32
    %dma_start3A_1312 = tpu.memref_slice %arg2[%dma_start3A_1287, %dma_start3A_1308, %dma_start3A_1309, %dma_start3A_1310, %dma_start3A_1311] : memref<2x32x5x40x50xi32, #tpu.memory_space<hbm>> -> memref<1x32x5x40x50xi32, #tpu.memory_space<hbm>>
    %dma_start3A_1313 = tpu.memref_squeeze %dma_start3A_1312 : memref<1x32x5x40x50xi32, #tpu.memory_space<hbm>> -> memref<32x5x40x50xi32, #tpu.memory_space<hbm>>
    %dma_start3A_1314 = arith.constant 0 : i32
    %dma_start3A_1315 = arith.constant 0 : i32
    %dma_start3A_1316 = tpu.memref_slice %dma_start3A_1313[%add3A, %dma_start3A_1288, %dma_start3A_1314, %dma_start3A_1315] : memref<32x5x40x50xi32, #tpu.memory_space<hbm>> -> memref<1x1x40x50xi32, #tpu.memory_space<hbm>>
    %dma_start3A_1317 = tpu.memref_squeeze %dma_start3A_1316 : memref<1x1x40x50xi32, #tpu.memory_space<hbm>> -> memref<40x50xi32, #tpu.memory_space<hbm>>
    tpu.enqueue_dma source(%dma_start3A_1317 : memref<40x50xi32, #tpu.memory_space<hbm>>) target(%dma_start3A_1307 : memref<40x50xi32, #tpu.memory_space<vmem>>) target_semaphore(%arg16 : memref<!tpu.dma_semaphore, #tpu.memory_space<semaphore_mem>>)
    %dma_start3A_1318 = arith.constant 1 : i32
    %dma_start3A_1319 = arith.constant 3 : i32
    %dma_start3A_1320 = arith.constant 1 : i32
    %dma_start3A_1321 = arith.constant 0 : i32
    %dma_start3A_1322 = arith.constant 0 : i32
    %dma_start3A_1323 = tpu.memref_slice %arg6[%dma_start3A_1320, %dma_start3A_1321, %dma_start3A_1322] : memref<2x40x50xi32, #tpu.memory_space<vmem>> -> memref<1x40x50xi32, #tpu.memory_space<vmem>>
    %dma_start3A_1324 = tpu.memref_squeeze %dma_start3A_1323 : memref<1x40x50xi32, #tpu.memory_space<vmem>> -> memref<40x50xi32, #tpu.memory_space<vmem>>
    %dma_start3A_1325 = arith.constant 0 : i32
    %dma_start3A_1326 = arith.constant 0 : i32
    %dma_start3A_1327 = arith.constant 0 : i32
    %dma_start3A_1328 = arith.constant 0 : i32
    %dma_start3A_1329 = tpu.memref_slice %arg2[%dma_start3A_1318, %dma_start3A_1325, %dma_start3A_1326, %dma_start3A_1327, %dma_start3A_1328] : memref<2x32x5x40x50xi32, #tpu.memory_space<hbm>> -> memref<1x32x5x40x50xi32, #tpu.memory_space<hbm>>
    %dma_start3A_1330 = tpu.memref_squeeze %dma_start3A_1329 : memref<1x32x5x40x50xi32, #tpu.memory_space<hbm>> -> memref<32x5x40x50xi32, #tpu.memory_space<hbm>>
    %dma_start3A_1331 = arith.constant 0 : i32
    %dma_start3A_1332 = arith.constant 0 : i32
    %dma_start3A_1333 = tpu.memref_slice %dma_start3A_1330[%add3A, %dma_start3A_1319, %dma_start3A_1331, %dma_start3A_1332] : memref<32x5x40x50xi32, #tpu.memory_space<hbm>> -> memref<1x1x40x50xi32, #tpu.memory_space<hbm>>
    %dma_start3A_1334 = tpu.memref_squeeze %dma_start3A_1333 : memref<1x1x40x50xi32, #tpu.memory_space<hbm>> -> memref<40x50xi32, #tpu.memory_space<hbm>>
    %dma_start3A_1335 = arith.constant 0 : i32
    %dma_start3A_1336 = arith.constant 0 : i32
    %dma_start3A_1337 = tpu.memref_slice %arg6[%dma_start3A_1320, %dma_start3A_1335, %dma_start3A_1336] : memref<2x40x50xi32, #tpu.memory_space<vmem>> -> memref<1x40x50xi32, #tpu.memory_space<vmem>>
    %dma_start3A_1338 = tpu.memref_squeeze %dma_start3A_1337 : memref<1x40x50xi32, #tpu.memory_space<vmem>> -> memref<40x50xi32, #tpu.memory_space<vmem>>
    %dma_start3A_1339 = arith.constant 0 : i32
    %dma_start3A_1340 = arith.constant 0 : i32
    %dma_start3A_1341 = arith.constant 0 : i32
    %dma_start3A_1342 = arith.constant 0 : i32
    %dma_start3A_1343 = tpu.memref_slice %arg2[%dma_start3A_1318, %dma_start3A_1339, %dma_start3A_1340, %dma_start3A_1341, %dma_start3A_1342] : memref<2x32x5x40x50xi32, #tpu.memory_space<hbm>> -> memref<1x32x5x40x50xi32, #tpu.memory_space<hbm>>
    %dma_start3A_1344 = tpu.memref_squeeze %dma_start3A_1343 : memref<1x32x5x40x50xi32, #tpu.memory_space<hbm>> -> memref<32x5x40x50xi32, #tpu.memory_space<hbm>>
    %dma_start3A_1345 = arith.constant 0 : i32
    %dma_start3A_1346 = arith.constant 0 : i32
    %dma_start3A_1347 = tpu.memref_slice %dma_start3A_1344[%add3A, %dma_start3A_1319, %dma_start3A_1345, %dma_start3A_1346] : memref<32x5x40x50xi32, #tpu.memory_space<hbm>> -> memref<1x1x40x50xi32, #tpu.memory_space<hbm>>
    %dma_start3A_1348 = tpu.memref_squeeze %dma_start3A_1347 : memref<1x1x40x50xi32, #tpu.memory_space<hbm>> -> memref<40x50xi32, #tpu.memory_space<hbm>>
    tpu.enqueue_dma source(%dma_start3A_1348 : memref<40x50xi32, #tpu.memory_space<hbm>>) target(%dma_start3A_1338 : memref<40x50xi32, #tpu.memory_space<vmem>>) target_semaphore(%arg16 : memref<!tpu.dma_semaphore, #tpu.memory_space<semaphore_mem>>)
    %scan3A_1349 = arith.constant 0 : i32
    %scan3A_1350 = arith.constant 0 : i32
    %scan3A_1351 = arith.constant 0 : i32
    %scan3A_1352 = arith.constant 9 : i32
    %scan3A_1353 = arith.addi %scan3A_1351, %scan3A_1352 : i32
    %scan3A_1354 = arith.constant 1 : i32
    scf.for %scan3A_2229 = %scan3A_1351 to %scan3A_1353 step %scan3A_1354  : i32 {
      %mul3A_2230 = arith.constant 4 : i32
      %mul3A_2231 = arith.muli %scan3A_2229, %mul3A_2230 : i32
      %add3A_2232 = arith.constant 0 : i32
      %add3A_2233 = arith.addi %add3A_2232, %mul3A_2231 : i32
      %add3A_2234 = arith.constant 0 : i32
      %add3A_2235 = arith.addi %add3A_2233, %add3A_2234 : i32
      %sub3A = arith.constant 1 : i32
      %sub3A_2236 = arith.subi %add3A_2235, %sub3A : i32
      %max3A = arith.constant 0 : i32
      %max3A_2237 = arith.maxsi %sub3A_2236, %max3A : i32
      %dma_wait3A_2238 = arith.constant 0 : i32
      %dma_wait3A_2239 = arith.constant 0 : i32
      %dma_wait3A_2240 = tpu.memref_slice %arg6[%scan3A_1349, %dma_wait3A_2238, %dma_wait3A_2239] : memref<2x40x50xi32, #tpu.memory_space<vmem>> -> memref<1x40x50xi32, #tpu.memory_space<vmem>>
      %dma_wait3A_2241 = tpu.memref_squeeze %dma_wait3A_2240 : memref<1x40x50xi32, #tpu.memory_space<vmem>> -> memref<40x50xi32, #tpu.memory_space<vmem>>
      %dma_wait3A_2242 = arith.constant 0 : i32
      %dma_wait3A_2243 = tpu.memref_slice %dma_wait3A_2241[%max3A_2237, %dma_wait3A_2242] : memref<40x50xi32, #tpu.memory_space<vmem>> -> memref<1x50xi32, #tpu.memory_space<vmem>>
      %dma_wait3A_2244 = tpu.memref_squeeze %dma_wait3A_2243 : memref<1x50xi32, #tpu.memory_space<vmem>> -> memref<50xi32, #tpu.memory_space<vmem>>
      %dma_wait3A_2245 = arith.constant 0 : i32
      %dma_wait3A_2246 = arith.constant 0 : i32
      %dma_wait3A_2247 = tpu.memref_slice %arg11[%dma_wait3A_2245, %dma_wait3A_2246] : memref<10240x128xf32, #tpu.memory_space<vmem_shared>> -> memref<10240x128xf32, #tpu.memory_space<vmem_shared>>
      tpu.wait_indirect_dma semaphore(%arg15 : memref<!tpu.dma_semaphore, #tpu.memory_space<semaphore_mem>>) src(%arg10 : memref<50x128xf32, #tpu.memory_space<vmem>>) dst(%dma_wait3A_2247 : memref<10240x128xf32, #tpu.memory_space<vmem_shared>>)
      %add3A_2248 = arith.constant 3 : i32
      %add3A_2249 = arith.addi %add3A_2235, %add3A_2248 : i32
      %dma_start3A_2250 = arith.constant 0 : i32
      %dma_start3A_2251 = arith.constant 0 : i32
      %dma_start3A_2252 = tpu.memref_slice %arg5[%scan3A_1350, %dma_start3A_2250, %dma_start3A_2251] : memref<2x40x50xi32, #tpu.memory_space<vmem>> -> memref<1x40x50xi32, #tpu.memory_space<vmem>>
      %dma_start3A_2253 = tpu.memref_squeeze %dma_start3A_2252 : memref<1x40x50xi32, #tpu.memory_space<vmem>> -> memref<40x50xi32, #tpu.memory_space<vmem>>
      %dma_start3A_2254 = arith.constant 0 : i32
      %dma_start3A_2255 = tpu.memref_slice %dma_start3A_2253[%add3A_2249, %dma_start3A_2254] : memref<40x50xi32, #tpu.memory_space<vmem>> -> memref<1x50xi32, #tpu.memory_space<vmem>>
      %dma_start3A_2256 = tpu.memref_squeeze %dma_start3A_2255 : memref<1x50xi32, #tpu.memory_space<vmem>> -> memref<50xi32, #tpu.memory_space<vmem>>
      %dma_start3A_2257 = arith.constant 0 : i32
      %dma_start3A_2258 = arith.constant 0 : i32
      %dma_start3A_2259 = tpu.memref_slice %arg3[%dma_start3A_2257, %dma_start3A_2258] : memref<10000x128xf32, #tpu.memory_space<hbm>> -> memref<10000x128xf32, #tpu.memory_space<hbm>>
      tpu.enqueue_indirect_dma source(%dma_start3A_2259 : memref<10000x128xf32, #tpu.memory_space<hbm>>) target(%arg10 : memref<50x128xf32, #tpu.memory_space<vmem>>) offsets(%dma_start3A_2256 : memref<50xi32, #tpu.memory_space<vmem>>) semaphore(%arg15 : memref<!tpu.dma_semaphore, #tpu.memory_space<semaphore_mem>>)
      %dma_wait3A_2260 = arith.constant 0 : i32
      %dma_wait3A_2261 = arith.constant 0 : i32
      %dma_wait3A_2262 = tpu.memref_slice %arg5[%scan3A_1350, %dma_wait3A_2260, %dma_wait3A_2261] : memref<2x40x50xi32, #tpu.memory_space<vmem>> -> memref<1x40x50xi32, #tpu.memory_space<vmem>>
      %dma_wait3A_2263 = tpu.memref_squeeze %dma_wait3A_2262 : memref<1x40x50xi32, #tpu.memory_space<vmem>> -> memref<40x50xi32, #tpu.memory_space<vmem>>
      %dma_wait3A_2264 = arith.constant 0 : i32
      %dma_wait3A_2265 = tpu.memref_slice %dma_wait3A_2263[%add3A_2235, %dma_wait3A_2264] : memref<40x50xi32, #tpu.memory_space<vmem>> -> memref<1x50xi32, #tpu.memory_space<vmem>>
      %dma_wait3A_2266 = tpu.memref_squeeze %dma_wait3A_2265 : memref<1x50xi32, #tpu.memory_space<vmem>> -> memref<50xi32, #tpu.memory_space<vmem>>
      %dma_wait3A_2267 = arith.constant 0 : i32
      %dma_wait3A_2268 = arith.constant 0 : i32
      %dma_wait3A_2269 = tpu.memref_slice %arg3[%dma_wait3A_2267, %dma_wait3A_2268] : memref<10000x128xf32, #tpu.memory_space<hbm>> -> memref<10000x128xf32, #tpu.memory_space<hbm>>
      tpu.wait_indirect_dma semaphore(%arg12 : memref<!tpu.dma_semaphore, #tpu.memory_space<semaphore_mem>>) src(%dma_wait3A_2269 : memref<10000x128xf32, #tpu.memory_space<hbm>>) dst(%arg7 : memref<50x128xf32, #tpu.memory_space<vmem>>)
      %dma_start3A_2270 = arith.constant 0 : i32
      %dma_start3A_2271 = arith.constant 0 : i32
      %dma_start3A_2272 = tpu.memref_slice %arg6[%scan3A_1349, %dma_start3A_2270, %dma_start3A_2271] : memref<2x40x50xi32, #tpu.memory_space<vmem>> -> memref<1x40x50xi32, #tpu.memory_space<vmem>>
      %dma_start3A_2273 = tpu.memref_squeeze %dma_start3A_2272 : memref<1x40x50xi32, #tpu.memory_space<vmem>> -> memref<40x50xi32, #tpu.memory_space<vmem>>
      %dma_start3A_2274 = arith.constant 0 : i32
      %dma_start3A_2275 = tpu.memref_slice %dma_start3A_2273[%add3A_2235, %dma_start3A_2274] : memref<40x50xi32, #tpu.memory_space<vmem>> -> memref<1x50xi32, #tpu.memory_space<vmem>>
      %dma_start3A_2276 = tpu.memref_squeeze %dma_start3A_2275 : memref<1x50xi32, #tpu.memory_space<vmem>> -> memref<50xi32, #tpu.memory_space<vmem>>
      %dma_start3A_2277 = arith.constant 0 : i32
      %dma_start3A_2278 = arith.constant 0 : i32
      %dma_start3A_2279 = tpu.memref_slice %arg11[%dma_start3A_2277, %dma_start3A_2278] : memref<10240x128xf32, #tpu.memory_space<vmem_shared>> -> memref<10240x128xf32, #tpu.memory_space<vmem_shared>>
      tpu.enqueue_indirect_dma source(%arg7 : memref<50x128xf32, #tpu.memory_space<vmem>>) target(%dma_start3A_2279 : memref<10240x128xf32, #tpu.memory_space<vmem_shared>>) offsets(%dma_start3A_2276 : memref<50xi32, #tpu.memory_space<vmem>>) semaphore(%arg12 : memref<!tpu.dma_semaphore, #tpu.memory_space<semaphore_mem>>) {add = true}
      %add3A_2280 = arith.constant 1 : i32
      %add3A_2281 = arith.addi %add3A_2233, %add3A_2280 : i32
      %sub3A_2282 = arith.constant 1 : i32
      %sub3A_2283 = arith.subi %add3A_2281, %sub3A_2282 : i32
      %max3A_2284 = arith.constant 0 : i32
      %max3A_2285 = arith.maxsi %sub3A_2283, %max3A_2284 : i32
      %dma_wait3A_2286 = arith.constant 0 : i32
      %dma_wait3A_2287 = arith.constant 0 : i32
      %dma_wait3A_2288 = tpu.memref_slice %arg6[%scan3A_1349, %dma_wait3A_2286, %dma_wait3A_2287] : memref<2x40x50xi32, #tpu.memory_space<vmem>> -> memref<1x40x50xi32, #tpu.memory_space<vmem>>
      %dma_wait3A_2289 = tpu.memref_squeeze %dma_wait3A_2288 : memref<1x40x50xi32, #tpu.memory_space<vmem>> -> memref<40x50xi32, #tpu.memory_space<vmem>>
      %dma_wait3A_2290 = arith.constant 0 : i32
      %dma_wait3A_2291 = tpu.memref_slice %dma_wait3A_2289[%max3A_2285, %dma_wait3A_2290] : memref<40x50xi32, #tpu.memory_space<vmem>> -> memref<1x50xi32, #tpu.memory_space<vmem>>
      %dma_wait3A_2292 = tpu.memref_squeeze %dma_wait3A_2291 : memref<1x50xi32, #tpu.memory_space<vmem>> -> memref<50xi32, #tpu.memory_space<vmem>>
      %dma_wait3A_2293 = arith.constant 0 : i32
      %dma_wait3A_2294 = arith.constant 0 : i32
      %dma_wait3A_2295 = tpu.memref_slice %arg11[%dma_wait3A_2293, %dma_wait3A_2294] : memref<10240x128xf32, #tpu.memory_space<vmem_shared>> -> memref<10240x128xf32, #tpu.memory_space<vmem_shared>>
      tpu.wait_indirect_dma semaphore(%arg12 : memref<!tpu.dma_semaphore, #tpu.memory_space<semaphore_mem>>) src(%arg7 : memref<50x128xf32, #tpu.memory_space<vmem>>) dst(%dma_wait3A_2295 : memref<10240x128xf32, #tpu.memory_space<vmem_shared>>)
      %add3A_2296 = arith.constant 3 : i32
      %add3A_2297 = arith.addi %add3A_2281, %add3A_2296 : i32
      %dma_start3A_2298 = arith.constant 0 : i32
      %dma_start3A_2299 = arith.constant 0 : i32
      %dma_start3A_2300 = tpu.memref_slice %arg5[%scan3A_1350, %dma_start3A_2298, %dma_start3A_2299] : memref<2x40x50xi32, #tpu.memory_space<vmem>> -> memref<1x40x50xi32, #tpu.memory_space<vmem>>
      %dma_start3A_2301 = tpu.memref_squeeze %dma_start3A_2300 : memref<1x40x50xi32, #tpu.memory_space<vmem>> -> memref<40x50xi32, #tpu.memory_space<vmem>>
      %dma_start3A_2302 = arith.constant 0 : i32
      %dma_start3A_2303 = tpu.memref_slice %dma_start3A_2301[%add3A_2297, %dma_start3A_2302] : memref<40x50xi32, #tpu.memory_space<vmem>> -> memref<1x50xi32, #tpu.memory_space<vmem>>
      %dma_start3A_2304 = tpu.memref_squeeze %dma_start3A_2303 : memref<1x50xi32, #tpu.memory_space<vmem>> -> memref<50xi32, #tpu.memory_space<vmem>>
      %dma_start3A_2305 = arith.constant 0 : i32
      %dma_start3A_2306 = arith.constant 0 : i32
      %dma_start3A_2307 = tpu.memref_slice %arg3[%dma_start3A_2305, %dma_start3A_2306] : memref<10000x128xf32, #tpu.memory_space<hbm>> -> memref<10000x128xf32, #tpu.memory_space<hbm>>
      tpu.enqueue_indirect_dma source(%dma_start3A_2307 : memref<10000x128xf32, #tpu.memory_space<hbm>>) target(%arg7 : memref<50x128xf32, #tpu.memory_space<vmem>>) offsets(%dma_start3A_2304 : memref<50xi32, #tpu.memory_space<vmem>>) semaphore(%arg12 : memref<!tpu.dma_semaphore, #tpu.memory_space<semaphore_mem>>)
      %dma_wait3A_2308 = arith.constant 0 : i32
      %dma_wait3A_2309 = arith.constant 0 : i32
      %dma_wait3A_2310 = tpu.memref_slice %arg5[%scan3A_1350, %dma_wait3A_2308, %dma_wait3A_2309] : memref<2x40x50xi32, #tpu.memory_space<vmem>> -> memref<1x40x50xi32, #tpu.memory_space<vmem>>
      %dma_wait3A_2311 = tpu.memref_squeeze %dma_wait3A_2310 : memref<1x40x50xi32, #tpu.memory_space<vmem>> -> memref<40x50xi32, #tpu.memory_space<vmem>>
      %dma_wait3A_2312 = arith.constant 0 : i32
      %dma_wait3A_2313 = tpu.memref_slice %dma_wait3A_2311[%add3A_2281, %dma_wait3A_2312] : memref<40x50xi32, #tpu.memory_space<vmem>> -> memref<1x50xi32, #tpu.memory_space<vmem>>
      %dma_wait3A_2314 = tpu.memref_squeeze %dma_wait3A_2313 : memref<1x50xi32, #tpu.memory_space<vmem>> -> memref<50xi32, #tpu.memory_space<vmem>>
      %dma_wait3A_2315 = arith.constant 0 : i32
      %dma_wait3A_2316 = arith.constant 0 : i32
      %dma_wait3A_2317 = tpu.memref_slice %arg3[%dma_wait3A_2315, %dma_wait3A_2316] : memref<10000x128xf32, #tpu.memory_space<hbm>> -> memref<10000x128xf32, #tpu.memory_space<hbm>>
      tpu.wait_indirect_dma semaphore(%arg13 : memref<!tpu.dma_semaphore, #tpu.memory_space<semaphore_mem>>) src(%dma_wait3A_2317 : memref<10000x128xf32, #tpu.memory_space<hbm>>) dst(%arg8 : memref<50x128xf32, #tpu.memory_space<vmem>>)
      %dma_start3A_2318 = arith.constant 0 : i32
      %dma_start3A_2319 = arith.constant 0 : i32
      %dma_start3A_2320 = tpu.memref_slice %arg6[%scan3A_1349, %dma_start3A_2318, %dma_start3A_2319] : memref<2x40x50xi32, #tpu.memory_space<vmem>> -> memref<1x40x50xi32, #tpu.memory_space<vmem>>
      %dma_start3A_2321 = tpu.memref_squeeze %dma_start3A_2320 : memref<1x40x50xi32, #tpu.memory_space<vmem>> -> memref<40x50xi32, #tpu.memory_space<vmem>>
      %dma_start3A_2322 = arith.constant 0 : i32
      %dma_start3A_2323 = tpu.memref_slice %dma_start3A_2321[%add3A_2281, %dma_start3A_2322] : memref<40x50xi32, #tpu.memory_space<vmem>> -> memref<1x50xi32, #tpu.memory_space<vmem>>
      %dma_start3A_2324 = tpu.memref_squeeze %dma_start3A_2323 : memref<1x50xi32, #tpu.memory_space<vmem>> -> memref<50xi32, #tpu.memory_space<vmem>>
      %dma_start3A_2325 = arith.constant 0 : i32
      %dma_start3A_2326 = arith.constant 0 : i32
      %dma_start3A_2327 = tpu.memref_slice %arg11[%dma_start3A_2325, %dma_start3A_2326] : memref<10240x128xf32, #tpu.memory_space<vmem_shared>> -> memref<10240x128xf32, #tpu.memory_space<vmem_shared>>
      tpu.enqueue_indirect_dma source(%arg8 : memref<50x128xf32, #tpu.memory_space<vmem>>) target(%dma_start3A_2327 : memref<10240x128xf32, #tpu.memory_space<vmem_shared>>) offsets(%dma_start3A_2324 : memref<50xi32, #tpu.memory_space<vmem>>) semaphore(%arg13 : memref<!tpu.dma_semaphore, #tpu.memory_space<semaphore_mem>>) {add = true}
      %add3A_2328 = arith.constant 2 : i32
      %add3A_2329 = arith.addi %add3A_2233, %add3A_2328 : i32
      %sub3A_2330 = arith.constant 1 : i32
      %sub3A_2331 = arith.subi %add3A_2329, %sub3A_2330 : i32
      %max3A_2332 = arith.constant 0 : i32
      %max3A_2333 = arith.maxsi %sub3A_2331, %max3A_2332 : i32
      %dma_wait3A_2334 = arith.constant 0 : i32
      %dma_wait3A_2335 = arith.constant 0 : i32
      %dma_wait3A_2336 = tpu.memref_slice %arg6[%scan3A_1349, %dma_wait3A_2334, %dma_wait3A_2335] : memref<2x40x50xi32, #tpu.memory_space<vmem>> -> memref<1x40x50xi32, #tpu.memory_space<vmem>>
      %dma_wait3A_2337 = tpu.memref_squeeze %dma_wait3A_2336 : memref<1x40x50xi32, #tpu.memory_space<vmem>> -> memref<40x50xi32, #tpu.memory_space<vmem>>
      %dma_wait3A_2338 = arith.constant 0 : i32
      %dma_wait3A_2339 = tpu.memref_slice %dma_wait3A_2337[%max3A_2333, %dma_wait3A_2338] : memref<40x50xi32, #tpu.memory_space<vmem>> -> memref<1x50xi32, #tpu.memory_space<vmem>>
      %dma_wait3A_2340 = tpu.memref_squeeze %dma_wait3A_2339 : memref<1x50xi32, #tpu.memory_space<vmem>> -> memref<50xi32, #tpu.memory_space<vmem>>
      %dma_wait3A_2341 = arith.constant 0 : i32
      %dma_wait3A_2342 = arith.constant 0 : i32
      %dma_wait3A_2343 = tpu.memref_slice %arg11[%dma_wait3A_2341, %dma_wait3A_2342] : memref<10240x128xf32, #tpu.memory_space<vmem_shared>> -> memref<10240x128xf32, #tpu.memory_space<vmem_shared>>
      tpu.wait_indirect_dma semaphore(%arg13 : memref<!tpu.dma_semaphore, #tpu.memory_space<semaphore_mem>>) src(%arg8 : memref<50x128xf32, #tpu.memory_space<vmem>>) dst(%dma_wait3A_2343 : memref<10240x128xf32, #tpu.memory_space<vmem_shared>>)
      %add3A_2344 = arith.constant 3 : i32
      %add3A_2345 = arith.addi %add3A_2329, %add3A_2344 : i32
      %dma_start3A_2346 = arith.constant 0 : i32
      %dma_start3A_2347 = arith.constant 0 : i32
      %dma_start3A_2348 = tpu.memref_slice %arg5[%scan3A_1350, %dma_start3A_2346, %dma_start3A_2347] : memref<2x40x50xi32, #tpu.memory_space<vmem>> -> memref<1x40x50xi32, #tpu.memory_space<vmem>>
      %dma_start3A_2349 = tpu.memref_squeeze %dma_start3A_2348 : memref<1x40x50xi32, #tpu.memory_space<vmem>> -> memref<40x50xi32, #tpu.memory_space<vmem>>
      %dma_start3A_2350 = arith.constant 0 : i32
      %dma_start3A_2351 = tpu.memref_slice %dma_start3A_2349[%add3A_2345, %dma_start3A_2350] : memref<40x50xi32, #tpu.memory_space<vmem>> -> memref<1x50xi32, #tpu.memory_space<vmem>>
      %dma_start3A_2352 = tpu.memref_squeeze %dma_start3A_2351 : memref<1x50xi32, #tpu.memory_space<vmem>> -> memref<50xi32, #tpu.memory_space<vmem>>
      %dma_start3A_2353 = arith.constant 0 : i32
      %dma_start3A_2354 = arith.constant 0 : i32
      %dma_start3A_2355 = tpu.memref_slice %arg3[%dma_start3A_2353, %dma_start3A_2354] : memref<10000x128xf32, #tpu.memory_space<hbm>> -> memref<10000x128xf32, #tpu.memory_space<hbm>>
      tpu.enqueue_indirect_dma source(%dma_start3A_2355 : memref<10000x128xf32, #tpu.memory_space<hbm>>) target(%arg8 : memref<50x128xf32, #tpu.memory_space<vmem>>) offsets(%dma_start3A_2352 : memref<50xi32, #tpu.memory_space<vmem>>) semaphore(%arg13 : memref<!tpu.dma_semaphore, #tpu.memory_space<semaphore_mem>>)
      %dma_wait3A_2356 = arith.constant 0 : i32
      %dma_wait3A_2357 = arith.constant 0 : i32
      %dma_wait3A_2358 = tpu.memref_slice %arg5[%scan3A_1350, %dma_wait3A_2356, %dma_wait3A_2357] : memref<2x40x50xi32, #tpu.memory_space<vmem>> -> memref<1x40x50xi32, #tpu.memory_space<vmem>>
      %dma_wait3A_2359 = tpu.memref_squeeze %dma_wait3A_2358 : memref<1x40x50xi32, #tpu.memory_space<vmem>> -> memref<40x50xi32, #tpu.memory_space<vmem>>
      %dma_wait3A_2360 = arith.constant 0 : i32
      %dma_wait3A_2361 = tpu.memref_slice %dma_wait3A_2359[%add3A_2329, %dma_wait3A_2360] : memref<40x50xi32, #tpu.memory_space<vmem>> -> memref<1x50xi32, #tpu.memory_space<vmem>>
      %dma_wait3A_2362 = tpu.memref_squeeze %dma_wait3A_2361 : memref<1x50xi32, #tpu.memory_space<vmem>> -> memref<50xi32, #tpu.memory_space<vmem>>
      %dma_wait3A_2363 = arith.constant 0 : i32
      %dma_wait3A_2364 = arith.constant 0 : i32
      %dma_wait3A_2365 = tpu.memref_slice %arg3[%dma_wait3A_2363, %dma_wait3A_2364] : memref<10000x128xf32, #tpu.memory_space<hbm>> -> memref<10000x128xf32, #tpu.memory_space<hbm>>
      tpu.wait_indirect_dma semaphore(%arg14 : memref<!tpu.dma_semaphore, #tpu.memory_space<semaphore_mem>>) src(%dma_wait3A_2365 : memref<10000x128xf32, #tpu.memory_space<hbm>>) dst(%arg9 : memref<50x128xf32, #tpu.memory_space<vmem>>)
      %dma_start3A_2366 = arith.constant 0 : i32
      %dma_start3A_2367 = arith.constant 0 : i32
      %dma_start3A_2368 = tpu.memref_slice %arg6[%scan3A_1349, %dma_start3A_2366, %dma_start3A_2367] : memref<2x40x50xi32, #tpu.memory_space<vmem>> -> memref<1x40x50xi32, #tpu.memory_space<vmem>>
      %dma_start3A_2369 = tpu.memref_squeeze %dma_start3A_2368 : memref<1x40x50xi32, #tpu.memory_space<vmem>> -> memref<40x50xi32, #tpu.memory_space<vmem>>
      %dma_start3A_2370 = arith.constant 0 : i32
      %dma_start3A_2371 = tpu.memref_slice %dma_start3A_2369[%add3A_2329, %dma_start3A_2370] : memref<40x50xi32, #tpu.memory_space<vmem>> -> memref<1x50xi32, #tpu.memory_space<vmem>>
      %dma_start3A_2372 = tpu.memref_squeeze %dma_start3A_2371 : memref<1x50xi32, #tpu.memory_space<vmem>> -> memref<50xi32, #tpu.memory_space<vmem>>
      %dma_start3A_2373 = arith.constant 0 : i32
      %dma_start3A_2374 = arith.constant 0 : i32
      %dma_start3A_2375 = tpu.memref_slice %arg11[%dma_start3A_2373, %dma_start3A_2374] : memref<10240x128xf32, #tpu.memory_space<vmem_shared>> -> memref<10240x128xf32, #tpu.memory_space<vmem_shared>>
      tpu.enqueue_indirect_dma source(%arg9 : memref<50x128xf32, #tpu.memory_space<vmem>>) target(%dma_start3A_2375 : memref<10240x128xf32, #tpu.memory_space<vmem_shared>>) offsets(%dma_start3A_2372 : memref<50xi32, #tpu.memory_space<vmem>>) semaphore(%arg14 : memref<!tpu.dma_semaphore, #tpu.memory_space<semaphore_mem>>) {add = true}
      %add3A_2376 = arith.constant 3 : i32
      %add3A_2377 = arith.addi %add3A_2233, %add3A_2376 : i32
      %sub3A_2378 = arith.constant 1 : i32
      %sub3A_2379 = arith.subi %add3A_2377, %sub3A_2378 : i32
      %max3A_2380 = arith.constant 0 : i32
      %max3A_2381 = arith.maxsi %sub3A_2379, %max3A_2380 : i32
      %dma_wait3A_2382 = arith.constant 0 : i32
      %dma_wait3A_2383 = arith.constant 0 : i32
      %dma_wait3A_2384 = tpu.memref_slice %arg6[%scan3A_1349, %dma_wait3A_2382, %dma_wait3A_2383] : memref<2x40x50xi32, #tpu.memory_space<vmem>> -> memref<1x40x50xi32, #tpu.memory_space<vmem>>
      %dma_wait3A_2385 = tpu.memref_squeeze %dma_wait3A_2384 : memref<1x40x50xi32, #tpu.memory_space<vmem>> -> memref<40x50xi32, #tpu.memory_space<vmem>>
      %dma_wait3A_2386 = arith.constant 0 : i32
      %dma_wait3A_2387 = tpu.memref_slice %dma_wait3A_2385[%max3A_2381, %dma_wait3A_2386] : memref<40x50xi32, #tpu.memory_space<vmem>> -> memref<1x50xi32, #tpu.memory_space<vmem>>
      %dma_wait3A_2388 = tpu.memref_squeeze %dma_wait3A_2387 : memref<1x50xi32, #tpu.memory_space<vmem>> -> memref<50xi32, #tpu.memory_space<vmem>>
      %dma_wait3A_2389 = arith.constant 0 : i32
      %dma_wait3A_2390 = arith.constant 0 : i32
      %dma_wait3A_2391 = tpu.memref_slice %arg11[%dma_wait3A_2389, %dma_wait3A_2390] : memref<10240x128xf32, #tpu.memory_space<vmem_shared>> -> memref<10240x128xf32, #tpu.memory_space<vmem_shared>>
      tpu.wait_indirect_dma semaphore(%arg14 : memref<!tpu.dma_semaphore, #tpu.memory_space<semaphore_mem>>) src(%arg9 : memref<50x128xf32, #tpu.memory_space<vmem>>) dst(%dma_wait3A_2391 : memref<10240x128xf32, #tpu.memory_space<vmem_shared>>)
      %add3A_2392 = arith.constant 3 : i32
      %add3A_2393 = arith.addi %add3A_2377, %add3A_2392 : i32
      %dma_start3A_2394 = arith.constant 0 : i32
      %dma_start3A_2395 = arith.constant 0 : i32
      %dma_start3A_2396 = tpu.memref_slice %arg5[%scan3A_1350, %dma_start3A_2394, %dma_start3A_2395] : memref<2x40x50xi32, #tpu.memory_space<vmem>> -> memref<1x40x50xi32, #tpu.memory_space<vmem>>
      %dma_start3A_2397 = tpu.memref_squeeze %dma_start3A_2396 : memref<1x40x50xi32, #tpu.memory_space<vmem>> -> memref<40x50xi32, #tpu.memory_space<vmem>>
      %dma_start3A_2398 = arith.constant 0 : i32
      %dma_start3A_2399 = tpu.memref_slice %dma_start3A_2397[%add3A_2393, %dma_start3A_2398] : memref<40x50xi32, #tpu.memory_space<vmem>> -> memref<1x50xi32, #tpu.memory_space<vmem>>
      %dma_start3A_2400 = tpu.memref_squeeze %dma_start3A_2399 : memref<1x50xi32, #tpu.memory_space<vmem>> -> memref<50xi32, #tpu.memory_space<vmem>>
      %dma_start3A_2401 = arith.constant 0 : i32
      %dma_start3A_2402 = arith.constant 0 : i32
      %dma_start3A_2403 = tpu.memref_slice %arg3[%dma_start3A_2401, %dma_start3A_2402] : memref<10000x128xf32, #tpu.memory_space<hbm>> -> memref<10000x128xf32, #tpu.memory_space<hbm>>
      tpu.enqueue_indirect_dma source(%dma_start3A_2403 : memref<10000x128xf32, #tpu.memory_space<hbm>>) target(%arg9 : memref<50x128xf32, #tpu.memory_space<vmem>>) offsets(%dma_start3A_2400 : memref<50xi32, #tpu.memory_space<vmem>>) semaphore(%arg14 : memref<!tpu.dma_semaphore, #tpu.memory_space<semaphore_mem>>)
      %dma_wait3A_2404 = arith.constant 0 : i32
      %dma_wait3A_2405 = arith.constant 0 : i32
      %dma_wait3A_2406 = tpu.memref_slice %arg5[%scan3A_1350, %dma_wait3A_2404, %dma_wait3A_2405] : memref<2x40x50xi32, #tpu.memory_space<vmem>> -> memref<1x40x50xi32, #tpu.memory_space<vmem>>
      %dma_wait3A_2407 = tpu.memref_squeeze %dma_wait3A_2406 : memref<1x40x50xi32, #tpu.memory_space<vmem>> -> memref<40x50xi32, #tpu.memory_space<vmem>>
      %dma_wait3A_2408 = arith.constant 0 : i32
      %dma_wait3A_2409 = tpu.memref_slice %dma_wait3A_2407[%add3A_2377, %dma_wait3A_2408] : memref<40x50xi32, #tpu.memory_space<vmem>> -> memref<1x50xi32, #tpu.memory_space<vmem>>
      %dma_wait3A_2410 = tpu.memref_squeeze %dma_wait3A_2409 : memref<1x50xi32, #tpu.memory_space<vmem>> -> memref<50xi32, #tpu.memory_space<vmem>>
      %dma_wait3A_2411 = arith.constant 0 : i32
      %dma_wait3A_2412 = arith.constant 0 : i32
      %dma_wait3A_2413 = tpu.memref_slice %arg3[%dma_wait3A_2411, %dma_wait3A_2412] : memref<10000x128xf32, #tpu.memory_space<hbm>> -> memref<10000x128xf32, #tpu.memory_space<hbm>>
      tpu.wait_indirect_dma semaphore(%arg15 : memref<!tpu.dma_semaphore, #tpu.memory_space<semaphore_mem>>) src(%dma_wait3A_2413 : memref<10000x128xf32, #tpu.memory_space<hbm>>) dst(%arg10 : memref<50x128xf32, #tpu.memory_space<vmem>>)
      %dma_start3A_2414 = arith.constant 0 : i32
      %dma_start3A_2415 = arith.constant 0 : i32
      %dma_start3A_2416 = tpu.memref_slice %arg6[%scan3A_1349, %dma_start3A_2414, %dma_start3A_2415] : memref<2x40x50xi32, #tpu.memory_space<vmem>> -> memref<1x40x50xi32, #tpu.memory_space<vmem>>
      %dma_start3A_2417 = tpu.memref_squeeze %dma_start3A_2416 : memref<1x40x50xi32, #tpu.memory_space<vmem>> -> memref<40x50xi32, #tpu.memory_space<vmem>>
      %dma_start3A_2418 = arith.constant 0 : i32
      %dma_start3A_2419 = tpu.memref_slice %dma_start3A_2417[%add3A_2377, %dma_start3A_2418] : memref<40x50xi32, #tpu.memory_space<vmem>> -> memref<1x50xi32, #tpu.memory_space<vmem>>
      %dma_start3A_2420 = tpu.memref_squeeze %dma_start3A_2419 : memref<1x50xi32, #tpu.memory_space<vmem>> -> memref<50xi32, #tpu.memory_space<vmem>>
      %dma_start3A_2421 = arith.constant 0 : i32
      %dma_start3A_2422 = arith.constant 0 : i32
      %dma_start3A_2423 = tpu.memref_slice %arg11[%dma_start3A_2421, %dma_start3A_2422] : memref<10240x128xf32, #tpu.memory_space<vmem_shared>> -> memref<10240x128xf32, #tpu.memory_space<vmem_shared>>
      tpu.enqueue_indirect_dma source(%arg10 : memref<50x128xf32, #tpu.memory_space<vmem>>) target(%dma_start3A_2423 : memref<10240x128xf32, #tpu.memory_space<vmem_shared>>) offsets(%dma_start3A_2420 : memref<50xi32, #tpu.memory_space<vmem>>) semaphore(%arg15 : memref<!tpu.dma_semaphore, #tpu.memory_space<semaphore_mem>>) {add = true}
    }
    %scan3A_1355 = arith.constant 9 : i32
    %dma_wait3A_1356 = arith.constant 0 : i32
    %dma_wait3A_1357 = arith.constant 3 : i32
    %dma_wait3A_1358 = arith.constant 1 : i32
    %dma_wait3A_1359 = arith.constant 0 : i32
    %dma_wait3A_1360 = arith.constant 0 : i32
    %dma_wait3A_1361 = tpu.memref_slice %arg5[%dma_wait3A_1358, %dma_wait3A_1359, %dma_wait3A_1360] : memref<2x40x50xi32, #tpu.memory_space<vmem>> -> memref<1x40x50xi32, #tpu.memory_space<vmem>>
    %dma_wait3A_1362 = tpu.memref_squeeze %dma_wait3A_1361 : memref<1x40x50xi32, #tpu.memory_space<vmem>> -> memref<40x50xi32, #tpu.memory_space<vmem>>
    %dma_wait3A_1363 = arith.constant 0 : i32
    %dma_wait3A_1364 = arith.constant 0 : i32
    %dma_wait3A_1365 = arith.constant 0 : i32
    %dma_wait3A_1366 = arith.constant 0 : i32
    %dma_wait3A_1367 = tpu.memref_slice %arg2[%dma_wait3A_1356, %dma_wait3A_1363, %dma_wait3A_1364, %dma_wait3A_1365, %dma_wait3A_1366] : memref<2x32x5x40x50xi32, #tpu.memory_space<hbm>> -> memref<1x32x5x40x50xi32, #tpu.memory_space<hbm>>
    %dma_wait3A_1368 = tpu.memref_squeeze %dma_wait3A_1367 : memref<1x32x5x40x50xi32, #tpu.memory_space<hbm>> -> memref<32x5x40x50xi32, #tpu.memory_space<hbm>>
    %dma_wait3A_1369 = arith.constant 0 : i32
    %dma_wait3A_1370 = arith.constant 0 : i32
    %dma_wait3A_1371 = tpu.memref_slice %dma_wait3A_1368[%add3A, %dma_wait3A_1357, %dma_wait3A_1369, %dma_wait3A_1370] : memref<32x5x40x50xi32, #tpu.memory_space<hbm>> -> memref<1x1x40x50xi32, #tpu.memory_space<hbm>>
    %dma_wait3A_1372 = tpu.memref_squeeze %dma_wait3A_1371 : memref<1x1x40x50xi32, #tpu.memory_space<hbm>> -> memref<40x50xi32, #tpu.memory_space<hbm>>
    %dma_wait3A_1373 = arith.constant 0 : i32
    %dma_wait3A_1374 = arith.constant 0 : i32
    %dma_wait3A_1375 = tpu.memref_slice %arg5[%dma_wait3A_1358, %dma_wait3A_1373, %dma_wait3A_1374] : memref<2x40x50xi32, #tpu.memory_space<vmem>> -> memref<1x40x50xi32, #tpu.memory_space<vmem>>
    %dma_wait3A_1376 = tpu.memref_squeeze %dma_wait3A_1375 : memref<1x40x50xi32, #tpu.memory_space<vmem>> -> memref<40x50xi32, #tpu.memory_space<vmem>>
    %dma_wait3A_1377 = arith.constant 0 : i32
    %dma_wait3A_1378 = arith.constant 0 : i32
    %dma_wait3A_1379 = arith.constant 0 : i32
    %dma_wait3A_1380 = arith.constant 0 : i32
    %dma_wait3A_1381 = tpu.memref_slice %arg2[%dma_wait3A_1356, %dma_wait3A_1377, %dma_wait3A_1378, %dma_wait3A_1379, %dma_wait3A_1380] : memref<2x32x5x40x50xi32, #tpu.memory_space<hbm>> -> memref<1x32x5x40x50xi32, #tpu.memory_space<hbm>>
    %dma_wait3A_1382 = tpu.memref_squeeze %dma_wait3A_1381 : memref<1x32x5x40x50xi32, #tpu.memory_space<hbm>> -> memref<32x5x40x50xi32, #tpu.memory_space<hbm>>
    %dma_wait3A_1383 = arith.constant 0 : i32
    %dma_wait3A_1384 = arith.constant 0 : i32
    %dma_wait3A_1385 = tpu.memref_slice %dma_wait3A_1382[%add3A, %dma_wait3A_1357, %dma_wait3A_1383, %dma_wait3A_1384] : memref<32x5x40x50xi32, #tpu.memory_space<hbm>> -> memref<1x1x40x50xi32, #tpu.memory_space<hbm>>
    %dma_wait3A_1386 = tpu.memref_squeeze %dma_wait3A_1385 : memref<1x1x40x50xi32, #tpu.memory_space<hbm>> -> memref<40x50xi32, #tpu.memory_space<hbm>>
    tpu.wait_dma2 semaphore(%arg16 : memref<!tpu.dma_semaphore, #tpu.memory_space<semaphore_mem>>) src(%dma_wait3A_1386 : memref<40x50xi32, #tpu.memory_space<hbm>>) dst(%dma_wait3A_1376 : memref<40x50xi32, #tpu.memory_space<vmem>>)
    %dma_wait3A_1387 = arith.constant 1 : i32
    %dma_wait3A_1388 = arith.constant 3 : i32
    %dma_wait3A_1389 = arith.constant 1 : i32
    %dma_wait3A_1390 = arith.constant 0 : i32
    %dma_wait3A_1391 = arith.constant 0 : i32
    %dma_wait3A_1392 = tpu.memref_slice %arg6[%dma_wait3A_1389, %dma_wait3A_1390, %dma_wait3A_1391] : memref<2x40x50xi32, #tpu.memory_space<vmem>> -> memref<1x40x50xi32, #tpu.memory_space<vmem>>
    %dma_wait3A_1393 = tpu.memref_squeeze %dma_wait3A_1392 : memref<1x40x50xi32, #tpu.memory_space<vmem>> -> memref<40x50xi32, #tpu.memory_space<vmem>>
    %dma_wait3A_1394 = arith.constant 0 : i32
    %dma_wait3A_1395 = arith.constant 0 : i32
    %dma_wait3A_1396 = arith.constant 0 : i32
    %dma_wait3A_1397 = arith.constant 0 : i32
    %dma_wait3A_1398 = tpu.memref_slice %arg2[%dma_wait3A_1387, %dma_wait3A_1394, %dma_wait3A_1395, %dma_wait3A_1396, %dma_wait3A_1397] : memref<2x32x5x40x50xi32, #tpu.memory_space<hbm>> -> memref<1x32x5x40x50xi32, #tpu.memory_space<hbm>>
    %dma_wait3A_1399 = tpu.memref_squeeze %dma_wait3A_1398 : memref<1x32x5x40x50xi32, #tpu.memory_space<hbm>> -> memref<32x5x40x50xi32, #tpu.memory_space<hbm>>
    %dma_wait3A_1400 = arith.constant 0 : i32
    %dma_wait3A_1401 = arith.constant 0 : i32
    %dma_wait3A_1402 = tpu.memref_slice %dma_wait3A_1399[%add3A, %dma_wait3A_1388, %dma_wait3A_1400, %dma_wait3A_1401] : memref<32x5x40x50xi32, #tpu.memory_space<hbm>> -> memref<1x1x40x50xi32, #tpu.memory_space<hbm>>
    %dma_wait3A_1403 = tpu.memref_squeeze %dma_wait3A_1402 : memref<1x1x40x50xi32, #tpu.memory_space<hbm>> -> memref<40x50xi32, #tpu.memory_space<hbm>>
    %dma_wait3A_1404 = arith.constant 0 : i32
    %dma_wait3A_1405 = arith.constant 0 : i32
    %dma_wait3A_1406 = tpu.memref_slice %arg6[%dma_wait3A_1389, %dma_wait3A_1404, %dma_wait3A_1405] : memref<2x40x50xi32, #tpu.memory_space<vmem>> -> memref<1x40x50xi32, #tpu.memory_space<vmem>>
    %dma_wait3A_1407 = tpu.memref_squeeze %dma_wait3A_1406 : memref<1x40x50xi32, #tpu.memory_space<vmem>> -> memref<40x50xi32, #tpu.memory_space<vmem>>
    %dma_wait3A_1408 = arith.constant 0 : i32
    %dma_wait3A_1409 = arith.constant 0 : i32
    %dma_wait3A_1410 = arith.constant 0 : i32
    %dma_wait3A_1411 = arith.constant 0 : i32
    %dma_wait3A_1412 = tpu.memref_slice %arg2[%dma_wait3A_1387, %dma_wait3A_1408, %dma_wait3A_1409, %dma_wait3A_1410, %dma_wait3A_1411] : memref<2x32x5x40x50xi32, #tpu.memory_space<hbm>> -> memref<1x32x5x40x50xi32, #tpu.memory_space<hbm>>
    %dma_wait3A_1413 = tpu.memref_squeeze %dma_wait3A_1412 : memref<1x32x5x40x50xi32, #tpu.memory_space<hbm>> -> memref<32x5x40x50xi32, #tpu.memory_space<hbm>>
    %dma_wait3A_1414 = arith.constant 0 : i32
    %dma_wait3A_1415 = arith.constant 0 : i32
    %dma_wait3A_1416 = tpu.memref_slice %dma_wait3A_1413[%add3A, %dma_wait3A_1388, %dma_wait3A_1414, %dma_wait3A_1415] : memref<32x5x40x50xi32, #tpu.memory_space<hbm>> -> memref<1x1x40x50xi32, #tpu.memory_space<hbm>>
    %dma_wait3A_1417 = tpu.memref_squeeze %dma_wait3A_1416 : memref<1x1x40x50xi32, #tpu.memory_space<hbm>> -> memref<40x50xi32, #tpu.memory_space<hbm>>
    tpu.wait_dma2 semaphore(%arg16 : memref<!tpu.dma_semaphore, #tpu.memory_space<semaphore_mem>>) src(%dma_wait3A_1417 : memref<40x50xi32, #tpu.memory_space<hbm>>) dst(%dma_wait3A_1407 : memref<40x50xi32, #tpu.memory_space<vmem>>)
    %dma_wait3A_1418 = arith.constant 0 : i32
    %dma_wait3A_1419 = arith.constant 35 : i32
    %dma_wait3A_1420 = arith.constant 0 : i32
    %dma_wait3A_1421 = arith.constant 0 : i32
    %dma_wait3A_1422 = tpu.memref_slice %arg6[%dma_wait3A_1418, %dma_wait3A_1420, %dma_wait3A_1421] : memref<2x40x50xi32, #tpu.memory_space<vmem>> -> memref<1x40x50xi32, #tpu.memory_space<vmem>>
    %dma_wait3A_1423 = tpu.memref_squeeze %dma_wait3A_1422 : memref<1x40x50xi32, #tpu.memory_space<vmem>> -> memref<40x50xi32, #tpu.memory_space<vmem>>
    %dma_wait3A_1424 = arith.constant 0 : i32
    %dma_wait3A_1425 = tpu.memref_slice %dma_wait3A_1423[%dma_wait3A_1419, %dma_wait3A_1424] : memref<40x50xi32, #tpu.memory_space<vmem>> -> memref<1x50xi32, #tpu.memory_space<vmem>>
    %dma_wait3A_1426 = tpu.memref_squeeze %dma_wait3A_1425 : memref<1x50xi32, #tpu.memory_space<vmem>> -> memref<50xi32, #tpu.memory_space<vmem>>
    %dma_wait3A_1427 = arith.constant 0 : i32
    %dma_wait3A_1428 = arith.constant 0 : i32
    %dma_wait3A_1429 = tpu.memref_slice %arg11[%dma_wait3A_1427, %dma_wait3A_1428] : memref<10240x128xf32, #tpu.memory_space<vmem_shared>> -> memref<10240x128xf32, #tpu.memory_space<vmem_shared>>
    tpu.wait_indirect_dma semaphore(%arg15 : memref<!tpu.dma_semaphore, #tpu.memory_space<semaphore_mem>>) src(%arg10 : memref<50x128xf32, #tpu.memory_space<vmem>>) dst(%dma_wait3A_1429 : memref<10240x128xf32, #tpu.memory_space<vmem_shared>>)
    %dma_start3A_1430 = arith.constant 0 : i32
    %dma_start3A_1431 = arith.constant 39 : i32
    %dma_start3A_1432 = arith.constant 0 : i32
    %dma_start3A_1433 = arith.constant 0 : i32
    %dma_start3A_1434 = tpu.memref_slice %arg5[%dma_start3A_1430, %dma_start3A_1432, %dma_start3A_1433] : memref<2x40x50xi32, #tpu.memory_space<vmem>> -> memref<1x40x50xi32, #tpu.memory_space<vmem>>
    %dma_start3A_1435 = tpu.memref_squeeze %dma_start3A_1434 : memref<1x40x50xi32, #tpu.memory_space<vmem>> -> memref<40x50xi32, #tpu.memory_space<vmem>>
    %dma_start3A_1436 = arith.constant 0 : i32
    %dma_start3A_1437 = tpu.memref_slice %dma_start3A_1435[%dma_start3A_1431, %dma_start3A_1436] : memref<40x50xi32, #tpu.memory_space<vmem>> -> memref<1x50xi32, #tpu.memory_space<vmem>>
    %dma_start3A_1438 = tpu.memref_squeeze %dma_start3A_1437 : memref<1x50xi32, #tpu.memory_space<vmem>> -> memref<50xi32, #tpu.memory_space<vmem>>
    %dma_start3A_1439 = arith.constant 0 : i32
    %dma_start3A_1440 = arith.constant 0 : i32
    %dma_start3A_1441 = tpu.memref_slice %arg3[%dma_start3A_1439, %dma_start3A_1440] : memref<10000x128xf32, #tpu.memory_space<hbm>> -> memref<10000x128xf32, #tpu.memory_space<hbm>>
    tpu.enqueue_indirect_dma source(%dma_start3A_1441 : memref<10000x128xf32, #tpu.memory_space<hbm>>) target(%arg10 : memref<50x128xf32, #tpu.memory_space<vmem>>) offsets(%dma_start3A_1438 : memref<50xi32, #tpu.memory_space<vmem>>) semaphore(%arg15 : memref<!tpu.dma_semaphore, #tpu.memory_space<semaphore_mem>>)
    %dma_wait3A_1442 = arith.constant 0 : i32
    %dma_wait3A_1443 = arith.constant 36 : i32
    %dma_wait3A_1444 = arith.constant 0 : i32
    %dma_wait3A_1445 = arith.constant 0 : i32
    %dma_wait3A_1446 = tpu.memref_slice %arg5[%dma_wait3A_1442, %dma_wait3A_1444, %dma_wait3A_1445] : memref<2x40x50xi32, #tpu.memory_space<vmem>> -> memref<1x40x50xi32, #tpu.memory_space<vmem>>
    %dma_wait3A_1447 = tpu.memref_squeeze %dma_wait3A_1446 : memref<1x40x50xi32, #tpu.memory_space<vmem>> -> memref<40x50xi32, #tpu.memory_space<vmem>>
    %dma_wait3A_1448 = arith.constant 0 : i32
    %dma_wait3A_1449 = tpu.memref_slice %dma_wait3A_1447[%dma_wait3A_1443, %dma_wait3A_1448] : memref<40x50xi32, #tpu.memory_space<vmem>> -> memref<1x50xi32, #tpu.memory_space<vmem>>
    %dma_wait3A_1450 = tpu.memref_squeeze %dma_wait3A_1449 : memref<1x50xi32, #tpu.memory_space<vmem>> -> memref<50xi32, #tpu.memory_space<vmem>>
    %dma_wait3A_1451 = arith.constant 0 : i32
    %dma_wait3A_1452 = arith.constant 0 : i32
    %dma_wait3A_1453 = tpu.memref_slice %arg3[%dma_wait3A_1451, %dma_wait3A_1452] : memref<10000x128xf32, #tpu.memory_space<hbm>> -> memref<10000x128xf32, #tpu.memory_space<hbm>>
    tpu.wait_indirect_dma semaphore(%arg12 : memref<!tpu.dma_semaphore, #tpu.memory_space<semaphore_mem>>) src(%dma_wait3A_1453 : memref<10000x128xf32, #tpu.memory_space<hbm>>) dst(%arg7 : memref<50x128xf32, #tpu.memory_space<vmem>>)
    %dma_start3A_1454 = arith.constant 0 : i32
    %dma_start3A_1455 = arith.constant 36 : i32
    %dma_start3A_1456 = arith.constant 0 : i32
    %dma_start3A_1457 = arith.constant 0 : i32
    %dma_start3A_1458 = tpu.memref_slice %arg6[%dma_start3A_1454, %dma_start3A_1456, %dma_start3A_1457] : memref<2x40x50xi32, #tpu.memory_space<vmem>> -> memref<1x40x50xi32, #tpu.memory_space<vmem>>
    %dma_start3A_1459 = tpu.memref_squeeze %dma_start3A_1458 : memref<1x40x50xi32, #tpu.memory_space<vmem>> -> memref<40x50xi32, #tpu.memory_space<vmem>>
    %dma_start3A_1460 = arith.constant 0 : i32
    %dma_start3A_1461 = tpu.memref_slice %dma_start3A_1459[%dma_start3A_1455, %dma_start3A_1460] : memref<40x50xi32, #tpu.memory_space<vmem>> -> memref<1x50xi32, #tpu.memory_space<vmem>>
    %dma_start3A_1462 = tpu.memref_squeeze %dma_start3A_1461 : memref<1x50xi32, #tpu.memory_space<vmem>> -> memref<50xi32, #tpu.memory_space<vmem>>
    %dma_start3A_1463 = arith.constant 0 : i32
    %dma_start3A_1464 = arith.constant 0 : i32
    %dma_start3A_1465 = tpu.memref_slice %arg11[%dma_start3A_1463, %dma_start3A_1464] : memref<10240x128xf32, #tpu.memory_space<vmem_shared>> -> memref<10240x128xf32, #tpu.memory_space<vmem_shared>>
    tpu.enqueue_indirect_dma source(%arg7 : memref<50x128xf32, #tpu.memory_space<vmem>>) target(%dma_start3A_1465 : memref<10240x128xf32, #tpu.memory_space<vmem_shared>>) offsets(%dma_start3A_1462 : memref<50xi32, #tpu.memory_space<vmem>>) semaphore(%arg12 : memref<!tpu.dma_semaphore, #tpu.memory_space<semaphore_mem>>) {add = true}
    %dma_wait3A_1466 = arith.constant 0 : i32
    %dma_wait3A_1467 = arith.constant 36 : i32
    %dma_wait3A_1468 = arith.constant 0 : i32
    %dma_wait3A_1469 = arith.constant 0 : i32
    %dma_wait3A_1470 = tpu.memref_slice %arg6[%dma_wait3A_1466, %dma_wait3A_1468, %dma_wait3A_1469] : memref<2x40x50xi32, #tpu.memory_space<vmem>> -> memref<1x40x50xi32, #tpu.memory_space<vmem>>
    %dma_wait3A_1471 = tpu.memref_squeeze %dma_wait3A_1470 : memref<1x40x50xi32, #tpu.memory_space<vmem>> -> memref<40x50xi32, #tpu.memory_space<vmem>>
    %dma_wait3A_1472 = arith.constant 0 : i32
    %dma_wait3A_1473 = tpu.memref_slice %dma_wait3A_1471[%dma_wait3A_1467, %dma_wait3A_1472] : memref<40x50xi32, #tpu.memory_space<vmem>> -> memref<1x50xi32, #tpu.memory_space<vmem>>
    %dma_wait3A_1474 = tpu.memref_squeeze %dma_wait3A_1473 : memref<1x50xi32, #tpu.memory_space<vmem>> -> memref<50xi32, #tpu.memory_space<vmem>>
    %dma_wait3A_1475 = arith.constant 0 : i32
    %dma_wait3A_1476 = arith.constant 0 : i32
    %dma_wait3A_1477 = tpu.memref_slice %arg11[%dma_wait3A_1475, %dma_wait3A_1476] : memref<10240x128xf32, #tpu.memory_space<vmem_shared>> -> memref<10240x128xf32, #tpu.memory_space<vmem_shared>>
    tpu.wait_indirect_dma semaphore(%arg12 : memref<!tpu.dma_semaphore, #tpu.memory_space<semaphore_mem>>) src(%arg7 : memref<50x128xf32, #tpu.memory_space<vmem>>) dst(%dma_wait3A_1477 : memref<10240x128xf32, #tpu.memory_space<vmem_shared>>)
    %dma_start3A_1478 = arith.constant 1 : i32
    %dma_start3A_1479 = arith.constant 0 : i32
    %dma_start3A_1480 = arith.constant 0 : i32
    %dma_start3A_1481 = arith.constant 0 : i32
    %dma_start3A_1482 = tpu.memref_slice %arg5[%dma_start3A_1478, %dma_start3A_1480, %dma_start3A_1481] : memref<2x40x50xi32, #tpu.memory_space<vmem>> -> memref<1x40x50xi32, #tpu.memory_space<vmem>>
    %dma_start3A_1483 = tpu.memref_squeeze %dma_start3A_1482 : memref<1x40x50xi32, #tpu.memory_space<vmem>> -> memref<40x50xi32, #tpu.memory_space<vmem>>
    %dma_start3A_1484 = arith.constant 0 : i32
    %dma_start3A_1485 = tpu.memref_slice %dma_start3A_1483[%dma_start3A_1479, %dma_start3A_1484] : memref<40x50xi32, #tpu.memory_space<vmem>> -> memref<1x50xi32, #tpu.memory_space<vmem>>
    %dma_start3A_1486 = tpu.memref_squeeze %dma_start3A_1485 : memref<1x50xi32, #tpu.memory_space<vmem>> -> memref<50xi32, #tpu.memory_space<vmem>>
    %dma_start3A_1487 = arith.constant 0 : i32
    %dma_start3A_1488 = arith.constant 0 : i32
    %dma_start3A_1489 = tpu.memref_slice %arg3[%dma_start3A_1487, %dma_start3A_1488] : memref<10000x128xf32, #tpu.memory_space<hbm>> -> memref<10000x128xf32, #tpu.memory_space<hbm>>
    tpu.enqueue_indirect_dma source(%dma_start3A_1489 : memref<10000x128xf32, #tpu.memory_space<hbm>>) target(%arg7 : memref<50x128xf32, #tpu.memory_space<vmem>>) offsets(%dma_start3A_1486 : memref<50xi32, #tpu.memory_space<vmem>>) semaphore(%arg12 : memref<!tpu.dma_semaphore, #tpu.memory_space<semaphore_mem>>)
    %dma_wait3A_1490 = arith.constant 0 : i32
    %dma_wait3A_1491 = arith.constant 37 : i32
    %dma_wait3A_1492 = arith.constant 0 : i32
    %dma_wait3A_1493 = arith.constant 0 : i32
    %dma_wait3A_1494 = tpu.memref_slice %arg5[%dma_wait3A_1490, %dma_wait3A_1492, %dma_wait3A_1493] : memref<2x40x50xi32, #tpu.memory_space<vmem>> -> memref<1x40x50xi32, #tpu.memory_space<vmem>>
    %dma_wait3A_1495 = tpu.memref_squeeze %dma_wait3A_1494 : memref<1x40x50xi32, #tpu.memory_space<vmem>> -> memref<40x50xi32, #tpu.memory_space<vmem>>
    %dma_wait3A_1496 = arith.constant 0 : i32
    %dma_wait3A_1497 = tpu.memref_slice %dma_wait3A_1495[%dma_wait3A_1491, %dma_wait3A_1496] : memref<40x50xi32, #tpu.memory_space<vmem>> -> memref<1x50xi32, #tpu.memory_space<vmem>>
    %dma_wait3A_1498 = tpu.memref_squeeze %dma_wait3A_1497 : memref<1x50xi32, #tpu.memory_space<vmem>> -> memref<50xi32, #tpu.memory_space<vmem>>
    %dma_wait3A_1499 = arith.constant 0 : i32
    %dma_wait3A_1500 = arith.constant 0 : i32
    %dma_wait3A_1501 = tpu.memref_slice %arg3[%dma_wait3A_1499, %dma_wait3A_1500] : memref<10000x128xf32, #tpu.memory_space<hbm>> -> memref<10000x128xf32, #tpu.memory_space<hbm>>
    tpu.wait_indirect_dma semaphore(%arg13 : memref<!tpu.dma_semaphore, #tpu.memory_space<semaphore_mem>>) src(%dma_wait3A_1501 : memref<10000x128xf32, #tpu.memory_space<hbm>>) dst(%arg8 : memref<50x128xf32, #tpu.memory_space<vmem>>)
    %dma_start3A_1502 = arith.constant 0 : i32
    %dma_start3A_1503 = arith.constant 37 : i32
    %dma_start3A_1504 = arith.constant 0 : i32
    %dma_start3A_1505 = arith.constant 0 : i32
    %dma_start3A_1506 = tpu.memref_slice %arg6[%dma_start3A_1502, %dma_start3A_1504, %dma_start3A_1505] : memref<2x40x50xi32, #tpu.memory_space<vmem>> -> memref<1x40x50xi32, #tpu.memory_space<vmem>>
    %dma_start3A_1507 = tpu.memref_squeeze %dma_start3A_1506 : memref<1x40x50xi32, #tpu.memory_space<vmem>> -> memref<40x50xi32, #tpu.memory_space<vmem>>
    %dma_start3A_1508 = arith.constant 0 : i32
    %dma_start3A_1509 = tpu.memref_slice %dma_start3A_1507[%dma_start3A_1503, %dma_start3A_1508] : memref<40x50xi32, #tpu.memory_space<vmem>> -> memref<1x50xi32, #tpu.memory_space<vmem>>
    %dma_start3A_1510 = tpu.memref_squeeze %dma_start3A_1509 : memref<1x50xi32, #tpu.memory_space<vmem>> -> memref<50xi32, #tpu.memory_space<vmem>>
    %dma_start3A_1511 = arith.constant 0 : i32
    %dma_start3A_1512 = arith.constant 0 : i32
    %dma_start3A_1513 = tpu.memref_slice %arg11[%dma_start3A_1511, %dma_start3A_1512] : memref<10240x128xf32, #tpu.memory_space<vmem_shared>> -> memref<10240x128xf32, #tpu.memory_space<vmem_shared>>
    tpu.enqueue_indirect_dma source(%arg8 : memref<50x128xf32, #tpu.memory_space<vmem>>) target(%dma_start3A_1513 : memref<10240x128xf32, #tpu.memory_space<vmem_shared>>) offsets(%dma_start3A_1510 : memref<50xi32, #tpu.memory_space<vmem>>) semaphore(%arg13 : memref<!tpu.dma_semaphore, #tpu.memory_space<semaphore_mem>>) {add = true}
    %dma_wait3A_1514 = arith.constant 0 : i32
    %dma_wait3A_1515 = arith.constant 37 : i32
    %dma_wait3A_1516 = arith.constant 0 : i32
    %dma_wait3A_1517 = arith.constant 0 : i32
    %dma_wait3A_1518 = tpu.memref_slice %arg6[%dma_wait3A_1514, %dma_wait3A_1516, %dma_wait3A_1517] : memref<2x40x50xi32, #tpu.memory_space<vmem>> -> memref<1x40x50xi32, #tpu.memory_space<vmem>>
    %dma_wait3A_1519 = tpu.memref_squeeze %dma_wait3A_1518 : memref<1x40x50xi32, #tpu.memory_space<vmem>> -> memref<40x50xi32, #tpu.memory_space<vmem>>
    %dma_wait3A_1520 = arith.constant 0 : i32
    %dma_wait3A_1521 = tpu.memref_slice %dma_wait3A_1519[%dma_wait3A_1515, %dma_wait3A_1520] : memref<40x50xi32, #tpu.memory_space<vmem>> -> memref<1x50xi32, #tpu.memory_space<vmem>>
    %dma_wait3A_1522 = tpu.memref_squeeze %dma_wait3A_1521 : memref<1x50xi32, #tpu.memory_space<vmem>> -> memref<50xi32, #tpu.memory_space<vmem>>
    %dma_wait3A_1523 = arith.constant 0 : i32
    %dma_wait3A_1524 = arith.constant 0 : i32
    %dma_wait3A_1525 = tpu.memref_slice %arg11[%dma_wait3A_1523, %dma_wait3A_1524] : memref<10240x128xf32, #tpu.memory_space<vmem_shared>> -> memref<10240x128xf32, #tpu.memory_space<vmem_shared>>
    tpu.wait_indirect_dma semaphore(%arg13 : memref<!tpu.dma_semaphore, #tpu.memory_space<semaphore_mem>>) src(%arg8 : memref<50x128xf32, #tpu.memory_space<vmem>>) dst(%dma_wait3A_1525 : memref<10240x128xf32, #tpu.memory_space<vmem_shared>>)
    %dma_start3A_1526 = arith.constant 1 : i32
    %dma_start3A_1527 = arith.constant 1 : i32
    %dma_start3A_1528 = arith.constant 0 : i32
    %dma_start3A_1529 = arith.constant 0 : i32
    %dma_start3A_1530 = tpu.memref_slice %arg5[%dma_start3A_1526, %dma_start3A_1528, %dma_start3A_1529] : memref<2x40x50xi32, #tpu.memory_space<vmem>> -> memref<1x40x50xi32, #tpu.memory_space<vmem>>
    %dma_start3A_1531 = tpu.memref_squeeze %dma_start3A_1530 : memref<1x40x50xi32, #tpu.memory_space<vmem>> -> memref<40x50xi32, #tpu.memory_space<vmem>>
    %dma_start3A_1532 = arith.constant 0 : i32
    %dma_start3A_1533 = tpu.memref_slice %dma_start3A_1531[%dma_start3A_1527, %dma_start3A_1532] : memref<40x50xi32, #tpu.memory_space<vmem>> -> memref<1x50xi32, #tpu.memory_space<vmem>>
    %dma_start3A_1534 = tpu.memref_squeeze %dma_start3A_1533 : memref<1x50xi32, #tpu.memory_space<vmem>> -> memref<50xi32, #tpu.memory_space<vmem>>
    %dma_start3A_1535 = arith.constant 0 : i32
    %dma_start3A_1536 = arith.constant 0 : i32
    %dma_start3A_1537 = tpu.memref_slice %arg3[%dma_start3A_1535, %dma_start3A_1536] : memref<10000x128xf32, #tpu.memory_space<hbm>> -> memref<10000x128xf32, #tpu.memory_space<hbm>>
    tpu.enqueue_indirect_dma source(%dma_start3A_1537 : memref<10000x128xf32, #tpu.memory_space<hbm>>) target(%arg8 : memref<50x128xf32, #tpu.memory_space<vmem>>) offsets(%dma_start3A_1534 : memref<50xi32, #tpu.memory_space<vmem>>) semaphore(%arg13 : memref<!tpu.dma_semaphore, #tpu.memory_space<semaphore_mem>>)
    %dma_wait3A_1538 = arith.constant 0 : i32
    %dma_wait3A_1539 = arith.constant 38 : i32
    %dma_wait3A_1540 = arith.constant 0 : i32
    %dma_wait3A_1541 = arith.constant 0 : i32
    %dma_wait3A_1542 = tpu.memref_slice %arg5[%dma_wait3A_1538, %dma_wait3A_1540, %dma_wait3A_1541] : memref<2x40x50xi32, #tpu.memory_space<vmem>> -> memref<1x40x50xi32, #tpu.memory_space<vmem>>
    %dma_wait3A_1543 = tpu.memref_squeeze %dma_wait3A_1542 : memref<1x40x50xi32, #tpu.memory_space<vmem>> -> memref<40x50xi32, #tpu.memory_space<vmem>>
    %dma_wait3A_1544 = arith.constant 0 : i32
    %dma_wait3A_1545 = tpu.memref_slice %dma_wait3A_1543[%dma_wait3A_1539, %dma_wait3A_1544] : memref<40x50xi32, #tpu.memory_space<vmem>> -> memref<1x50xi32, #tpu.memory_space<vmem>>
    %dma_wait3A_1546 = tpu.memref_squeeze %dma_wait3A_1545 : memref<1x50xi32, #tpu.memory_space<vmem>> -> memref<50xi32, #tpu.memory_space<vmem>>
    %dma_wait3A_1547 = arith.constant 0 : i32
    %dma_wait3A_1548 = arith.constant 0 : i32
    %dma_wait3A_1549 = tpu.memref_slice %arg3[%dma_wait3A_1547, %dma_wait3A_1548] : memref<10000x128xf32, #tpu.memory_space<hbm>> -> memref<10000x128xf32, #tpu.memory_space<hbm>>
    tpu.wait_indirect_dma semaphore(%arg14 : memref<!tpu.dma_semaphore, #tpu.memory_space<semaphore_mem>>) src(%dma_wait3A_1549 : memref<10000x128xf32, #tpu.memory_space<hbm>>) dst(%arg9 : memref<50x128xf32, #tpu.memory_space<vmem>>)
    %dma_start3A_1550 = arith.constant 0 : i32
    %dma_start3A_1551 = arith.constant 38 : i32
    %dma_start3A_1552 = arith.constant 0 : i32
    %dma_start3A_1553 = arith.constant 0 : i32
    %dma_start3A_1554 = tpu.memref_slice %arg6[%dma_start3A_1550, %dma_start3A_1552, %dma_start3A_1553] : memref<2x40x50xi32, #tpu.memory_space<vmem>> -> memref<1x40x50xi32, #tpu.memory_space<vmem>>
    %dma_start3A_1555 = tpu.memref_squeeze %dma_start3A_1554 : memref<1x40x50xi32, #tpu.memory_space<vmem>> -> memref<40x50xi32, #tpu.memory_space<vmem>>
    %dma_start3A_1556 = arith.constant 0 : i32
    %dma_start3A_1557 = tpu.memref_slice %dma_start3A_1555[%dma_start3A_1551, %dma_start3A_1556] : memref<40x50xi32, #tpu.memory_space<vmem>> -> memref<1x50xi32, #tpu.memory_space<vmem>>
    %dma_start3A_1558 = tpu.memref_squeeze %dma_start3A_1557 : memref<1x50xi32, #tpu.memory_space<vmem>> -> memref<50xi32, #tpu.memory_space<vmem>>
    %dma_start3A_1559 = arith.constant 0 : i32
    %dma_start3A_1560 = arith.constant 0 : i32
    %dma_start3A_1561 = tpu.memref_slice %arg11[%dma_start3A_1559, %dma_start3A_1560] : memref<10240x128xf32, #tpu.memory_space<vmem_shared>> -> memref<10240x128xf32, #tpu.memory_space<vmem_shared>>
    tpu.enqueue_indirect_dma source(%arg9 : memref<50x128xf32, #tpu.memory_space<vmem>>) target(%dma_start3A_1561 : memref<10240x128xf32, #tpu.memory_space<vmem_shared>>) offsets(%dma_start3A_1558 : memref<50xi32, #tpu.memory_space<vmem>>) semaphore(%arg14 : memref<!tpu.dma_semaphore, #tpu.memory_space<semaphore_mem>>) {add = true}
    %dma_wait3A_1562 = arith.constant 0 : i32
    %dma_wait3A_1563 = arith.constant 38 : i32
    %dma_wait3A_1564 = arith.constant 0 : i32
    %dma_wait3A_1565 = arith.constant 0 : i32
    %dma_wait3A_1566 = tpu.memref_slice %arg6[%dma_wait3A_1562, %dma_wait3A_1564, %dma_wait3A_1565] : memref<2x40x50xi32, #tpu.memory_space<vmem>> -> memref<1x40x50xi32, #tpu.memory_space<vmem>>
    %dma_wait3A_1567 = tpu.memref_squeeze %dma_wait3A_1566 : memref<1x40x50xi32, #tpu.memory_space<vmem>> -> memref<40x50xi32, #tpu.memory_space<vmem>>
    %dma_wait3A_1568 = arith.constant 0 : i32
    %dma_wait3A_1569 = tpu.memref_slice %dma_wait3A_1567[%dma_wait3A_1563, %dma_wait3A_1568] : memref<40x50xi32, #tpu.memory_space<vmem>> -> memref<1x50xi32, #tpu.memory_space<vmem>>
    %dma_wait3A_1570 = tpu.memref_squeeze %dma_wait3A_1569 : memref<1x50xi32, #tpu.memory_space<vmem>> -> memref<50xi32, #tpu.memory_space<vmem>>
    %dma_wait3A_1571 = arith.constant 0 : i32
    %dma_wait3A_1572 = arith.constant 0 : i32
    %dma_wait3A_1573 = tpu.memref_slice %arg11[%dma_wait3A_1571, %dma_wait3A_1572] : memref<10240x128xf32, #tpu.memory_space<vmem_shared>> -> memref<10240x128xf32, #tpu.memory_space<vmem_shared>>
    tpu.wait_indirect_dma semaphore(%arg14 : memref<!tpu.dma_semaphore, #tpu.memory_space<semaphore_mem>>) src(%arg9 : memref<50x128xf32, #tpu.memory_space<vmem>>) dst(%dma_wait3A_1573 : memref<10240x128xf32, #tpu.memory_space<vmem_shared>>)
    %dma_start3A_1574 = arith.constant 1 : i32
    %dma_start3A_1575 = arith.constant 2 : i32
    %dma_start3A_1576 = arith.constant 0 : i32
    %dma_start3A_1577 = arith.constant 0 : i32
    %dma_start3A_1578 = tpu.memref_slice %arg5[%dma_start3A_1574, %dma_start3A_1576, %dma_start3A_1577] : memref<2x40x50xi32, #tpu.memory_space<vmem>> -> memref<1x40x50xi32, #tpu.memory_space<vmem>>
    %dma_start3A_1579 = tpu.memref_squeeze %dma_start3A_1578 : memref<1x40x50xi32, #tpu.memory_space<vmem>> -> memref<40x50xi32, #tpu.memory_space<vmem>>
    %dma_start3A_1580 = arith.constant 0 : i32
    %dma_start3A_1581 = tpu.memref_slice %dma_start3A_1579[%dma_start3A_1575, %dma_start3A_1580] : memref<40x50xi32, #tpu.memory_space<vmem>> -> memref<1x50xi32, #tpu.memory_space<vmem>>
    %dma_start3A_1582 = tpu.memref_squeeze %dma_start3A_1581 : memref<1x50xi32, #tpu.memory_space<vmem>> -> memref<50xi32, #tpu.memory_space<vmem>>
    %dma_start3A_1583 = arith.constant 0 : i32
    %dma_start3A_1584 = arith.constant 0 : i32
    %dma_start3A_1585 = tpu.memref_slice %arg3[%dma_start3A_1583, %dma_start3A_1584] : memref<10000x128xf32, #tpu.memory_space<hbm>> -> memref<10000x128xf32, #tpu.memory_space<hbm>>
    tpu.enqueue_indirect_dma source(%dma_start3A_1585 : memref<10000x128xf32, #tpu.memory_space<hbm>>) target(%arg9 : memref<50x128xf32, #tpu.memory_space<vmem>>) offsets(%dma_start3A_1582 : memref<50xi32, #tpu.memory_space<vmem>>) semaphore(%arg14 : memref<!tpu.dma_semaphore, #tpu.memory_space<semaphore_mem>>)
    %dma_wait3A_1586 = arith.constant 0 : i32
    %dma_wait3A_1587 = arith.constant 39 : i32
    %dma_wait3A_1588 = arith.constant 0 : i32
    %dma_wait3A_1589 = arith.constant 0 : i32
    %dma_wait3A_1590 = tpu.memref_slice %arg5[%dma_wait3A_1586, %dma_wait3A_1588, %dma_wait3A_1589] : memref<2x40x50xi32, #tpu.memory_space<vmem>> -> memref<1x40x50xi32, #tpu.memory_space<vmem>>
    %dma_wait3A_1591 = tpu.memref_squeeze %dma_wait3A_1590 : memref<1x40x50xi32, #tpu.memory_space<vmem>> -> memref<40x50xi32, #tpu.memory_space<vmem>>
    %dma_wait3A_1592 = arith.constant 0 : i32
    %dma_wait3A_1593 = tpu.memref_slice %dma_wait3A_1591[%dma_wait3A_1587, %dma_wait3A_1592] : memref<40x50xi32, #tpu.memory_space<vmem>> -> memref<1x50xi32, #tpu.memory_space<vmem>>
    %dma_wait3A_1594 = tpu.memref_squeeze %dma_wait3A_1593 : memref<1x50xi32, #tpu.memory_space<vmem>> -> memref<50xi32, #tpu.memory_space<vmem>>
    %dma_wait3A_1595 = arith.constant 0 : i32
    %dma_wait3A_1596 = arith.constant 0 : i32
    %dma_wait3A_1597 = tpu.memref_slice %arg3[%dma_wait3A_1595, %dma_wait3A_1596] : memref<10000x128xf32, #tpu.memory_space<hbm>> -> memref<10000x128xf32, #tpu.memory_space<hbm>>
    tpu.wait_indirect_dma semaphore(%arg15 : memref<!tpu.dma_semaphore, #tpu.memory_space<semaphore_mem>>) src(%dma_wait3A_1597 : memref<10000x128xf32, #tpu.memory_space<hbm>>) dst(%arg10 : memref<50x128xf32, #tpu.memory_space<vmem>>)
    %dma_start3A_1598 = arith.constant 0 : i32
    %dma_start3A_1599 = arith.constant 39 : i32
    %dma_start3A_1600 = arith.constant 0 : i32
    %dma_start3A_1601 = arith.constant 0 : i32
    %dma_start3A_1602 = tpu.memref_slice %arg6[%dma_start3A_1598, %dma_start3A_1600, %dma_start3A_1601] : memref<2x40x50xi32, #tpu.memory_space<vmem>> -> memref<1x40x50xi32, #tpu.memory_space<vmem>>
    %dma_start3A_1603 = tpu.memref_squeeze %dma_start3A_1602 : memref<1x40x50xi32, #tpu.memory_space<vmem>> -> memref<40x50xi32, #tpu.memory_space<vmem>>
    %dma_start3A_1604 = arith.constant 0 : i32
    %dma_start3A_1605 = tpu.memref_slice %dma_start3A_1603[%dma_start3A_1599, %dma_start3A_1604] : memref<40x50xi32, #tpu.memory_space<vmem>> -> memref<1x50xi32, #tpu.memory_space<vmem>>
    %dma_start3A_1606 = tpu.memref_squeeze %dma_start3A_1605 : memref<1x50xi32, #tpu.memory_space<vmem>> -> memref<50xi32, #tpu.memory_space<vmem>>
    %dma_start3A_1607 = arith.constant 0 : i32
    %dma_start3A_1608 = arith.constant 0 : i32
    %dma_start3A_1609 = tpu.memref_slice %arg11[%dma_start3A_1607, %dma_start3A_1608] : memref<10240x128xf32, #tpu.memory_space<vmem_shared>> -> memref<10240x128xf32, #tpu.memory_space<vmem_shared>>
    tpu.enqueue_indirect_dma source(%arg10 : memref<50x128xf32, #tpu.memory_space<vmem>>) target(%dma_start3A_1609 : memref<10240x128xf32, #tpu.memory_space<vmem_shared>>) offsets(%dma_start3A_1606 : memref<50xi32, #tpu.memory_space<vmem>>) semaphore(%arg15 : memref<!tpu.dma_semaphore, #tpu.memory_space<semaphore_mem>>) {add = true}
    %dma_start3A_1610 = arith.constant 0 : i32
    %dma_start3A_1611 = arith.constant 4 : i32
    %dma_start3A_1612 = arith.constant 0 : i32
    %dma_start3A_1613 = arith.constant 0 : i32
    %dma_start3A_1614 = arith.constant 0 : i32
    %dma_start3A_1615 = tpu.memref_slice %arg5[%dma_start3A_1612, %dma_start3A_1613, %dma_start3A_1614] : memref<2x40x50xi32, #tpu.memory_space<vmem>> -> memref<1x40x50xi32, #tpu.memory_space<vmem>>
    %dma_start3A_1616 = tpu.memref_squeeze %dma_start3A_1615 : memref<1x40x50xi32, #tpu.memory_space<vmem>> -> memref<40x50xi32, #tpu.memory_space<vmem>>
    %dma_start3A_1617 = arith.constant 0 : i32
    %dma_start3A_1618 = arith.constant 0 : i32
    %dma_start3A_1619 = arith.constant 0 : i32
    %dma_start3A_1620 = arith.constant 0 : i32
    %dma_start3A_1621 = tpu.memref_slice %arg2[%dma_start3A_1610, %dma_start3A_1617, %dma_start3A_1618, %dma_start3A_1619, %dma_start3A_1620] : memref<2x32x5x40x50xi32, #tpu.memory_space<hbm>> -> memref<1x32x5x40x50xi32, #tpu.memory_space<hbm>>
    %dma_start3A_1622 = tpu.memref_squeeze %dma_start3A_1621 : memref<1x32x5x40x50xi32, #tpu.memory_space<hbm>> -> memref<32x5x40x50xi32, #tpu.memory_space<hbm>>
    %dma_start3A_1623 = arith.constant 0 : i32
    %dma_start3A_1624 = arith.constant 0 : i32
    %dma_start3A_1625 = tpu.memref_slice %dma_start3A_1622[%add3A, %dma_start3A_1611, %dma_start3A_1623, %dma_start3A_1624] : memref<32x5x40x50xi32, #tpu.memory_space<hbm>> -> memref<1x1x40x50xi32, #tpu.memory_space<hbm>>
    %dma_start3A_1626 = tpu.memref_squeeze %dma_start3A_1625 : memref<1x1x40x50xi32, #tpu.memory_space<hbm>> -> memref<40x50xi32, #tpu.memory_space<hbm>>
    %dma_start3A_1627 = arith.constant 0 : i32
    %dma_start3A_1628 = arith.constant 0 : i32
    %dma_start3A_1629 = tpu.memref_slice %arg5[%dma_start3A_1612, %dma_start3A_1627, %dma_start3A_1628] : memref<2x40x50xi32, #tpu.memory_space<vmem>> -> memref<1x40x50xi32, #tpu.memory_space<vmem>>
    %dma_start3A_1630 = tpu.memref_squeeze %dma_start3A_1629 : memref<1x40x50xi32, #tpu.memory_space<vmem>> -> memref<40x50xi32, #tpu.memory_space<vmem>>
    %dma_start3A_1631 = arith.constant 0 : i32
    %dma_start3A_1632 = arith.constant 0 : i32
    %dma_start3A_1633 = arith.constant 0 : i32
    %dma_start3A_1634 = arith.constant 0 : i32
    %dma_start3A_1635 = tpu.memref_slice %arg2[%dma_start3A_1610, %dma_start3A_1631, %dma_start3A_1632, %dma_start3A_1633, %dma_start3A_1634] : memref<2x32x5x40x50xi32, #tpu.memory_space<hbm>> -> memref<1x32x5x40x50xi32, #tpu.memory_space<hbm>>
    %dma_start3A_1636 = tpu.memref_squeeze %dma_start3A_1635 : memref<1x32x5x40x50xi32, #tpu.memory_space<hbm>> -> memref<32x5x40x50xi32, #tpu.memory_space<hbm>>
    %dma_start3A_1637 = arith.constant 0 : i32
    %dma_start3A_1638 = arith.constant 0 : i32
    %dma_start3A_1639 = tpu.memref_slice %dma_start3A_1636[%add3A, %dma_start3A_1611, %dma_start3A_1637, %dma_start3A_1638] : memref<32x5x40x50xi32, #tpu.memory_space<hbm>> -> memref<1x1x40x50xi32, #tpu.memory_space<hbm>>
    %dma_start3A_1640 = tpu.memref_squeeze %dma_start3A_1639 : memref<1x1x40x50xi32, #tpu.memory_space<hbm>> -> memref<40x50xi32, #tpu.memory_space<hbm>>
    tpu.enqueue_dma source(%dma_start3A_1640 : memref<40x50xi32, #tpu.memory_space<hbm>>) target(%dma_start3A_1630 : memref<40x50xi32, #tpu.memory_space<vmem>>) target_semaphore(%arg16 : memref<!tpu.dma_semaphore, #tpu.memory_space<semaphore_mem>>)
    %dma_start3A_1641 = arith.constant 1 : i32
    %dma_start3A_1642 = arith.constant 4 : i32
    %dma_start3A_1643 = arith.constant 0 : i32
    %dma_start3A_1644 = arith.constant 0 : i32
    %dma_start3A_1645 = arith.constant 0 : i32
    %dma_start3A_1646 = tpu.memref_slice %arg6[%dma_start3A_1643, %dma_start3A_1644, %dma_start3A_1645] : memref<2x40x50xi32, #tpu.memory_space<vmem>> -> memref<1x40x50xi32, #tpu.memory_space<vmem>>
    %dma_start3A_1647 = tpu.memref_squeeze %dma_start3A_1646 : memref<1x40x50xi32, #tpu.memory_space<vmem>> -> memref<40x50xi32, #tpu.memory_space<vmem>>
    %dma_start3A_1648 = arith.constant 0 : i32
    %dma_start3A_1649 = arith.constant 0 : i32
    %dma_start3A_1650 = arith.constant 0 : i32
    %dma_start3A_1651 = arith.constant 0 : i32
    %dma_start3A_1652 = tpu.memref_slice %arg2[%dma_start3A_1641, %dma_start3A_1648, %dma_start3A_1649, %dma_start3A_1650, %dma_start3A_1651] : memref<2x32x5x40x50xi32, #tpu.memory_space<hbm>> -> memref<1x32x5x40x50xi32, #tpu.memory_space<hbm>>
    %dma_start3A_1653 = tpu.memref_squeeze %dma_start3A_1652 : memref<1x32x5x40x50xi32, #tpu.memory_space<hbm>> -> memref<32x5x40x50xi32, #tpu.memory_space<hbm>>
    %dma_start3A_1654 = arith.constant 0 : i32
    %dma_start3A_1655 = arith.constant 0 : i32
    %dma_start3A_1656 = tpu.memref_slice %dma_start3A_1653[%add3A, %dma_start3A_1642, %dma_start3A_1654, %dma_start3A_1655] : memref<32x5x40x50xi32, #tpu.memory_space<hbm>> -> memref<1x1x40x50xi32, #tpu.memory_space<hbm>>
    %dma_start3A_1657 = tpu.memref_squeeze %dma_start3A_1656 : memref<1x1x40x50xi32, #tpu.memory_space<hbm>> -> memref<40x50xi32, #tpu.memory_space<hbm>>
    %dma_start3A_1658 = arith.constant 0 : i32
    %dma_start3A_1659 = arith.constant 0 : i32
    %dma_start3A_1660 = tpu.memref_slice %arg6[%dma_start3A_1643, %dma_start3A_1658, %dma_start3A_1659] : memref<2x40x50xi32, #tpu.memory_space<vmem>> -> memref<1x40x50xi32, #tpu.memory_space<vmem>>
    %dma_start3A_1661 = tpu.memref_squeeze %dma_start3A_1660 : memref<1x40x50xi32, #tpu.memory_space<vmem>> -> memref<40x50xi32, #tpu.memory_space<vmem>>
    %dma_start3A_1662 = arith.constant 0 : i32
    %dma_start3A_1663 = arith.constant 0 : i32
    %dma_start3A_1664 = arith.constant 0 : i32
    %dma_start3A_1665 = arith.constant 0 : i32
    %dma_start3A_1666 = tpu.memref_slice %arg2[%dma_start3A_1641, %dma_start3A_1662, %dma_start3A_1663, %dma_start3A_1664, %dma_start3A_1665] : memref<2x32x5x40x50xi32, #tpu.memory_space<hbm>> -> memref<1x32x5x40x50xi32, #tpu.memory_space<hbm>>
    %dma_start3A_1667 = tpu.memref_squeeze %dma_start3A_1666 : memref<1x32x5x40x50xi32, #tpu.memory_space<hbm>> -> memref<32x5x40x50xi32, #tpu.memory_space<hbm>>
    %dma_start3A_1668 = arith.constant 0 : i32
    %dma_start3A_1669 = arith.constant 0 : i32
    %dma_start3A_1670 = tpu.memref_slice %dma_start3A_1667[%add3A, %dma_start3A_1642, %dma_start3A_1668, %dma_start3A_1669] : memref<32x5x40x50xi32, #tpu.memory_space<hbm>> -> memref<1x1x40x50xi32, #tpu.memory_space<hbm>>
    %dma_start3A_1671 = tpu.memref_squeeze %dma_start3A_1670 : memref<1x1x40x50xi32, #tpu.memory_space<hbm>> -> memref<40x50xi32, #tpu.memory_space<hbm>>
    tpu.enqueue_dma source(%dma_start3A_1671 : memref<40x50xi32, #tpu.memory_space<hbm>>) target(%dma_start3A_1661 : memref<40x50xi32, #tpu.memory_space<vmem>>) target_semaphore(%arg16 : memref<!tpu.dma_semaphore, #tpu.memory_space<semaphore_mem>>)
    %scan3A_1672 = arith.constant 1 : i32
    %scan3A_1673 = arith.constant 1 : i32
    %scan3A_1674 = arith.constant 0 : i32
    %scan3A_1675 = arith.constant 9 : i32
    %scan3A_1676 = arith.addi %scan3A_1674, %scan3A_1675 : i32
    %scan3A_1677 = arith.constant 1 : i32
    scf.for %scan3A_2229 = %scan3A_1674 to %scan3A_1676 step %scan3A_1677  : i32 {
      %mul3A_2230 = arith.constant 4 : i32
      %mul3A_2231 = arith.muli %scan3A_2229, %mul3A_2230 : i32
      %add3A_2232 = arith.constant 0 : i32
      %add3A_2233 = arith.addi %add3A_2232, %mul3A_2231 : i32
      %add3A_2234 = arith.constant 0 : i32
      %add3A_2235 = arith.addi %add3A_2233, %add3A_2234 : i32
      %sub3A = arith.constant 1 : i32
      %sub3A_2236 = arith.subi %add3A_2235, %sub3A : i32
      %max3A = arith.constant 0 : i32
      %max3A_2237 = arith.maxsi %sub3A_2236, %max3A : i32
      %dma_wait3A_2238 = arith.constant 0 : i32
      %dma_wait3A_2239 = arith.constant 0 : i32
      %dma_wait3A_2240 = tpu.memref_slice %arg6[%scan3A_1672, %dma_wait3A_2238, %dma_wait3A_2239] : memref<2x40x50xi32, #tpu.memory_space<vmem>> -> memref<1x40x50xi32, #tpu.memory_space<vmem>>
      %dma_wait3A_2241 = tpu.memref_squeeze %dma_wait3A_2240 : memref<1x40x50xi32, #tpu.memory_space<vmem>> -> memref<40x50xi32, #tpu.memory_space<vmem>>
      %dma_wait3A_2242 = arith.constant 0 : i32
      %dma_wait3A_2243 = tpu.memref_slice %dma_wait3A_2241[%max3A_2237, %dma_wait3A_2242] : memref<40x50xi32, #tpu.memory_space<vmem>> -> memref<1x50xi32, #tpu.memory_space<vmem>>
      %dma_wait3A_2244 = tpu.memref_squeeze %dma_wait3A_2243 : memref<1x50xi32, #tpu.memory_space<vmem>> -> memref<50xi32, #tpu.memory_space<vmem>>
      %dma_wait3A_2245 = arith.constant 0 : i32
      %dma_wait3A_2246 = arith.constant 0 : i32
      %dma_wait3A_2247 = tpu.memref_slice %arg11[%dma_wait3A_2245, %dma_wait3A_2246] : memref<10240x128xf32, #tpu.memory_space<vmem_shared>> -> memref<10240x128xf32, #tpu.memory_space<vmem_shared>>
      tpu.wait_indirect_dma semaphore(%arg15 : memref<!tpu.dma_semaphore, #tpu.memory_space<semaphore_mem>>) src(%arg10 : memref<50x128xf32, #tpu.memory_space<vmem>>) dst(%dma_wait3A_2247 : memref<10240x128xf32, #tpu.memory_space<vmem_shared>>)
      %add3A_2248 = arith.constant 3 : i32
      %add3A_2249 = arith.addi %add3A_2235, %add3A_2248 : i32
      %dma_start3A_2250 = arith.constant 0 : i32
      %dma_start3A_2251 = arith.constant 0 : i32
      %dma_start3A_2252 = tpu.memref_slice %arg5[%scan3A_1673, %dma_start3A_2250, %dma_start3A_2251] : memref<2x40x50xi32, #tpu.memory_space<vmem>> -> memref<1x40x50xi32, #tpu.memory_space<vmem>>
      %dma_start3A_2253 = tpu.memref_squeeze %dma_start3A_2252 : memref<1x40x50xi32, #tpu.memory_space<vmem>> -> memref<40x50xi32, #tpu.memory_space<vmem>>
      %dma_start3A_2254 = arith.constant 0 : i32
      %dma_start3A_2255 = tpu.memref_slice %dma_start3A_2253[%add3A_2249, %dma_start3A_2254] : memref<40x50xi32, #tpu.memory_space<vmem>> -> memref<1x50xi32, #tpu.memory_space<vmem>>
      %dma_start3A_2256 = tpu.memref_squeeze %dma_start3A_2255 : memref<1x50xi32, #tpu.memory_space<vmem>> -> memref<50xi32, #tpu.memory_space<vmem>>
      %dma_start3A_2257 = arith.constant 0 : i32
      %dma_start3A_2258 = arith.constant 0 : i32
      %dma_start3A_2259 = tpu.memref_slice %arg3[%dma_start3A_2257, %dma_start3A_2258] : memref<10000x128xf32, #tpu.memory_space<hbm>> -> memref<10000x128xf32, #tpu.memory_space<hbm>>
      tpu.enqueue_indirect_dma source(%dma_start3A_2259 : memref<10000x128xf32, #tpu.memory_space<hbm>>) target(%arg10 : memref<50x128xf32, #tpu.memory_space<vmem>>) offsets(%dma_start3A_2256 : memref<50xi32, #tpu.memory_space<vmem>>) semaphore(%arg15 : memref<!tpu.dma_semaphore, #tpu.memory_space<semaphore_mem>>)
      %dma_wait3A_2260 = arith.constant 0 : i32
      %dma_wait3A_2261 = arith.constant 0 : i32
      %dma_wait3A_2262 = tpu.memref_slice %arg5[%scan3A_1673, %dma_wait3A_2260, %dma_wait3A_2261] : memref<2x40x50xi32, #tpu.memory_space<vmem>> -> memref<1x40x50xi32, #tpu.memory_space<vmem>>
      %dma_wait3A_2263 = tpu.memref_squeeze %dma_wait3A_2262 : memref<1x40x50xi32, #tpu.memory_space<vmem>> -> memref<40x50xi32, #tpu.memory_space<vmem>>
      %dma_wait3A_2264 = arith.constant 0 : i32
      %dma_wait3A_2265 = tpu.memref_slice %dma_wait3A_2263[%add3A_2235, %dma_wait3A_2264] : memref<40x50xi32, #tpu.memory_space<vmem>> -> memref<1x50xi32, #tpu.memory_space<vmem>>
      %dma_wait3A_2266 = tpu.memref_squeeze %dma_wait3A_2265 : memref<1x50xi32, #tpu.memory_space<vmem>> -> memref<50xi32, #tpu.memory_space<vmem>>
      %dma_wait3A_2267 = arith.constant 0 : i32
      %dma_wait3A_2268 = arith.constant 0 : i32
      %dma_wait3A_2269 = tpu.memref_slice %arg3[%dma_wait3A_2267, %dma_wait3A_2268] : memref<10000x128xf32, #tpu.memory_space<hbm>> -> memref<10000x128xf32, #tpu.memory_space<hbm>>
      tpu.wait_indirect_dma semaphore(%arg12 : memref<!tpu.dma_semaphore, #tpu.memory_space<semaphore_mem>>) src(%dma_wait3A_2269 : memref<10000x128xf32, #tpu.memory_space<hbm>>) dst(%arg7 : memref<50x128xf32, #tpu.memory_space<vmem>>)
      %dma_start3A_2270 = arith.constant 0 : i32
      %dma_start3A_2271 = arith.constant 0 : i32
      %dma_start3A_2272 = tpu.memref_slice %arg6[%scan3A_1672, %dma_start3A_2270, %dma_start3A_2271] : memref<2x40x50xi32, #tpu.memory_space<vmem>> -> memref<1x40x50xi32, #tpu.memory_space<vmem>>
      %dma_start3A_2273 = tpu.memref_squeeze %dma_start3A_2272 : memref<1x40x50xi32, #tpu.memory_space<vmem>> -> memref<40x50xi32, #tpu.memory_space<vmem>>
      %dma_start3A_2274 = arith.constant 0 : i32
      %dma_start3A_2275 = tpu.memref_slice %dma_start3A_2273[%add3A_2235, %dma_start3A_2274] : memref<40x50xi32, #tpu.memory_space<vmem>> -> memref<1x50xi32, #tpu.memory_space<vmem>>
      %dma_start3A_2276 = tpu.memref_squeeze %dma_start3A_2275 : memref<1x50xi32, #tpu.memory_space<vmem>> -> memref<50xi32, #tpu.memory_space<vmem>>
      %dma_start3A_2277 = arith.constant 0 : i32
      %dma_start3A_2278 = arith.constant 0 : i32
      %dma_start3A_2279 = tpu.memref_slice %arg11[%dma_start3A_2277, %dma_start3A_2278] : memref<10240x128xf32, #tpu.memory_space<vmem_shared>> -> memref<10240x128xf32, #tpu.memory_space<vmem_shared>>
      tpu.enqueue_indirect_dma source(%arg7 : memref<50x128xf32, #tpu.memory_space<vmem>>) target(%dma_start3A_2279 : memref<10240x128xf32, #tpu.memory_space<vmem_shared>>) offsets(%dma_start3A_2276 : memref<50xi32, #tpu.memory_space<vmem>>) semaphore(%arg12 : memref<!tpu.dma_semaphore, #tpu.memory_space<semaphore_mem>>) {add = true}
      %add3A_2280 = arith.constant 1 : i32
      %add3A_2281 = arith.addi %add3A_2233, %add3A_2280 : i32
      %sub3A_2282 = arith.constant 1 : i32
      %sub3A_2283 = arith.subi %add3A_2281, %sub3A_2282 : i32
      %max3A_2284 = arith.constant 0 : i32
      %max3A_2285 = arith.maxsi %sub3A_2283, %max3A_2284 : i32
      %dma_wait3A_2286 = arith.constant 0 : i32
      %dma_wait3A_2287 = arith.constant 0 : i32
      %dma_wait3A_2288 = tpu.memref_slice %arg6[%scan3A_1672, %dma_wait3A_2286, %dma_wait3A_2287] : memref<2x40x50xi32, #tpu.memory_space<vmem>> -> memref<1x40x50xi32, #tpu.memory_space<vmem>>
      %dma_wait3A_2289 = tpu.memref_squeeze %dma_wait3A_2288 : memref<1x40x50xi32, #tpu.memory_space<vmem>> -> memref<40x50xi32, #tpu.memory_space<vmem>>
      %dma_wait3A_2290 = arith.constant 0 : i32
      %dma_wait3A_2291 = tpu.memref_slice %dma_wait3A_2289[%max3A_2285, %dma_wait3A_2290] : memref<40x50xi32, #tpu.memory_space<vmem>> -> memref<1x50xi32, #tpu.memory_space<vmem>>
      %dma_wait3A_2292 = tpu.memref_squeeze %dma_wait3A_2291 : memref<1x50xi32, #tpu.memory_space<vmem>> -> memref<50xi32, #tpu.memory_space<vmem>>
      %dma_wait3A_2293 = arith.constant 0 : i32
      %dma_wait3A_2294 = arith.constant 0 : i32
      %dma_wait3A_2295 = tpu.memref_slice %arg11[%dma_wait3A_2293, %dma_wait3A_2294] : memref<10240x128xf32, #tpu.memory_space<vmem_shared>> -> memref<10240x128xf32, #tpu.memory_space<vmem_shared>>
      tpu.wait_indirect_dma semaphore(%arg12 : memref<!tpu.dma_semaphore, #tpu.memory_space<semaphore_mem>>) src(%arg7 : memref<50x128xf32, #tpu.memory_space<vmem>>) dst(%dma_wait3A_2295 : memref<10240x128xf32, #tpu.memory_space<vmem_shared>>)
      %add3A_2296 = arith.constant 3 : i32
      %add3A_2297 = arith.addi %add3A_2281, %add3A_2296 : i32
      %dma_start3A_2298 = arith.constant 0 : i32
      %dma_start3A_2299 = arith.constant 0 : i32
      %dma_start3A_2300 = tpu.memref_slice %arg5[%scan3A_1673, %dma_start3A_2298, %dma_start3A_2299] : memref<2x40x50xi32, #tpu.memory_space<vmem>> -> memref<1x40x50xi32, #tpu.memory_space<vmem>>
      %dma_start3A_2301 = tpu.memref_squeeze %dma_start3A_2300 : memref<1x40x50xi32, #tpu.memory_space<vmem>> -> memref<40x50xi32, #tpu.memory_space<vmem>>
      %dma_start3A_2302 = arith.constant 0 : i32
      %dma_start3A_2303 = tpu.memref_slice %dma_start3A_2301[%add3A_2297, %dma_start3A_2302] : memref<40x50xi32, #tpu.memory_space<vmem>> -> memref<1x50xi32, #tpu.memory_space<vmem>>
      %dma_start3A_2304 = tpu.memref_squeeze %dma_start3A_2303 : memref<1x50xi32, #tpu.memory_space<vmem>> -> memref<50xi32, #tpu.memory_space<vmem>>
      %dma_start3A_2305 = arith.constant 0 : i32
      %dma_start3A_2306 = arith.constant 0 : i32
      %dma_start3A_2307 = tpu.memref_slice %arg3[%dma_start3A_2305, %dma_start3A_2306] : memref<10000x128xf32, #tpu.memory_space<hbm>> -> memref<10000x128xf32, #tpu.memory_space<hbm>>
      tpu.enqueue_indirect_dma source(%dma_start3A_2307 : memref<10000x128xf32, #tpu.memory_space<hbm>>) target(%arg7 : memref<50x128xf32, #tpu.memory_space<vmem>>) offsets(%dma_start3A_2304 : memref<50xi32, #tpu.memory_space<vmem>>) semaphore(%arg12 : memref<!tpu.dma_semaphore, #tpu.memory_space<semaphore_mem>>)
      %dma_wait3A_2308 = arith.constant 0 : i32
      %dma_wait3A_2309 = arith.constant 0 : i32
      %dma_wait3A_2310 = tpu.memref_slice %arg5[%scan3A_1673, %dma_wait3A_2308, %dma_wait3A_2309] : memref<2x40x50xi32, #tpu.memory_space<vmem>> -> memref<1x40x50xi32, #tpu.memory_space<vmem>>
      %dma_wait3A_2311 = tpu.memref_squeeze %dma_wait3A_2310 : memref<1x40x50xi32, #tpu.memory_space<vmem>> -> memref<40x50xi32, #tpu.memory_space<vmem>>
      %dma_wait3A_2312 = arith.constant 0 : i32
      %dma_wait3A_2313 = tpu.memref_slice %dma_wait3A_2311[%add3A_2281, %dma_wait3A_2312] : memref<40x50xi32, #tpu.memory_space<vmem>> -> memref<1x50xi32, #tpu.memory_space<vmem>>
      %dma_wait3A_2314 = tpu.memref_squeeze %dma_wait3A_2313 : memref<1x50xi32, #tpu.memory_space<vmem>> -> memref<50xi32, #tpu.memory_space<vmem>>
      %dma_wait3A_2315 = arith.constant 0 : i32
      %dma_wait3A_2316 = arith.constant 0 : i32
      %dma_wait3A_2317 = tpu.memref_slice %arg3[%dma_wait3A_2315, %dma_wait3A_2316] : memref<10000x128xf32, #tpu.memory_space<hbm>> -> memref<10000x128xf32, #tpu.memory_space<hbm>>
      tpu.wait_indirect_dma semaphore(%arg13 : memref<!tpu.dma_semaphore, #tpu.memory_space<semaphore_mem>>) src(%dma_wait3A_2317 : memref<10000x128xf32, #tpu.memory_space<hbm>>) dst(%arg8 : memref<50x128xf32, #tpu.memory_space<vmem>>)
      %dma_start3A_2318 = arith.constant 0 : i32
      %dma_start3A_2319 = arith.constant 0 : i32
      %dma_start3A_2320 = tpu.memref_slice %arg6[%scan3A_1672, %dma_start3A_2318, %dma_start3A_2319] : memref<2x40x50xi32, #tpu.memory_space<vmem>> -> memref<1x40x50xi32, #tpu.memory_space<vmem>>
      %dma_start3A_2321 = tpu.memref_squeeze %dma_start3A_2320 : memref<1x40x50xi32, #tpu.memory_space<vmem>> -> memref<40x50xi32, #tpu.memory_space<vmem>>
      %dma_start3A_2322 = arith.constant 0 : i32
      %dma_start3A_2323 = tpu.memref_slice %dma_start3A_2321[%add3A_2281, %dma_start3A_2322] : memref<40x50xi32, #tpu.memory_space<vmem>> -> memref<1x50xi32, #tpu.memory_space<vmem>>
      %dma_start3A_2324 = tpu.memref_squeeze %dma_start3A_2323 : memref<1x50xi32, #tpu.memory_space<vmem>> -> memref<50xi32, #tpu.memory_space<vmem>>
      %dma_start3A_2325 = arith.constant 0 : i32
      %dma_start3A_2326 = arith.constant 0 : i32
      %dma_start3A_2327 = tpu.memref_slice %arg11[%dma_start3A_2325, %dma_start3A_2326] : memref<10240x128xf32, #tpu.memory_space<vmem_shared>> -> memref<10240x128xf32, #tpu.memory_space<vmem_shared>>
      tpu.enqueue_indirect_dma source(%arg8 : memref<50x128xf32, #tpu.memory_space<vmem>>) target(%dma_start3A_2327 : memref<10240x128xf32, #tpu.memory_space<vmem_shared>>) offsets(%dma_start3A_2324 : memref<50xi32, #tpu.memory_space<vmem>>) semaphore(%arg13 : memref<!tpu.dma_semaphore, #tpu.memory_space<semaphore_mem>>) {add = true}
      %add3A_2328 = arith.constant 2 : i32
      %add3A_2329 = arith.addi %add3A_2233, %add3A_2328 : i32
      %sub3A_2330 = arith.constant 1 : i32
      %sub3A_2331 = arith.subi %add3A_2329, %sub3A_2330 : i32
      %max3A_2332 = arith.constant 0 : i32
      %max3A_2333 = arith.maxsi %sub3A_2331, %max3A_2332 : i32
      %dma_wait3A_2334 = arith.constant 0 : i32
      %dma_wait3A_2335 = arith.constant 0 : i32
      %dma_wait3A_2336 = tpu.memref_slice %arg6[%scan3A_1672, %dma_wait3A_2334, %dma_wait3A_2335] : memref<2x40x50xi32, #tpu.memory_space<vmem>> -> memref<1x40x50xi32, #tpu.memory_space<vmem>>
      %dma_wait3A_2337 = tpu.memref_squeeze %dma_wait3A_2336 : memref<1x40x50xi32, #tpu.memory_space<vmem>> -> memref<40x50xi32, #tpu.memory_space<vmem>>
      %dma_wait3A_2338 = arith.constant 0 : i32
      %dma_wait3A_2339 = tpu.memref_slice %dma_wait3A_2337[%max3A_2333, %dma_wait3A_2338] : memref<40x50xi32, #tpu.memory_space<vmem>> -> memref<1x50xi32, #tpu.memory_space<vmem>>
      %dma_wait3A_2340 = tpu.memref_squeeze %dma_wait3A_2339 : memref<1x50xi32, #tpu.memory_space<vmem>> -> memref<50xi32, #tpu.memory_space<vmem>>
      %dma_wait3A_2341 = arith.constant 0 : i32
      %dma_wait3A_2342 = arith.constant 0 : i32
      %dma_wait3A_2343 = tpu.memref_slice %arg11[%dma_wait3A_2341, %dma_wait3A_2342] : memref<10240x128xf32, #tpu.memory_space<vmem_shared>> -> memref<10240x128xf32, #tpu.memory_space<vmem_shared>>
      tpu.wait_indirect_dma semaphore(%arg13 : memref<!tpu.dma_semaphore, #tpu.memory_space<semaphore_mem>>) src(%arg8 : memref<50x128xf32, #tpu.memory_space<vmem>>) dst(%dma_wait3A_2343 : memref<10240x128xf32, #tpu.memory_space<vmem_shared>>)
      %add3A_2344 = arith.constant 3 : i32
      %add3A_2345 = arith.addi %add3A_2329, %add3A_2344 : i32
      %dma_start3A_2346 = arith.constant 0 : i32
      %dma_start3A_2347 = arith.constant 0 : i32
      %dma_start3A_2348 = tpu.memref_slice %arg5[%scan3A_1673, %dma_start3A_2346, %dma_start3A_2347] : memref<2x40x50xi32, #tpu.memory_space<vmem>> -> memref<1x40x50xi32, #tpu.memory_space<vmem>>
      %dma_start3A_2349 = tpu.memref_squeeze %dma_start3A_2348 : memref<1x40x50xi32, #tpu.memory_space<vmem>> -> memref<40x50xi32, #tpu.memory_space<vmem>>
      %dma_start3A_2350 = arith.constant 0 : i32
      %dma_start3A_2351 = tpu.memref_slice %dma_start3A_2349[%add3A_2345, %dma_start3A_2350] : memref<40x50xi32, #tpu.memory_space<vmem>> -> memref<1x50xi32, #tpu.memory_space<vmem>>
      %dma_start3A_2352 = tpu.memref_squeeze %dma_start3A_2351 : memref<1x50xi32, #tpu.memory_space<vmem>> -> memref<50xi32, #tpu.memory_space<vmem>>
      %dma_start3A_2353 = arith.constant 0 : i32
      %dma_start3A_2354 = arith.constant 0 : i32
      %dma_start3A_2355 = tpu.memref_slice %arg3[%dma_start3A_2353, %dma_start3A_2354] : memref<10000x128xf32, #tpu.memory_space<hbm>> -> memref<10000x128xf32, #tpu.memory_space<hbm>>
      tpu.enqueue_indirect_dma source(%dma_start3A_2355 : memref<10000x128xf32, #tpu.memory_space<hbm>>) target(%arg8 : memref<50x128xf32, #tpu.memory_space<vmem>>) offsets(%dma_start3A_2352 : memref<50xi32, #tpu.memory_space<vmem>>) semaphore(%arg13 : memref<!tpu.dma_semaphore, #tpu.memory_space<semaphore_mem>>)
      %dma_wait3A_2356 = arith.constant 0 : i32
      %dma_wait3A_2357 = arith.constant 0 : i32
      %dma_wait3A_2358 = tpu.memref_slice %arg5[%scan3A_1673, %dma_wait3A_2356, %dma_wait3A_2357] : memref<2x40x50xi32, #tpu.memory_space<vmem>> -> memref<1x40x50xi32, #tpu.memory_space<vmem>>
      %dma_wait3A_2359 = tpu.memref_squeeze %dma_wait3A_2358 : memref<1x40x50xi32, #tpu.memory_space<vmem>> -> memref<40x50xi32, #tpu.memory_space<vmem>>
      %dma_wait3A_2360 = arith.constant 0 : i32
      %dma_wait3A_2361 = tpu.memref_slice %dma_wait3A_2359[%add3A_2329, %dma_wait3A_2360] : memref<40x50xi32, #tpu.memory_space<vmem>> -> memref<1x50xi32, #tpu.memory_space<vmem>>
      %dma_wait3A_2362 = tpu.memref_squeeze %dma_wait3A_2361 : memref<1x50xi32, #tpu.memory_space<vmem>> -> memref<50xi32, #tpu.memory_space<vmem>>
      %dma_wait3A_2363 = arith.constant 0 : i32
      %dma_wait3A_2364 = arith.constant 0 : i32
      %dma_wait3A_2365 = tpu.memref_slice %arg3[%dma_wait3A_2363, %dma_wait3A_2364] : memref<10000x128xf32, #tpu.memory_space<hbm>> -> memref<10000x128xf32, #tpu.memory_space<hbm>>
      tpu.wait_indirect_dma semaphore(%arg14 : memref<!tpu.dma_semaphore, #tpu.memory_space<semaphore_mem>>) src(%dma_wait3A_2365 : memref<10000x128xf32, #tpu.memory_space<hbm>>) dst(%arg9 : memref<50x128xf32, #tpu.memory_space<vmem>>)
      %dma_start3A_2366 = arith.constant 0 : i32
      %dma_start3A_2367 = arith.constant 0 : i32
      %dma_start3A_2368 = tpu.memref_slice %arg6[%scan3A_1672, %dma_start3A_2366, %dma_start3A_2367] : memref<2x40x50xi32, #tpu.memory_space<vmem>> -> memref<1x40x50xi32, #tpu.memory_space<vmem>>
      %dma_start3A_2369 = tpu.memref_squeeze %dma_start3A_2368 : memref<1x40x50xi32, #tpu.memory_space<vmem>> -> memref<40x50xi32, #tpu.memory_space<vmem>>
      %dma_start3A_2370 = arith.constant 0 : i32
      %dma_start3A_2371 = tpu.memref_slice %dma_start3A_2369[%add3A_2329, %dma_start3A_2370] : memref<40x50xi32, #tpu.memory_space<vmem>> -> memref<1x50xi32, #tpu.memory_space<vmem>>
      %dma_start3A_2372 = tpu.memref_squeeze %dma_start3A_2371 : memref<1x50xi32, #tpu.memory_space<vmem>> -> memref<50xi32, #tpu.memory_space<vmem>>
      %dma_start3A_2373 = arith.constant 0 : i32
      %dma_start3A_2374 = arith.constant 0 : i32
      %dma_start3A_2375 = tpu.memref_slice %arg11[%dma_start3A_2373, %dma_start3A_2374] : memref<10240x128xf32, #tpu.memory_space<vmem_shared>> -> memref<10240x128xf32, #tpu.memory_space<vmem_shared>>
      tpu.enqueue_indirect_dma source(%arg9 : memref<50x128xf32, #tpu.memory_space<vmem>>) target(%dma_start3A_2375 : memref<10240x128xf32, #tpu.memory_space<vmem_shared>>) offsets(%dma_start3A_2372 : memref<50xi32, #tpu.memory_space<vmem>>) semaphore(%arg14 : memref<!tpu.dma_semaphore, #tpu.memory_space<semaphore_mem>>) {add = true}
      %add3A_2376 = arith.constant 3 : i32
      %add3A_2377 = arith.addi %add3A_2233, %add3A_2376 : i32
      %sub3A_2378 = arith.constant 1 : i32
      %sub3A_2379 = arith.subi %add3A_2377, %sub3A_2378 : i32
      %max3A_2380 = arith.constant 0 : i32
      %max3A_2381 = arith.maxsi %sub3A_2379, %max3A_2380 : i32
      %dma_wait3A_2382 = arith.constant 0 : i32
      %dma_wait3A_2383 = arith.constant 0 : i32
      %dma_wait3A_2384 = tpu.memref_slice %arg6[%scan3A_1672, %dma_wait3A_2382, %dma_wait3A_2383] : memref<2x40x50xi32, #tpu.memory_space<vmem>> -> memref<1x40x50xi32, #tpu.memory_space<vmem>>
      %dma_wait3A_2385 = tpu.memref_squeeze %dma_wait3A_2384 : memref<1x40x50xi32, #tpu.memory_space<vmem>> -> memref<40x50xi32, #tpu.memory_space<vmem>>
      %dma_wait3A_2386 = arith.constant 0 : i32
      %dma_wait3A_2387 = tpu.memref_slice %dma_wait3A_2385[%max3A_2381, %dma_wait3A_2386] : memref<40x50xi32, #tpu.memory_space<vmem>> -> memref<1x50xi32, #tpu.memory_space<vmem>>
      %dma_wait3A_2388 = tpu.memref_squeeze %dma_wait3A_2387 : memref<1x50xi32, #tpu.memory_space<vmem>> -> memref<50xi32, #tpu.memory_space<vmem>>
      %dma_wait3A_2389 = arith.constant 0 : i32
      %dma_wait3A_2390 = arith.constant 0 : i32
      %dma_wait3A_2391 = tpu.memref_slice %arg11[%dma_wait3A_2389, %dma_wait3A_2390] : memref<10240x128xf32, #tpu.memory_space<vmem_shared>> -> memref<10240x128xf32, #tpu.memory_space<vmem_shared>>
      tpu.wait_indirect_dma semaphore(%arg14 : memref<!tpu.dma_semaphore, #tpu.memory_space<semaphore_mem>>) src(%arg9 : memref<50x128xf32, #tpu.memory_space<vmem>>) dst(%dma_wait3A_2391 : memref<10240x128xf32, #tpu.memory_space<vmem_shared>>)
      %add3A_2392 = arith.constant 3 : i32
      %add3A_2393 = arith.addi %add3A_2377, %add3A_2392 : i32
      %dma_start3A_2394 = arith.constant 0 : i32
      %dma_start3A_2395 = arith.constant 0 : i32
      %dma_start3A_2396 = tpu.memref_slice %arg5[%scan3A_1673, %dma_start3A_2394, %dma_start3A_2395] : memref<2x40x50xi32, #tpu.memory_space<vmem>> -> memref<1x40x50xi32, #tpu.memory_space<vmem>>
      %dma_start3A_2397 = tpu.memref_squeeze %dma_start3A_2396 : memref<1x40x50xi32, #tpu.memory_space<vmem>> -> memref<40x50xi32, #tpu.memory_space<vmem>>
      %dma_start3A_2398 = arith.constant 0 : i32
      %dma_start3A_2399 = tpu.memref_slice %dma_start3A_2397[%add3A_2393, %dma_start3A_2398] : memref<40x50xi32, #tpu.memory_space<vmem>> -> memref<1x50xi32, #tpu.memory_space<vmem>>
      %dma_start3A_2400 = tpu.memref_squeeze %dma_start3A_2399 : memref<1x50xi32, #tpu.memory_space<vmem>> -> memref<50xi32, #tpu.memory_space<vmem>>
      %dma_start3A_2401 = arith.constant 0 : i32
      %dma_start3A_2402 = arith.constant 0 : i32
      %dma_start3A_2403 = tpu.memref_slice %arg3[%dma_start3A_2401, %dma_start3A_2402] : memref<10000x128xf32, #tpu.memory_space<hbm>> -> memref<10000x128xf32, #tpu.memory_space<hbm>>
      tpu.enqueue_indirect_dma source(%dma_start3A_2403 : memref<10000x128xf32, #tpu.memory_space<hbm>>) target(%arg9 : memref<50x128xf32, #tpu.memory_space<vmem>>) offsets(%dma_start3A_2400 : memref<50xi32, #tpu.memory_space<vmem>>) semaphore(%arg14 : memref<!tpu.dma_semaphore, #tpu.memory_space<semaphore_mem>>)
      %dma_wait3A_2404 = arith.constant 0 : i32
      %dma_wait3A_2405 = arith.constant 0 : i32
      %dma_wait3A_2406 = tpu.memref_slice %arg5[%scan3A_1673, %dma_wait3A_2404, %dma_wait3A_2405] : memref<2x40x50xi32, #tpu.memory_space<vmem>> -> memref<1x40x50xi32, #tpu.memory_space<vmem>>
      %dma_wait3A_2407 = tpu.memref_squeeze %dma_wait3A_2406 : memref<1x40x50xi32, #tpu.memory_space<vmem>> -> memref<40x50xi32, #tpu.memory_space<vmem>>
      %dma_wait3A_2408 = arith.constant 0 : i32
      %dma_wait3A_2409 = tpu.memref_slice %dma_wait3A_2407[%add3A_2377, %dma_wait3A_2408] : memref<40x50xi32, #tpu.memory_space<vmem>> -> memref<1x50xi32, #tpu.memory_space<vmem>>
      %dma_wait3A_2410 = tpu.memref_squeeze %dma_wait3A_2409 : memref<1x50xi32, #tpu.memory_space<vmem>> -> memref<50xi32, #tpu.memory_space<vmem>>
      %dma_wait3A_2411 = arith.constant 0 : i32
      %dma_wait3A_2412 = arith.constant 0 : i32
      %dma_wait3A_2413 = tpu.memref_slice %arg3[%dma_wait3A_2411, %dma_wait3A_2412] : memref<10000x128xf32, #tpu.memory_space<hbm>> -> memref<10000x128xf32, #tpu.memory_space<hbm>>
      tpu.wait_indirect_dma semaphore(%arg15 : memref<!tpu.dma_semaphore, #tpu.memory_space<semaphore_mem>>) src(%dma_wait3A_2413 : memref<10000x128xf32, #tpu.memory_space<hbm>>) dst(%arg10 : memref<50x128xf32, #tpu.memory_space<vmem>>)
      %dma_start3A_2414 = arith.constant 0 : i32
      %dma_start3A_2415 = arith.constant 0 : i32
      %dma_start3A_2416 = tpu.memref_slice %arg6[%scan3A_1672, %dma_start3A_2414, %dma_start3A_2415] : memref<2x40x50xi32, #tpu.memory_space<vmem>> -> memref<1x40x50xi32, #tpu.memory_space<vmem>>
      %dma_start3A_2417 = tpu.memref_squeeze %dma_start3A_2416 : memref<1x40x50xi32, #tpu.memory_space<vmem>> -> memref<40x50xi32, #tpu.memory_space<vmem>>
      %dma_start3A_2418 = arith.constant 0 : i32
      %dma_start3A_2419 = tpu.memref_slice %dma_start3A_2417[%add3A_2377, %dma_start3A_2418] : memref<40x50xi32, #tpu.memory_space<vmem>> -> memref<1x50xi32, #tpu.memory_space<vmem>>
      %dma_start3A_2420 = tpu.memref_squeeze %dma_start3A_2419 : memref<1x50xi32, #tpu.memory_space<vmem>> -> memref<50xi32, #tpu.memory_space<vmem>>
      %dma_start3A_2421 = arith.constant 0 : i32
      %dma_start3A_2422 = arith.constant 0 : i32
      %dma_start3A_2423 = tpu.memref_slice %arg11[%dma_start3A_2421, %dma_start3A_2422] : memref<10240x128xf32, #tpu.memory_space<vmem_shared>> -> memref<10240x128xf32, #tpu.memory_space<vmem_shared>>
      tpu.enqueue_indirect_dma source(%arg10 : memref<50x128xf32, #tpu.memory_space<vmem>>) target(%dma_start3A_2423 : memref<10240x128xf32, #tpu.memory_space<vmem_shared>>) offsets(%dma_start3A_2420 : memref<50xi32, #tpu.memory_space<vmem>>) semaphore(%arg15 : memref<!tpu.dma_semaphore, #tpu.memory_space<semaphore_mem>>) {add = true}
    }
    %scan3A_1678 = arith.constant 9 : i32
    %dma_wait3A_1679 = arith.constant 0 : i32
    %dma_wait3A_1680 = arith.constant 4 : i32
    %dma_wait3A_1681 = arith.constant 0 : i32
    %dma_wait3A_1682 = arith.constant 0 : i32
    %dma_wait3A_1683 = arith.constant 0 : i32
    %dma_wait3A_1684 = tpu.memref_slice %arg5[%dma_wait3A_1681, %dma_wait3A_1682, %dma_wait3A_1683] : memref<2x40x50xi32, #tpu.memory_space<vmem>> -> memref<1x40x50xi32, #tpu.memory_space<vmem>>
    %dma_wait3A_1685 = tpu.memref_squeeze %dma_wait3A_1684 : memref<1x40x50xi32, #tpu.memory_space<vmem>> -> memref<40x50xi32, #tpu.memory_space<vmem>>
    %dma_wait3A_1686 = arith.constant 0 : i32
    %dma_wait3A_1687 = arith.constant 0 : i32
    %dma_wait3A_1688 = arith.constant 0 : i32
    %dma_wait3A_1689 = arith.constant 0 : i32
    %dma_wait3A_1690 = tpu.memref_slice %arg2[%dma_wait3A_1679, %dma_wait3A_1686, %dma_wait3A_1687, %dma_wait3A_1688, %dma_wait3A_1689] : memref<2x32x5x40x50xi32, #tpu.memory_space<hbm>> -> memref<1x32x5x40x50xi32, #tpu.memory_space<hbm>>
    %dma_wait3A_1691 = tpu.memref_squeeze %dma_wait3A_1690 : memref<1x32x5x40x50xi32, #tpu.memory_space<hbm>> -> memref<32x5x40x50xi32, #tpu.memory_space<hbm>>
    %dma_wait3A_1692 = arith.constant 0 : i32
    %dma_wait3A_1693 = arith.constant 0 : i32
    %dma_wait3A_1694 = tpu.memref_slice %dma_wait3A_1691[%add3A, %dma_wait3A_1680, %dma_wait3A_1692, %dma_wait3A_1693] : memref<32x5x40x50xi32, #tpu.memory_space<hbm>> -> memref<1x1x40x50xi32, #tpu.memory_space<hbm>>
    %dma_wait3A_1695 = tpu.memref_squeeze %dma_wait3A_1694 : memref<1x1x40x50xi32, #tpu.memory_space<hbm>> -> memref<40x50xi32, #tpu.memory_space<hbm>>
    %dma_wait3A_1696 = arith.constant 0 : i32
    %dma_wait3A_1697 = arith.constant 0 : i32
    %dma_wait3A_1698 = tpu.memref_slice %arg5[%dma_wait3A_1681, %dma_wait3A_1696, %dma_wait3A_1697] : memref<2x40x50xi32, #tpu.memory_space<vmem>> -> memref<1x40x50xi32, #tpu.memory_space<vmem>>
    %dma_wait3A_1699 = tpu.memref_squeeze %dma_wait3A_1698 : memref<1x40x50xi32, #tpu.memory_space<vmem>> -> memref<40x50xi32, #tpu.memory_space<vmem>>
    %dma_wait3A_1700 = arith.constant 0 : i32
    %dma_wait3A_1701 = arith.constant 0 : i32
    %dma_wait3A_1702 = arith.constant 0 : i32
    %dma_wait3A_1703 = arith.constant 0 : i32
    %dma_wait3A_1704 = tpu.memref_slice %arg2[%dma_wait3A_1679, %dma_wait3A_1700, %dma_wait3A_1701, %dma_wait3A_1702, %dma_wait3A_1703] : memref<2x32x5x40x50xi32, #tpu.memory_space<hbm>> -> memref<1x32x5x40x50xi32, #tpu.memory_space<hbm>>
    %dma_wait3A_1705 = tpu.memref_squeeze %dma_wait3A_1704 : memref<1x32x5x40x50xi32, #tpu.memory_space<hbm>> -> memref<32x5x40x50xi32, #tpu.memory_space<hbm>>
    %dma_wait3A_1706 = arith.constant 0 : i32
    %dma_wait3A_1707 = arith.constant 0 : i32
    %dma_wait3A_1708 = tpu.memref_slice %dma_wait3A_1705[%add3A, %dma_wait3A_1680, %dma_wait3A_1706, %dma_wait3A_1707] : memref<32x5x40x50xi32, #tpu.memory_space<hbm>> -> memref<1x1x40x50xi32, #tpu.memory_space<hbm>>
    %dma_wait3A_1709 = tpu.memref_squeeze %dma_wait3A_1708 : memref<1x1x40x50xi32, #tpu.memory_space<hbm>> -> memref<40x50xi32, #tpu.memory_space<hbm>>
    tpu.wait_dma2 semaphore(%arg16 : memref<!tpu.dma_semaphore, #tpu.memory_space<semaphore_mem>>) src(%dma_wait3A_1709 : memref<40x50xi32, #tpu.memory_space<hbm>>) dst(%dma_wait3A_1699 : memref<40x50xi32, #tpu.memory_space<vmem>>)
    %dma_wait3A_1710 = arith.constant 1 : i32
    %dma_wait3A_1711 = arith.constant 4 : i32
    %dma_wait3A_1712 = arith.constant 0 : i32
    %dma_wait3A_1713 = arith.constant 0 : i32
    %dma_wait3A_1714 = arith.constant 0 : i32
    %dma_wait3A_1715 = tpu.memref_slice %arg6[%dma_wait3A_1712, %dma_wait3A_1713, %dma_wait3A_1714] : memref<2x40x50xi32, #tpu.memory_space<vmem>> -> memref<1x40x50xi32, #tpu.memory_space<vmem>>
    %dma_wait3A_1716 = tpu.memref_squeeze %dma_wait3A_1715 : memref<1x40x50xi32, #tpu.memory_space<vmem>> -> memref<40x50xi32, #tpu.memory_space<vmem>>
    %dma_wait3A_1717 = arith.constant 0 : i32
    %dma_wait3A_1718 = arith.constant 0 : i32
    %dma_wait3A_1719 = arith.constant 0 : i32
    %dma_wait3A_1720 = arith.constant 0 : i32
    %dma_wait3A_1721 = tpu.memref_slice %arg2[%dma_wait3A_1710, %dma_wait3A_1717, %dma_wait3A_1718, %dma_wait3A_1719, %dma_wait3A_1720] : memref<2x32x5x40x50xi32, #tpu.memory_space<hbm>> -> memref<1x32x5x40x50xi32, #tpu.memory_space<hbm>>
    %dma_wait3A_1722 = tpu.memref_squeeze %dma_wait3A_1721 : memref<1x32x5x40x50xi32, #tpu.memory_space<hbm>> -> memref<32x5x40x50xi32, #tpu.memory_space<hbm>>
    %dma_wait3A_1723 = arith.constant 0 : i32
    %dma_wait3A_1724 = arith.constant 0 : i32
    %dma_wait3A_1725 = tpu.memref_slice %dma_wait3A_1722[%add3A, %dma_wait3A_1711, %dma_wait3A_1723, %dma_wait3A_1724] : memref<32x5x40x50xi32, #tpu.memory_space<hbm>> -> memref<1x1x40x50xi32, #tpu.memory_space<hbm>>
    %dma_wait3A_1726 = tpu.memref_squeeze %dma_wait3A_1725 : memref<1x1x40x50xi32, #tpu.memory_space<hbm>> -> memref<40x50xi32, #tpu.memory_space<hbm>>
    %dma_wait3A_1727 = arith.constant 0 : i32
    %dma_wait3A_1728 = arith.constant 0 : i32
    %dma_wait3A_1729 = tpu.memref_slice %arg6[%dma_wait3A_1712, %dma_wait3A_1727, %dma_wait3A_1728] : memref<2x40x50xi32, #tpu.memory_space<vmem>> -> memref<1x40x50xi32, #tpu.memory_space<vmem>>
    %dma_wait3A_1730 = tpu.memref_squeeze %dma_wait3A_1729 : memref<1x40x50xi32, #tpu.memory_space<vmem>> -> memref<40x50xi32, #tpu.memory_space<vmem>>
    %dma_wait3A_1731 = arith.constant 0 : i32
    %dma_wait3A_1732 = arith.constant 0 : i32
    %dma_wait3A_1733 = arith.constant 0 : i32
    %dma_wait3A_1734 = arith.constant 0 : i32
    %dma_wait3A_1735 = tpu.memref_slice %arg2[%dma_wait3A_1710, %dma_wait3A_1731, %dma_wait3A_1732, %dma_wait3A_1733, %dma_wait3A_1734] : memref<2x32x5x40x50xi32, #tpu.memory_space<hbm>> -> memref<1x32x5x40x50xi32, #tpu.memory_space<hbm>>
    %dma_wait3A_1736 = tpu.memref_squeeze %dma_wait3A_1735 : memref<1x32x5x40x50xi32, #tpu.memory_space<hbm>> -> memref<32x5x40x50xi32, #tpu.memory_space<hbm>>
    %dma_wait3A_1737 = arith.constant 0 : i32
    %dma_wait3A_1738 = arith.constant 0 : i32
    %dma_wait3A_1739 = tpu.memref_slice %dma_wait3A_1736[%add3A, %dma_wait3A_1711, %dma_wait3A_1737, %dma_wait3A_1738] : memref<32x5x40x50xi32, #tpu.memory_space<hbm>> -> memref<1x1x40x50xi32, #tpu.memory_space<hbm>>
    %dma_wait3A_1740 = tpu.memref_squeeze %dma_wait3A_1739 : memref<1x1x40x50xi32, #tpu.memory_space<hbm>> -> memref<40x50xi32, #tpu.memory_space<hbm>>
    tpu.wait_dma2 semaphore(%arg16 : memref<!tpu.dma_semaphore, #tpu.memory_space<semaphore_mem>>) src(%dma_wait3A_1740 : memref<40x50xi32, #tpu.memory_space<hbm>>) dst(%dma_wait3A_1730 : memref<40x50xi32, #tpu.memory_space<vmem>>)
    %dma_wait3A_1741 = arith.constant 1 : i32
    %dma_wait3A_1742 = arith.constant 35 : i32
    %dma_wait3A_1743 = arith.constant 0 : i32
    %dma_wait3A_1744 = arith.constant 0 : i32
    %dma_wait3A_1745 = tpu.memref_slice %arg6[%dma_wait3A_1741, %dma_wait3A_1743, %dma_wait3A_1744] : memref<2x40x50xi32, #tpu.memory_space<vmem>> -> memref<1x40x50xi32, #tpu.memory_space<vmem>>
    %dma_wait3A_1746 = tpu.memref_squeeze %dma_wait3A_1745 : memref<1x40x50xi32, #tpu.memory_space<vmem>> -> memref<40x50xi32, #tpu.memory_space<vmem>>
    %dma_wait3A_1747 = arith.constant 0 : i32
    %dma_wait3A_1748 = tpu.memref_slice %dma_wait3A_1746[%dma_wait3A_1742, %dma_wait3A_1747] : memref<40x50xi32, #tpu.memory_space<vmem>> -> memref<1x50xi32, #tpu.memory_space<vmem>>
    %dma_wait3A_1749 = tpu.memref_squeeze %dma_wait3A_1748 : memref<1x50xi32, #tpu.memory_space<vmem>> -> memref<50xi32, #tpu.memory_space<vmem>>
    %dma_wait3A_1750 = arith.constant 0 : i32
    %dma_wait3A_1751 = arith.constant 0 : i32
    %dma_wait3A_1752 = tpu.memref_slice %arg11[%dma_wait3A_1750, %dma_wait3A_1751] : memref<10240x128xf32, #tpu.memory_space<vmem_shared>> -> memref<10240x128xf32, #tpu.memory_space<vmem_shared>>
    tpu.wait_indirect_dma semaphore(%arg15 : memref<!tpu.dma_semaphore, #tpu.memory_space<semaphore_mem>>) src(%arg10 : memref<50x128xf32, #tpu.memory_space<vmem>>) dst(%dma_wait3A_1752 : memref<10240x128xf32, #tpu.memory_space<vmem_shared>>)
    %dma_start3A_1753 = arith.constant 1 : i32
    %dma_start3A_1754 = arith.constant 39 : i32
    %dma_start3A_1755 = arith.constant 0 : i32
    %dma_start3A_1756 = arith.constant 0 : i32
    %dma_start3A_1757 = tpu.memref_slice %arg5[%dma_start3A_1753, %dma_start3A_1755, %dma_start3A_1756] : memref<2x40x50xi32, #tpu.memory_space<vmem>> -> memref<1x40x50xi32, #tpu.memory_space<vmem>>
    %dma_start3A_1758 = tpu.memref_squeeze %dma_start3A_1757 : memref<1x40x50xi32, #tpu.memory_space<vmem>> -> memref<40x50xi32, #tpu.memory_space<vmem>>
    %dma_start3A_1759 = arith.constant 0 : i32
    %dma_start3A_1760 = tpu.memref_slice %dma_start3A_1758[%dma_start3A_1754, %dma_start3A_1759] : memref<40x50xi32, #tpu.memory_space<vmem>> -> memref<1x50xi32, #tpu.memory_space<vmem>>
    %dma_start3A_1761 = tpu.memref_squeeze %dma_start3A_1760 : memref<1x50xi32, #tpu.memory_space<vmem>> -> memref<50xi32, #tpu.memory_space<vmem>>
    %dma_start3A_1762 = arith.constant 0 : i32
    %dma_start3A_1763 = arith.constant 0 : i32
    %dma_start3A_1764 = tpu.memref_slice %arg3[%dma_start3A_1762, %dma_start3A_1763] : memref<10000x128xf32, #tpu.memory_space<hbm>> -> memref<10000x128xf32, #tpu.memory_space<hbm>>
    tpu.enqueue_indirect_dma source(%dma_start3A_1764 : memref<10000x128xf32, #tpu.memory_space<hbm>>) target(%arg10 : memref<50x128xf32, #tpu.memory_space<vmem>>) offsets(%dma_start3A_1761 : memref<50xi32, #tpu.memory_space<vmem>>) semaphore(%arg15 : memref<!tpu.dma_semaphore, #tpu.memory_space<semaphore_mem>>)
    %dma_wait3A_1765 = arith.constant 1 : i32
    %dma_wait3A_1766 = arith.constant 36 : i32
    %dma_wait3A_1767 = arith.constant 0 : i32
    %dma_wait3A_1768 = arith.constant 0 : i32
    %dma_wait3A_1769 = tpu.memref_slice %arg5[%dma_wait3A_1765, %dma_wait3A_1767, %dma_wait3A_1768] : memref<2x40x50xi32, #tpu.memory_space<vmem>> -> memref<1x40x50xi32, #tpu.memory_space<vmem>>
    %dma_wait3A_1770 = tpu.memref_squeeze %dma_wait3A_1769 : memref<1x40x50xi32, #tpu.memory_space<vmem>> -> memref<40x50xi32, #tpu.memory_space<vmem>>
    %dma_wait3A_1771 = arith.constant 0 : i32
    %dma_wait3A_1772 = tpu.memref_slice %dma_wait3A_1770[%dma_wait3A_1766, %dma_wait3A_1771] : memref<40x50xi32, #tpu.memory_space<vmem>> -> memref<1x50xi32, #tpu.memory_space<vmem>>
    %dma_wait3A_1773 = tpu.memref_squeeze %dma_wait3A_1772 : memref<1x50xi32, #tpu.memory_space<vmem>> -> memref<50xi32, #tpu.memory_space<vmem>>
    %dma_wait3A_1774 = arith.constant 0 : i32
    %dma_wait3A_1775 = arith.constant 0 : i32
    %dma_wait3A_1776 = tpu.memref_slice %arg3[%dma_wait3A_1774, %dma_wait3A_1775] : memref<10000x128xf32, #tpu.memory_space<hbm>> -> memref<10000x128xf32, #tpu.memory_space<hbm>>
    tpu.wait_indirect_dma semaphore(%arg12 : memref<!tpu.dma_semaphore, #tpu.memory_space<semaphore_mem>>) src(%dma_wait3A_1776 : memref<10000x128xf32, #tpu.memory_space<hbm>>) dst(%arg7 : memref<50x128xf32, #tpu.memory_space<vmem>>)
    %dma_start3A_1777 = arith.constant 1 : i32
    %dma_start3A_1778 = arith.constant 36 : i32
    %dma_start3A_1779 = arith.constant 0 : i32
    %dma_start3A_1780 = arith.constant 0 : i32
    %dma_start3A_1781 = tpu.memref_slice %arg6[%dma_start3A_1777, %dma_start3A_1779, %dma_start3A_1780] : memref<2x40x50xi32, #tpu.memory_space<vmem>> -> memref<1x40x50xi32, #tpu.memory_space<vmem>>
    %dma_start3A_1782 = tpu.memref_squeeze %dma_start3A_1781 : memref<1x40x50xi32, #tpu.memory_space<vmem>> -> memref<40x50xi32, #tpu.memory_space<vmem>>
    %dma_start3A_1783 = arith.constant 0 : i32
    %dma_start3A_1784 = tpu.memref_slice %dma_start3A_1782[%dma_start3A_1778, %dma_start3A_1783] : memref<40x50xi32, #tpu.memory_space<vmem>> -> memref<1x50xi32, #tpu.memory_space<vmem>>
    %dma_start3A_1785 = tpu.memref_squeeze %dma_start3A_1784 : memref<1x50xi32, #tpu.memory_space<vmem>> -> memref<50xi32, #tpu.memory_space<vmem>>
    %dma_start3A_1786 = arith.constant 0 : i32
    %dma_start3A_1787 = arith.constant 0 : i32
    %dma_start3A_1788 = tpu.memref_slice %arg11[%dma_start3A_1786, %dma_start3A_1787] : memref<10240x128xf32, #tpu.memory_space<vmem_shared>> -> memref<10240x128xf32, #tpu.memory_space<vmem_shared>>
    tpu.enqueue_indirect_dma source(%arg7 : memref<50x128xf32, #tpu.memory_space<vmem>>) target(%dma_start3A_1788 : memref<10240x128xf32, #tpu.memory_space<vmem_shared>>) offsets(%dma_start3A_1785 : memref<50xi32, #tpu.memory_space<vmem>>) semaphore(%arg12 : memref<!tpu.dma_semaphore, #tpu.memory_space<semaphore_mem>>) {add = true}
    %dma_wait3A_1789 = arith.constant 1 : i32
    %dma_wait3A_1790 = arith.constant 36 : i32
    %dma_wait3A_1791 = arith.constant 0 : i32
    %dma_wait3A_1792 = arith.constant 0 : i32
    %dma_wait3A_1793 = tpu.memref_slice %arg6[%dma_wait3A_1789, %dma_wait3A_1791, %dma_wait3A_1792] : memref<2x40x50xi32, #tpu.memory_space<vmem>> -> memref<1x40x50xi32, #tpu.memory_space<vmem>>
    %dma_wait3A_1794 = tpu.memref_squeeze %dma_wait3A_1793 : memref<1x40x50xi32, #tpu.memory_space<vmem>> -> memref<40x50xi32, #tpu.memory_space<vmem>>
    %dma_wait3A_1795 = arith.constant 0 : i32
    %dma_wait3A_1796 = tpu.memref_slice %dma_wait3A_1794[%dma_wait3A_1790, %dma_wait3A_1795] : memref<40x50xi32, #tpu.memory_space<vmem>> -> memref<1x50xi32, #tpu.memory_space<vmem>>
    %dma_wait3A_1797 = tpu.memref_squeeze %dma_wait3A_1796 : memref<1x50xi32, #tpu.memory_space<vmem>> -> memref<50xi32, #tpu.memory_space<vmem>>
    %dma_wait3A_1798 = arith.constant 0 : i32
    %dma_wait3A_1799 = arith.constant 0 : i32
    %dma_wait3A_1800 = tpu.memref_slice %arg11[%dma_wait3A_1798, %dma_wait3A_1799] : memref<10240x128xf32, #tpu.memory_space<vmem_shared>> -> memref<10240x128xf32, #tpu.memory_space<vmem_shared>>
    tpu.wait_indirect_dma semaphore(%arg12 : memref<!tpu.dma_semaphore, #tpu.memory_space<semaphore_mem>>) src(%arg7 : memref<50x128xf32, #tpu.memory_space<vmem>>) dst(%dma_wait3A_1800 : memref<10240x128xf32, #tpu.memory_space<vmem_shared>>)
    %dma_start3A_1801 = arith.constant 0 : i32
    %dma_start3A_1802 = arith.constant 0 : i32
    %dma_start3A_1803 = arith.constant 0 : i32
    %dma_start3A_1804 = arith.constant 0 : i32
    %dma_start3A_1805 = tpu.memref_slice %arg5[%dma_start3A_1801, %dma_start3A_1803, %dma_start3A_1804] : memref<2x40x50xi32, #tpu.memory_space<vmem>> -> memref<1x40x50xi32, #tpu.memory_space<vmem>>
    %dma_start3A_1806 = tpu.memref_squeeze %dma_start3A_1805 : memref<1x40x50xi32, #tpu.memory_space<vmem>> -> memref<40x50xi32, #tpu.memory_space<vmem>>
    %dma_start3A_1807 = arith.constant 0 : i32
    %dma_start3A_1808 = tpu.memref_slice %dma_start3A_1806[%dma_start3A_1802, %dma_start3A_1807] : memref<40x50xi32, #tpu.memory_space<vmem>> -> memref<1x50xi32, #tpu.memory_space<vmem>>
    %dma_start3A_1809 = tpu.memref_squeeze %dma_start3A_1808 : memref<1x50xi32, #tpu.memory_space<vmem>> -> memref<50xi32, #tpu.memory_space<vmem>>
    %dma_start3A_1810 = arith.constant 0 : i32
    %dma_start3A_1811 = arith.constant 0 : i32
    %dma_start3A_1812 = tpu.memref_slice %arg3[%dma_start3A_1810, %dma_start3A_1811] : memref<10000x128xf32, #tpu.memory_space<hbm>> -> memref<10000x128xf32, #tpu.memory_space<hbm>>
    tpu.enqueue_indirect_dma source(%dma_start3A_1812 : memref<10000x128xf32, #tpu.memory_space<hbm>>) target(%arg7 : memref<50x128xf32, #tpu.memory_space<vmem>>) offsets(%dma_start3A_1809 : memref<50xi32, #tpu.memory_space<vmem>>) semaphore(%arg12 : memref<!tpu.dma_semaphore, #tpu.memory_space<semaphore_mem>>)
    %dma_wait3A_1813 = arith.constant 1 : i32
    %dma_wait3A_1814 = arith.constant 37 : i32
    %dma_wait3A_1815 = arith.constant 0 : i32
    %dma_wait3A_1816 = arith.constant 0 : i32
    %dma_wait3A_1817 = tpu.memref_slice %arg5[%dma_wait3A_1813, %dma_wait3A_1815, %dma_wait3A_1816] : memref<2x40x50xi32, #tpu.memory_space<vmem>> -> memref<1x40x50xi32, #tpu.memory_space<vmem>>
    %dma_wait3A_1818 = tpu.memref_squeeze %dma_wait3A_1817 : memref<1x40x50xi32, #tpu.memory_space<vmem>> -> memref<40x50xi32, #tpu.memory_space<vmem>>
    %dma_wait3A_1819 = arith.constant 0 : i32
    %dma_wait3A_1820 = tpu.memref_slice %dma_wait3A_1818[%dma_wait3A_1814, %dma_wait3A_1819] : memref<40x50xi32, #tpu.memory_space<vmem>> -> memref<1x50xi32, #tpu.memory_space<vmem>>
    %dma_wait3A_1821 = tpu.memref_squeeze %dma_wait3A_1820 : memref<1x50xi32, #tpu.memory_space<vmem>> -> memref<50xi32, #tpu.memory_space<vmem>>
    %dma_wait3A_1822 = arith.constant 0 : i32
    %dma_wait3A_1823 = arith.constant 0 : i32
    %dma_wait3A_1824 = tpu.memref_slice %arg3[%dma_wait3A_1822, %dma_wait3A_1823] : memref<10000x128xf32, #tpu.memory_space<hbm>> -> memref<10000x128xf32, #tpu.memory_space<hbm>>
    tpu.wait_indirect_dma semaphore(%arg13 : memref<!tpu.dma_semaphore, #tpu.memory_space<semaphore_mem>>) src(%dma_wait3A_1824 : memref<10000x128xf32, #tpu.memory_space<hbm>>) dst(%arg8 : memref<50x128xf32, #tpu.memory_space<vmem>>)
    %dma_start3A_1825 = arith.constant 1 : i32
    %dma_start3A_1826 = arith.constant 37 : i32
    %dma_start3A_1827 = arith.constant 0 : i32
    %dma_start3A_1828 = arith.constant 0 : i32
    %dma_start3A_1829 = tpu.memref_slice %arg6[%dma_start3A_1825, %dma_start3A_1827, %dma_start3A_1828] : memref<2x40x50xi32, #tpu.memory_space<vmem>> -> memref<1x40x50xi32, #tpu.memory_space<vmem>>
    %dma_start3A_1830 = tpu.memref_squeeze %dma_start3A_1829 : memref<1x40x50xi32, #tpu.memory_space<vmem>> -> memref<40x50xi32, #tpu.memory_space<vmem>>
    %dma_start3A_1831 = arith.constant 0 : i32
    %dma_start3A_1832 = tpu.memref_slice %dma_start3A_1830[%dma_start3A_1826, %dma_start3A_1831] : memref<40x50xi32, #tpu.memory_space<vmem>> -> memref<1x50xi32, #tpu.memory_space<vmem>>
    %dma_start3A_1833 = tpu.memref_squeeze %dma_start3A_1832 : memref<1x50xi32, #tpu.memory_space<vmem>> -> memref<50xi32, #tpu.memory_space<vmem>>
    %dma_start3A_1834 = arith.constant 0 : i32
    %dma_start3A_1835 = arith.constant 0 : i32
    %dma_start3A_1836 = tpu.memref_slice %arg11[%dma_start3A_1834, %dma_start3A_1835] : memref<10240x128xf32, #tpu.memory_space<vmem_shared>> -> memref<10240x128xf32, #tpu.memory_space<vmem_shared>>
    tpu.enqueue_indirect_dma source(%arg8 : memref<50x128xf32, #tpu.memory_space<vmem>>) target(%dma_start3A_1836 : memref<10240x128xf32, #tpu.memory_space<vmem_shared>>) offsets(%dma_start3A_1833 : memref<50xi32, #tpu.memory_space<vmem>>) semaphore(%arg13 : memref<!tpu.dma_semaphore, #tpu.memory_space<semaphore_mem>>) {add = true}
    %dma_wait3A_1837 = arith.constant 1 : i32
    %dma_wait3A_1838 = arith.constant 37 : i32
    %dma_wait3A_1839 = arith.constant 0 : i32
    %dma_wait3A_1840 = arith.constant 0 : i32
    %dma_wait3A_1841 = tpu.memref_slice %arg6[%dma_wait3A_1837, %dma_wait3A_1839, %dma_wait3A_1840] : memref<2x40x50xi32, #tpu.memory_space<vmem>> -> memref<1x40x50xi32, #tpu.memory_space<vmem>>
    %dma_wait3A_1842 = tpu.memref_squeeze %dma_wait3A_1841 : memref<1x40x50xi32, #tpu.memory_space<vmem>> -> memref<40x50xi32, #tpu.memory_space<vmem>>
    %dma_wait3A_1843 = arith.constant 0 : i32
    %dma_wait3A_1844 = tpu.memref_slice %dma_wait3A_1842[%dma_wait3A_1838, %dma_wait3A_1843] : memref<40x50xi32, #tpu.memory_space<vmem>> -> memref<1x50xi32, #tpu.memory_space<vmem>>
    %dma_wait3A_1845 = tpu.memref_squeeze %dma_wait3A_1844 : memref<1x50xi32, #tpu.memory_space<vmem>> -> memref<50xi32, #tpu.memory_space<vmem>>
    %dma_wait3A_1846 = arith.constant 0 : i32
    %dma_wait3A_1847 = arith.constant 0 : i32
    %dma_wait3A_1848 = tpu.memref_slice %arg11[%dma_wait3A_1846, %dma_wait3A_1847] : memref<10240x128xf32, #tpu.memory_space<vmem_shared>> -> memref<10240x128xf32, #tpu.memory_space<vmem_shared>>
    tpu.wait_indirect_dma semaphore(%arg13 : memref<!tpu.dma_semaphore, #tpu.memory_space<semaphore_mem>>) src(%arg8 : memref<50x128xf32, #tpu.memory_space<vmem>>) dst(%dma_wait3A_1848 : memref<10240x128xf32, #tpu.memory_space<vmem_shared>>)
    %dma_start3A_1849 = arith.constant 0 : i32
    %dma_start3A_1850 = arith.constant 1 : i32
    %dma_start3A_1851 = arith.constant 0 : i32
    %dma_start3A_1852 = arith.constant 0 : i32
    %dma_start3A_1853 = tpu.memref_slice %arg5[%dma_start3A_1849, %dma_start3A_1851, %dma_start3A_1852] : memref<2x40x50xi32, #tpu.memory_space<vmem>> -> memref<1x40x50xi32, #tpu.memory_space<vmem>>
    %dma_start3A_1854 = tpu.memref_squeeze %dma_start3A_1853 : memref<1x40x50xi32, #tpu.memory_space<vmem>> -> memref<40x50xi32, #tpu.memory_space<vmem>>
    %dma_start3A_1855 = arith.constant 0 : i32
    %dma_start3A_1856 = tpu.memref_slice %dma_start3A_1854[%dma_start3A_1850, %dma_start3A_1855] : memref<40x50xi32, #tpu.memory_space<vmem>> -> memref<1x50xi32, #tpu.memory_space<vmem>>
    %dma_start3A_1857 = tpu.memref_squeeze %dma_start3A_1856 : memref<1x50xi32, #tpu.memory_space<vmem>> -> memref<50xi32, #tpu.memory_space<vmem>>
    %dma_start3A_1858 = arith.constant 0 : i32
    %dma_start3A_1859 = arith.constant 0 : i32
    %dma_start3A_1860 = tpu.memref_slice %arg3[%dma_start3A_1858, %dma_start3A_1859] : memref<10000x128xf32, #tpu.memory_space<hbm>> -> memref<10000x128xf32, #tpu.memory_space<hbm>>
    tpu.enqueue_indirect_dma source(%dma_start3A_1860 : memref<10000x128xf32, #tpu.memory_space<hbm>>) target(%arg8 : memref<50x128xf32, #tpu.memory_space<vmem>>) offsets(%dma_start3A_1857 : memref<50xi32, #tpu.memory_space<vmem>>) semaphore(%arg13 : memref<!tpu.dma_semaphore, #tpu.memory_space<semaphore_mem>>)
    %dma_wait3A_1861 = arith.constant 1 : i32
    %dma_wait3A_1862 = arith.constant 38 : i32
    %dma_wait3A_1863 = arith.constant 0 : i32
    %dma_wait3A_1864 = arith.constant 0 : i32
    %dma_wait3A_1865 = tpu.memref_slice %arg5[%dma_wait3A_1861, %dma_wait3A_1863, %dma_wait3A_1864] : memref<2x40x50xi32, #tpu.memory_space<vmem>> -> memref<1x40x50xi32, #tpu.memory_space<vmem>>
    %dma_wait3A_1866 = tpu.memref_squeeze %dma_wait3A_1865 : memref<1x40x50xi32, #tpu.memory_space<vmem>> -> memref<40x50xi32, #tpu.memory_space<vmem>>
    %dma_wait3A_1867 = arith.constant 0 : i32
    %dma_wait3A_1868 = tpu.memref_slice %dma_wait3A_1866[%dma_wait3A_1862, %dma_wait3A_1867] : memref<40x50xi32, #tpu.memory_space<vmem>> -> memref<1x50xi32, #tpu.memory_space<vmem>>
    %dma_wait3A_1869 = tpu.memref_squeeze %dma_wait3A_1868 : memref<1x50xi32, #tpu.memory_space<vmem>> -> memref<50xi32, #tpu.memory_space<vmem>>
    %dma_wait3A_1870 = arith.constant 0 : i32
    %dma_wait3A_1871 = arith.constant 0 : i32
    %dma_wait3A_1872 = tpu.memref_slice %arg3[%dma_wait3A_1870, %dma_wait3A_1871] : memref<10000x128xf32, #tpu.memory_space<hbm>> -> memref<10000x128xf32, #tpu.memory_space<hbm>>
    tpu.wait_indirect_dma semaphore(%arg14 : memref<!tpu.dma_semaphore, #tpu.memory_space<semaphore_mem>>) src(%dma_wait3A_1872 : memref<10000x128xf32, #tpu.memory_space<hbm>>) dst(%arg9 : memref<50x128xf32, #tpu.memory_space<vmem>>)
    %dma_start3A_1873 = arith.constant 1 : i32
    %dma_start3A_1874 = arith.constant 38 : i32
    %dma_start3A_1875 = arith.constant 0 : i32
    %dma_start3A_1876 = arith.constant 0 : i32
    %dma_start3A_1877 = tpu.memref_slice %arg6[%dma_start3A_1873, %dma_start3A_1875, %dma_start3A_1876] : memref<2x40x50xi32, #tpu.memory_space<vmem>> -> memref<1x40x50xi32, #tpu.memory_space<vmem>>
    %dma_start3A_1878 = tpu.memref_squeeze %dma_start3A_1877 : memref<1x40x50xi32, #tpu.memory_space<vmem>> -> memref<40x50xi32, #tpu.memory_space<vmem>>
    %dma_start3A_1879 = arith.constant 0 : i32
    %dma_start3A_1880 = tpu.memref_slice %dma_start3A_1878[%dma_start3A_1874, %dma_start3A_1879] : memref<40x50xi32, #tpu.memory_space<vmem>> -> memref<1x50xi32, #tpu.memory_space<vmem>>
    %dma_start3A_1881 = tpu.memref_squeeze %dma_start3A_1880 : memref<1x50xi32, #tpu.memory_space<vmem>> -> memref<50xi32, #tpu.memory_space<vmem>>
    %dma_start3A_1882 = arith.constant 0 : i32
    %dma_start3A_1883 = arith.constant 0 : i32
    %dma_start3A_1884 = tpu.memref_slice %arg11[%dma_start3A_1882, %dma_start3A_1883] : memref<10240x128xf32, #tpu.memory_space<vmem_shared>> -> memref<10240x128xf32, #tpu.memory_space<vmem_shared>>
    tpu.enqueue_indirect_dma source(%arg9 : memref<50x128xf32, #tpu.memory_space<vmem>>) target(%dma_start3A_1884 : memref<10240x128xf32, #tpu.memory_space<vmem_shared>>) offsets(%dma_start3A_1881 : memref<50xi32, #tpu.memory_space<vmem>>) semaphore(%arg14 : memref<!tpu.dma_semaphore, #tpu.memory_space<semaphore_mem>>) {add = true}
    %dma_wait3A_1885 = arith.constant 1 : i32
    %dma_wait3A_1886 = arith.constant 38 : i32
    %dma_wait3A_1887 = arith.constant 0 : i32
    %dma_wait3A_1888 = arith.constant 0 : i32
    %dma_wait3A_1889 = tpu.memref_slice %arg6[%dma_wait3A_1885, %dma_wait3A_1887, %dma_wait3A_1888] : memref<2x40x50xi32, #tpu.memory_space<vmem>> -> memref<1x40x50xi32, #tpu.memory_space<vmem>>
    %dma_wait3A_1890 = tpu.memref_squeeze %dma_wait3A_1889 : memref<1x40x50xi32, #tpu.memory_space<vmem>> -> memref<40x50xi32, #tpu.memory_space<vmem>>
    %dma_wait3A_1891 = arith.constant 0 : i32
    %dma_wait3A_1892 = tpu.memref_slice %dma_wait3A_1890[%dma_wait3A_1886, %dma_wait3A_1891] : memref<40x50xi32, #tpu.memory_space<vmem>> -> memref<1x50xi32, #tpu.memory_space<vmem>>
    %dma_wait3A_1893 = tpu.memref_squeeze %dma_wait3A_1892 : memref<1x50xi32, #tpu.memory_space<vmem>> -> memref<50xi32, #tpu.memory_space<vmem>>
    %dma_wait3A_1894 = arith.constant 0 : i32
    %dma_wait3A_1895 = arith.constant 0 : i32
    %dma_wait3A_1896 = tpu.memref_slice %arg11[%dma_wait3A_1894, %dma_wait3A_1895] : memref<10240x128xf32, #tpu.memory_space<vmem_shared>> -> memref<10240x128xf32, #tpu.memory_space<vmem_shared>>
    tpu.wait_indirect_dma semaphore(%arg14 : memref<!tpu.dma_semaphore, #tpu.memory_space<semaphore_mem>>) src(%arg9 : memref<50x128xf32, #tpu.memory_space<vmem>>) dst(%dma_wait3A_1896 : memref<10240x128xf32, #tpu.memory_space<vmem_shared>>)
    %dma_start3A_1897 = arith.constant 0 : i32
    %dma_start3A_1898 = arith.constant 2 : i32
    %dma_start3A_1899 = arith.constant 0 : i32
    %dma_start3A_1900 = arith.constant 0 : i32
    %dma_start3A_1901 = tpu.memref_slice %arg5[%dma_start3A_1897, %dma_start3A_1899, %dma_start3A_1900] : memref<2x40x50xi32, #tpu.memory_space<vmem>> -> memref<1x40x50xi32, #tpu.memory_space<vmem>>
    %dma_start3A_1902 = tpu.memref_squeeze %dma_start3A_1901 : memref<1x40x50xi32, #tpu.memory_space<vmem>> -> memref<40x50xi32, #tpu.memory_space<vmem>>
    %dma_start3A_1903 = arith.constant 0 : i32
    %dma_start3A_1904 = tpu.memref_slice %dma_start3A_1902[%dma_start3A_1898, %dma_start3A_1903] : memref<40x50xi32, #tpu.memory_space<vmem>> -> memref<1x50xi32, #tpu.memory_space<vmem>>
    %dma_start3A_1905 = tpu.memref_squeeze %dma_start3A_1904 : memref<1x50xi32, #tpu.memory_space<vmem>> -> memref<50xi32, #tpu.memory_space<vmem>>
    %dma_start3A_1906 = arith.constant 0 : i32
    %dma_start3A_1907 = arith.constant 0 : i32
    %dma_start3A_1908 = tpu.memref_slice %arg3[%dma_start3A_1906, %dma_start3A_1907] : memref<10000x128xf32, #tpu.memory_space<hbm>> -> memref<10000x128xf32, #tpu.memory_space<hbm>>
    tpu.enqueue_indirect_dma source(%dma_start3A_1908 : memref<10000x128xf32, #tpu.memory_space<hbm>>) target(%arg9 : memref<50x128xf32, #tpu.memory_space<vmem>>) offsets(%dma_start3A_1905 : memref<50xi32, #tpu.memory_space<vmem>>) semaphore(%arg14 : memref<!tpu.dma_semaphore, #tpu.memory_space<semaphore_mem>>)
    %dma_wait3A_1909 = arith.constant 1 : i32
    %dma_wait3A_1910 = arith.constant 39 : i32
    %dma_wait3A_1911 = arith.constant 0 : i32
    %dma_wait3A_1912 = arith.constant 0 : i32
    %dma_wait3A_1913 = tpu.memref_slice %arg5[%dma_wait3A_1909, %dma_wait3A_1911, %dma_wait3A_1912] : memref<2x40x50xi32, #tpu.memory_space<vmem>> -> memref<1x40x50xi32, #tpu.memory_space<vmem>>
    %dma_wait3A_1914 = tpu.memref_squeeze %dma_wait3A_1913 : memref<1x40x50xi32, #tpu.memory_space<vmem>> -> memref<40x50xi32, #tpu.memory_space<vmem>>
    %dma_wait3A_1915 = arith.constant 0 : i32
    %dma_wait3A_1916 = tpu.memref_slice %dma_wait3A_1914[%dma_wait3A_1910, %dma_wait3A_1915] : memref<40x50xi32, #tpu.memory_space<vmem>> -> memref<1x50xi32, #tpu.memory_space<vmem>>
    %dma_wait3A_1917 = tpu.memref_squeeze %dma_wait3A_1916 : memref<1x50xi32, #tpu.memory_space<vmem>> -> memref<50xi32, #tpu.memory_space<vmem>>
    %dma_wait3A_1918 = arith.constant 0 : i32
    %dma_wait3A_1919 = arith.constant 0 : i32
    %dma_wait3A_1920 = tpu.memref_slice %arg3[%dma_wait3A_1918, %dma_wait3A_1919] : memref<10000x128xf32, #tpu.memory_space<hbm>> -> memref<10000x128xf32, #tpu.memory_space<hbm>>
    tpu.wait_indirect_dma semaphore(%arg15 : memref<!tpu.dma_semaphore, #tpu.memory_space<semaphore_mem>>) src(%dma_wait3A_1920 : memref<10000x128xf32, #tpu.memory_space<hbm>>) dst(%arg10 : memref<50x128xf32, #tpu.memory_space<vmem>>)
    %dma_start3A_1921 = arith.constant 1 : i32
    %dma_start3A_1922 = arith.constant 39 : i32
    %dma_start3A_1923 = arith.constant 0 : i32
    %dma_start3A_1924 = arith.constant 0 : i32
    %dma_start3A_1925 = tpu.memref_slice %arg6[%dma_start3A_1921, %dma_start3A_1923, %dma_start3A_1924] : memref<2x40x50xi32, #tpu.memory_space<vmem>> -> memref<1x40x50xi32, #tpu.memory_space<vmem>>
    %dma_start3A_1926 = tpu.memref_squeeze %dma_start3A_1925 : memref<1x40x50xi32, #tpu.memory_space<vmem>> -> memref<40x50xi32, #tpu.memory_space<vmem>>
    %dma_start3A_1927 = arith.constant 0 : i32
    %dma_start3A_1928 = tpu.memref_slice %dma_start3A_1926[%dma_start3A_1922, %dma_start3A_1927] : memref<40x50xi32, #tpu.memory_space<vmem>> -> memref<1x50xi32, #tpu.memory_space<vmem>>
    %dma_start3A_1929 = tpu.memref_squeeze %dma_start3A_1928 : memref<1x50xi32, #tpu.memory_space<vmem>> -> memref<50xi32, #tpu.memory_space<vmem>>
    %dma_start3A_1930 = arith.constant 0 : i32
    %dma_start3A_1931 = arith.constant 0 : i32
    %dma_start3A_1932 = tpu.memref_slice %arg11[%dma_start3A_1930, %dma_start3A_1931] : memref<10240x128xf32, #tpu.memory_space<vmem_shared>> -> memref<10240x128xf32, #tpu.memory_space<vmem_shared>>
    tpu.enqueue_indirect_dma source(%arg10 : memref<50x128xf32, #tpu.memory_space<vmem>>) target(%dma_start3A_1932 : memref<10240x128xf32, #tpu.memory_space<vmem_shared>>) offsets(%dma_start3A_1929 : memref<50xi32, #tpu.memory_space<vmem>>) semaphore(%arg15 : memref<!tpu.dma_semaphore, #tpu.memory_space<semaphore_mem>>) {add = true}
    %scan3A_1933 = arith.constant 0 : i32
    %scan3A_1934 = arith.constant 0 : i32
    %scan3A_1935 = arith.constant 0 : i32
    %scan3A_1936 = arith.constant 9 : i32
    %scan3A_1937 = arith.addi %scan3A_1935, %scan3A_1936 : i32
    %scan3A_1938 = arith.constant 1 : i32
    scf.for %scan3A_2229 = %scan3A_1935 to %scan3A_1937 step %scan3A_1938  : i32 {
      %mul3A_2230 = arith.constant 4 : i32
      %mul3A_2231 = arith.muli %scan3A_2229, %mul3A_2230 : i32
      %add3A_2232 = arith.constant 0 : i32
      %add3A_2233 = arith.addi %add3A_2232, %mul3A_2231 : i32
      %add3A_2234 = arith.constant 0 : i32
      %add3A_2235 = arith.addi %add3A_2233, %add3A_2234 : i32
      %sub3A = arith.constant 1 : i32
      %sub3A_2236 = arith.subi %add3A_2235, %sub3A : i32
      %max3A = arith.constant 0 : i32
      %max3A_2237 = arith.maxsi %sub3A_2236, %max3A : i32
      %dma_wait3A_2238 = arith.constant 0 : i32
      %dma_wait3A_2239 = arith.constant 0 : i32
      %dma_wait3A_2240 = tpu.memref_slice %arg6[%scan3A_1933, %dma_wait3A_2238, %dma_wait3A_2239] : memref<2x40x50xi32, #tpu.memory_space<vmem>> -> memref<1x40x50xi32, #tpu.memory_space<vmem>>
      %dma_wait3A_2241 = tpu.memref_squeeze %dma_wait3A_2240 : memref<1x40x50xi32, #tpu.memory_space<vmem>> -> memref<40x50xi32, #tpu.memory_space<vmem>>
      %dma_wait3A_2242 = arith.constant 0 : i32
      %dma_wait3A_2243 = tpu.memref_slice %dma_wait3A_2241[%max3A_2237, %dma_wait3A_2242] : memref<40x50xi32, #tpu.memory_space<vmem>> -> memref<1x50xi32, #tpu.memory_space<vmem>>
      %dma_wait3A_2244 = tpu.memref_squeeze %dma_wait3A_2243 : memref<1x50xi32, #tpu.memory_space<vmem>> -> memref<50xi32, #tpu.memory_space<vmem>>
      %dma_wait3A_2245 = arith.constant 0 : i32
      %dma_wait3A_2246 = arith.constant 0 : i32
      %dma_wait3A_2247 = tpu.memref_slice %arg11[%dma_wait3A_2245, %dma_wait3A_2246] : memref<10240x128xf32, #tpu.memory_space<vmem_shared>> -> memref<10240x128xf32, #tpu.memory_space<vmem_shared>>
      tpu.wait_indirect_dma semaphore(%arg15 : memref<!tpu.dma_semaphore, #tpu.memory_space<semaphore_mem>>) src(%arg10 : memref<50x128xf32, #tpu.memory_space<vmem>>) dst(%dma_wait3A_2247 : memref<10240x128xf32, #tpu.memory_space<vmem_shared>>)
      %add3A_2248 = arith.constant 3 : i32
      %add3A_2249 = arith.addi %add3A_2235, %add3A_2248 : i32
      %dma_start3A_2250 = arith.constant 0 : i32
      %dma_start3A_2251 = arith.constant 0 : i32
      %dma_start3A_2252 = tpu.memref_slice %arg5[%scan3A_1934, %dma_start3A_2250, %dma_start3A_2251] : memref<2x40x50xi32, #tpu.memory_space<vmem>> -> memref<1x40x50xi32, #tpu.memory_space<vmem>>
      %dma_start3A_2253 = tpu.memref_squeeze %dma_start3A_2252 : memref<1x40x50xi32, #tpu.memory_space<vmem>> -> memref<40x50xi32, #tpu.memory_space<vmem>>
      %dma_start3A_2254 = arith.constant 0 : i32
      %dma_start3A_2255 = tpu.memref_slice %dma_start3A_2253[%add3A_2249, %dma_start3A_2254] : memref<40x50xi32, #tpu.memory_space<vmem>> -> memref<1x50xi32, #tpu.memory_space<vmem>>
      %dma_start3A_2256 = tpu.memref_squeeze %dma_start3A_2255 : memref<1x50xi32, #tpu.memory_space<vmem>> -> memref<50xi32, #tpu.memory_space<vmem>>
      %dma_start3A_2257 = arith.constant 0 : i32
      %dma_start3A_2258 = arith.constant 0 : i32
      %dma_start3A_2259 = tpu.memref_slice %arg3[%dma_start3A_2257, %dma_start3A_2258] : memref<10000x128xf32, #tpu.memory_space<hbm>> -> memref<10000x128xf32, #tpu.memory_space<hbm>>
      tpu.enqueue_indirect_dma source(%dma_start3A_2259 : memref<10000x128xf32, #tpu.memory_space<hbm>>) target(%arg10 : memref<50x128xf32, #tpu.memory_space<vmem>>) offsets(%dma_start3A_2256 : memref<50xi32, #tpu.memory_space<vmem>>) semaphore(%arg15 : memref<!tpu.dma_semaphore, #tpu.memory_space<semaphore_mem>>)
      %dma_wait3A_2260 = arith.constant 0 : i32
      %dma_wait3A_2261 = arith.constant 0 : i32
      %dma_wait3A_2262 = tpu.memref_slice %arg5[%scan3A_1934, %dma_wait3A_2260, %dma_wait3A_2261] : memref<2x40x50xi32, #tpu.memory_space<vmem>> -> memref<1x40x50xi32, #tpu.memory_space<vmem>>
      %dma_wait3A_2263 = tpu.memref_squeeze %dma_wait3A_2262 : memref<1x40x50xi32, #tpu.memory_space<vmem>> -> memref<40x50xi32, #tpu.memory_space<vmem>>
      %dma_wait3A_2264 = arith.constant 0 : i32
      %dma_wait3A_2265 = tpu.memref_slice %dma_wait3A_2263[%add3A_2235, %dma_wait3A_2264] : memref<40x50xi32, #tpu.memory_space<vmem>> -> memref<1x50xi32, #tpu.memory_space<vmem>>
      %dma_wait3A_2266 = tpu.memref_squeeze %dma_wait3A_2265 : memref<1x50xi32, #tpu.memory_space<vmem>> -> memref<50xi32, #tpu.memory_space<vmem>>
      %dma_wait3A_2267 = arith.constant 0 : i32
      %dma_wait3A_2268 = arith.constant 0 : i32
      %dma_wait3A_2269 = tpu.memref_slice %arg3[%dma_wait3A_2267, %dma_wait3A_2268] : memref<10000x128xf32, #tpu.memory_space<hbm>> -> memref<10000x128xf32, #tpu.memory_space<hbm>>
      tpu.wait_indirect_dma semaphore(%arg12 : memref<!tpu.dma_semaphore, #tpu.memory_space<semaphore_mem>>) src(%dma_wait3A_2269 : memref<10000x128xf32, #tpu.memory_space<hbm>>) dst(%arg7 : memref<50x128xf32, #tpu.memory_space<vmem>>)
      %dma_start3A_2270 = arith.constant 0 : i32
      %dma_start3A_2271 = arith.constant 0 : i32
      %dma_start3A_2272 = tpu.memref_slice %arg6[%scan3A_1933, %dma_start3A_2270, %dma_start3A_2271] : memref<2x40x50xi32, #tpu.memory_space<vmem>> -> memref<1x40x50xi32, #tpu.memory_space<vmem>>
      %dma_start3A_2273 = tpu.memref_squeeze %dma_start3A_2272 : memref<1x40x50xi32, #tpu.memory_space<vmem>> -> memref<40x50xi32, #tpu.memory_space<vmem>>
      %dma_start3A_2274 = arith.constant 0 : i32
      %dma_start3A_2275 = tpu.memref_slice %dma_start3A_2273[%add3A_2235, %dma_start3A_2274] : memref<40x50xi32, #tpu.memory_space<vmem>> -> memref<1x50xi32, #tpu.memory_space<vmem>>
      %dma_start3A_2276 = tpu.memref_squeeze %dma_start3A_2275 : memref<1x50xi32, #tpu.memory_space<vmem>> -> memref<50xi32, #tpu.memory_space<vmem>>
      %dma_start3A_2277 = arith.constant 0 : i32
      %dma_start3A_2278 = arith.constant 0 : i32
      %dma_start3A_2279 = tpu.memref_slice %arg11[%dma_start3A_2277, %dma_start3A_2278] : memref<10240x128xf32, #tpu.memory_space<vmem_shared>> -> memref<10240x128xf32, #tpu.memory_space<vmem_shared>>
      tpu.enqueue_indirect_dma source(%arg7 : memref<50x128xf32, #tpu.memory_space<vmem>>) target(%dma_start3A_2279 : memref<10240x128xf32, #tpu.memory_space<vmem_shared>>) offsets(%dma_start3A_2276 : memref<50xi32, #tpu.memory_space<vmem>>) semaphore(%arg12 : memref<!tpu.dma_semaphore, #tpu.memory_space<semaphore_mem>>) {add = true}
      %add3A_2280 = arith.constant 1 : i32
      %add3A_2281 = arith.addi %add3A_2233, %add3A_2280 : i32
      %sub3A_2282 = arith.constant 1 : i32
      %sub3A_2283 = arith.subi %add3A_2281, %sub3A_2282 : i32
      %max3A_2284 = arith.constant 0 : i32
      %max3A_2285 = arith.maxsi %sub3A_2283, %max3A_2284 : i32
      %dma_wait3A_2286 = arith.constant 0 : i32
      %dma_wait3A_2287 = arith.constant 0 : i32
      %dma_wait3A_2288 = tpu.memref_slice %arg6[%scan3A_1933, %dma_wait3A_2286, %dma_wait3A_2287] : memref<2x40x50xi32, #tpu.memory_space<vmem>> -> memref<1x40x50xi32, #tpu.memory_space<vmem>>
      %dma_wait3A_2289 = tpu.memref_squeeze %dma_wait3A_2288 : memref<1x40x50xi32, #tpu.memory_space<vmem>> -> memref<40x50xi32, #tpu.memory_space<vmem>>
      %dma_wait3A_2290 = arith.constant 0 : i32
      %dma_wait3A_2291 = tpu.memref_slice %dma_wait3A_2289[%max3A_2285, %dma_wait3A_2290] : memref<40x50xi32, #tpu.memory_space<vmem>> -> memref<1x50xi32, #tpu.memory_space<vmem>>
      %dma_wait3A_2292 = tpu.memref_squeeze %dma_wait3A_2291 : memref<1x50xi32, #tpu.memory_space<vmem>> -> memref<50xi32, #tpu.memory_space<vmem>>
      %dma_wait3A_2293 = arith.constant 0 : i32
      %dma_wait3A_2294 = arith.constant 0 : i32
      %dma_wait3A_2295 = tpu.memref_slice %arg11[%dma_wait3A_2293, %dma_wait3A_2294] : memref<10240x128xf32, #tpu.memory_space<vmem_shared>> -> memref<10240x128xf32, #tpu.memory_space<vmem_shared>>
      tpu.wait_indirect_dma semaphore(%arg12 : memref<!tpu.dma_semaphore, #tpu.memory_space<semaphore_mem>>) src(%arg7 : memref<50x128xf32, #tpu.memory_space<vmem>>) dst(%dma_wait3A_2295 : memref<10240x128xf32, #tpu.memory_space<vmem_shared>>)
      %add3A_2296 = arith.constant 3 : i32
      %add3A_2297 = arith.addi %add3A_2281, %add3A_2296 : i32
      %dma_start3A_2298 = arith.constant 0 : i32
      %dma_start3A_2299 = arith.constant 0 : i32
      %dma_start3A_2300 = tpu.memref_slice %arg5[%scan3A_1934, %dma_start3A_2298, %dma_start3A_2299] : memref<2x40x50xi32, #tpu.memory_space<vmem>> -> memref<1x40x50xi32, #tpu.memory_space<vmem>>
      %dma_start3A_2301 = tpu.memref_squeeze %dma_start3A_2300 : memref<1x40x50xi32, #tpu.memory_space<vmem>> -> memref<40x50xi32, #tpu.memory_space<vmem>>
      %dma_start3A_2302 = arith.constant 0 : i32
      %dma_start3A_2303 = tpu.memref_slice %dma_start3A_2301[%add3A_2297, %dma_start3A_2302] : memref<40x50xi32, #tpu.memory_space<vmem>> -> memref<1x50xi32, #tpu.memory_space<vmem>>
      %dma_start3A_2304 = tpu.memref_squeeze %dma_start3A_2303 : memref<1x50xi32, #tpu.memory_space<vmem>> -> memref<50xi32, #tpu.memory_space<vmem>>
      %dma_start3A_2305 = arith.constant 0 : i32
      %dma_start3A_2306 = arith.constant 0 : i32
      %dma_start3A_2307 = tpu.memref_slice %arg3[%dma_start3A_2305, %dma_start3A_2306] : memref<10000x128xf32, #tpu.memory_space<hbm>> -> memref<10000x128xf32, #tpu.memory_space<hbm>>
      tpu.enqueue_indirect_dma source(%dma_start3A_2307 : memref<10000x128xf32, #tpu.memory_space<hbm>>) target(%arg7 : memref<50x128xf32, #tpu.memory_space<vmem>>) offsets(%dma_start3A_2304 : memref<50xi32, #tpu.memory_space<vmem>>) semaphore(%arg12 : memref<!tpu.dma_semaphore, #tpu.memory_space<semaphore_mem>>)
      %dma_wait3A_2308 = arith.constant 0 : i32
      %dma_wait3A_2309 = arith.constant 0 : i32
      %dma_wait3A_2310 = tpu.memref_slice %arg5[%scan3A_1934, %dma_wait3A_2308, %dma_wait3A_2309] : memref<2x40x50xi32, #tpu.memory_space<vmem>> -> memref<1x40x50xi32, #tpu.memory_space<vmem>>
      %dma_wait3A_2311 = tpu.memref_squeeze %dma_wait3A_2310 : memref<1x40x50xi32, #tpu.memory_space<vmem>> -> memref<40x50xi32, #tpu.memory_space<vmem>>
      %dma_wait3A_2312 = arith.constant 0 : i32
      %dma_wait3A_2313 = tpu.memref_slice %dma_wait3A_2311[%add3A_2281, %dma_wait3A_2312] : memref<40x50xi32, #tpu.memory_space<vmem>> -> memref<1x50xi32, #tpu.memory_space<vmem>>
      %dma_wait3A_2314 = tpu.memref_squeeze %dma_wait3A_2313 : memref<1x50xi32, #tpu.memory_space<vmem>> -> memref<50xi32, #tpu.memory_space<vmem>>
      %dma_wait3A_2315 = arith.constant 0 : i32
      %dma_wait3A_2316 = arith.constant 0 : i32
      %dma_wait3A_2317 = tpu.memref_slice %arg3[%dma_wait3A_2315, %dma_wait3A_2316] : memref<10000x128xf32, #tpu.memory_space<hbm>> -> memref<10000x128xf32, #tpu.memory_space<hbm>>
      tpu.wait_indirect_dma semaphore(%arg13 : memref<!tpu.dma_semaphore, #tpu.memory_space<semaphore_mem>>) src(%dma_wait3A_2317 : memref<10000x128xf32, #tpu.memory_space<hbm>>) dst(%arg8 : memref<50x128xf32, #tpu.memory_space<vmem>>)
      %dma_start3A_2318 = arith.constant 0 : i32
      %dma_start3A_2319 = arith.constant 0 : i32
      %dma_start3A_2320 = tpu.memref_slice %arg6[%scan3A_1933, %dma_start3A_2318, %dma_start3A_2319] : memref<2x40x50xi32, #tpu.memory_space<vmem>> -> memref<1x40x50xi32, #tpu.memory_space<vmem>>
      %dma_start3A_2321 = tpu.memref_squeeze %dma_start3A_2320 : memref<1x40x50xi32, #tpu.memory_space<vmem>> -> memref<40x50xi32, #tpu.memory_space<vmem>>
      %dma_start3A_2322 = arith.constant 0 : i32
      %dma_start3A_2323 = tpu.memref_slice %dma_start3A_2321[%add3A_2281, %dma_start3A_2322] : memref<40x50xi32, #tpu.memory_space<vmem>> -> memref<1x50xi32, #tpu.memory_space<vmem>>
      %dma_start3A_2324 = tpu.memref_squeeze %dma_start3A_2323 : memref<1x50xi32, #tpu.memory_space<vmem>> -> memref<50xi32, #tpu.memory_space<vmem>>
      %dma_start3A_2325 = arith.constant 0 : i32
      %dma_start3A_2326 = arith.constant 0 : i32
      %dma_start3A_2327 = tpu.memref_slice %arg11[%dma_start3A_2325, %dma_start3A_2326] : memref<10240x128xf32, #tpu.memory_space<vmem_shared>> -> memref<10240x128xf32, #tpu.memory_space<vmem_shared>>
      tpu.enqueue_indirect_dma source(%arg8 : memref<50x128xf32, #tpu.memory_space<vmem>>) target(%dma_start3A_2327 : memref<10240x128xf32, #tpu.memory_space<vmem_shared>>) offsets(%dma_start3A_2324 : memref<50xi32, #tpu.memory_space<vmem>>) semaphore(%arg13 : memref<!tpu.dma_semaphore, #tpu.memory_space<semaphore_mem>>) {add = true}
      %add3A_2328 = arith.constant 2 : i32
      %add3A_2329 = arith.addi %add3A_2233, %add3A_2328 : i32
      %sub3A_2330 = arith.constant 1 : i32
      %sub3A_2331 = arith.subi %add3A_2329, %sub3A_2330 : i32
      %max3A_2332 = arith.constant 0 : i32
      %max3A_2333 = arith.maxsi %sub3A_2331, %max3A_2332 : i32
      %dma_wait3A_2334 = arith.constant 0 : i32
      %dma_wait3A_2335 = arith.constant 0 : i32
      %dma_wait3A_2336 = tpu.memref_slice %arg6[%scan3A_1933, %dma_wait3A_2334, %dma_wait3A_2335] : memref<2x40x50xi32, #tpu.memory_space<vmem>> -> memref<1x40x50xi32, #tpu.memory_space<vmem>>
      %dma_wait3A_2337 = tpu.memref_squeeze %dma_wait3A_2336 : memref<1x40x50xi32, #tpu.memory_space<vmem>> -> memref<40x50xi32, #tpu.memory_space<vmem>>
      %dma_wait3A_2338 = arith.constant 0 : i32
      %dma_wait3A_2339 = tpu.memref_slice %dma_wait3A_2337[%max3A_2333, %dma_wait3A_2338] : memref<40x50xi32, #tpu.memory_space<vmem>> -> memref<1x50xi32, #tpu.memory_space<vmem>>
      %dma_wait3A_2340 = tpu.memref_squeeze %dma_wait3A_2339 : memref<1x50xi32, #tpu.memory_space<vmem>> -> memref<50xi32, #tpu.memory_space<vmem>>
      %dma_wait3A_2341 = arith.constant 0 : i32
      %dma_wait3A_2342 = arith.constant 0 : i32
      %dma_wait3A_2343 = tpu.memref_slice %arg11[%dma_wait3A_2341, %dma_wait3A_2342] : memref<10240x128xf32, #tpu.memory_space<vmem_shared>> -> memref<10240x128xf32, #tpu.memory_space<vmem_shared>>
      tpu.wait_indirect_dma semaphore(%arg13 : memref<!tpu.dma_semaphore, #tpu.memory_space<semaphore_mem>>) src(%arg8 : memref<50x128xf32, #tpu.memory_space<vmem>>) dst(%dma_wait3A_2343 : memref<10240x128xf32, #tpu.memory_space<vmem_shared>>)
      %add3A_2344 = arith.constant 3 : i32
      %add3A_2345 = arith.addi %add3A_2329, %add3A_2344 : i32
      %dma_start3A_2346 = arith.constant 0 : i32
      %dma_start3A_2347 = arith.constant 0 : i32
      %dma_start3A_2348 = tpu.memref_slice %arg5[%scan3A_1934, %dma_start3A_2346, %dma_start3A_2347] : memref<2x40x50xi32, #tpu.memory_space<vmem>> -> memref<1x40x50xi32, #tpu.memory_space<vmem>>
      %dma_start3A_2349 = tpu.memref_squeeze %dma_start3A_2348 : memref<1x40x50xi32, #tpu.memory_space<vmem>> -> memref<40x50xi32, #tpu.memory_space<vmem>>
      %dma_start3A_2350 = arith.constant 0 : i32
      %dma_start3A_2351 = tpu.memref_slice %dma_start3A_2349[%add3A_2345, %dma_start3A_2350] : memref<40x50xi32, #tpu.memory_space<vmem>> -> memref<1x50xi32, #tpu.memory_space<vmem>>
      %dma_start3A_2352 = tpu.memref_squeeze %dma_start3A_2351 : memref<1x50xi32, #tpu.memory_space<vmem>> -> memref<50xi32, #tpu.memory_space<vmem>>
      %dma_start3A_2353 = arith.constant 0 : i32
      %dma_start3A_2354 = arith.constant 0 : i32
      %dma_start3A_2355 = tpu.memref_slice %arg3[%dma_start3A_2353, %dma_start3A_2354] : memref<10000x128xf32, #tpu.memory_space<hbm>> -> memref<10000x128xf32, #tpu.memory_space<hbm>>
      tpu.enqueue_indirect_dma source(%dma_start3A_2355 : memref<10000x128xf32, #tpu.memory_space<hbm>>) target(%arg8 : memref<50x128xf32, #tpu.memory_space<vmem>>) offsets(%dma_start3A_2352 : memref<50xi32, #tpu.memory_space<vmem>>) semaphore(%arg13 : memref<!tpu.dma_semaphore, #tpu.memory_space<semaphore_mem>>)
      %dma_wait3A_2356 = arith.constant 0 : i32
      %dma_wait3A_2357 = arith.constant 0 : i32
      %dma_wait3A_2358 = tpu.memref_slice %arg5[%scan3A_1934, %dma_wait3A_2356, %dma_wait3A_2357] : memref<2x40x50xi32, #tpu.memory_space<vmem>> -> memref<1x40x50xi32, #tpu.memory_space<vmem>>
      %dma_wait3A_2359 = tpu.memref_squeeze %dma_wait3A_2358 : memref<1x40x50xi32, #tpu.memory_space<vmem>> -> memref<40x50xi32, #tpu.memory_space<vmem>>
      %dma_wait3A_2360 = arith.constant 0 : i32
      %dma_wait3A_2361 = tpu.memref_slice %dma_wait3A_2359[%add3A_2329, %dma_wait3A_2360] : memref<40x50xi32, #tpu.memory_space<vmem>> -> memref<1x50xi32, #tpu.memory_space<vmem>>
      %dma_wait3A_2362 = tpu.memref_squeeze %dma_wait3A_2361 : memref<1x50xi32, #tpu.memory_space<vmem>> -> memref<50xi32, #tpu.memory_space<vmem>>
      %dma_wait3A_2363 = arith.constant 0 : i32
      %dma_wait3A_2364 = arith.constant 0 : i32
      %dma_wait3A_2365 = tpu.memref_slice %arg3[%dma_wait3A_2363, %dma_wait3A_2364] : memref<10000x128xf32, #tpu.memory_space<hbm>> -> memref<10000x128xf32, #tpu.memory_space<hbm>>
      tpu.wait_indirect_dma semaphore(%arg14 : memref<!tpu.dma_semaphore, #tpu.memory_space<semaphore_mem>>) src(%dma_wait3A_2365 : memref<10000x128xf32, #tpu.memory_space<hbm>>) dst(%arg9 : memref<50x128xf32, #tpu.memory_space<vmem>>)
      %dma_start3A_2366 = arith.constant 0 : i32
      %dma_start3A_2367 = arith.constant 0 : i32
      %dma_start3A_2368 = tpu.memref_slice %arg6[%scan3A_1933, %dma_start3A_2366, %dma_start3A_2367] : memref<2x40x50xi32, #tpu.memory_space<vmem>> -> memref<1x40x50xi32, #tpu.memory_space<vmem>>
      %dma_start3A_2369 = tpu.memref_squeeze %dma_start3A_2368 : memref<1x40x50xi32, #tpu.memory_space<vmem>> -> memref<40x50xi32, #tpu.memory_space<vmem>>
      %dma_start3A_2370 = arith.constant 0 : i32
      %dma_start3A_2371 = tpu.memref_slice %dma_start3A_2369[%add3A_2329, %dma_start3A_2370] : memref<40x50xi32, #tpu.memory_space<vmem>> -> memref<1x50xi32, #tpu.memory_space<vmem>>
      %dma_start3A_2372 = tpu.memref_squeeze %dma_start3A_2371 : memref<1x50xi32, #tpu.memory_space<vmem>> -> memref<50xi32, #tpu.memory_space<vmem>>
      %dma_start3A_2373 = arith.constant 0 : i32
      %dma_start3A_2374 = arith.constant 0 : i32
      %dma_start3A_2375 = tpu.memref_slice %arg11[%dma_start3A_2373, %dma_start3A_2374] : memref<10240x128xf32, #tpu.memory_space<vmem_shared>> -> memref<10240x128xf32, #tpu.memory_space<vmem_shared>>
      tpu.enqueue_indirect_dma source(%arg9 : memref<50x128xf32, #tpu.memory_space<vmem>>) target(%dma_start3A_2375 : memref<10240x128xf32, #tpu.memory_space<vmem_shared>>) offsets(%dma_start3A_2372 : memref<50xi32, #tpu.memory_space<vmem>>) semaphore(%arg14 : memref<!tpu.dma_semaphore, #tpu.memory_space<semaphore_mem>>) {add = true}
      %add3A_2376 = arith.constant 3 : i32
      %add3A_2377 = arith.addi %add3A_2233, %add3A_2376 : i32
      %sub3A_2378 = arith.constant 1 : i32
      %sub3A_2379 = arith.subi %add3A_2377, %sub3A_2378 : i32
      %max3A_2380 = arith.constant 0 : i32
      %max3A_2381 = arith.maxsi %sub3A_2379, %max3A_2380 : i32
      %dma_wait3A_2382 = arith.constant 0 : i32
      %dma_wait3A_2383 = arith.constant 0 : i32
      %dma_wait3A_2384 = tpu.memref_slice %arg6[%scan3A_1933, %dma_wait3A_2382, %dma_wait3A_2383] : memref<2x40x50xi32, #tpu.memory_space<vmem>> -> memref<1x40x50xi32, #tpu.memory_space<vmem>>
      %dma_wait3A_2385 = tpu.memref_squeeze %dma_wait3A_2384 : memref<1x40x50xi32, #tpu.memory_space<vmem>> -> memref<40x50xi32, #tpu.memory_space<vmem>>
      %dma_wait3A_2386 = arith.constant 0 : i32
      %dma_wait3A_2387 = tpu.memref_slice %dma_wait3A_2385[%max3A_2381, %dma_wait3A_2386] : memref<40x50xi32, #tpu.memory_space<vmem>> -> memref<1x50xi32, #tpu.memory_space<vmem>>
      %dma_wait3A_2388 = tpu.memref_squeeze %dma_wait3A_2387 : memref<1x50xi32, #tpu.memory_space<vmem>> -> memref<50xi32, #tpu.memory_space<vmem>>
      %dma_wait3A_2389 = arith.constant 0 : i32
      %dma_wait3A_2390 = arith.constant 0 : i32
      %dma_wait3A_2391 = tpu.memref_slice %arg11[%dma_wait3A_2389, %dma_wait3A_2390] : memref<10240x128xf32, #tpu.memory_space<vmem_shared>> -> memref<10240x128xf32, #tpu.memory_space<vmem_shared>>
      tpu.wait_indirect_dma semaphore(%arg14 : memref<!tpu.dma_semaphore, #tpu.memory_space<semaphore_mem>>) src(%arg9 : memref<50x128xf32, #tpu.memory_space<vmem>>) dst(%dma_wait3A_2391 : memref<10240x128xf32, #tpu.memory_space<vmem_shared>>)
      %add3A_2392 = arith.constant 3 : i32
      %add3A_2393 = arith.addi %add3A_2377, %add3A_2392 : i32
      %dma_start3A_2394 = arith.constant 0 : i32
      %dma_start3A_2395 = arith.constant 0 : i32
      %dma_start3A_2396 = tpu.memref_slice %arg5[%scan3A_1934, %dma_start3A_2394, %dma_start3A_2395] : memref<2x40x50xi32, #tpu.memory_space<vmem>> -> memref<1x40x50xi32, #tpu.memory_space<vmem>>
      %dma_start3A_2397 = tpu.memref_squeeze %dma_start3A_2396 : memref<1x40x50xi32, #tpu.memory_space<vmem>> -> memref<40x50xi32, #tpu.memory_space<vmem>>
      %dma_start3A_2398 = arith.constant 0 : i32
      %dma_start3A_2399 = tpu.memref_slice %dma_start3A_2397[%add3A_2393, %dma_start3A_2398] : memref<40x50xi32, #tpu.memory_space<vmem>> -> memref<1x50xi32, #tpu.memory_space<vmem>>
      %dma_start3A_2400 = tpu.memref_squeeze %dma_start3A_2399 : memref<1x50xi32, #tpu.memory_space<vmem>> -> memref<50xi32, #tpu.memory_space<vmem>>
      %dma_start3A_2401 = arith.constant 0 : i32
      %dma_start3A_2402 = arith.constant 0 : i32
      %dma_start3A_2403 = tpu.memref_slice %arg3[%dma_start3A_2401, %dma_start3A_2402] : memref<10000x128xf32, #tpu.memory_space<hbm>> -> memref<10000x128xf32, #tpu.memory_space<hbm>>
      tpu.enqueue_indirect_dma source(%dma_start3A_2403 : memref<10000x128xf32, #tpu.memory_space<hbm>>) target(%arg9 : memref<50x128xf32, #tpu.memory_space<vmem>>) offsets(%dma_start3A_2400 : memref<50xi32, #tpu.memory_space<vmem>>) semaphore(%arg14 : memref<!tpu.dma_semaphore, #tpu.memory_space<semaphore_mem>>)
      %dma_wait3A_2404 = arith.constant 0 : i32
      %dma_wait3A_2405 = arith.constant 0 : i32
      %dma_wait3A_2406 = tpu.memref_slice %arg5[%scan3A_1934, %dma_wait3A_2404, %dma_wait3A_2405] : memref<2x40x50xi32, #tpu.memory_space<vmem>> -> memref<1x40x50xi32, #tpu.memory_space<vmem>>
      %dma_wait3A_2407 = tpu.memref_squeeze %dma_wait3A_2406 : memref<1x40x50xi32, #tpu.memory_space<vmem>> -> memref<40x50xi32, #tpu.memory_space<vmem>>
      %dma_wait3A_2408 = arith.constant 0 : i32
      %dma_wait3A_2409 = tpu.memref_slice %dma_wait3A_2407[%add3A_2377, %dma_wait3A_2408] : memref<40x50xi32, #tpu.memory_space<vmem>> -> memref<1x50xi32, #tpu.memory_space<vmem>>
      %dma_wait3A_2410 = tpu.memref_squeeze %dma_wait3A_2409 : memref<1x50xi32, #tpu.memory_space<vmem>> -> memref<50xi32, #tpu.memory_space<vmem>>
      %dma_wait3A_2411 = arith.constant 0 : i32
      %dma_wait3A_2412 = arith.constant 0 : i32
      %dma_wait3A_2413 = tpu.memref_slice %arg3[%dma_wait3A_2411, %dma_wait3A_2412] : memref<10000x128xf32, #tpu.memory_space<hbm>> -> memref<10000x128xf32, #tpu.memory_space<hbm>>
      tpu.wait_indirect_dma semaphore(%arg15 : memref<!tpu.dma_semaphore, #tpu.memory_space<semaphore_mem>>) src(%dma_wait3A_2413 : memref<10000x128xf32, #tpu.memory_space<hbm>>) dst(%arg10 : memref<50x128xf32, #tpu.memory_space<vmem>>)
      %dma_start3A_2414 = arith.constant 0 : i32
      %dma_start3A_2415 = arith.constant 0 : i32
      %dma_start3A_2416 = tpu.memref_slice %arg6[%scan3A_1933, %dma_start3A_2414, %dma_start3A_2415] : memref<2x40x50xi32, #tpu.memory_space<vmem>> -> memref<1x40x50xi32, #tpu.memory_space<vmem>>
      %dma_start3A_2417 = tpu.memref_squeeze %dma_start3A_2416 : memref<1x40x50xi32, #tpu.memory_space<vmem>> -> memref<40x50xi32, #tpu.memory_space<vmem>>
      %dma_start3A_2418 = arith.constant 0 : i32
      %dma_start3A_2419 = tpu.memref_slice %dma_start3A_2417[%add3A_2377, %dma_start3A_2418] : memref<40x50xi32, #tpu.memory_space<vmem>> -> memref<1x50xi32, #tpu.memory_space<vmem>>
      %dma_start3A_2420 = tpu.memref_squeeze %dma_start3A_2419 : memref<1x50xi32, #tpu.memory_space<vmem>> -> memref<50xi32, #tpu.memory_space<vmem>>
      %dma_start3A_2421 = arith.constant 0 : i32
      %dma_start3A_2422 = arith.constant 0 : i32
      %dma_start3A_2423 = tpu.memref_slice %arg11[%dma_start3A_2421, %dma_start3A_2422] : memref<10240x128xf32, #tpu.memory_space<vmem_shared>> -> memref<10240x128xf32, #tpu.memory_space<vmem_shared>>
      tpu.enqueue_indirect_dma source(%arg10 : memref<50x128xf32, #tpu.memory_space<vmem>>) target(%dma_start3A_2423 : memref<10240x128xf32, #tpu.memory_space<vmem_shared>>) offsets(%dma_start3A_2420 : memref<50xi32, #tpu.memory_space<vmem>>) semaphore(%arg15 : memref<!tpu.dma_semaphore, #tpu.memory_space<semaphore_mem>>) {add = true}
    }
    %scan3A_1939 = arith.constant 9 : i32
    %dma_wait3A_1940 = arith.constant 0 : i32
    %dma_wait3A_1941 = arith.constant 35 : i32
    %dma_wait3A_1942 = arith.constant 0 : i32
    %dma_wait3A_1943 = arith.constant 0 : i32
    %dma_wait3A_1944 = tpu.memref_slice %arg6[%dma_wait3A_1940, %dma_wait3A_1942, %dma_wait3A_1943] : memref<2x40x50xi32, #tpu.memory_space<vmem>> -> memref<1x40x50xi32, #tpu.memory_space<vmem>>
    %dma_wait3A_1945 = tpu.memref_squeeze %dma_wait3A_1944 : memref<1x40x50xi32, #tpu.memory_space<vmem>> -> memref<40x50xi32, #tpu.memory_space<vmem>>
    %dma_wait3A_1946 = arith.constant 0 : i32
    %dma_wait3A_1947 = tpu.memref_slice %dma_wait3A_1945[%dma_wait3A_1941, %dma_wait3A_1946] : memref<40x50xi32, #tpu.memory_space<vmem>> -> memref<1x50xi32, #tpu.memory_space<vmem>>
    %dma_wait3A_1948 = tpu.memref_squeeze %dma_wait3A_1947 : memref<1x50xi32, #tpu.memory_space<vmem>> -> memref<50xi32, #tpu.memory_space<vmem>>
    %dma_wait3A_1949 = arith.constant 0 : i32
    %dma_wait3A_1950 = arith.constant 0 : i32
    %dma_wait3A_1951 = tpu.memref_slice %arg11[%dma_wait3A_1949, %dma_wait3A_1950] : memref<10240x128xf32, #tpu.memory_space<vmem_shared>> -> memref<10240x128xf32, #tpu.memory_space<vmem_shared>>
    tpu.wait_indirect_dma semaphore(%arg15 : memref<!tpu.dma_semaphore, #tpu.memory_space<semaphore_mem>>) src(%arg10 : memref<50x128xf32, #tpu.memory_space<vmem>>) dst(%dma_wait3A_1951 : memref<10240x128xf32, #tpu.memory_space<vmem_shared>>)
    %dma_start3A_1952 = arith.constant 0 : i32
    %dma_start3A_1953 = arith.constant 39 : i32
    %dma_start3A_1954 = arith.constant 0 : i32
    %dma_start3A_1955 = arith.constant 0 : i32
    %dma_start3A_1956 = tpu.memref_slice %arg5[%dma_start3A_1952, %dma_start3A_1954, %dma_start3A_1955] : memref<2x40x50xi32, #tpu.memory_space<vmem>> -> memref<1x40x50xi32, #tpu.memory_space<vmem>>
    %dma_start3A_1957 = tpu.memref_squeeze %dma_start3A_1956 : memref<1x40x50xi32, #tpu.memory_space<vmem>> -> memref<40x50xi32, #tpu.memory_space<vmem>>
    %dma_start3A_1958 = arith.constant 0 : i32
    %dma_start3A_1959 = tpu.memref_slice %dma_start3A_1957[%dma_start3A_1953, %dma_start3A_1958] : memref<40x50xi32, #tpu.memory_space<vmem>> -> memref<1x50xi32, #tpu.memory_space<vmem>>
    %dma_start3A_1960 = tpu.memref_squeeze %dma_start3A_1959 : memref<1x50xi32, #tpu.memory_space<vmem>> -> memref<50xi32, #tpu.memory_space<vmem>>
    %dma_start3A_1961 = arith.constant 0 : i32
    %dma_start3A_1962 = arith.constant 0 : i32
    %dma_start3A_1963 = tpu.memref_slice %arg3[%dma_start3A_1961, %dma_start3A_1962] : memref<10000x128xf32, #tpu.memory_space<hbm>> -> memref<10000x128xf32, #tpu.memory_space<hbm>>
    tpu.enqueue_indirect_dma source(%dma_start3A_1963 : memref<10000x128xf32, #tpu.memory_space<hbm>>) target(%arg10 : memref<50x128xf32, #tpu.memory_space<vmem>>) offsets(%dma_start3A_1960 : memref<50xi32, #tpu.memory_space<vmem>>) semaphore(%arg15 : memref<!tpu.dma_semaphore, #tpu.memory_space<semaphore_mem>>)
    %dma_wait3A_1964 = arith.constant 0 : i32
    %dma_wait3A_1965 = arith.constant 36 : i32
    %dma_wait3A_1966 = arith.constant 0 : i32
    %dma_wait3A_1967 = arith.constant 0 : i32
    %dma_wait3A_1968 = tpu.memref_slice %arg5[%dma_wait3A_1964, %dma_wait3A_1966, %dma_wait3A_1967] : memref<2x40x50xi32, #tpu.memory_space<vmem>> -> memref<1x40x50xi32, #tpu.memory_space<vmem>>
    %dma_wait3A_1969 = tpu.memref_squeeze %dma_wait3A_1968 : memref<1x40x50xi32, #tpu.memory_space<vmem>> -> memref<40x50xi32, #tpu.memory_space<vmem>>
    %dma_wait3A_1970 = arith.constant 0 : i32
    %dma_wait3A_1971 = tpu.memref_slice %dma_wait3A_1969[%dma_wait3A_1965, %dma_wait3A_1970] : memref<40x50xi32, #tpu.memory_space<vmem>> -> memref<1x50xi32, #tpu.memory_space<vmem>>
    %dma_wait3A_1972 = tpu.memref_squeeze %dma_wait3A_1971 : memref<1x50xi32, #tpu.memory_space<vmem>> -> memref<50xi32, #tpu.memory_space<vmem>>
    %dma_wait3A_1973 = arith.constant 0 : i32
    %dma_wait3A_1974 = arith.constant 0 : i32
    %dma_wait3A_1975 = tpu.memref_slice %arg3[%dma_wait3A_1973, %dma_wait3A_1974] : memref<10000x128xf32, #tpu.memory_space<hbm>> -> memref<10000x128xf32, #tpu.memory_space<hbm>>
    tpu.wait_indirect_dma semaphore(%arg12 : memref<!tpu.dma_semaphore, #tpu.memory_space<semaphore_mem>>) src(%dma_wait3A_1975 : memref<10000x128xf32, #tpu.memory_space<hbm>>) dst(%arg7 : memref<50x128xf32, #tpu.memory_space<vmem>>)
    %dma_start3A_1976 = arith.constant 0 : i32
    %dma_start3A_1977 = arith.constant 36 : i32
    %dma_start3A_1978 = arith.constant 0 : i32
    %dma_start3A_1979 = arith.constant 0 : i32
    %dma_start3A_1980 = tpu.memref_slice %arg6[%dma_start3A_1976, %dma_start3A_1978, %dma_start3A_1979] : memref<2x40x50xi32, #tpu.memory_space<vmem>> -> memref<1x40x50xi32, #tpu.memory_space<vmem>>
    %dma_start3A_1981 = tpu.memref_squeeze %dma_start3A_1980 : memref<1x40x50xi32, #tpu.memory_space<vmem>> -> memref<40x50xi32, #tpu.memory_space<vmem>>
    %dma_start3A_1982 = arith.constant 0 : i32
    %dma_start3A_1983 = tpu.memref_slice %dma_start3A_1981[%dma_start3A_1977, %dma_start3A_1982] : memref<40x50xi32, #tpu.memory_space<vmem>> -> memref<1x50xi32, #tpu.memory_space<vmem>>
    %dma_start3A_1984 = tpu.memref_squeeze %dma_start3A_1983 : memref<1x50xi32, #tpu.memory_space<vmem>> -> memref<50xi32, #tpu.memory_space<vmem>>
    %dma_start3A_1985 = arith.constant 0 : i32
    %dma_start3A_1986 = arith.constant 0 : i32
    %dma_start3A_1987 = tpu.memref_slice %arg11[%dma_start3A_1985, %dma_start3A_1986] : memref<10240x128xf32, #tpu.memory_space<vmem_shared>> -> memref<10240x128xf32, #tpu.memory_space<vmem_shared>>
    tpu.enqueue_indirect_dma source(%arg7 : memref<50x128xf32, #tpu.memory_space<vmem>>) target(%dma_start3A_1987 : memref<10240x128xf32, #tpu.memory_space<vmem_shared>>) offsets(%dma_start3A_1984 : memref<50xi32, #tpu.memory_space<vmem>>) semaphore(%arg12 : memref<!tpu.dma_semaphore, #tpu.memory_space<semaphore_mem>>) {add = true}
    %dma_wait3A_1988 = arith.constant 0 : i32
    %dma_wait3A_1989 = arith.constant 36 : i32
    %dma_wait3A_1990 = arith.constant 0 : i32
    %dma_wait3A_1991 = arith.constant 0 : i32
    %dma_wait3A_1992 = tpu.memref_slice %arg6[%dma_wait3A_1988, %dma_wait3A_1990, %dma_wait3A_1991] : memref<2x40x50xi32, #tpu.memory_space<vmem>> -> memref<1x40x50xi32, #tpu.memory_space<vmem>>
    %dma_wait3A_1993 = tpu.memref_squeeze %dma_wait3A_1992 : memref<1x40x50xi32, #tpu.memory_space<vmem>> -> memref<40x50xi32, #tpu.memory_space<vmem>>
    %dma_wait3A_1994 = arith.constant 0 : i32
    %dma_wait3A_1995 = tpu.memref_slice %dma_wait3A_1993[%dma_wait3A_1989, %dma_wait3A_1994] : memref<40x50xi32, #tpu.memory_space<vmem>> -> memref<1x50xi32, #tpu.memory_space<vmem>>
    %dma_wait3A_1996 = tpu.memref_squeeze %dma_wait3A_1995 : memref<1x50xi32, #tpu.memory_space<vmem>> -> memref<50xi32, #tpu.memory_space<vmem>>
    %dma_wait3A_1997 = arith.constant 0 : i32
    %dma_wait3A_1998 = arith.constant 0 : i32
    %dma_wait3A_1999 = tpu.memref_slice %arg11[%dma_wait3A_1997, %dma_wait3A_1998] : memref<10240x128xf32, #tpu.memory_space<vmem_shared>> -> memref<10240x128xf32, #tpu.memory_space<vmem_shared>>
    tpu.wait_indirect_dma semaphore(%arg12 : memref<!tpu.dma_semaphore, #tpu.memory_space<semaphore_mem>>) src(%arg7 : memref<50x128xf32, #tpu.memory_space<vmem>>) dst(%dma_wait3A_1999 : memref<10240x128xf32, #tpu.memory_space<vmem_shared>>)
    %dma_wait3A_2000 = arith.constant 0 : i32
    %dma_wait3A_2001 = arith.constant 37 : i32
    %dma_wait3A_2002 = arith.constant 0 : i32
    %dma_wait3A_2003 = arith.constant 0 : i32
    %dma_wait3A_2004 = tpu.memref_slice %arg5[%dma_wait3A_2000, %dma_wait3A_2002, %dma_wait3A_2003] : memref<2x40x50xi32, #tpu.memory_space<vmem>> -> memref<1x40x50xi32, #tpu.memory_space<vmem>>
    %dma_wait3A_2005 = tpu.memref_squeeze %dma_wait3A_2004 : memref<1x40x50xi32, #tpu.memory_space<vmem>> -> memref<40x50xi32, #tpu.memory_space<vmem>>
    %dma_wait3A_2006 = arith.constant 0 : i32
    %dma_wait3A_2007 = tpu.memref_slice %dma_wait3A_2005[%dma_wait3A_2001, %dma_wait3A_2006] : memref<40x50xi32, #tpu.memory_space<vmem>> -> memref<1x50xi32, #tpu.memory_space<vmem>>
    %dma_wait3A_2008 = tpu.memref_squeeze %dma_wait3A_2007 : memref<1x50xi32, #tpu.memory_space<vmem>> -> memref<50xi32, #tpu.memory_space<vmem>>
    %dma_wait3A_2009 = arith.constant 0 : i32
    %dma_wait3A_2010 = arith.constant 0 : i32
    %dma_wait3A_2011 = tpu.memref_slice %arg3[%dma_wait3A_2009, %dma_wait3A_2010] : memref<10000x128xf32, #tpu.memory_space<hbm>> -> memref<10000x128xf32, #tpu.memory_space<hbm>>
    tpu.wait_indirect_dma semaphore(%arg13 : memref<!tpu.dma_semaphore, #tpu.memory_space<semaphore_mem>>) src(%dma_wait3A_2011 : memref<10000x128xf32, #tpu.memory_space<hbm>>) dst(%arg8 : memref<50x128xf32, #tpu.memory_space<vmem>>)
    %dma_start3A_2012 = arith.constant 0 : i32
    %dma_start3A_2013 = arith.constant 37 : i32
    %dma_start3A_2014 = arith.constant 0 : i32
    %dma_start3A_2015 = arith.constant 0 : i32
    %dma_start3A_2016 = tpu.memref_slice %arg6[%dma_start3A_2012, %dma_start3A_2014, %dma_start3A_2015] : memref<2x40x50xi32, #tpu.memory_space<vmem>> -> memref<1x40x50xi32, #tpu.memory_space<vmem>>
    %dma_start3A_2017 = tpu.memref_squeeze %dma_start3A_2016 : memref<1x40x50xi32, #tpu.memory_space<vmem>> -> memref<40x50xi32, #tpu.memory_space<vmem>>
    %dma_start3A_2018 = arith.constant 0 : i32
    %dma_start3A_2019 = tpu.memref_slice %dma_start3A_2017[%dma_start3A_2013, %dma_start3A_2018] : memref<40x50xi32, #tpu.memory_space<vmem>> -> memref<1x50xi32, #tpu.memory_space<vmem>>
    %dma_start3A_2020 = tpu.memref_squeeze %dma_start3A_2019 : memref<1x50xi32, #tpu.memory_space<vmem>> -> memref<50xi32, #tpu.memory_space<vmem>>
    %dma_start3A_2021 = arith.constant 0 : i32
    %dma_start3A_2022 = arith.constant 0 : i32
    %dma_start3A_2023 = tpu.memref_slice %arg11[%dma_start3A_2021, %dma_start3A_2022] : memref<10240x128xf32, #tpu.memory_space<vmem_shared>> -> memref<10240x128xf32, #tpu.memory_space<vmem_shared>>
    tpu.enqueue_indirect_dma source(%arg8 : memref<50x128xf32, #tpu.memory_space<vmem>>) target(%dma_start3A_2023 : memref<10240x128xf32, #tpu.memory_space<vmem_shared>>) offsets(%dma_start3A_2020 : memref<50xi32, #tpu.memory_space<vmem>>) semaphore(%arg13 : memref<!tpu.dma_semaphore, #tpu.memory_space<semaphore_mem>>) {add = true}
    %dma_wait3A_2024 = arith.constant 0 : i32
    %dma_wait3A_2025 = arith.constant 37 : i32
    %dma_wait3A_2026 = arith.constant 0 : i32
    %dma_wait3A_2027 = arith.constant 0 : i32
    %dma_wait3A_2028 = tpu.memref_slice %arg6[%dma_wait3A_2024, %dma_wait3A_2026, %dma_wait3A_2027] : memref<2x40x50xi32, #tpu.memory_space<vmem>> -> memref<1x40x50xi32, #tpu.memory_space<vmem>>
    %dma_wait3A_2029 = tpu.memref_squeeze %dma_wait3A_2028 : memref<1x40x50xi32, #tpu.memory_space<vmem>> -> memref<40x50xi32, #tpu.memory_space<vmem>>
    %dma_wait3A_2030 = arith.constant 0 : i32
    %dma_wait3A_2031 = tpu.memref_slice %dma_wait3A_2029[%dma_wait3A_2025, %dma_wait3A_2030] : memref<40x50xi32, #tpu.memory_space<vmem>> -> memref<1x50xi32, #tpu.memory_space<vmem>>
    %dma_wait3A_2032 = tpu.memref_squeeze %dma_wait3A_2031 : memref<1x50xi32, #tpu.memory_space<vmem>> -> memref<50xi32, #tpu.memory_space<vmem>>
    %dma_wait3A_2033 = arith.constant 0 : i32
    %dma_wait3A_2034 = arith.constant 0 : i32
    %dma_wait3A_2035 = tpu.memref_slice %arg11[%dma_wait3A_2033, %dma_wait3A_2034] : memref<10240x128xf32, #tpu.memory_space<vmem_shared>> -> memref<10240x128xf32, #tpu.memory_space<vmem_shared>>
    tpu.wait_indirect_dma semaphore(%arg13 : memref<!tpu.dma_semaphore, #tpu.memory_space<semaphore_mem>>) src(%arg8 : memref<50x128xf32, #tpu.memory_space<vmem>>) dst(%dma_wait3A_2035 : memref<10240x128xf32, #tpu.memory_space<vmem_shared>>)
    %dma_wait3A_2036 = arith.constant 0 : i32
    %dma_wait3A_2037 = arith.constant 38 : i32
    %dma_wait3A_2038 = arith.constant 0 : i32
    %dma_wait3A_2039 = arith.constant 0 : i32
    %dma_wait3A_2040 = tpu.memref_slice %arg5[%dma_wait3A_2036, %dma_wait3A_2038, %dma_wait3A_2039] : memref<2x40x50xi32, #tpu.memory_space<vmem>> -> memref<1x40x50xi32, #tpu.memory_space<vmem>>
    %dma_wait3A_2041 = tpu.memref_squeeze %dma_wait3A_2040 : memref<1x40x50xi32, #tpu.memory_space<vmem>> -> memref<40x50xi32, #tpu.memory_space<vmem>>
    %dma_wait3A_2042 = arith.constant 0 : i32
    %dma_wait3A_2043 = tpu.memref_slice %dma_wait3A_2041[%dma_wait3A_2037, %dma_wait3A_2042] : memref<40x50xi32, #tpu.memory_space<vmem>> -> memref<1x50xi32, #tpu.memory_space<vmem>>
    %dma_wait3A_2044 = tpu.memref_squeeze %dma_wait3A_2043 : memref<1x50xi32, #tpu.memory_space<vmem>> -> memref<50xi32, #tpu.memory_space<vmem>>
    %dma_wait3A_2045 = arith.constant 0 : i32
    %dma_wait3A_2046 = arith.constant 0 : i32
    %dma_wait3A_2047 = tpu.memref_slice %arg3[%dma_wait3A_2045, %dma_wait3A_2046] : memref<10000x128xf32, #tpu.memory_space<hbm>> -> memref<10000x128xf32, #tpu.memory_space<hbm>>
    tpu.wait_indirect_dma semaphore(%arg14 : memref<!tpu.dma_semaphore, #tpu.memory_space<semaphore_mem>>) src(%dma_wait3A_2047 : memref<10000x128xf32, #tpu.memory_space<hbm>>) dst(%arg9 : memref<50x128xf32, #tpu.memory_space<vmem>>)
    %dma_start3A_2048 = arith.constant 0 : i32
    %dma_start3A_2049 = arith.constant 38 : i32
    %dma_start3A_2050 = arith.constant 0 : i32
    %dma_start3A_2051 = arith.constant 0 : i32
    %dma_start3A_2052 = tpu.memref_slice %arg6[%dma_start3A_2048, %dma_start3A_2050, %dma_start3A_2051] : memref<2x40x50xi32, #tpu.memory_space<vmem>> -> memref<1x40x50xi32, #tpu.memory_space<vmem>>
    %dma_start3A_2053 = tpu.memref_squeeze %dma_start3A_2052 : memref<1x40x50xi32, #tpu.memory_space<vmem>> -> memref<40x50xi32, #tpu.memory_space<vmem>>
    %dma_start3A_2054 = arith.constant 0 : i32
    %dma_start3A_2055 = tpu.memref_slice %dma_start3A_2053[%dma_start3A_2049, %dma_start3A_2054] : memref<40x50xi32, #tpu.memory_space<vmem>> -> memref<1x50xi32, #tpu.memory_space<vmem>>
    %dma_start3A_2056 = tpu.memref_squeeze %dma_start3A_2055 : memref<1x50xi32, #tpu.memory_space<vmem>> -> memref<50xi32, #tpu.memory_space<vmem>>
    %dma_start3A_2057 = arith.constant 0 : i32
    %dma_start3A_2058 = arith.constant 0 : i32
    %dma_start3A_2059 = tpu.memref_slice %arg11[%dma_start3A_2057, %dma_start3A_2058] : memref<10240x128xf32, #tpu.memory_space<vmem_shared>> -> memref<10240x128xf32, #tpu.memory_space<vmem_shared>>
    tpu.enqueue_indirect_dma source(%arg9 : memref<50x128xf32, #tpu.memory_space<vmem>>) target(%dma_start3A_2059 : memref<10240x128xf32, #tpu.memory_space<vmem_shared>>) offsets(%dma_start3A_2056 : memref<50xi32, #tpu.memory_space<vmem>>) semaphore(%arg14 : memref<!tpu.dma_semaphore, #tpu.memory_space<semaphore_mem>>) {add = true}
    %dma_wait3A_2060 = arith.constant 0 : i32
    %dma_wait3A_2061 = arith.constant 38 : i32
    %dma_wait3A_2062 = arith.constant 0 : i32
    %dma_wait3A_2063 = arith.constant 0 : i32
    %dma_wait3A_2064 = tpu.memref_slice %arg6[%dma_wait3A_2060, %dma_wait3A_2062, %dma_wait3A_2063] : memref<2x40x50xi32, #tpu.memory_space<vmem>> -> memref<1x40x50xi32, #tpu.memory_space<vmem>>
    %dma_wait3A_2065 = tpu.memref_squeeze %dma_wait3A_2064 : memref<1x40x50xi32, #tpu.memory_space<vmem>> -> memref<40x50xi32, #tpu.memory_space<vmem>>
    %dma_wait3A_2066 = arith.constant 0 : i32
    %dma_wait3A_2067 = tpu.memref_slice %dma_wait3A_2065[%dma_wait3A_2061, %dma_wait3A_2066] : memref<40x50xi32, #tpu.memory_space<vmem>> -> memref<1x50xi32, #tpu.memory_space<vmem>>
    %dma_wait3A_2068 = tpu.memref_squeeze %dma_wait3A_2067 : memref<1x50xi32, #tpu.memory_space<vmem>> -> memref<50xi32, #tpu.memory_space<vmem>>
    %dma_wait3A_2069 = arith.constant 0 : i32
    %dma_wait3A_2070 = arith.constant 0 : i32
    %dma_wait3A_2071 = tpu.memref_slice %arg11[%dma_wait3A_2069, %dma_wait3A_2070] : memref<10240x128xf32, #tpu.memory_space<vmem_shared>> -> memref<10240x128xf32, #tpu.memory_space<vmem_shared>>
    tpu.wait_indirect_dma semaphore(%arg14 : memref<!tpu.dma_semaphore, #tpu.memory_space<semaphore_mem>>) src(%arg9 : memref<50x128xf32, #tpu.memory_space<vmem>>) dst(%dma_wait3A_2071 : memref<10240x128xf32, #tpu.memory_space<vmem_shared>>)
    %dma_wait3A_2072 = arith.constant 0 : i32
    %dma_wait3A_2073 = arith.constant 39 : i32
    %dma_wait3A_2074 = arith.constant 0 : i32
    %dma_wait3A_2075 = arith.constant 0 : i32
    %dma_wait3A_2076 = tpu.memref_slice %arg5[%dma_wait3A_2072, %dma_wait3A_2074, %dma_wait3A_2075] : memref<2x40x50xi32, #tpu.memory_space<vmem>> -> memref<1x40x50xi32, #tpu.memory_space<vmem>>
    %dma_wait3A_2077 = tpu.memref_squeeze %dma_wait3A_2076 : memref<1x40x50xi32, #tpu.memory_space<vmem>> -> memref<40x50xi32, #tpu.memory_space<vmem>>
    %dma_wait3A_2078 = arith.constant 0 : i32
    %dma_wait3A_2079 = tpu.memref_slice %dma_wait3A_2077[%dma_wait3A_2073, %dma_wait3A_2078] : memref<40x50xi32, #tpu.memory_space<vmem>> -> memref<1x50xi32, #tpu.memory_space<vmem>>
    %dma_wait3A_2080 = tpu.memref_squeeze %dma_wait3A_2079 : memref<1x50xi32, #tpu.memory_space<vmem>> -> memref<50xi32, #tpu.memory_space<vmem>>
    %dma_wait3A_2081 = arith.constant 0 : i32
    %dma_wait3A_2082 = arith.constant 0 : i32
    %dma_wait3A_2083 = tpu.memref_slice %arg3[%dma_wait3A_2081, %dma_wait3A_2082] : memref<10000x128xf32, #tpu.memory_space<hbm>> -> memref<10000x128xf32, #tpu.memory_space<hbm>>
    tpu.wait_indirect_dma semaphore(%arg15 : memref<!tpu.dma_semaphore, #tpu.memory_space<semaphore_mem>>) src(%dma_wait3A_2083 : memref<10000x128xf32, #tpu.memory_space<hbm>>) dst(%arg10 : memref<50x128xf32, #tpu.memory_space<vmem>>)
    %dma_start3A_2084 = arith.constant 0 : i32
    %dma_start3A_2085 = arith.constant 39 : i32
    %dma_start3A_2086 = arith.constant 0 : i32
    %dma_start3A_2087 = arith.constant 0 : i32
    %dma_start3A_2088 = tpu.memref_slice %arg6[%dma_start3A_2084, %dma_start3A_2086, %dma_start3A_2087] : memref<2x40x50xi32, #tpu.memory_space<vmem>> -> memref<1x40x50xi32, #tpu.memory_space<vmem>>
    %dma_start3A_2089 = tpu.memref_squeeze %dma_start3A_2088 : memref<1x40x50xi32, #tpu.memory_space<vmem>> -> memref<40x50xi32, #tpu.memory_space<vmem>>
    %dma_start3A_2090 = arith.constant 0 : i32
    %dma_start3A_2091 = tpu.memref_slice %dma_start3A_2089[%dma_start3A_2085, %dma_start3A_2090] : memref<40x50xi32, #tpu.memory_space<vmem>> -> memref<1x50xi32, #tpu.memory_space<vmem>>
    %dma_start3A_2092 = tpu.memref_squeeze %dma_start3A_2091 : memref<1x50xi32, #tpu.memory_space<vmem>> -> memref<50xi32, #tpu.memory_space<vmem>>
    %dma_start3A_2093 = arith.constant 0 : i32
    %dma_start3A_2094 = arith.constant 0 : i32
    %dma_start3A_2095 = tpu.memref_slice %arg11[%dma_start3A_2093, %dma_start3A_2094] : memref<10240x128xf32, #tpu.memory_space<vmem_shared>> -> memref<10240x128xf32, #tpu.memory_space<vmem_shared>>
    tpu.enqueue_indirect_dma source(%arg10 : memref<50x128xf32, #tpu.memory_space<vmem>>) target(%dma_start3A_2095 : memref<10240x128xf32, #tpu.memory_space<vmem_shared>>) offsets(%dma_start3A_2092 : memref<50xi32, #tpu.memory_space<vmem>>) semaphore(%arg15 : memref<!tpu.dma_semaphore, #tpu.memory_space<semaphore_mem>>) {add = true}
    %dma_wait3A_2096 = arith.constant 0 : i32
    %dma_wait3A_2097 = arith.constant 39 : i32
    %dma_wait3A_2098 = arith.constant 0 : i32
    %dma_wait3A_2099 = arith.constant 0 : i32
    %dma_wait3A_2100 = tpu.memref_slice %arg6[%dma_wait3A_2096, %dma_wait3A_2098, %dma_wait3A_2099] : memref<2x40x50xi32, #tpu.memory_space<vmem>> -> memref<1x40x50xi32, #tpu.memory_space<vmem>>
    %dma_wait3A_2101 = tpu.memref_squeeze %dma_wait3A_2100 : memref<1x40x50xi32, #tpu.memory_space<vmem>> -> memref<40x50xi32, #tpu.memory_space<vmem>>
    %dma_wait3A_2102 = arith.constant 0 : i32
    %dma_wait3A_2103 = tpu.memref_slice %dma_wait3A_2101[%dma_wait3A_2097, %dma_wait3A_2102] : memref<40x50xi32, #tpu.memory_space<vmem>> -> memref<1x50xi32, #tpu.memory_space<vmem>>
    %dma_wait3A_2104 = tpu.memref_squeeze %dma_wait3A_2103 : memref<1x50xi32, #tpu.memory_space<vmem>> -> memref<50xi32, #tpu.memory_space<vmem>>
    %dma_wait3A_2105 = arith.constant 0 : i32
    %dma_wait3A_2106 = arith.constant 0 : i32
    %dma_wait3A_2107 = tpu.memref_slice %arg11[%dma_wait3A_2105, %dma_wait3A_2106] : memref<10240x128xf32, #tpu.memory_space<vmem_shared>> -> memref<10240x128xf32, #tpu.memory_space<vmem_shared>>
    tpu.wait_indirect_dma semaphore(%arg15 : memref<!tpu.dma_semaphore, #tpu.memory_space<semaphore_mem>>) src(%arg10 : memref<50x128xf32, #tpu.memory_space<vmem>>) dst(%dma_wait3A_2107 : memref<10240x128xf32, #tpu.memory_space<vmem_shared>>)
    %barrier3A_2108 = arith.constant 0 : index
    tpu.barrier barrier_id(%barrier3A_2108)
    %mul3A_2109 = arith.constant 640 : i32
    %mul3A_2110 = arith.muli %arg1, %mul3A_2109 : i32
    %add3A_2111 = arith.constant 0 : i32
    %add3A_2112 = arith.addi %mul3A_2110, %add3A_2111 : i32
    %dma_start3A_2113 = arith.constant 0 : i32
    %dma_start3A_2114 = arith.constant 0 : i32
    %dma_start3A_2115 = tpu.memref_slice %arg4[%arg0, %dma_start3A_2113, %dma_start3A_2114] : memref<2x10240x128xf32, #tpu.memory_space<hbm>> -> memref<1x10240x128xf32, #tpu.memory_space<hbm>>
    %dma_start3A_2116 = tpu.memref_squeeze %dma_start3A_2115 : memref<1x10240x128xf32, #tpu.memory_space<hbm>> -> memref<10240x128xf32, #tpu.memory_space<hbm>>
    %dma_start3A_2117 = arith.constant 0 : i32
    %dma_start3A_2118 = tpu.memref_slice %dma_start3A_2116[%add3A_2112, %dma_start3A_2117] : memref<10240x128xf32, #tpu.memory_space<hbm>> -> memref<128x128xf32, #tpu.memory_space<hbm>>
    %dma_start3A_2119 = arith.constant 0 : i32
    %dma_start3A_2120 = tpu.memref_slice %arg11[%add3A_2112, %dma_start3A_2119] : memref<10240x128xf32, #tpu.memory_space<vmem_shared>> -> memref<128x128xf32, #tpu.memory_space<vmem_shared>>
    tpu.enqueue_dma source(%dma_start3A_2120 : memref<128x128xf32, #tpu.memory_space<vmem_shared>>) target(%dma_start3A_2118 : memref<128x128xf32, #tpu.memory_space<hbm>>) target_semaphore(%arg12 : memref<!tpu.dma_semaphore, #tpu.memory_space<semaphore_mem>>)
    %mul3A_2121 = arith.constant 640 : i32
    %mul3A_2122 = arith.muli %arg1, %mul3A_2121 : i32
    %add3A_2123 = arith.constant 128 : i32
    %add3A_2124 = arith.addi %mul3A_2122, %add3A_2123 : i32
    %dma_start3A_2125 = arith.constant 0 : i32
    %dma_start3A_2126 = arith.constant 0 : i32
    %dma_start3A_2127 = tpu.memref_slice %arg4[%arg0, %dma_start3A_2125, %dma_start3A_2126] : memref<2x10240x128xf32, #tpu.memory_space<hbm>> -> memref<1x10240x128xf32, #tpu.memory_space<hbm>>
    %dma_start3A_2128 = tpu.memref_squeeze %dma_start3A_2127 : memref<1x10240x128xf32, #tpu.memory_space<hbm>> -> memref<10240x128xf32, #tpu.memory_space<hbm>>
    %dma_start3A_2129 = arith.constant 0 : i32
    %dma_start3A_2130 = tpu.memref_slice %dma_start3A_2128[%add3A_2124, %dma_start3A_2129] : memref<10240x128xf32, #tpu.memory_space<hbm>> -> memref<128x128xf32, #tpu.memory_space<hbm>>
    %dma_start3A_2131 = arith.constant 0 : i32
    %dma_start3A_2132 = tpu.memref_slice %arg11[%add3A_2124, %dma_start3A_2131] : memref<10240x128xf32, #tpu.memory_space<vmem_shared>> -> memref<128x128xf32, #tpu.memory_space<vmem_shared>>
    tpu.enqueue_dma source(%dma_start3A_2132 : memref<128x128xf32, #tpu.memory_space<vmem_shared>>) target(%dma_start3A_2130 : memref<128x128xf32, #tpu.memory_space<hbm>>) target_semaphore(%arg13 : memref<!tpu.dma_semaphore, #tpu.memory_space<semaphore_mem>>)
    %mul3A_2133 = arith.constant 640 : i32
    %mul3A_2134 = arith.muli %arg1, %mul3A_2133 : i32
    %add3A_2135 = arith.constant 256 : i32
    %add3A_2136 = arith.addi %mul3A_2134, %add3A_2135 : i32
    %dma_start3A_2137 = arith.constant 0 : i32
    %dma_start3A_2138 = arith.constant 0 : i32
    %dma_start3A_2139 = tpu.memref_slice %arg4[%arg0, %dma_start3A_2137, %dma_start3A_2138] : memref<2x10240x128xf32, #tpu.memory_space<hbm>> -> memref<1x10240x128xf32, #tpu.memory_space<hbm>>
    %dma_start3A_2140 = tpu.memref_squeeze %dma_start3A_2139 : memref<1x10240x128xf32, #tpu.memory_space<hbm>> -> memref<10240x128xf32, #tpu.memory_space<hbm>>
    %dma_start3A_2141 = arith.constant 0 : i32
    %dma_start3A_2142 = tpu.memref_slice %dma_start3A_2140[%add3A_2136, %dma_start3A_2141] : memref<10240x128xf32, #tpu.memory_space<hbm>> -> memref<128x128xf32, #tpu.memory_space<hbm>>
    %dma_start3A_2143 = arith.constant 0 : i32
    %dma_start3A_2144 = tpu.memref_slice %arg11[%add3A_2136, %dma_start3A_2143] : memref<10240x128xf32, #tpu.memory_space<vmem_shared>> -> memref<128x128xf32, #tpu.memory_space<vmem_shared>>
    tpu.enqueue_dma source(%dma_start3A_2144 : memref<128x128xf32, #tpu.memory_space<vmem_shared>>) target(%dma_start3A_2142 : memref<128x128xf32, #tpu.memory_space<hbm>>) target_semaphore(%arg14 : memref<!tpu.dma_semaphore, #tpu.memory_space<semaphore_mem>>)
    %mul3A_2145 = arith.constant 640 : i32
    %mul3A_2146 = arith.muli %arg1, %mul3A_2145 : i32
    %add3A_2147 = arith.constant 384 : i32
    %add3A_2148 = arith.addi %mul3A_2146, %add3A_2147 : i32
    %dma_start3A_2149 = arith.constant 0 : i32
    %dma_start3A_2150 = arith.constant 0 : i32
    %dma_start3A_2151 = tpu.memref_slice %arg4[%arg0, %dma_start3A_2149, %dma_start3A_2150] : memref<2x10240x128xf32, #tpu.memory_space<hbm>> -> memref<1x10240x128xf32, #tpu.memory_space<hbm>>
    %dma_start3A_2152 = tpu.memref_squeeze %dma_start3A_2151 : memref<1x10240x128xf32, #tpu.memory_space<hbm>> -> memref<10240x128xf32, #tpu.memory_space<hbm>>
    %dma_start3A_2153 = arith.constant 0 : i32
    %dma_start3A_2154 = tpu.memref_slice %dma_start3A_2152[%add3A_2148, %dma_start3A_2153] : memref<10240x128xf32, #tpu.memory_space<hbm>> -> memref<128x128xf32, #tpu.memory_space<hbm>>
    %dma_start3A_2155 = arith.constant 0 : i32
    %dma_start3A_2156 = tpu.memref_slice %arg11[%add3A_2148, %dma_start3A_2155] : memref<10240x128xf32, #tpu.memory_space<vmem_shared>> -> memref<128x128xf32, #tpu.memory_space<vmem_shared>>
    tpu.enqueue_dma source(%dma_start3A_2156 : memref<128x128xf32, #tpu.memory_space<vmem_shared>>) target(%dma_start3A_2154 : memref<128x128xf32, #tpu.memory_space<hbm>>) target_semaphore(%arg15 : memref<!tpu.dma_semaphore, #tpu.memory_space<semaphore_mem>>)
    %mul3A_2157 = arith.constant 640 : i32
    %mul3A_2158 = arith.muli %arg1, %mul3A_2157 : i32
    %add3A_2159 = arith.constant 512 : i32
    %add3A_2160 = arith.addi %mul3A_2158, %add3A_2159 : i32
    %dma_start3A_2161 = arith.constant 0 : i32
    %dma_start3A_2162 = arith.constant 0 : i32
    %dma_start3A_2163 = tpu.memref_slice %arg4[%arg0, %dma_start3A_2161, %dma_start3A_2162] : memref<2x10240x128xf32, #tpu.memory_space<hbm>> -> memref<1x10240x128xf32, #tpu.memory_space<hbm>>
    %dma_start3A_2164 = tpu.memref_squeeze %dma_start3A_2163 : memref<1x10240x128xf32, #tpu.memory_space<hbm>> -> memref<10240x128xf32, #tpu.memory_space<hbm>>
    %dma_start3A_2165 = arith.constant 0 : i32
    %dma_start3A_2166 = tpu.memref_slice %dma_start3A_2164[%add3A_2160, %dma_start3A_2165] : memref<10240x128xf32, #tpu.memory_space<hbm>> -> memref<128x128xf32, #tpu.memory_space<hbm>>
    %dma_start3A_2167 = arith.constant 0 : i32
    %dma_start3A_2168 = tpu.memref_slice %arg11[%add3A_2160, %dma_start3A_2167] : memref<10240x128xf32, #tpu.memory_space<vmem_shared>> -> memref<128x128xf32, #tpu.memory_space<vmem_shared>>
    tpu.enqueue_dma source(%dma_start3A_2168 : memref<128x128xf32, #tpu.memory_space<vmem_shared>>) target(%dma_start3A_2166 : memref<128x128xf32, #tpu.memory_space<hbm>>) target_semaphore(%arg12 : memref<!tpu.dma_semaphore, #tpu.memory_space<semaphore_mem>>)
    %mul3A_2169 = arith.constant 640 : i32
    %mul3A_2170 = arith.muli %arg1, %mul3A_2169 : i32
    %add3A_2171 = arith.constant 0 : i32
    %add3A_2172 = arith.addi %mul3A_2170, %add3A_2171 : i32
    %dma_wait3A_2173 = arith.constant 0 : i32
    %dma_wait3A_2174 = arith.constant 0 : i32
    %dma_wait3A_2175 = tpu.memref_slice %arg4[%arg0, %dma_wait3A_2173, %dma_wait3A_2174] : memref<2x10240x128xf32, #tpu.memory_space<hbm>> -> memref<1x10240x128xf32, #tpu.memory_space<hbm>>
    %dma_wait3A_2176 = tpu.memref_squeeze %dma_wait3A_2175 : memref<1x10240x128xf32, #tpu.memory_space<hbm>> -> memref<10240x128xf32, #tpu.memory_space<hbm>>
    %dma_wait3A_2177 = arith.constant 0 : i32
    %dma_wait3A_2178 = tpu.memref_slice %dma_wait3A_2176[%add3A_2172, %dma_wait3A_2177] : memref<10240x128xf32, #tpu.memory_space<hbm>> -> memref<128x128xf32, #tpu.memory_space<hbm>>
    %dma_wait3A_2179 = arith.constant 0 : i32
    %dma_wait3A_2180 = tpu.memref_slice %arg11[%add3A_2172, %dma_wait3A_2179] : memref<10240x128xf32, #tpu.memory_space<vmem_shared>> -> memref<128x128xf32, #tpu.memory_space<vmem_shared>>
    tpu.wait_dma2 semaphore(%arg12 : memref<!tpu.dma_semaphore, #tpu.memory_space<semaphore_mem>>) src(%dma_wait3A_2180 : memref<128x128xf32, #tpu.memory_space<vmem_shared>>) dst(%dma_wait3A_2178 : memref<128x128xf32, #tpu.memory_space<hbm>>)
    %mul3A_2181 = arith.constant 640 : i32
    %mul3A_2182 = arith.muli %arg1, %mul3A_2181 : i32
    %add3A_2183 = arith.constant 128 : i32
    %add3A_2184 = arith.addi %mul3A_2182, %add3A_2183 : i32
    %dma_wait3A_2185 = arith.constant 0 : i32
    %dma_wait3A_2186 = arith.constant 0 : i32
    %dma_wait3A_2187 = tpu.memref_slice %arg4[%arg0, %dma_wait3A_2185, %dma_wait3A_2186] : memref<2x10240x128xf32, #tpu.memory_space<hbm>> -> memref<1x10240x128xf32, #tpu.memory_space<hbm>>
    %dma_wait3A_2188 = tpu.memref_squeeze %dma_wait3A_2187 : memref<1x10240x128xf32, #tpu.memory_space<hbm>> -> memref<10240x128xf32, #tpu.memory_space<hbm>>
    %dma_wait3A_2189 = arith.constant 0 : i32
    %dma_wait3A_2190 = tpu.memref_slice %dma_wait3A_2188[%add3A_2184, %dma_wait3A_2189] : memref<10240x128xf32, #tpu.memory_space<hbm>> -> memref<128x128xf32, #tpu.memory_space<hbm>>
    %dma_wait3A_2191 = arith.constant 0 : i32
    %dma_wait3A_2192 = tpu.memref_slice %arg11[%add3A_2184, %dma_wait3A_2191] : memref<10240x128xf32, #tpu.memory_space<vmem_shared>> -> memref<128x128xf32, #tpu.memory_space<vmem_shared>>
    tpu.wait_dma2 semaphore(%arg13 : memref<!tpu.dma_semaphore, #tpu.memory_space<semaphore_mem>>) src(%dma_wait3A_2192 : memref<128x128xf32, #tpu.memory_space<vmem_shared>>) dst(%dma_wait3A_2190 : memref<128x128xf32, #tpu.memory_space<hbm>>)
    %mul3A_2193 = arith.constant 640 : i32
    %mul3A_2194 = arith.muli %arg1, %mul3A_2193 : i32
    %add3A_2195 = arith.constant 256 : i32
    %add3A_2196 = arith.addi %mul3A_2194, %add3A_2195 : i32
    %dma_wait3A_2197 = arith.constant 0 : i32
    %dma_wait3A_2198 = arith.constant 0 : i32
    %dma_wait3A_2199 = tpu.memref_slice %arg4[%arg0, %dma_wait3A_2197, %dma_wait3A_2198] : memref<2x10240x128xf32, #tpu.memory_space<hbm>> -> memref<1x10240x128xf32, #tpu.memory_space<hbm>>
    %dma_wait3A_2200 = tpu.memref_squeeze %dma_wait3A_2199 : memref<1x10240x128xf32, #tpu.memory_space<hbm>> -> memref<10240x128xf32, #tpu.memory_space<hbm>>
    %dma_wait3A_2201 = arith.constant 0 : i32
    %dma_wait3A_2202 = tpu.memref_slice %dma_wait3A_2200[%add3A_2196, %dma_wait3A_2201] : memref<10240x128xf32, #tpu.memory_space<hbm>> -> memref<128x128xf32, #tpu.memory_space<hbm>>
    %dma_wait3A_2203 = arith.constant 0 : i32
    %dma_wait3A_2204 = tpu.memref_slice %arg11[%add3A_2196, %dma_wait3A_2203] : memref<10240x128xf32, #tpu.memory_space<vmem_shared>> -> memref<128x128xf32, #tpu.memory_space<vmem_shared>>
    tpu.wait_dma2 semaphore(%arg14 : memref<!tpu.dma_semaphore, #tpu.memory_space<semaphore_mem>>) src(%dma_wait3A_2204 : memref<128x128xf32, #tpu.memory_space<vmem_shared>>) dst(%dma_wait3A_2202 : memref<128x128xf32, #tpu.memory_space<hbm>>)
    %mul3A_2205 = arith.constant 640 : i32
    %mul3A_2206 = arith.muli %arg1, %mul3A_2205 : i32
    %add3A_2207 = arith.constant 384 : i32
    %add3A_2208 = arith.addi %mul3A_2206, %add3A_2207 : i32
    %dma_wait3A_2209 = arith.constant 0 : i32
    %dma_wait3A_2210 = arith.constant 0 : i32
    %dma_wait3A_2211 = tpu.memref_slice %arg4[%arg0, %dma_wait3A_2209, %dma_wait3A_2210] : memref<2x10240x128xf32, #tpu.memory_space<hbm>> -> memref<1x10240x128xf32, #tpu.memory_space<hbm>>
    %dma_wait3A_2212 = tpu.memref_squeeze %dma_wait3A_2211 : memref<1x10240x128xf32, #tpu.memory_space<hbm>> -> memref<10240x128xf32, #tpu.memory_space<hbm>>
    %dma_wait3A_2213 = arith.constant 0 : i32
    %dma_wait3A_2214 = tpu.memref_slice %dma_wait3A_2212[%add3A_2208, %dma_wait3A_2213] : memref<10240x128xf32, #tpu.memory_space<hbm>> -> memref<128x128xf32, #tpu.memory_space<hbm>>
    %dma_wait3A_2215 = arith.constant 0 : i32
    %dma_wait3A_2216 = tpu.memref_slice %arg11[%add3A_2208, %dma_wait3A_2215] : memref<10240x128xf32, #tpu.memory_space<vmem_shared>> -> memref<128x128xf32, #tpu.memory_space<vmem_shared>>
    tpu.wait_dma2 semaphore(%arg15 : memref<!tpu.dma_semaphore, #tpu.memory_space<semaphore_mem>>) src(%dma_wait3A_2216 : memref<128x128xf32, #tpu.memory_space<vmem_shared>>) dst(%dma_wait3A_2214 : memref<128x128xf32, #tpu.memory_space<hbm>>)
    %mul3A_2217 = arith.constant 640 : i32
    %mul3A_2218 = arith.muli %arg1, %mul3A_2217 : i32
    %add3A_2219 = arith.constant 512 : i32
    %add3A_2220 = arith.addi %mul3A_2218, %add3A_2219 : i32
    %dma_wait3A_2221 = arith.constant 0 : i32
    %dma_wait3A_2222 = arith.constant 0 : i32
    %dma_wait3A_2223 = tpu.memref_slice %arg4[%arg0, %dma_wait3A_2221, %dma_wait3A_2222] : memref<2x10240x128xf32, #tpu.memory_space<hbm>> -> memref<1x10240x128xf32, #tpu.memory_space<hbm>>
    %dma_wait3A_2224 = tpu.memref_squeeze %dma_wait3A_2223 : memref<1x10240x128xf32, #tpu.memory_space<hbm>> -> memref<10240x128xf32, #tpu.memory_space<hbm>>
    %dma_wait3A_2225 = arith.constant 0 : i32
    %dma_wait3A_2226 = tpu.memref_slice %dma_wait3A_2224[%add3A_2220, %dma_wait3A_2225] : memref<10240x128xf32, #tpu.memory_space<hbm>> -> memref<128x128xf32, #tpu.memory_space<hbm>>
    %dma_wait3A_2227 = arith.constant 0 : i32
    %dma_wait3A_2228 = tpu.memref_slice %arg11[%add3A_2220, %dma_wait3A_2227] : memref<10240x128xf32, #tpu.memory_space<vmem_shared>> -> memref<128x128xf32, #tpu.memory_space<vmem_shared>>
    tpu.wait_dma2 semaphore(%arg12 : memref<!tpu.dma_semaphore, #tpu.memory_space<semaphore_mem>>) src(%dma_wait3A_2228 : memref<128x128xf32, #tpu.memory_space<vmem_shared>>) dst(%dma_wait3A_2226 : memref<128x128xf32, #tpu.memory_space<hbm>>)
    return
  }
}

module attributes {stable_mosaic.version = 14 : i64} {
  func.func @_combine_body(%arg0: i32, %arg1: memref<2x5000x128xf32, #tpu.memory_space<vmem>>, %arg2: memref<5000x128xf32, #tpu.memory_space<vmem>>) attributes {dimension_semantics = [#tpu.dimension_semantics<arbitrary>], iteration_bounds = array<i64: 2>, scalar_prefetch = 0 : i64, scratch_operands = 0 : i64, tpu.core_type = #tpu.core_type<tc>, window_params = [{transform_indices = @transform_0, window_bounds = array<i64: 2, 5000, 128>}, {transform_indices = @transform_1, window_bounds = array<i64: 5000, 128>}]} {
    %get3A = arith.constant 0 : index
    %get3A_0 = arith.constant 0 : index
    %get3A_1 = arith.constant 0 : index
    %get3A_2 = vector.load %arg1[%get3A, %get3A_0, %get3A_1] : memref<2x5000x128xf32, #tpu.memory_space<vmem>>, vector<1x5000x128xf32>
    %get3A_3 = vector.shape_cast %get3A_2 : vector<1x5000x128xf32> to vector<5000x128xf32>
    %get3A_4 = arith.constant 1 : index
    %get3A_5 = arith.constant 0 : index
    %get3A_6 = arith.constant 0 : index
    %get3A_7 = vector.load %arg1[%get3A_4, %get3A_5, %get3A_6] : memref<2x5000x128xf32, #tpu.memory_space<vmem>>, vector<1x5000x128xf32>
    %get3A_8 = vector.shape_cast %get3A_7 : vector<1x5000x128xf32> to vector<5000x128xf32>
    %add3A = arith.addf %get3A_3, %get3A_8 : vector<5000x128xf32>
    %swap3A = arith.constant 0 : index
    %swap3A_9 = arith.constant 0 : index
    %swap3A_10 = vector.load %arg2[%swap3A, %swap3A_9] : memref<5000x128xf32, #tpu.memory_space<vmem>>, vector<5000x128xf32>
    tpu.vector_store %arg2[%swap3A, %swap3A_9], %add3A {strides = array<i32>} : memref<5000x128xf32, #tpu.memory_space<vmem>>, vector<5000x128xf32>,
    return
  }
  func.func @transform_0(%arg0: i32) -> (i32, i32, i32) {
    %c0_i32 = arith.constant 0 : i32
    %c0_i32_0 = arith.constant 0 : i32
    %c0_i32_1 = arith.constant 0 : i32
    return %c0_i32, %arg0, %c0_i32_0 : i32, i32, i32
  }
  func.func @transform_1(%arg0: i32) -> (i32, i32) {
    %c0_i32 = arith.constant 0 : i32
    %c0_i32_0 = arith.constant 0 : i32
    return %arg0, %c0_i32 : i32, i32
  }
}

</mosaic_0001>

<sc_bundles>
// kernel: kernel.4.cloned.1.call-start
scs
__scs_entry_jumppad:
0x0: {  	(pc) =	sbr.rel $0x88, $3  }
0x1: {  	(tag) =	ssettag $0x0;
	lr =	simm.s32 $0x1  }
0x2: {  	[smem:$0x3F9F] =	sst lr;
	_ =	strace $0xD0000000  }
0x3: {  	_ = 	snop  }
0x4: {  	_ = 	snop  }
0x5: {  	_ = 	snop  }
0x6: {  	_ = 	snop  }
0x7: {  	_ = 	snop  }
__scs_overlays_trampoline_lowered:
0x8: {  	[smem:$0x3FAE] =	sst s0  }
0x9: {  	[smem:$0x3FAF] =	sst s1  }
0xa: {  	[smem:$0x3FB0] =	sst s2  }
0xb: {  	[smem:$0x3FB1] =	sst s3  }
0xc: {  	[smem:$0x3FB2] =	sst s4  }
0xd: {  	[smem:$0x3FB3] =	sst s5  }
0xe: {  	[smem:$0x3FB4] =	sst s6  }
0xf: {  	[smem:$0x3FB5] =	sst s7  }
0x10: {  	[smem:$0x3FB6] =	sst s8  }
0x11: {  	[smem:$0x3FB7] =	sst s9;
	s0 =	simm.s32 @!p0 $0x0  }
0x12: {  	s1 =	sld [smem:$0x3F9D];
	s0 =	simm.s32 @p0 $0x1  }
0x13: {  	[smem:$0x3FB8] =	sst s0;
	s0 =	simm.s32 @!p1 $0x0  }
0x14: {  	s2 =	sld [smem:$0x3F9C];
	s0 =	simm.s32 @p1 $0x1  }
0x15: {  	[smem:$0x3FB9] =	sst s0;
	s0 =	simm.s32 @!p2 $0x0  }
0x16: {  	s3 =	sld [smem:$0x3FDB];
	s0 =	simm.s32 @p2 $0x1  }
0x17: {  	s4 =	simm.s32 $0x1BF5;
	[smem:$0x3FBB] =	sst s0  }
0x18: {  	s0 =	sld [smem:$0x3F9E];
	_ =	swait.ge [sflag:s4], $0x0  }
0x19: {  	s7 =	sld [smem:$0x3F9F]  }
0x1a: {  	s8 =	sadd.s32 $0xFFFFE003, lr  }
0x1b: {  	s9 =	sadd.s32 $0xFFFFFEF7, lr;
	s5 =	simm.s32 $0xFFFFFFFF;
	p2 =	slt.u32 s8, $0xFFFFF086  }
0x1c: {  	p1 =	slt.u32 s9, $0xF7A;
	s5 =	simm.s32 @!p2 $0x0  }
0x1d: {  	s5 =	simm.s32 @p1 $0x1;
	p0 =	seq.s32 s7, s2  }
0x1e: {  	s7 =	smul.u32 @!p0 $0xF7A, s2;
	p2 =	seq.s32 @!p0 s5, $0x0  }
0x1f: {  	s9 =	smul.u32 $0xF7A, s1;
	s8 =	simm.s32 @!p0 $0x1BF5;
	p2 =	por !p2, p0  }
0x20: {  	[sflag:s8] =	ssyncset.s32 @!p0 $0xFFFFF086;
	s6 =	sadd.s32 @!p0 s3, s7;
	s7 =	simm.s32 @!p0 $0x108  }
0x21: {  	s3 =	sadd.s32 s3, s9;
	s6 =	sadd.s32 @!p0 $0x88, s6;
	s7 =	simm.s32 @p2 $0x1082  }
0x22: {  	[simem:s7], [sflag:s8] =	dma.local @!p0 [hbm:s6], $0xF7A  }
0x23: {  	s9 =	sor.u32 $0xD0000000, s2;
	s6 =	simm.s32 $0x108;
	_ =	swait.ge @!p0 [sflag:s8], $0x0  }
0x24: {  	s3 =	sadd.s32 $0x88, s3;
	s6 =	simm.s32 @!p1 $0x1082;
	[sflag:s4] =	ssyncset.s32 $0xFFFFF086  }
0x25: {  	[simem:s6], [sflag:s4] =	dma.local [hbm:s3], $0xF7A  }
0x26: {  	[smem:$0x3F9F] =	sst s1;
	(tag) =	ssettag s2;
	_ =	strace s9  }
0x27: {  	s1 =	sld [smem:$0x3FAF]  }
0x28: {  	s2 =	sld [smem:$0x3FB0]  }
0x29: {  	s4 =	sld [smem:$0x3FB2]  }
0x2a: {  	p0 =	seq.s32 s5, $0x0;
	s5 =	sld [smem:$0x3FB3]  }
0x2b: {  	s6 =	sld [smem:$0x3FB4]  }
0x2c: {  	s7 =	sld [smem:$0x3FB5]  }
0x2d: {  	s3 =	simm.s32 $0x108;
	s8 =	sld [smem:$0x3FB6]  }
0x2e: {  	s3 =	simm.s32 @!p0 $0x1082;
	s9 =	sld [smem:$0x3FB7]  }
0x2f: {  	lr =	sadd.s32 s0, s3;
	s0 =	sld [smem:$0x3FAE]  }
0x30: {  	s3 =	sld [smem:$0x3FB1]  }
0x31: {  	[smem:$0x3FBA] =	sst s10  }
0x32: {  	s10 =	sld [smem:$0x3FB8];
	_ =	sdelay $0x3  }
0x33: {  	p0 =	seq.s32 s10, $0x1;
	s10 =	sld [smem:$0x3FBA];
	_ =	sdelay $0x3  }
0x34: {  	[smem:$0x3FBA] =	sst s10  }
0x35: {  	s10 =	sld [smem:$0x3FB9];
	_ =	sdelay $0x3  }
0x36: {  	p1 =	seq.s32 s10, $0x1;
	s10 =	sld [smem:$0x3FBA];
	_ =	sdelay $0x3  }
0x37: {  	[smem:$0x3FBA] =	sst s10  }
0x38: {  	s10 =	sld [smem:$0x3FBB]  }
0x39: {  	_ = 	snop;
	(pc) =	sbr.ind lr, $3  }
0x3a: {  	_ = 	snop  }
0x3b: {  	_ = 	snop  }
0x3c: {  	p2 =	seq.s32 s10, $0x1;
	s10 =	sld [smem:$0x3FBA]  }
0x3d: {  	_ =	shalt  }
0x3e: {  	_ =	shalt  }
0x3f: {  	_ =	shalt  }
0x40: {  	_ =	shalt  }
0x41: {  	_ =	shalt  }
0x42: {  	_ =	shalt  }
0x43: {  	_ =	shalt  }
0x44: {  	_ =	shalt  }
0x45: {  	_ =	shalt  }
0x46: {  	_ =	shalt  }
0x47: {  	_ =	shalt  }
0x48: {  	_ =	shalt  }
0x49: {  	_ =	shalt  }
0x4a: {  	_ =	shalt  }
0x4b: {  	_ =	shalt  }
0x4c: {  	_ =	shalt  }
0x4d: {  	_ =	shalt  }
0x4e: {  	_ =	shalt  }
0x4f: {  	_ =	shalt  }
0x50: {  	_ =	shalt  }
0x51: {  	_ =	shalt  }
0x52: {  	_ =	shalt  }
0x53: {  	_ =	shalt  }
0x54: {  	_ =	shalt  }
0x55: {  	_ =	shalt  }
0x56: {  	_ =	shalt  }
0x57: {  	_ =	shalt  }
0x58: {  	_ =	shalt  }
0x59: {  	_ =	shalt  }
0x5a: {  	_ =	shalt  }
0x5b: {  	_ =	shalt  }
0x5c: {  	_ =	shalt  }
0x5d: {  	_ =	shalt  }
0x5e: {  	_ =	shalt  }
0x5f: {  	_ =	shalt  }
0x60: {  	_ =	shalt  }
0x61: {  	_ =	shalt  }
0x62: {  	_ =	shalt  }
0x63: {  	_ =	shalt  }
0x64: {  	_ =	shalt  }
0x65: {  	_ =	shalt  }
0x66: {  	_ =	shalt  }
0x67: {  	_ =	shalt  }
0x68: {  	_ =	shalt  }
0x69: {  	_ =	shalt  }
0x6a: {  	_ =	shalt  }
0x6b: {  	_ =	shalt  }
0x6c: {  	_ =	shalt  }
0x6d: {  	_ =	shalt  }
0x6e: {  	_ =	shalt  }
0x6f: {  	_ =	shalt  }
0x70: {  	_ =	shalt  }
0x71: {  	_ =	shalt  }
0x72: {  	_ =	shalt  }
0x73: {  	_ =	shalt  }
0x74: {  	_ =	shalt  }
0x75: {  	_ =	shalt  }
0x76: {  	_ =	shalt  }
0x77: {  	_ =	shalt  }
0x78: {  	_ =	shalt  }
0x79: {  	_ =	shalt  }
0x7a: {  	_ =	shalt  }
0x7b: {  	_ =	shalt  }
0x7c: {  	_ =	shalt  }
0x7d: {  	_ =	shalt  }
0x7e: {  	_ =	shalt  }
0x7f: {  	_ =	shalt  }
0x80: {  	_ =	shalt  }
0x81: {  	_ =	shalt  }
0x82: {  	_ =	shalt  }
0x83: {  	_ =	shalt  }
0x84: {  	_ =	shalt  }
0x85: {  	_ =	shalt  }
0x86: {  	_ =	shalt  }
0x87: {  	_ =	shalt  }
.Lfunc_end0:
.L_simem_size_0:
called_computation_lowered:
.L_overlay_start_0:
0x88: {  	s2 =	sld [smem:$0x3FD9]  }
0x89: {  	s3 =	sld [smem:$0x3FFE];
	_ =	sdelay $0x1  }
0x8a: {  	s1 =	srdreg.scid  }
0x8b: {  	s0 =	sand.u32 $0x1, s1  }
0x8c: {  	s17 =	sshll.u32 s0, $0xA;
	s2 =	sadd.s32 s3, s2  }
0x8d: {  	s2 =	sadd.s32 s2, s17  }
0x8e: {  	[smem:$0x3FC6] =	sst s2  }
0x8f: {  	_ = 	snop  }
0x90: {  	s2 =	sld [smem:$0x3FC9];
	(tm) =	ssettm $0x1  }
0x91: {  	s18 =	sld [smem:$0x3FFB];
	_ =	sdelay $0x3  }
0x92: {  	_ =	strace s18  }
0x93: {  	s3 =	sld [smem:$0x3FFC];
	_ =	sdelay $0x3  }
0x94: {  	_ =	strace s3  }
0x95: {  	s3 =	sld [smem:$0x3FFD];
	_ =	sdelay $0x3  }
0x96: {  	_ =	strace s3  }
0x97: {  	_ =	strace $0x8FFFFFFF  }
0x98: {  	s19 =	sld [smem:$0x3FDB];
	_ =	sdelay $0x1  }
0x99: {  	s4 =	simm.s32 $_scs_section_size  }
0x9a: {  	s5 =	simm.s32 $_size__tile_overlayer_lowered;
	s6 =	simm.s32 $_tile_overlayer_lowered  }
0x9b: {  	s22 =	simm.s32 $0x1BFF;
	s21 =	sshll.u32 s6, $0x1;
	s3 =	sadd.s32 s4, s19  }
0x9c: {  	s7 =	simm.s32 $0x0;
	s20 =	sshll.u32 s5, $0x1;
	s5 =	sadd.s32 s21, s3  }
0x9d: {  	[timem:s7], [sflag:s22] =	dma.local [hbm:s5], s20  }
0x9e: {  	_ =	swait.ge [sflag:s22], s20  }
0x9f: {  	s4 =	ssub.s32 $0x0, s20;
	[sflag:s22] =	ssyncset.done $0x0  }
0xa0: {  	[sflag:s22] =	ssyncadd.s32 s4;
	_ =	sdelay $0x1  }
0xa1: {  	s23 =	simm.s32 $0x1B8B  }
0xa2: {  	_ =	swait.ge [sflag:s23], $0x1  }
0xa3: {  	[sflag:s23] =	ssyncset.done $0x0  }
0xa4: {  	s25 =	simm.s32 $0x1B8E;
	s24 =	sld [smem:$0x3FFE];
	[sflag:s23] =	ssyncadd.s32 $0xFFFFFFFF  }
0xa5: {  	s26 =	simm.s32 $execute0_lowered;
	[smem:$0x3FD2] =	sst s25  }
0xa6: {  	s5 =	sshll.u32 s26, $0x1;
	_ =	strace $0x80000046;
	[dreg:$0x1] =	wrdreg $0xFFFFFFFF  }
0xa7: {  	s28 =	simm.s32 $_size_execute0_lowered;
	s3 =	sadd.s32 s3, s5;
	[dreg:$0x0] =	wrdreg $0x0  }
0xa8: {  	s5 =	sshll.u32 s28, $0x1;
	[dreg:$0x2] =	wrdreg s3  }
0xa9: {  	[dreg:$0x3] =	wrdreg s5  }
0xaa: {  	[dreg:$0x4] =	wrdreg $0xC0  }
0xab: {  	_ =	task [dreg:s7], $0x5FFFF  }
0xac: {  	[dreg:$0x1] =	wrdreg $0xFFFFFFFF  }
0xad: {  	[dreg:$0x0] =	wrdreg $0x60  }
0xae: {  	[dreg:$0x2] =	wrdreg s24  }
0xaf: {  	[dreg:$0x3] =	wrdreg s2  }
0xb0: {  	[dreg:$0x4] =	wrdreg $0xC0000  }
0xb1: {  	[dreg:$0x5] =	wrdreg $0x9  }
0xb2: {  	_ =	task.clear_ibuf [dreg:s7], $0x6FFFF;
	_ =	strace $0x90000046  }
0xb3: {  	s29 =	simm.s32 $0x9;
	_ =	strace $0x80000048  }
0xb4: {  	_ =	swait.ge [sflag:s29], $0x1  }
0xb5: {  	[sflag:s29] =	ssyncadd.s32 $0xFFFFFFFF  }
0xb6: {  	_ =	strace $0x90000048  }
0xb7: {  	_ =	sfence  }
0xb8: {  	s30 =	sld [smem:$0x0];
	_ =	sdelay $0x2  }
0xb9: {  	s31 =	sshll.u32 s1, $0xD;
	s1 =	sshrl.u32 s1, $0x2  }
0xba: {  	s3 =	sand.u32 $0x4000, s31;
	s1 =	sadd.s32 s1, s30  }
0xbb: {  	s0 =	sor.u32 s3, s0;
	s1 =	sshll.u32 s1, $0x11  }
0xbc: {  	s0 =	sor.u32 s1, s0  }
0xbd: {  	s0 =	sadd.s32 $0x8F2B, s0  }
0xbe: {  	[sflag:s0] =	ssyncadd.remote.s32 $0x1  }
0xbf: {  	_ =	sfence.sel $0xFFFF  }
0xc0: {  	[dreg:$0x0] =	wrdreg $0xFFFFFFFF;
	(pc) =	sbr.abs _section_cstart, $3  }
0xc1: {  	[dreg:$0x1] =	wrdreg $0xFFFFFFFF  }
0xc2: {  	_ =	task.clear_ibuf [dreg:s7], $0x2FFFF;
	_ =	strace $0x9FFFFFFF  }
0xc3: {  	(tm) =	ssettm $0x7FFFFFFF  }
tec
execute0_lowered:
.L_overlay_start_1:
0x0: {  	(tag) =	ssettag $0x1  }
0x1: {  	s0 =	rddreg [dreg:$0x0]  }
0x2: {  	s1 =	rddreg [dreg:$0x1]  }
0x3: {  	s2 =	rddreg [dreg:$0x2];
	s11 =	stileid.u32  }
0x4: {  	s3 =	srdreg.scid;
	s9 =	smul.u32 $0x50000, s11  }
0x5: {  	s4 =	simm.s32 $0x0;
	s3 =	sand.u32 $0x1, s3;
	s17 =	smul.u32 $0x280, s11  }
0x6: {  	[smem:$0x7FF] =	sst s4;
	s5 =	sshll.u32 s3, $0x4;
	s6 =	smul.u32 $0x28000, s3  }
0x7: {  	_ =	strace $0x80000047;
	s3 =	ssub.s32 $0x2, s3;
	s5 =	sor.u32 s11, s5  }
0x8: {  	s7 =	sshrl.u32 s3, $0x1;
	s9 =	sshrl.u32 s9, $0x2;
	s19 =	sadd.s32 $0x80, s17  }
0x9: {  	s11 =	smul.u32 $0x2800, s11;
	s13 =	sadd.s32 $0x100, s17;
	s6 =	sadd.s32 s6, s0  }
0xa: {  	s3 =	ssub.s32 s3, s7;
	s9 =	sadd.s32 s9, s2;
	s12 =	sshll.u32 s19, $0x4  }
0xb: {  	s15 =	sshll.u32 s13, $0x4;
	s25 =	sshll.u32 s19, $0x7;
	s3 =	smax.u32 s3, $0x1  }
0xc: {  	s26 =	sshll.u32 s13, $0x7;
	s13 =	sadd.s32 $0x2800, s9;
	[dreg:$0x12] =	wrdreg s3  }
0xd: {  	s6 =	sadd.s32 $0x32600, s6;
	s19 =	sadd.s32 $0xA000, s9;
	[dreg:$0x19] =	wrdreg s13  }
0xe: {  	s11 =	sadd.s32 s11, s6;
	[dreg:$0x1f] =	wrdreg s19  }
0xf: {  	s5 =	smul.u32 $0x6400, s5;
	s20 =	sadd.s32 s12, s6;
	[dreg:$0xa] =	wrdreg s11  }
0x10: {  	s21 =	sadd.s32 s15, s6;
	[dreg:$0xb] =	wrdreg s20  }
0x11: {  	s8 =	sadd.s32 $0x600, s0;
	s5 =	sshrl.u32 s5, $0x3;
	[dreg:$0xc] =	wrdreg s21  }
0x12: {  	s14 =	sadd.s32 $0x180, s17;
	s12 =	sadd.s32 $0x1400, s9;
	[dreg:$0x14] =	wrdreg s5  }
0x13: {  	s7 =	sadd.s32 $0x19600, s0;
	s15 =	sadd.s32 $0x5000, s9;
	[dreg:$0x18] =	wrdreg s12  }
0x14: {  	s0 =	sadd.s32 $0x200, s17;
	s16 =	sadd.s32 s8, s5;
	[dreg:$0x1b] =	wrdreg s15  }
0x15: {  	s17 =	sshll.u32 s0, $0x4;
	s10 =	sadd.s32 $0x280, s5;
	[dreg:$0x4] =	wrdreg s16  }
0x16: {  	s0 =	sshll.u32 s0, $0x7;
	s18 =	sadd.s32 $0x500, s5;
	[dreg:$0x5] =	wrdreg s10  }
0x17: {  	s0 =	sadd.s32 s0, s2;
	s23 =	sadd.s32 $0xA00, s5;
	[dreg:$0x7] =	wrdreg s18  }
0x18: {  	s0 =	sshrl.u32 s0, $0x3;
	[dreg:$0xf] =	wrdreg s23  }
0x19: {  	s28 =	simm.s32 $0x5;
	s20 =	sadd.s32 $0xB400, s9;
	[dreg:$0x17] =	wrdreg s0  }
0x1a: {  	s29 =	simm.s32 $0x1400;
	s21 =	sadd.s32 $0xC800, s9;
	[smem:$0x7F7] =	sst s20  }
0x1b: {  	s31 =	simm.s32 $0x1;
	s10 =	sadd.s32 s8, s10;
	[smem:$0x7F8] =	sst s21  }
0x1c: {  	s16 =	sshll.u32 s14, $0x4;
	[dreg:$0x6] =	wrdreg s10;
	s10 =	sadd.s32 s8, s18  }
0x1d: {  	s30 =	simm.s32 $0x3B00;
	s22 =	sadd.s32 s16, s6;
	[dreg:$0x8] =	wrdreg s10  }
0x1e: {  	s13 =	simm.s32 $0xA400;
	s6 =	sadd.s32 s17, s6;
	[dreg:$0xd] =	wrdreg s22  }
0x1f: {  	s3 =	simm.s32 $0x3;
	s18 =	sadd.s32 $0x780, s5;
	[dreg:$0xe] =	wrdreg s6  }
0x20: {  	s5 =	sshll.u32 s14, $0x7;
	s14 =	sadd.s32 $0x3C00, s9;
	[dreg:$0x9] =	wrdreg s18  }
0x21: {  	s12 =	simm.s32 $0x3A00;
	s16 =	sadd.s32 $0x6400, s9;
	[dreg:$0x1a] =	wrdreg s14  }
0x22: {  	s21 =	simm.s32 $0x6;
	s17 =	sadd.s32 $0x7800, s9;
	[dreg:$0x1c] =	wrdreg s16  }
0x23: {  	s0 =	simm.s32 $0x2;
	s24 =	sadd.s32 s8, s18;
	[dreg:$0x1d] =	wrdreg s17  }
0x24: {  	s6 =	sadd.s32 s8, s23;
	s8 =	sadd.s32 s26, s2;
	[dreg:$0x10] =	wrdreg s24  }
0x25: {  	s10 =	sadd.s32 s5, s2;
	s18 =	sadd.s32 $0x8C00, s9;
	[dreg:$0x11] =	wrdreg s6  }
0x26: {  	s22 =	sadd.s32 $0xDC00, s9;
	s23 =	sadd.s32 $0xF000, s9;
	[dreg:$0x1e] =	wrdreg s18  }
0x27: {  	s26 =	sadd.s32 $0x12C00, s9;
	s14 =	simm.s32 $0x3A80;
	[smem:$0x7F9] =	sst s22  }
0x28: {  	s17 =	simm.s32 $0x3B80;
	s6 =	sadd.s32 s25, s2;
	[smem:$0x7FA] =	sst s23  }
0x29: {  	s8 =	sshrl.u32 s8, $0x3;
	s11 =	sshrl.u32 s10, $0x3;
	[smem:$0x7FD] =	sst s26  }
0x2a: {  	s24 =	sadd.s32 $0x10400, s9;
	s25 =	sadd.s32 $0x11800, s9;
	[dreg:$0x15] =	wrdreg s8  }
0x2b: {  	s22 =	simm.s32 $0x2800;
	s23 =	simm.s32 $0x5000;
	[dreg:$0x16] =	wrdreg s11  }
0x2c: {  	s26 =	simm.s32 $0x8800;
	s10 =	simm.s32 $0x1380;
	[smem:$0x7FB] =	sst s24  }
0x2d: {  	s18 =	simm.s32 $0x0;
	s6 =	sshrl.u32 s6, $0x3;
	[smem:$0x7FC] =	sst s25  }
0x2e: {  	s8 =	simm.s32 $0x32;
	s24 =	simm.s32 $0x80;
	s11 =	simm.s32 $0x6C00  }
0x2f: {  	v0 =	vimm.f32 $0.0e+00;
	s25 =	simm.s32 $0x100;
	[dreg:$0x13] =	wrdreg s6;
	s6 =	simm.s32 $0x4  }
.LBB2_1:
0x30: {  	s15 =	rddreg [dreg:$0x4]  }
0x31: {  	[tilespmem:s4], [sflag:$0x6] =	stream.linear.gather [hbm4b:s15+s4], $0x1400, $0x38;
	v63 =	vld [tilespmem:$0x0]  }
0x32: {  	_ =	swait.ge [sflag:s21], $0x1400  }
0x33: {  	[sflag:s21] =	ssyncset.done $0x0;
	s5 =	rddreg [dreg:$0x14]  }
0x34: {  	[sflag:s21] =	ssyncadd.s32 $0xFFFFEC00;
	s19 =	sadd.s32 s5, s7  }
0x35: {  	[tilespmem:s22], [sflag:$0x6] =	stream.linear.gather [hbm4b:s19+s4], $0x1400, $0x38;
	v63 =	vld [tilespmem:$0x0]  }
0x36: {  	_ =	swait.ge [sflag:s21], $0x1400  }
0x37: {  	[sflag:s21] =	ssyncset.done $0x0  }
0x38: {  	[sflag:s21] =	ssyncadd.s32 $0xFFFFEC00  }
0x39: {  	[tilespmem:s23], [sflag:$0x1] =	stream.indirect.gather [hbm4b:s1+s8], $0x80, s4, s8, $0xb8;
	v63 =	vld [tilespmem:$0x0]  }
0x3a: {  	_ = 	snop  }
0x3b: {  	[tilespmem:s11], [sflag:$0x2] =	stream.indirect.gather [hbm4b:s1+s8], $0x80, s24, s8, $0xb8;
	v63 =	vld [tilespmem:$0x0]  }
0x3c: {  	s20 =	simm.s32 $0x3C0;
	s19 =	simm.s32 $0x70  }
0x3d: {  	[tilespmem:s26], [sflag:$0x3] =	stream.indirect.gather [hbm4b:s1+s8], $0x80, s25, s8, $0xb8;
	v63 =	vld [tilespmem:$0x0]  }
.LBB2_2:
0x3e: {  	p0 =	sne.s32 s20, $0x4FC0;
	[tilespmem:s19+$0xA400] =	vst v0  }
0x3f: {  	[tilespmem:s19+$0xA390] =	vst v0  }
0x40: {  	[tilespmem:s19+$0xA3A0] =	vst v0  }
.Ltmp0:
0x41: {  	[tilespmem:s19+$0xA3B0] =	vst v0;
	(pc) =	sbr.rel @p0 .LBB2_2-.Ltmp0, $4  }
0x42: {  	[tilespmem:s19+$0xA3C0] =	vst v0  }
0x43: {  	[tilespmem:s19+$0xA3D0] =	vst v0  }
0x44: {  	[tilespmem:s19+$0xA3E0] =	vst v0  }
0x45: {  	[tilespmem:s19+$0xA3F0] =	vst v0;
	s19 =	sshra.s32 s20, $0x2;
	s20 =	sadd.s32 $0x200, s20  }
0x46: {  	[tilespmem:s19+$0xA400] =	vst v0  }
0x47: {  	[tilespmem:s19+$0xA390] =	vst v0  }
0x48: {  	[tilespmem:s19+$0xA3A0] =	vst v0  }
0x49: {  	[tilespmem:s19+$0xA3B0] =	vst v0  }
0x4a: {  	[tilespmem:s19+$0xA3C0] =	vst v0  }
0x4b: {  	[tilespmem:s19+$0xA3D0] =	vst v0  }
0x4c: {  	[tilespmem:s19+$0xA3E0] =	vst v0  }
0x4d: {  	[tilespmem:s19+$0xA3F0] =	vst v0;
	s5 =	rddreg [dreg:$0x18]  }
0x4e: {  	[spmem:s9] =	stream.linear.scatter [tilespmem:s13], [sflag:$0x5], $0x1400, $0x38;
	v63 =	vld [tilespmem:$0x0]  }
0x4f: {  	s20 =	rddreg [dreg:$0x19]  }
0x50: {  	[spmem:s5] =	stream.linear.scatter [tilespmem:s13], [sflag:$0x5], $0x1400, $0x38;
	v63 =	vld [tilespmem:$0x0]  }
0x51: {  	s15 =	rddreg [dreg:$0x1a]  }
0x52: {  	[spmem:s20] =	stream.linear.scatter [tilespmem:s13], [sflag:$0x5], $0x1400, $0x38;
	v63 =	vld [tilespmem:$0x0]  }
0x53: {  	s16 =	rddreg [dreg:$0x1b]  }
0x54: {  	[spmem:s15] =	stream.linear.scatter [tilespmem:s13], [sflag:$0x5], $0x1400, $0x38;
	v63 =	vld [tilespmem:$0x0]  }
0x55: {  	s19 =	rddreg [dreg:$0x1c]  }
0x56: {  	[spmem:s16] =	stream.linear.scatter [tilespmem:s13], [sflag:$0x5], $0x1400, $0x38;
	v63 =	vld [tilespmem:$0x0]  }
0x57: {  	s20 =	rddreg [dreg:$0x1d]  }
0x58: {  	[spmem:s19] =	stream.linear.scatter [tilespmem:s13], [sflag:$0x5], $0x1400, $0x38;
	v63 =	vld [tilespmem:$0x0]  }
0x59: {  	s15 =	rddreg [dreg:$0x1e]  }
0x5a: {  	[spmem:s20] =	stream.linear.scatter [tilespmem:s13], [sflag:$0x5], $0x1400, $0x38;
	v63 =	vld [tilespmem:$0x0]  }
0x5b: {  	s16 =	rddreg [dreg:$0x1f]  }
0x5c: {  	[spmem:s15] =	stream.linear.scatter [tilespmem:s13], [sflag:$0x5], $0x1400, $0x38;
	v63 =	vld [tilespmem:$0x0]  }
0x5d: {  	s19 =	sld [smem:$0x7F7]  }
0x5e: {  	[spmem:s16] =	stream.linear.scatter [tilespmem:s13], [sflag:$0x5], $0x1400, $0x38;
	v63 =	vld [tilespmem:$0x0]  }
0x5f: {  	s20 =	sld [smem:$0x7F8]  }
0x60: {  	[spmem:s19] =	stream.linear.scatter [tilespmem:s13], [sflag:$0x5], $0x1400, $0x38;
	v63 =	vld [tilespmem:$0x0]  }
0x61: {  	s15 =	sld [smem:$0x7F9]  }
0x62: {  	[spmem:s20] =	stream.linear.scatter [tilespmem:s13], [sflag:$0x5], $0x1400, $0x38;
	v63 =	vld [tilespmem:$0x0]  }
0x63: {  	s16 =	sld [smem:$0x7FA]  }
0x64: {  	[spmem:s15] =	stream.linear.scatter [tilespmem:s13], [sflag:$0x5], $0x1400, $0x38;
	v63 =	vld [tilespmem:$0x0]  }
0x65: {  	s19 =	sld [smem:$0x7FB]  }
0x66: {  	[spmem:s16] =	stream.linear.scatter [tilespmem:s13], [sflag:$0x5], $0x1400, $0x38;
	v63 =	vld [tilespmem:$0x0]  }
0x67: {  	s20 =	sld [smem:$0x7FC]  }
0x68: {  	[spmem:s19] =	stream.linear.scatter [tilespmem:s13], [sflag:$0x5], $0x1400, $0x38;
	v63 =	vld [tilespmem:$0x0]  }
0x69: {  	s15 =	sld [smem:$0x7FD]  }
0x6a: {  	[spmem:s20] =	stream.linear.scatter [tilespmem:s13], [sflag:$0x5], $0x1400, $0x38;
	v63 =	vld [tilespmem:$0x0]  }
0x6b: {  	_ = 	snop  }
0x6c: {  	[spmem:s15] =	stream.linear.scatter [tilespmem:s13], [sflag:$0x5], $0x1400, $0x38;
	v63 =	vld [tilespmem:$0x0]  }
0x6d: {  	_ =	swait.ge [sflag:s28], $0x1400  }
0x6e: {  	[sflag:s28] =	ssyncset.done $0x0  }
0x6f: {  	[sflag:s28] =	ssyncadd.s32 $0xFFFFEC00  }
0x70: {  	_ =	swait.ge [sflag:s28], $0x1400  }
0x71: {  	[sflag:s28] =	ssyncset.done $0x0  }
0x72: {  	[sflag:s28] =	ssyncadd.s32 $0xFFFFEC00  }
0x73: {  	_ =	swait.ge [sflag:s28], $0x1400  }
0x74: {  	[sflag:s28] =	ssyncset.done $0x0  }
0x75: {  	[sflag:s28] =	ssyncadd.s32 $0xFFFFEC00  }
0x76: {  	_ =	swait.ge [sflag:s28], $0x1400  }
0x77: {  	[sflag:s28] =	ssyncset.done $0x0  }
0x78: {  	[sflag:s28] =	ssyncadd.s32 $0xFFFFEC00  }
0x79: {  	_ =	swait.ge [sflag:s28], $0x1400  }
0x7a: {  	[sflag:s28] =	ssyncset.done $0x0  }
0x7b: {  	[sflag:s28] =	ssyncadd.s32 $0xFFFFEC00  }
0x7c: {  	_ =	swait.ge [sflag:s28], $0x1400  }
0x7d: {  	[sflag:s28] =	ssyncset.done $0x0  }
0x7e: {  	[sflag:s28] =	ssyncadd.s32 $0xFFFFEC00  }
0x7f: {  	_ =	swait.ge [sflag:s28], $0x1400  }
0x80: {  	[sflag:s28] =	ssyncset.done $0x0  }
0x81: {  	[sflag:s28] =	ssyncadd.s32 $0xFFFFEC00  }
0x82: {  	_ =	swait.ge [sflag:s28], $0x1400  }
0x83: {  	[sflag:s28] =	ssyncset.done $0x0  }
0x84: {  	[sflag:s28] =	ssyncadd.s32 $0xFFFFEC00  }
0x85: {  	_ =	swait.ge [sflag:s28], $0x1400  }
0x86: {  	[sflag:s28] =	ssyncset.done $0x0  }
0x87: {  	[sflag:s28] =	ssyncadd.s32 $0xFFFFEC00  }
0x88: {  	_ =	swait.ge [sflag:s28], $0x1400  }
0x89: {  	[sflag:s28] =	ssyncset.done $0x0  }
0x8a: {  	[sflag:s28] =	ssyncadd.s32 $0xFFFFEC00  }
0x8b: {  	_ =	swait.ge [sflag:s28], $0x1400  }
0x8c: {  	[sflag:s28] =	ssyncset.done $0x0  }
0x8d: {  	[sflag:s28] =	ssyncadd.s32 $0xFFFFEC00  }
0x8e: {  	_ =	swait.ge [sflag:s28], $0x1400  }
0x8f: {  	[sflag:s28] =	ssyncset.done $0x0  }
0x90: {  	[sflag:s28] =	ssyncadd.s32 $0xFFFFEC00  }
0x91: {  	_ =	swait.ge [sflag:s28], $0x1400  }
0x92: {  	[sflag:s28] =	ssyncset.done $0x0  }
0x93: {  	[sflag:s28] =	ssyncadd.s32 $0xFFFFEC00  }
0x94: {  	_ =	swait.ge [sflag:s28], $0x1400  }
0x95: {  	[sflag:s28] =	ssyncset.done $0x0  }
0x96: {  	[sflag:s28] =	ssyncadd.s32 $0xFFFFEC00  }
0x97: {  	_ =	swait.ge [sflag:s28], $0x1400  }
0x98: {  	[sflag:s28] =	ssyncset.done $0x0  }
0x99: {  	[sflag:s28] =	ssyncadd.s32 $0xFFFFEC00  }
0x9a: {  	_ =	swait.ge [sflag:s28], $0x1400  }
0x9b: {  	[sflag:s28] =	ssyncset.done $0x0  }
0x9c: {  	[sflag:s28] =	ssyncadd.s32 $0xFFFFEC00  }
0x9d: {  	[bflag:$0x0] =	sbarrier.arrive $0xFFFF  }
0x9e: {  	s15 =	rddreg [dreg:$0x6]  }
0x9f: {  	s16 =	simm.s32 $0x0;
	s5 =	rddreg [dreg:$0x5]  }
0xa0: {  	[tilespmem:s29], [sflag:$0x5] =	stream.linear.gather [hbm4b:s15+s16], $0x1400, $0x38;
	v63 =	vld [tilespmem:$0x0]  }
0xa1: {  	s20 =	sadd.s32 s5, s7;
	s15 =	simm.s32 $0x3C00  }
0xa2: {  	[tilespmem:s15], [sflag:$0x5] =	stream.linear.gather [hbm4b:s20+s16], $0x1400, $0x38;
	v63 =	vld [tilespmem:$0x0]  }
0xa3: {  	_ =	swait.ge [sflag:s31], $0x1900  }
0xa4: {  	[sflag:s31] =	ssyncset.done $0x0  }
0xa5: {  	[sflag:s31] =	ssyncadd.s32 $0xFFFFE700  }
0xa6: {  	[spmem:s2] =	stream.indirect.scatter.add.f32 [tilespmem:s23], [sflag:$0x1], $0x80, s22, s8, $0xb8;
	v63 =	vld [tilespmem:$0x0]  }
0xa7: {  	s16 =	simm.s32 $0x180  }
0xa8: {  	[tilespmem:s13], [sflag:$0x4] =	stream.indirect.gather [hbm4b:s1+s8], $0x80, s16, s8, $0xb8;
	v63 =	vld [tilespmem:$0x0]  }
0xa9: {  	_ =	swait.ge [sflag:s31], $0x1900  }
0xaa: {  	[sflag:s31] =	ssyncset.done $0x0  }
0xab: {  	s19 =	simm.s32 $0x200;
	[sflag:s31] =	ssyncadd.s32 $0xFFFFE700  }
0xac: {  	[tilespmem:s23], [sflag:$0x1] =	stream.indirect.gather [hbm4b:s1+s8], $0x80, s19, s8, $0xb8;
	v63 =	vld [tilespmem:$0x0]  }
0xad: {  	_ =	swait.ge [sflag:s0], $0x1900  }
0xae: {  	[sflag:s0] =	ssyncset.done $0x0  }
0xaf: {  	s20 =	simm.s32 $0x2880;
	[sflag:s0] =	ssyncadd.s32 $0xFFFFE700  }
0xb0: {  	[spmem:s2] =	stream.indirect.scatter.add.f32 [tilespmem:s11], [sflag:$0x2], $0x80, s20, s8, $0xb8;
	v63 =	vld [tilespmem:$0x0]  }
0xb1: {  	_ =	swait.ge [sflag:s0], $0x1900  }
0xb2: {  	[sflag:s0] =	ssyncset.done $0x0  }
0xb3: {  	s15 =	simm.s32 $0x280;
	[sflag:s0] =	ssyncadd.s32 $0xFFFFE700  }
0xb4: {  	[tilespmem:s11], [sflag:$0x2] =	stream.indirect.gather [hbm4b:s1+s8], $0x80, s15, s8, $0xb8;
	v63 =	vld [tilespmem:$0x0]  }
0xb5: {  	_ =	swait.ge [sflag:s3], $0x1900  }
0xb6: {  	[sflag:s3] =	ssyncset.done $0x0  }
0xb7: {  	s16 =	simm.s32 $0x2900;
	[sflag:s3] =	ssyncadd.s32 $0xFFFFE700  }
0xb8: {  	[spmem:s2] =	stream.indirect.scatter.add.f32 [tilespmem:s26], [sflag:$0x3], $0x80, s16, s8, $0xb8;
	v63 =	vld [tilespmem:$0x0]  }
0xb9: {  	_ =	swait.ge [sflag:s3], $0x1900  }
0xba: {  	[sflag:s3] =	ssyncset.done $0x0  }
0xbb: {  	s19 =	simm.s32 $0x300;
	[sflag:s3] =	ssyncadd.s32 $0xFFFFE700  }
0xbc: {  	[tilespmem:s26], [sflag:$0x3] =	stream.indirect.gather [hbm4b:s1+s8], $0x80, s19, s8, $0xb8;
	v63 =	vld [tilespmem:$0x0]  }
0xbd: {  	_ =	swait.ge [sflag:s6], $0x1900  }
0xbe: {  	[sflag:s6] =	ssyncset.done $0x0  }
0xbf: {  	s20 =	simm.s32 $0x2980;
	[sflag:s6] =	ssyncadd.s32 $0xFFFFE700  }
0xc0: {  	[spmem:s2] =	stream.indirect.scatter.add.f32 [tilespmem:s13], [sflag:$0x4], $0x80, s20, s8, $0xb8;
	v63 =	vld [tilespmem:$0x0]  }
0xc1: {  	_ =	swait.ge [sflag:s6], $0x1900  }
0xc2: {  	[sflag:s6] =	ssyncset.done $0x0  }
0xc3: {  	s15 =	simm.s32 $0x380;
	[sflag:s6] =	ssyncadd.s32 $0xFFFFE700  }
0xc4: {  	[tilespmem:s13], [sflag:$0x4] =	stream.indirect.gather [hbm4b:s1+s8], $0x80, s15, s8, $0xb8;
	v63 =	vld [tilespmem:$0x0]  }
0xc5: {  	_ =	swait.ge [sflag:s31], $0x1900  }
0xc6: {  	[sflag:s31] =	ssyncset.done $0x0  }
0xc7: {  	s16 =	simm.s32 $0x2A00;
	[sflag:s31] =	ssyncadd.s32 $0xFFFFE700  }
0xc8: {  	[spmem:s2] =	stream.indirect.scatter.add.f32 [tilespmem:s23], [sflag:$0x1], $0x80, s16, s8, $0xb8;
	v63 =	vld [tilespmem:$0x0]  }
0xc9: {  	_ =	swait.ge [sflag:s31], $0x1900  }
0xca: {  	[sflag:s31] =	ssyncset.done $0x0  }
0xcb: {  	s20 =	simm.s32 $0x400;
	[sflag:s31] =	ssyncadd.s32 $0xFFFFE700  }
0xcc: {  	[tilespmem:s23], [sflag:$0x1] =	stream.indirect.gather [hbm4b:s1+s8], $0x80, s20, s8, $0xb8;
	v63 =	vld [tilespmem:$0x0]  }
0xcd: {  	_ =	swait.ge [sflag:s0], $0x1900  }
0xce: {  	[sflag:s0] =	ssyncset.done $0x0  }
0xcf: {  	s5 =	simm.s32 $0x2A80;
	[sflag:s0] =	ssyncadd.s32 $0xFFFFE700  }
0xd0: {  	[spmem:s2] =	stream.indirect.scatter.add.f32 [tilespmem:s11], [sflag:$0x2], $0x80, s5, s8, $0xb8;
	v63 =	vld [tilespmem:$0x0]  }
0xd1: {  	_ =	swait.ge [sflag:s0], $0x1900  }
0xd2: {  	[sflag:s0] =	ssyncset.done $0x0  }
0xd3: {  	s15 =	simm.s32 $0x480;
	[sflag:s0] =	ssyncadd.s32 $0xFFFFE700  }
0xd4: {  	[tilespmem:s11], [sflag:$0x2] =	stream.indirect.gather [hbm4b:s1+s8], $0x80, s15, s8, $0xb8;
	v63 =	vld [tilespmem:$0x0]  }
0xd5: {  	_ =	swait.ge [sflag:s3], $0x1900  }
0xd6: {  	[sflag:s3] =	ssyncset.done $0x0  }
0xd7: {  	s16 =	simm.s32 $0x2B00;
	[sflag:s3] =	ssyncadd.s32 $0xFFFFE700  }
0xd8: {  	[spmem:s2] =	stream.indirect.scatter.add.f32 [tilespmem:s26], [sflag:$0x3], $0x80, s16, s8, $0xb8;
	v63 =	vld [tilespmem:$0x0]  }
0xd9: {  	_ =	swait.ge [sflag:s3], $0x1900  }
0xda: {  	[sflag:s3] =	ssyncset.done $0x0  }
0xdb: {  	s20 =	simm.s32 $0x500;
	[sflag:s3] =	ssyncadd.s32 $0xFFFFE700  }
0xdc: {  	[tilespmem:s26], [sflag:$0x3] =	stream.indirect.gather [hbm4b:s1+s8], $0x80, s20, s8, $0xb8;
	v63 =	vld [tilespmem:$0x0]  }
0xdd: {  	_ =	swait.ge [sflag:s6], $0x1900  }
0xde: {  	[sflag:s6] =	ssyncset.done $0x0  }
0xdf: {  	s19 =	simm.s32 $0x2B80;
	s20 =	simm.s32 $0x800;
	[sflag:s6] =	ssyncadd.s32 $0xFFFFE700  }
.LBB2_4:
0xe0: {  	[spmem:s2] =	stream.indirect.scatter.add.f32 [tilespmem:s13], [sflag:$0x4], $0x80, s19, s8, $0xb8;
	v63 =	vld [tilespmem:$0x0]  }
0xe1: {  	s19 =	smov.u32 s20  }
0xe2: {  	p0 =	sne.s32 s20, $0x3800;
	s20 =	sadd.s32 $0x800, s20;
	_ =	swait.ge [sflag:s6], $0x1900  }
0xe3: {  	s19 =	sshra.s32 s19, $0x2;
	[sflag:s6] =	ssyncset.done $0x0  }
0xe4: {  	s15 =	sadd.s32 $0x380, s19;
	[sflag:s6] =	ssyncadd.s32 $0xFFFFE700  }
0xe5: {  	[tilespmem:s13], [sflag:$0x4] =	stream.indirect.gather [hbm4b:s1+s8], $0x80, s15, s8, $0xb8;
	v63 =	vld [tilespmem:$0x0]  }
0xe6: {  	_ =	swait.ge [sflag:s31], $0x1900  }
0xe7: {  	[sflag:s31] =	ssyncset.done $0x0  }
0xe8: {  	s15 =	sadd.s32 $0x2A00, s19;
	[sflag:s31] =	ssyncadd.s32 $0xFFFFE700  }
0xe9: {  	[spmem:s2] =	stream.indirect.scatter.add.f32 [tilespmem:s23], [sflag:$0x1], $0x80, s15, s8, $0xb8;
	v63 =	vld [tilespmem:$0x0]  }
0xea: {  	_ =	swait.ge [sflag:s31], $0x1900  }
0xeb: {  	[sflag:s31] =	ssyncset.done $0x0  }
0xec: {  	s15 =	sadd.s32 $0x400, s19;
	[sflag:s31] =	ssyncadd.s32 $0xFFFFE700  }
0xed: {  	[tilespmem:s23], [sflag:$0x1] =	stream.indirect.gather [hbm4b:s1+s8], $0x80, s15, s8, $0xb8;
	v63 =	vld [tilespmem:$0x0]  }
0xee: {  	_ =	swait.ge [sflag:s0], $0x1900  }
0xef: {  	[sflag:s0] =	ssyncset.done $0x0  }
0xf0: {  	s15 =	sadd.s32 $0x2A80, s19;
	[sflag:s0] =	ssyncadd.s32 $0xFFFFE700  }
0xf1: {  	[spmem:s2] =	stream.indirect.scatter.add.f32 [tilespmem:s11], [sflag:$0x2], $0x80, s15, s8, $0xb8;
	v63 =	vld [tilespmem:$0x0]  }
0xf2: {  	_ =	swait.ge [sflag:s0], $0x1900  }
0xf3: {  	[sflag:s0] =	ssyncset.done $0x0  }
0xf4: {  	s15 =	sadd.s32 $0x480, s19;
	[sflag:s0] =	ssyncadd.s32 $0xFFFFE700  }
0xf5: {  	[tilespmem:s11], [sflag:$0x2] =	stream.indirect.gather [hbm4b:s1+s8], $0x80, s15, s8, $0xb8;
	v63 =	vld [tilespmem:$0x0]  }
0xf6: {  	_ =	swait.ge [sflag:s3], $0x1900  }
0xf7: {  	[sflag:s3] =	ssyncset.done $0x0  }
0xf8: {  	s15 =	sadd.s32 $0x2B00, s19;
	[sflag:s3] =	ssyncadd.s32 $0xFFFFE700  }
0xf9: {  	[spmem:s2] =	stream.indirect.scatter.add.f32 [tilespmem:s26], [sflag:$0x3], $0x80, s15, s8, $0xb8;
	v63 =	vld [tilespmem:$0x0]  }
0xfa: {  	_ =	swait.ge [sflag:s3], $0x1900  }
0xfb: {  	[sflag:s3] =	ssyncset.done $0x0  }
.Ltmp1:
0xfc: {  	s15 =	sadd.s32 $0x500, s19;
	[sflag:s3] =	ssyncadd.s32 $0xFFFFE700;
	(pc) =	sbr.rel @p0 .LBB2_4-.Ltmp1, $4  }
0xfd: {  	[tilespmem:s26], [sflag:$0x3] =	stream.indirect.gather [hbm4b:s1+s8], $0x80, s15, s8, $0xb8;
	v63 =	vld [tilespmem:$0x0]  }
0xfe: {  	_ =	swait.ge [sflag:s6], $0x1900  }
0xff: {  	[sflag:s6] =	ssyncset.done $0x0  }
0x100: {  	s19 =	sadd.s32 $0x2B80, s19;
	[sflag:s6] =	ssyncadd.s32 $0xFFFFE700  }
0x101: {  	[spmem:s2] =	stream.indirect.scatter.add.f32 [tilespmem:s13], [sflag:$0x4], $0x80, s19, s8, $0xb8;
	v63 =	vld [tilespmem:$0x0]  }
0x102: {  	_ =	swait.ge [sflag:s28], $0x1400  }
0x103: {  	[sflag:s28] =	ssyncset.done $0x0  }
0x104: {  	[sflag:s28] =	ssyncadd.s32 $0xFFFFEC00  }
0x105: {  	_ =	swait.ge [sflag:s28], $0x1400  }
0x106: {  	[sflag:s28] =	ssyncset.done $0x0  }
0x107: {  	[sflag:s28] =	ssyncadd.s32 $0xFFFFEC00  }
0x108: {  	_ =	swait.ge [sflag:s6], $0x1900  }
0x109: {  	[sflag:s6] =	ssyncset.done $0x0  }
0x10a: {  	[sflag:s6] =	ssyncadd.s32 $0xFFFFE700  }
0x10b: {  	[tilespmem:s13], [sflag:$0x4] =	stream.indirect.gather [hbm4b:s1+s8], $0x80, s10, s8, $0xb8;
	v63 =	vld [tilespmem:$0x0]  }
0x10c: {  	_ =	swait.ge [sflag:s31], $0x1900  }
0x10d: {  	[sflag:s31] =	ssyncset.done $0x0  }
0x10e: {  	[sflag:s31] =	ssyncadd.s32 $0xFFFFE700  }
0x10f: {  	[spmem:s2] =	stream.indirect.scatter.add.f32 [tilespmem:s23], [sflag:$0x1], $0x80, s12, s8, $0xb8;
	v63 =	vld [tilespmem:$0x0]  }
0x110: {  	_ =	swait.ge [sflag:s31], $0x1900  }
0x111: {  	[sflag:s31] =	ssyncset.done $0x0  }
0x112: {  	[sflag:s31] =	ssyncadd.s32 $0xFFFFE700  }
0x113: {  	[tilespmem:s23], [sflag:$0x1] =	stream.indirect.gather [hbm4b:s1+s8], $0x80, s29, s8, $0xb8;
	v63 =	vld [tilespmem:$0x0]  }
0x114: {  	_ =	swait.ge [sflag:s0], $0x1900  }
0x115: {  	[sflag:s0] =	ssyncset.done $0x0  }
0x116: {  	[sflag:s0] =	ssyncadd.s32 $0xFFFFE700  }
0x117: {  	[spmem:s2] =	stream.indirect.scatter.add.f32 [tilespmem:s11], [sflag:$0x2], $0x80, s14, s8, $0xb8;
	v63 =	vld [tilespmem:$0x0]  }
0x118: {  	_ =	swait.ge [sflag:s0], $0x1900  }
0x119: {  	[sflag:s0] =	ssyncset.done $0x0  }
0x11a: {  	s5 =	simm.s32 $0x1480;
	[sflag:s0] =	ssyncadd.s32 $0xFFFFE700  }
0x11b: {  	[tilespmem:s11], [sflag:$0x2] =	stream.indirect.gather [hbm4b:s1+s8], $0x80, s5, s8, $0xb8;
	v63 =	vld [tilespmem:$0x0]  }
0x11c: {  	_ =	swait.ge [sflag:s3], $0x1900  }
0x11d: {  	[sflag:s3] =	ssyncset.done $0x0  }
0x11e: {  	[sflag:s3] =	ssyncadd.s32 $0xFFFFE700  }
0x11f: {  	[spmem:s2] =	stream.indirect.scatter.add.f32 [tilespmem:s26], [sflag:$0x3], $0x80, s30, s8, $0xb8;
	v63 =	vld [tilespmem:$0x0]  }
0x120: {  	_ =	swait.ge [sflag:s3], $0x1900  }
0x121: {  	[sflag:s3] =	ssyncset.done $0x0  }
0x122: {  	s19 =	simm.s32 $0x1500;
	[sflag:s3] =	ssyncadd.s32 $0xFFFFE700  }
0x123: {  	[tilespmem:s26], [sflag:$0x3] =	stream.indirect.gather [hbm4b:s1+s8], $0x80, s19, s8, $0xb8;
	v63 =	vld [tilespmem:$0x0]  }
0x124: {  	_ =	swait.ge [sflag:s6], $0x1900  }
0x125: {  	[sflag:s6] =	ssyncset.done $0x0  }
0x126: {  	s20 =	rddreg [dreg:$0x8];
	[sflag:s6] =	ssyncadd.s32 $0xFFFFE700  }
0x127: {  	[spmem:s2] =	stream.indirect.scatter.add.f32 [tilespmem:s13], [sflag:$0x4], $0x80, s17, s8, $0xb8;
	v63 =	vld [tilespmem:$0x0]  }
0x128: {  	s15 =	simm.s32 $0x0;
	s5 =	rddreg [dreg:$0x7]  }
0x129: {  	[tilespmem:s15], [sflag:$0x5] =	stream.linear.gather [hbm4b:s20+s15], $0x1400, $0x38;
	v63 =	vld [tilespmem:$0x0]  }
0x12a: {  	s19 =	sadd.s32 s5, s7  }
0x12b: {  	[tilespmem:s22], [sflag:$0x5] =	stream.linear.gather [hbm4b:s19+s15], $0x1400, $0x38;
	v63 =	vld [tilespmem:$0x0]  }
0x12c: {  	_ =	swait.ge [sflag:s6], $0x1900  }
0x12d: {  	[sflag:s6] =	ssyncset.done $0x0  }
0x12e: {  	s16 =	simm.s32 $0x1580;
	[sflag:s6] =	ssyncadd.s32 $0xFFFFE700  }
0x12f: {  	[tilespmem:s13], [sflag:$0x4] =	stream.indirect.gather [hbm4b:s1+s8], $0x80, s16, s8, $0xb8;
	v63 =	vld [tilespmem:$0x0]  }
0x130: {  	_ =	swait.ge [sflag:s31], $0x1900  }
0x131: {  	[sflag:s31] =	ssyncset.done $0x0  }
0x132: {  	s19 =	simm.s32 $0x3C00;
	[sflag:s31] =	ssyncadd.s32 $0xFFFFE700  }
0x133: {  	[spmem:s2] =	stream.indirect.scatter.add.f32 [tilespmem:s23], [sflag:$0x1], $0x80, s19, s8, $0xb8;
	v63 =	vld [tilespmem:$0x0]  }
0x134: {  	_ =	swait.ge [sflag:s31], $0x1900  }
0x135: {  	[sflag:s31] =	ssyncset.done $0x0  }
0x136: {  	s20 =	simm.s32 $0x1600;
	[sflag:s31] =	ssyncadd.s32 $0xFFFFE700  }
0x137: {  	[tilespmem:s23], [sflag:$0x1] =	stream.indirect.gather [hbm4b:s1+s8], $0x80, s20, s8, $0xb8;
	v63 =	vld [tilespmem:$0x0]  }
0x138: {  	_ =	swait.ge [sflag:s0], $0x1900  }
0x139: {  	[sflag:s0] =	ssyncset.done $0x0  }
0x13a: {  	s5 =	simm.s32 $0x3C80;
	[sflag:s0] =	ssyncadd.s32 $0xFFFFE700  }
0x13b: {  	[spmem:s2] =	stream.indirect.scatter.add.f32 [tilespmem:s11], [sflag:$0x2], $0x80, s5, s8, $0xb8;
	v63 =	vld [tilespmem:$0x0]  }
0x13c: {  	_ =	swait.ge [sflag:s0], $0x1900  }
0x13d: {  	[sflag:s0] =	ssyncset.done $0x0  }
0x13e: {  	s16 =	simm.s32 $0x1680;
	[sflag:s0] =	ssyncadd.s32 $0xFFFFE700  }
0x13f: {  	[tilespmem:s11], [sflag:$0x2] =	stream.indirect.gather [hbm4b:s1+s8], $0x80, s16, s8, $0xb8;
	v63 =	vld [tilespmem:$0x0]  }
0x140: {  	_ =	swait.ge [sflag:s3], $0x1900  }
0x141: {  	[sflag:s3] =	ssyncset.done $0x0  }
0x142: {  	s19 =	simm.s32 $0x3D00;
	[sflag:s3] =	ssyncadd.s32 $0xFFFFE700  }
0x143: {  	[spmem:s2] =	stream.indirect.scatter.add.f32 [tilespmem:s26], [sflag:$0x3], $0x80, s19, s8, $0xb8;
	v63 =	vld [tilespmem:$0x0]  }
0x144: {  	_ =	swait.ge [sflag:s3], $0x1900  }
0x145: {  	[sflag:s3] =	ssyncset.done $0x0  }
0x146: {  	s20 =	simm.s32 $0x1700;
	[sflag:s3] =	ssyncadd.s32 $0xFFFFE700  }
0x147: {  	[tilespmem:s26], [sflag:$0x3] =	stream.indirect.gather [hbm4b:s1+s8], $0x80, s20, s8, $0xb8;
	v63 =	vld [tilespmem:$0x0]  }
0x148: {  	_ =	swait.ge [sflag:s6], $0x1900  }
0x149: {  	[sflag:s6] =	ssyncset.done $0x0  }
0x14a: {  	s19 =	simm.s32 $0x3D80;
	s20 =	simm.s32 $0x800;
	[sflag:s6] =	ssyncadd.s32 $0xFFFFE700  }
.LBB2_6:
0x14b: {  	[spmem:s2] =	stream.indirect.scatter.add.f32 [tilespmem:s13], [sflag:$0x4], $0x80, s19, s8, $0xb8;
	v63 =	vld [tilespmem:$0x0]  }
0x14c: {  	s15 =	smov.u32 s20  }
0x14d: {  	p0 =	sne.s32 s20, $0x4000;
	s20 =	sadd.s32 $0x800, s20;
	_ =	swait.ge [sflag:s6], $0x1900  }
0x14e: {  	s19 =	sshra.s32 s15, $0x2;
	[sflag:s6] =	ssyncset.done $0x0  }
0x14f: {  	s15 =	sadd.s32 $0x1580, s19;
	[sflag:s6] =	ssyncadd.s32 $0xFFFFE700  }
0x150: {  	[tilespmem:s13], [sflag:$0x4] =	stream.indirect.gather [hbm4b:s1+s8], $0x80, s15, s8, $0xb8;
	v63 =	vld [tilespmem:$0x0]  }
0x151: {  	_ =	swait.ge [sflag:s31], $0x1900  }
0x152: {  	[sflag:s31] =	ssyncset.done $0x0  }
0x153: {  	s15 =	sadd.s32 $0x3C00, s19;
	[sflag:s31] =	ssyncadd.s32 $0xFFFFE700  }
0x154: {  	[spmem:s2] =	stream.indirect.scatter.add.f32 [tilespmem:s23], [sflag:$0x1], $0x80, s15, s8, $0xb8;
	v63 =	vld [tilespmem:$0x0]  }
0x155: {  	_ =	swait.ge [sflag:s31], $0x1900  }
0x156: {  	[sflag:s31] =	ssyncset.done $0x0  }
0x157: {  	s15 =	sadd.s32 $0x1600, s19;
	[sflag:s31] =	ssyncadd.s32 $0xFFFFE700  }
0x158: {  	[tilespmem:s23], [sflag:$0x1] =	stream.indirect.gather [hbm4b:s1+s8], $0x80, s15, s8, $0xb8;
	v63 =	vld [tilespmem:$0x0]  }
0x159: {  	_ =	swait.ge [sflag:s0], $0x1900  }
0x15a: {  	[sflag:s0] =	ssyncset.done $0x0  }
0x15b: {  	s15 =	sadd.s32 $0x3C80, s19;
	[sflag:s0] =	ssyncadd.s32 $0xFFFFE700  }
0x15c: {  	[spmem:s2] =	stream.indirect.scatter.add.f32 [tilespmem:s11], [sflag:$0x2], $0x80, s15, s8, $0xb8;
	v63 =	vld [tilespmem:$0x0]  }
0x15d: {  	_ =	swait.ge [sflag:s0], $0x1900  }
0x15e: {  	[sflag:s0] =	ssyncset.done $0x0  }
0x15f: {  	s15 =	sadd.s32 $0x1680, s19;
	[sflag:s0] =	ssyncadd.s32 $0xFFFFE700  }
0x160: {  	[tilespmem:s11], [sflag:$0x2] =	stream.indirect.gather [hbm4b:s1+s8], $0x80, s15, s8, $0xb8;
	v63 =	vld [tilespmem:$0x0]  }
0x161: {  	_ =	swait.ge [sflag:s3], $0x1900  }
0x162: {  	[sflag:s3] =	ssyncset.done $0x0  }
0x163: {  	s15 =	sadd.s32 $0x3D00, s19;
	[sflag:s3] =	ssyncadd.s32 $0xFFFFE700  }
0x164: {  	[spmem:s2] =	stream.indirect.scatter.add.f32 [tilespmem:s26], [sflag:$0x3], $0x80, s15, s8, $0xb8;
	v63 =	vld [tilespmem:$0x0]  }
0x165: {  	_ =	swait.ge [sflag:s3], $0x1900  }
0x166: {  	[sflag:s3] =	ssyncset.done $0x0  }
.Ltmp2:
0x167: {  	s15 =	sadd.s32 $0x1700, s19;
	[sflag:s3] =	ssyncadd.s32 $0xFFFFE700;
	(pc) =	sbr.rel @p0 .LBB2_6-.Ltmp2, $4  }
0x168: {  	[tilespmem:s26], [sflag:$0x3] =	stream.indirect.gather [hbm4b:s1+s8], $0x80, s15, s8, $0xb8;
	v63 =	vld [tilespmem:$0x0]  }
0x169: {  	_ =	swait.ge [sflag:s6], $0x1900  }
0x16a: {  	[sflag:s6] =	ssyncset.done $0x0  }
0x16b: {  	s19 =	sadd.s32 $0x3D80, s19;
	[sflag:s6] =	ssyncadd.s32 $0xFFFFE700  }
0x16c: {  	[spmem:s2] =	stream.indirect.scatter.add.f32 [tilespmem:s13], [sflag:$0x4], $0x80, s19, s8, $0xb8;
	v63 =	vld [tilespmem:$0x0]  }
0x16d: {  	_ =	swait.ge [sflag:s28], $0x1400  }
0x16e: {  	[sflag:s28] =	ssyncset.done $0x0  }
0x16f: {  	[sflag:s28] =	ssyncadd.s32 $0xFFFFEC00  }
0x170: {  	_ =	swait.ge [sflag:s28], $0x1400  }
0x171: {  	[sflag:s28] =	ssyncset.done $0x0  }
0x172: {  	[sflag:s28] =	ssyncadd.s32 $0xFFFFEC00  }
0x173: {  	_ =	swait.ge [sflag:s6], $0x1900  }
0x174: {  	[sflag:s6] =	ssyncset.done $0x0  }
0x175: {  	s5 =	simm.s32 $0x2780;
	[sflag:s6] =	ssyncadd.s32 $0xFFFFE700  }
0x176: {  	[tilespmem:s13], [sflag:$0x4] =	stream.indirect.gather [hbm4b:s1+s8], $0x80, s5, s8, $0xb8;
	v63 =	vld [tilespmem:$0x0]  }
0x177: {  	_ =	swait.ge [sflag:s31], $0x1900  }
0x178: {  	[sflag:s31] =	ssyncset.done $0x0  }
0x179: {  	s15 =	simm.s32 $0x4E00;
	[sflag:s31] =	ssyncadd.s32 $0xFFFFE700  }
0x17a: {  	[spmem:s2] =	stream.indirect.scatter.add.f32 [tilespmem:s23], [sflag:$0x1], $0x80, s15, s8, $0xb8;
	v63 =	vld [tilespmem:$0x0]  }
0x17b: {  	_ =	swait.ge [sflag:s31], $0x1900  }
0x17c: {  	[sflag:s31] =	ssyncset.done $0x0  }
0x17d: {  	s15 =	simm.s32 $0x0;
	[sflag:s31] =	ssyncadd.s32 $0xFFFFE700  }
0x17e: {  	[tilespmem:s23], [sflag:$0x1] =	stream.indirect.gather [hbm4b:s1+s8], $0x80, s15, s8, $0xb8;
	v63 =	vld [tilespmem:$0x0]  }
0x17f: {  	_ =	swait.ge [sflag:s0], $0x1900  }
0x180: {  	[sflag:s0] =	ssyncset.done $0x0  }
0x181: {  	s16 =	simm.s32 $0x4E80;
	[sflag:s0] =	ssyncadd.s32 $0xFFFFE700  }
0x182: {  	[spmem:s2] =	stream.indirect.scatter.add.f32 [tilespmem:s11], [sflag:$0x2], $0x80, s16, s8, $0xb8;
	v63 =	vld [tilespmem:$0x0]  }
0x183: {  	_ =	swait.ge [sflag:s0], $0x1900  }
0x184: {  	[sflag:s0] =	ssyncset.done $0x0  }
0x185: {  	[sflag:s0] =	ssyncadd.s32 $0xFFFFE700  }
0x186: {  	[tilespmem:s11], [sflag:$0x2] =	stream.indirect.gather [hbm4b:s1+s8], $0x80, s24, s8, $0xb8;
	v63 =	vld [tilespmem:$0x0]  }
0x187: {  	_ =	swait.ge [sflag:s3], $0x1900  }
0x188: {  	[sflag:s3] =	ssyncset.done $0x0  }
0x189: {  	s19 =	simm.s32 $0x4F00;
	[sflag:s3] =	ssyncadd.s32 $0xFFFFE700  }
0x18a: {  	[spmem:s2] =	stream.indirect.scatter.add.f32 [tilespmem:s26], [sflag:$0x3], $0x80, s19, s8, $0xb8;
	v63 =	vld [tilespmem:$0x0]  }
0x18b: {  	_ =	swait.ge [sflag:s3], $0x1900  }
0x18c: {  	[sflag:s3] =	ssyncset.done $0x0  }
0x18d: {  	[sflag:s3] =	ssyncadd.s32 $0xFFFFE700  }
0x18e: {  	[tilespmem:s26], [sflag:$0x3] =	stream.indirect.gather [hbm4b:s1+s8], $0x80, s25, s8, $0xb8;
	v63 =	vld [tilespmem:$0x0]  }
0x18f: {  	_ =	swait.ge [sflag:s6], $0x1900  }
0x190: {  	[sflag:s6] =	ssyncset.done $0x0  }
0x191: {  	s20 =	simm.s32 $0x4F80;
	[sflag:s6] =	ssyncadd.s32 $0xFFFFE700  }
0x192: {  	[spmem:s2] =	stream.indirect.scatter.add.f32 [tilespmem:s13], [sflag:$0x4], $0x80, s20, s8, $0xb8;
	v63 =	vld [tilespmem:$0x0]  }
0x193: {  	s16 =	rddreg [dreg:$0x10]  }
0x194: {  	[tilespmem:s29], [sflag:$0x5] =	stream.linear.gather [hbm4b:s16+s15], $0x1400, $0x38;
	v63 =	vld [tilespmem:$0x0]  }
0x195: {  	s16 =	rddreg [dreg:$0x9]  }
0x196: {  	s20 =	simm.s32 $0x3C00;
	s19 =	sadd.s32 s16, s7  }
0x197: {  	[tilespmem:s20], [sflag:$0x5] =	stream.linear.gather [hbm4b:s19+s15], $0x1400, $0x38;
	v63 =	vld [tilespmem:$0x0]  }
0x198: {  	_ =	swait.ge [sflag:s6], $0x1900  }
0x199: {  	[sflag:s6] =	ssyncset.done $0x0  }
0x19a: {  	s16 =	simm.s32 $0x180;
	[sflag:s6] =	ssyncadd.s32 $0xFFFFE700  }
0x19b: {  	[tilespmem:s13], [sflag:$0x4] =	stream.indirect.gather [hbm4b:s1+s8], $0x80, s16, s8, $0xb8;
	v63 =	vld [tilespmem:$0x0]  }
0x19c: {  	_ =	swait.ge [sflag:s31], $0x1900  }
0x19d: {  	[sflag:s31] =	ssyncset.done $0x0  }
0x19e: {  	s19 =	simm.s32 $0x2800;
	[sflag:s31] =	ssyncadd.s32 $0xFFFFE700  }
0x19f: {  	[spmem:s2] =	stream.indirect.scatter.add.f32 [tilespmem:s23], [sflag:$0x1], $0x80, s19, s8, $0xb8;
	v63 =	vld [tilespmem:$0x0]  }
0x1a0: {  	_ =	swait.ge [sflag:s31], $0x1900  }
0x1a1: {  	[sflag:s31] =	ssyncset.done $0x0  }
0x1a2: {  	s20 =	simm.s32 $0x200;
	[sflag:s31] =	ssyncadd.s32 $0xFFFFE700  }
0x1a3: {  	[tilespmem:s23], [sflag:$0x1] =	stream.indirect.gather [hbm4b:s1+s8], $0x80, s20, s8, $0xb8;
	v63 =	vld [tilespmem:$0x0]  }
0x1a4: {  	_ =	swait.ge [sflag:s0], $0x1900  }
0x1a5: {  	[sflag:s0] =	ssyncset.done $0x0  }
0x1a6: {  	s5 =	simm.s32 $0x2880;
	[sflag:s0] =	ssyncadd.s32 $0xFFFFE700  }
0x1a7: {  	[spmem:s2] =	stream.indirect.scatter.add.f32 [tilespmem:s11], [sflag:$0x2], $0x80, s5, s8, $0xb8;
	v63 =	vld [tilespmem:$0x0]  }
0x1a8: {  	_ =	swait.ge [sflag:s0], $0x1900  }
0x1a9: {  	[sflag:s0] =	ssyncset.done $0x0  }
0x1aa: {  	s16 =	simm.s32 $0x280;
	[sflag:s0] =	ssyncadd.s32 $0xFFFFE700  }
0x1ab: {  	[tilespmem:s11], [sflag:$0x2] =	stream.indirect.gather [hbm4b:s1+s8], $0x80, s16, s8, $0xb8;
	v63 =	vld [tilespmem:$0x0]  }
0x1ac: {  	_ =	swait.ge [sflag:s3], $0x1900  }
0x1ad: {  	[sflag:s3] =	ssyncset.done $0x0  }
0x1ae: {  	s19 =	simm.s32 $0x2900;
	[sflag:s3] =	ssyncadd.s32 $0xFFFFE700  }
0x1af: {  	[spmem:s2] =	stream.indirect.scatter.add.f32 [tilespmem:s26], [sflag:$0x3], $0x80, s19, s8, $0xb8;
	v63 =	vld [tilespmem:$0x0]  }
0x1b0: {  	_ =	swait.ge [sflag:s3], $0x1900  }
0x1b1: {  	[sflag:s3] =	ssyncset.done $0x0  }
0x1b2: {  	s20 =	simm.s32 $0x300;
	[sflag:s3] =	ssyncadd.s32 $0xFFFFE700  }
0x1b3: {  	[tilespmem:s26], [sflag:$0x3] =	stream.indirect.gather [hbm4b:s1+s8], $0x80, s20, s8, $0xb8;
	v63 =	vld [tilespmem:$0x0]  }
0x1b4: {  	_ =	swait.ge [sflag:s6], $0x1900  }
0x1b5: {  	[sflag:s6] =	ssyncset.done $0x0  }
0x1b6: {  	s19 =	simm.s32 $0x2980;
	s20 =	simm.s32 $0x800;
	[sflag:s6] =	ssyncadd.s32 $0xFFFFE700  }
.LBB2_8:
0x1b7: {  	[spmem:s2] =	stream.indirect.scatter.add.f32 [tilespmem:s13], [sflag:$0x4], $0x80, s19, s8, $0xb8;
	v63 =	vld [tilespmem:$0x0]  }
0x1b8: {  	s15 =	smov.u32 s20  }
0x1b9: {  	p0 =	sne.s32 s20, $0x4000;
	s20 =	sadd.s32 $0x800, s20;
	_ =	swait.ge [sflag:s6], $0x1900  }
0x1ba: {  	s19 =	sshra.s32 s15, $0x2;
	[sflag:s6] =	ssyncset.done $0x0  }
0x1bb: {  	s15 =	sadd.s32 $0x180, s19;
	[sflag:s6] =	ssyncadd.s32 $0xFFFFE700  }
0x1bc: {  	[tilespmem:s13], [sflag:$0x4] =	stream.indirect.gather [hbm4b:s1+s8], $0x80, s15, s8, $0xb8;
	v63 =	vld [tilespmem:$0x0]  }
0x1bd: {  	_ =	swait.ge [sflag:s31], $0x1900  }
0x1be: {  	[sflag:s31] =	ssyncset.done $0x0  }
0x1bf: {  	s15 =	sadd.s32 $0x2800, s19;
	[sflag:s31] =	ssyncadd.s32 $0xFFFFE700  }
0x1c0: {  	[spmem:s2] =	stream.indirect.scatter.add.f32 [tilespmem:s23], [sflag:$0x1], $0x80, s15, s8, $0xb8;
	v63 =	vld [tilespmem:$0x0]  }
0x1c1: {  	_ =	swait.ge [sflag:s31], $0x1900  }
0x1c2: {  	[sflag:s31] =	ssyncset.done $0x0  }
0x1c3: {  	s15 =	sadd.s32 $0x200, s19;
	[sflag:s31] =	ssyncadd.s32 $0xFFFFE700  }
0x1c4: {  	[tilespmem:s23], [sflag:$0x1] =	stream.indirect.gather [hbm4b:s1+s8], $0x80, s15, s8, $0xb8;
	v63 =	vld [tilespmem:$0x0]  }
0x1c5: {  	_ =	swait.ge [sflag:s0], $0x1900  }
0x1c6: {  	[sflag:s0] =	ssyncset.done $0x0  }
0x1c7: {  	s15 =	sadd.s32 $0x2880, s19;
	[sflag:s0] =	ssyncadd.s32 $0xFFFFE700  }
0x1c8: {  	[spmem:s2] =	stream.indirect.scatter.add.f32 [tilespmem:s11], [sflag:$0x2], $0x80, s15, s8, $0xb8;
	v63 =	vld [tilespmem:$0x0]  }
0x1c9: {  	_ =	swait.ge [sflag:s0], $0x1900  }
0x1ca: {  	[sflag:s0] =	ssyncset.done $0x0  }
0x1cb: {  	s15 =	sadd.s32 $0x280, s19;
	[sflag:s0] =	ssyncadd.s32 $0xFFFFE700  }
0x1cc: {  	[tilespmem:s11], [sflag:$0x2] =	stream.indirect.gather [hbm4b:s1+s8], $0x80, s15, s8, $0xb8;
	v63 =	vld [tilespmem:$0x0]  }
0x1cd: {  	_ =	swait.ge [sflag:s3], $0x1900  }
0x1ce: {  	[sflag:s3] =	ssyncset.done $0x0  }
0x1cf: {  	s15 =	sadd.s32 $0x2900, s19;
	[sflag:s3] =	ssyncadd.s32 $0xFFFFE700  }
0x1d0: {  	[spmem:s2] =	stream.indirect.scatter.add.f32 [tilespmem:s26], [sflag:$0x3], $0x80, s15, s8, $0xb8;
	v63 =	vld [tilespmem:$0x0]  }
0x1d1: {  	_ =	swait.ge [sflag:s3], $0x1900  }
0x1d2: {  	[sflag:s3] =	ssyncset.done $0x0  }
.Ltmp3:
0x1d3: {  	s15 =	sadd.s32 $0x300, s19;
	[sflag:s3] =	ssyncadd.s32 $0xFFFFE700;
	(pc) =	sbr.rel @p0 .LBB2_8-.Ltmp3, $4  }
0x1d4: {  	[tilespmem:s26], [sflag:$0x3] =	stream.indirect.gather [hbm4b:s1+s8], $0x80, s15, s8, $0xb8;
	v63 =	vld [tilespmem:$0x0]  }
0x1d5: {  	_ =	swait.ge [sflag:s6], $0x1900  }
0x1d6: {  	[sflag:s6] =	ssyncset.done $0x0  }
0x1d7: {  	s19 =	sadd.s32 $0x2980, s19;
	[sflag:s6] =	ssyncadd.s32 $0xFFFFE700  }
0x1d8: {  	[spmem:s2] =	stream.indirect.scatter.add.f32 [tilespmem:s13], [sflag:$0x4], $0x80, s19, s8, $0xb8;
	v63 =	vld [tilespmem:$0x0]  }
0x1d9: {  	_ =	swait.ge [sflag:s28], $0x1400  }
0x1da: {  	[sflag:s28] =	ssyncset.done $0x0  }
0x1db: {  	[sflag:s28] =	ssyncadd.s32 $0xFFFFEC00  }
0x1dc: {  	_ =	swait.ge [sflag:s28], $0x1400  }
0x1dd: {  	[sflag:s28] =	ssyncset.done $0x0  }
0x1de: {  	[sflag:s28] =	ssyncadd.s32 $0xFFFFEC00  }
0x1df: {  	_ =	swait.ge [sflag:s6], $0x1900  }
0x1e0: {  	[sflag:s6] =	ssyncset.done $0x0  }
0x1e1: {  	[sflag:s6] =	ssyncadd.s32 $0xFFFFE700  }
0x1e2: {  	[tilespmem:s13], [sflag:$0x4] =	stream.indirect.gather [hbm4b:s1+s8], $0x80, s10, s8, $0xb8;
	v63 =	vld [tilespmem:$0x0]  }
0x1e3: {  	_ =	swait.ge [sflag:s31], $0x1900  }
0x1e4: {  	[sflag:s31] =	ssyncset.done $0x0  }
0x1e5: {  	[sflag:s31] =	ssyncadd.s32 $0xFFFFE700  }
0x1e6: {  	[spmem:s2] =	stream.indirect.scatter.add.f32 [tilespmem:s23], [sflag:$0x1], $0x80, s12, s8, $0xb8;
	v63 =	vld [tilespmem:$0x0]  }
0x1e7: {  	_ =	swait.ge [sflag:s31], $0x1900  }
0x1e8: {  	[sflag:s31] =	ssyncset.done $0x0  }
0x1e9: {  	[sflag:s31] =	ssyncadd.s32 $0xFFFFE700  }
0x1ea: {  	[tilespmem:s23], [sflag:$0x1] =	stream.indirect.gather [hbm4b:s1+s8], $0x80, s29, s8, $0xb8;
	v63 =	vld [tilespmem:$0x0]  }
0x1eb: {  	_ =	swait.ge [sflag:s0], $0x1900  }
0x1ec: {  	[sflag:s0] =	ssyncset.done $0x0  }
0x1ed: {  	[sflag:s0] =	ssyncadd.s32 $0xFFFFE700  }
0x1ee: {  	[spmem:s2] =	stream.indirect.scatter.add.f32 [tilespmem:s11], [sflag:$0x2], $0x80, s14, s8, $0xb8;
	v63 =	vld [tilespmem:$0x0]  }
0x1ef: {  	_ =	swait.ge [sflag:s0], $0x1900  }
0x1f0: {  	[sflag:s0] =	ssyncset.done $0x0  }
0x1f1: {  	s5 =	simm.s32 $0x1480;
	[sflag:s0] =	ssyncadd.s32 $0xFFFFE700  }
0x1f2: {  	[tilespmem:s11], [sflag:$0x2] =	stream.indirect.gather [hbm4b:s1+s8], $0x80, s5, s8, $0xb8;
	v63 =	vld [tilespmem:$0x0]  }
0x1f3: {  	_ =	swait.ge [sflag:s3], $0x1900  }
0x1f4: {  	[sflag:s3] =	ssyncset.done $0x0  }
0x1f5: {  	[sflag:s3] =	ssyncadd.s32 $0xFFFFE700  }
0x1f6: {  	[spmem:s2] =	stream.indirect.scatter.add.f32 [tilespmem:s26], [sflag:$0x3], $0x80, s30, s8, $0xb8;
	v63 =	vld [tilespmem:$0x0]  }
0x1f7: {  	_ =	swait.ge [sflag:s3], $0x1900  }
0x1f8: {  	[sflag:s3] =	ssyncset.done $0x0  }
0x1f9: {  	s19 =	simm.s32 $0x1500;
	[sflag:s3] =	ssyncadd.s32 $0xFFFFE700  }
0x1fa: {  	[tilespmem:s26], [sflag:$0x3] =	stream.indirect.gather [hbm4b:s1+s8], $0x80, s19, s8, $0xb8;
	v63 =	vld [tilespmem:$0x0]  }
0x1fb: {  	_ =	swait.ge [sflag:s6], $0x1900  }
0x1fc: {  	[sflag:s6] =	ssyncset.done $0x0  }
0x1fd: {  	s16 =	rddreg [dreg:$0x11];
	[sflag:s6] =	ssyncadd.s32 $0xFFFFE700  }
0x1fe: {  	[spmem:s2] =	stream.indirect.scatter.add.f32 [tilespmem:s13], [sflag:$0x4], $0x80, s17, s8, $0xb8;
	v63 =	vld [tilespmem:$0x0]  }
0x1ff: {  	s15 =	simm.s32 $0x0;
	s20 =	rddreg [dreg:$0xf]  }
0x200: {  	[tilespmem:s15], [sflag:$0x5] =	stream.linear.gather [hbm4b:s16+s15], $0x1400, $0x38;
	v63 =	vld [tilespmem:$0x0]  }
0x201: {  	s5 =	sadd.s32 s20, s7  }
0x202: {  	[tilespmem:s22], [sflag:$0x5] =	stream.linear.gather [hbm4b:s5+s15], $0x1400, $0x38;
	v63 =	vld [tilespmem:$0x0]  }
0x203: {  	_ =	swait.ge [sflag:s6], $0x1900  }
0x204: {  	[sflag:s6] =	ssyncset.done $0x0  }
0x205: {  	s16 =	simm.s32 $0x1580;
	[sflag:s6] =	ssyncadd.s32 $0xFFFFE700  }
0x206: {  	[tilespmem:s13], [sflag:$0x4] =	stream.indirect.gather [hbm4b:s1+s8], $0x80, s16, s8, $0xb8;
	v63 =	vld [tilespmem:$0x0]  }
0x207: {  	_ =	swait.ge [sflag:s31], $0x1900  }
0x208: {  	[sflag:s31] =	ssyncset.done $0x0  }
0x209: {  	s19 =	simm.s32 $0x3C00;
	[sflag:s31] =	ssyncadd.s32 $0xFFFFE700  }
0x20a: {  	[spmem:s2] =	stream.indirect.scatter.add.f32 [tilespmem:s23], [sflag:$0x1], $0x80, s19, s8, $0xb8;
	v63 =	vld [tilespmem:$0x0]  }
0x20b: {  	_ =	swait.ge [sflag:s31], $0x1900  }
0x20c: {  	[sflag:s31] =	ssyncset.done $0x0  }
0x20d: {  	s20 =	simm.s32 $0x1600;
	[sflag:s31] =	ssyncadd.s32 $0xFFFFE700  }
0x20e: {  	[tilespmem:s23], [sflag:$0x1] =	stream.indirect.gather [hbm4b:s1+s8], $0x80, s20, s8, $0xb8;
	v63 =	vld [tilespmem:$0x0]  }
0x20f: {  	_ =	swait.ge [sflag:s0], $0x1900  }
0x210: {  	[sflag:s0] =	ssyncset.done $0x0  }
0x211: {  	s5 =	simm.s32 $0x3C80;
	[sflag:s0] =	ssyncadd.s32 $0xFFFFE700  }
0x212: {  	[spmem:s2] =	stream.indirect.scatter.add.f32 [tilespmem:s11], [sflag:$0x2], $0x80, s5, s8, $0xb8;
	v63 =	vld [tilespmem:$0x0]  }
0x213: {  	_ =	swait.ge [sflag:s0], $0x1900  }
0x214: {  	[sflag:s0] =	ssyncset.done $0x0  }
0x215: {  	s16 =	simm.s32 $0x1680;
	[sflag:s0] =	ssyncadd.s32 $0xFFFFE700  }
0x216: {  	[tilespmem:s11], [sflag:$0x2] =	stream.indirect.gather [hbm4b:s1+s8], $0x80, s16, s8, $0xb8;
	v63 =	vld [tilespmem:$0x0]  }
0x217: {  	_ =	swait.ge [sflag:s3], $0x1900  }
0x218: {  	[sflag:s3] =	ssyncset.done $0x0  }
0x219: {  	s19 =	simm.s32 $0x3D00;
	[sflag:s3] =	ssyncadd.s32 $0xFFFFE700  }
0x21a: {  	[spmem:s2] =	stream.indirect.scatter.add.f32 [tilespmem:s26], [sflag:$0x3], $0x80, s19, s8, $0xb8;
	v63 =	vld [tilespmem:$0x0]  }
0x21b: {  	_ =	swait.ge [sflag:s3], $0x1900  }
0x21c: {  	[sflag:s3] =	ssyncset.done $0x0  }
0x21d: {  	s20 =	simm.s32 $0x1700;
	[sflag:s3] =	ssyncadd.s32 $0xFFFFE700  }
0x21e: {  	[tilespmem:s26], [sflag:$0x3] =	stream.indirect.gather [hbm4b:s1+s8], $0x80, s20, s8, $0xb8;
	v63 =	vld [tilespmem:$0x0]  }
0x21f: {  	_ =	swait.ge [sflag:s6], $0x1900  }
0x220: {  	[sflag:s6] =	ssyncset.done $0x0  }
0x221: {  	s19 =	simm.s32 $0x3D80;
	s20 =	simm.s32 $0x800;
	[sflag:s6] =	ssyncadd.s32 $0xFFFFE700  }
.LBB2_10:
0x222: {  	[spmem:s2] =	stream.indirect.scatter.add.f32 [tilespmem:s13], [sflag:$0x4], $0x80, s19, s8, $0xb8;
	v63 =	vld [tilespmem:$0x0]  }
0x223: {  	s15 =	smov.u32 s20  }
0x224: {  	p0 =	sne.s32 s20, $0x4000;
	s20 =	sadd.s32 $0x800, s20;
	_ =	swait.ge [sflag:s6], $0x1900  }
0x225: {  	s19 =	sshra.s32 s15, $0x2;
	[sflag:s6] =	ssyncset.done $0x0  }
0x226: {  	s15 =	sadd.s32 $0x1580, s19;
	[sflag:s6] =	ssyncadd.s32 $0xFFFFE700  }
0x227: {  	[tilespmem:s13], [sflag:$0x4] =	stream.indirect.gather [hbm4b:s1+s8], $0x80, s15, s8, $0xb8;
	v63 =	vld [tilespmem:$0x0]  }
0x228: {  	_ =	swait.ge [sflag:s31], $0x1900  }
0x229: {  	[sflag:s31] =	ssyncset.done $0x0  }
0x22a: {  	s15 =	sadd.s32 $0x3C00, s19;
	[sflag:s31] =	ssyncadd.s32 $0xFFFFE700  }
0x22b: {  	[spmem:s2] =	stream.indirect.scatter.add.f32 [tilespmem:s23], [sflag:$0x1], $0x80, s15, s8, $0xb8;
	v63 =	vld [tilespmem:$0x0]  }
0x22c: {  	_ =	swait.ge [sflag:s31], $0x1900  }
0x22d: {  	[sflag:s31] =	ssyncset.done $0x0  }
0x22e: {  	s15 =	sadd.s32 $0x1600, s19;
	[sflag:s31] =	ssyncadd.s32 $0xFFFFE700  }
0x22f: {  	[tilespmem:s23], [sflag:$0x1] =	stream.indirect.gather [hbm4b:s1+s8], $0x80, s15, s8, $0xb8;
	v63 =	vld [tilespmem:$0x0]  }
0x230: {  	_ =	swait.ge [sflag:s0], $0x1900  }
0x231: {  	[sflag:s0] =	ssyncset.done $0x0  }
0x232: {  	s15 =	sadd.s32 $0x3C80, s19;
	[sflag:s0] =	ssyncadd.s32 $0xFFFFE700  }
0x233: {  	[spmem:s2] =	stream.indirect.scatter.add.f32 [tilespmem:s11], [sflag:$0x2], $0x80, s15, s8, $0xb8;
	v63 =	vld [tilespmem:$0x0]  }
0x234: {  	_ =	swait.ge [sflag:s0], $0x1900  }
0x235: {  	[sflag:s0] =	ssyncset.done $0x0  }
0x236: {  	s15 =	sadd.s32 $0x1680, s19;
	[sflag:s0] =	ssyncadd.s32 $0xFFFFE700  }
0x237: {  	[tilespmem:s11], [sflag:$0x2] =	stream.indirect.gather [hbm4b:s1+s8], $0x80, s15, s8, $0xb8;
	v63 =	vld [tilespmem:$0x0]  }
0x238: {  	_ =	swait.ge [sflag:s3], $0x1900  }
0x239: {  	[sflag:s3] =	ssyncset.done $0x0  }
0x23a: {  	s15 =	sadd.s32 $0x3D00, s19;
	[sflag:s3] =	ssyncadd.s32 $0xFFFFE700  }
0x23b: {  	[spmem:s2] =	stream.indirect.scatter.add.f32 [tilespmem:s26], [sflag:$0x3], $0x80, s15, s8, $0xb8;
	v63 =	vld [tilespmem:$0x0]  }
0x23c: {  	_ =	swait.ge [sflag:s3], $0x1900  }
0x23d: {  	[sflag:s3] =	ssyncset.done $0x0  }
.Ltmp4:
0x23e: {  	s15 =	sadd.s32 $0x1700, s19;
	[sflag:s3] =	ssyncadd.s32 $0xFFFFE700;
	(pc) =	sbr.rel @p0 .LBB2_10-.Ltmp4, $4  }
0x23f: {  	[tilespmem:s26], [sflag:$0x3] =	stream.indirect.gather [hbm4b:s1+s8], $0x80, s15, s8, $0xb8;
	v63 =	vld [tilespmem:$0x0]  }
0x240: {  	_ =	swait.ge [sflag:s6], $0x1900  }
0x241: {  	[sflag:s6] =	ssyncset.done $0x0  }
0x242: {  	s19 =	sadd.s32 $0x3D80, s19;
	[sflag:s6] =	ssyncadd.s32 $0xFFFFE700  }
0x243: {  	[spmem:s2] =	stream.indirect.scatter.add.f32 [tilespmem:s13], [sflag:$0x4], $0x80, s19, s8, $0xb8;
	v63 =	vld [tilespmem:$0x0]  }
0x244: {  	_ =	swait.ge [sflag:s28], $0x1400  }
0x245: {  	[sflag:s28] =	ssyncset.done $0x0  }
0x246: {  	[sflag:s28] =	ssyncadd.s32 $0xFFFFEC00  }
0x247: {  	_ =	swait.ge [sflag:s28], $0x1400  }
0x248: {  	[sflag:s28] =	ssyncset.done $0x0  }
0x249: {  	[sflag:s28] =	ssyncadd.s32 $0xFFFFEC00  }
0x24a: {  	_ =	swait.ge [sflag:s6], $0x1900  }
0x24b: {  	[sflag:s6] =	ssyncset.done $0x0  }
0x24c: {  	s5 =	simm.s32 $0x2780;
	[sflag:s6] =	ssyncadd.s32 $0xFFFFE700  }
0x24d: {  	[tilespmem:s13], [sflag:$0x4] =	stream.indirect.gather [hbm4b:s1+s8], $0x80, s5, s8, $0xb8;
	v63 =	vld [tilespmem:$0x0]  }
0x24e: {  	_ =	swait.ge [sflag:s31], $0x1900  }
0x24f: {  	[sflag:s31] =	ssyncset.done $0x0  }
0x250: {  	s16 =	simm.s32 $0x4E00;
	[sflag:s31] =	ssyncadd.s32 $0xFFFFE700  }
0x251: {  	[spmem:s2] =	stream.indirect.scatter.add.f32 [tilespmem:s23], [sflag:$0x1], $0x80, s16, s8, $0xb8;
	v63 =	vld [tilespmem:$0x0]  }
0x252: {  	_ =	swait.ge [sflag:s31], $0x1900  }
0x253: {  	[sflag:s31] =	ssyncset.done $0x0  }
0x254: {  	s15 =	simm.s32 $0x0;
	[sflag:s31] =	ssyncadd.s32 $0xFFFFE700  }
0x255: {  	[tilespmem:s23], [sflag:$0x1] =	stream.indirect.gather [hbm4b:s1+s8], $0x80, s15, s8, $0xb8;
	v63 =	vld [tilespmem:$0x0]  }
0x256: {  	_ =	swait.ge [sflag:s0], $0x1900  }
0x257: {  	[sflag:s0] =	ssyncset.done $0x0  }
0x258: {  	s19 =	simm.s32 $0x4E80;
	[sflag:s0] =	ssyncadd.s32 $0xFFFFE700  }
0x259: {  	[spmem:s2] =	stream.indirect.scatter.add.f32 [tilespmem:s11], [sflag:$0x2], $0x80, s19, s8, $0xb8;
	v63 =	vld [tilespmem:$0x0]  }
0x25a: {  	_ =	swait.ge [sflag:s0], $0x1900  }
0x25b: {  	[sflag:s0] =	ssyncset.done $0x0  }
0x25c: {  	[sflag:s0] =	ssyncadd.s32 $0xFFFFE700  }
0x25d: {  	[tilespmem:s11], [sflag:$0x2] =	stream.indirect.gather [hbm4b:s1+s8], $0x80, s24, s8, $0xb8;
	v63 =	vld [tilespmem:$0x0]  }
0x25e: {  	_ =	swait.ge [sflag:s3], $0x1900  }
0x25f: {  	[sflag:s3] =	ssyncset.done $0x0  }
0x260: {  	s20 =	simm.s32 $0x4F00;
	[sflag:s3] =	ssyncadd.s32 $0xFFFFE700  }
0x261: {  	[spmem:s2] =	stream.indirect.scatter.add.f32 [tilespmem:s26], [sflag:$0x3], $0x80, s20, s8, $0xb8;
	v63 =	vld [tilespmem:$0x0]  }
0x262: {  	_ =	swait.ge [sflag:s3], $0x1900  }
0x263: {  	[sflag:s3] =	ssyncset.done $0x0  }
0x264: {  	[sflag:s3] =	ssyncadd.s32 $0xFFFFE700  }
0x265: {  	[tilespmem:s26], [sflag:$0x3] =	stream.indirect.gather [hbm4b:s1+s8], $0x80, s25, s8, $0xb8;
	v63 =	vld [tilespmem:$0x0]  }
0x266: {  	_ =	swait.ge [sflag:s6], $0x1900  }
0x267: {  	[sflag:s6] =	ssyncset.done $0x0  }
0x268: {  	s15 =	simm.s32 $0x4F80;
	[sflag:s6] =	ssyncadd.s32 $0xFFFFE700  }
0x269: {  	[spmem:s2] =	stream.indirect.scatter.add.f32 [tilespmem:s13], [sflag:$0x4], $0x80, s15, s8, $0xb8;
	v63 =	vld [tilespmem:$0x0]  }
0x26a: {  	_ =	swait.ge [sflag:s6], $0x1900  }
0x26b: {  	[sflag:s6] =	ssyncset.done $0x0  }
0x26c: {  	s16 =	simm.s32 $0x180;
	[sflag:s6] =	ssyncadd.s32 $0xFFFFE700  }
0x26d: {  	[tilespmem:s13], [sflag:$0x4] =	stream.indirect.gather [hbm4b:s1+s8], $0x80, s16, s8, $0xb8;
	v63 =	vld [tilespmem:$0x0]  }
0x26e: {  	_ =	swait.ge [sflag:s31], $0x1900  }
0x26f: {  	[sflag:s31] =	ssyncset.done $0x0  }
0x270: {  	s19 =	simm.s32 $0x2800;
	[sflag:s31] =	ssyncadd.s32 $0xFFFFE700  }
0x271: {  	[spmem:s2] =	stream.indirect.scatter.add.f32 [tilespmem:s23], [sflag:$0x1], $0x80, s19, s8, $0xb8;
	v63 =	vld [tilespmem:$0x0]  }
0x272: {  	_ =	swait.ge [sflag:s31], $0x1900  }
0x273: {  	[sflag:s31] =	ssyncset.done $0x0  }
0x274: {  	s20 =	simm.s32 $0x200;
	[sflag:s31] =	ssyncadd.s32 $0xFFFFE700  }
0x275: {  	[tilespmem:s23], [sflag:$0x1] =	stream.indirect.gather [hbm4b:s1+s8], $0x80, s20, s8, $0xb8;
	v63 =	vld [tilespmem:$0x0]  }
0x276: {  	_ =	swait.ge [sflag:s0], $0x1900  }
0x277: {  	[sflag:s0] =	ssyncset.done $0x0  }
0x278: {  	s5 =	simm.s32 $0x2880;
	[sflag:s0] =	ssyncadd.s32 $0xFFFFE700  }
0x279: {  	[spmem:s2] =	stream.indirect.scatter.add.f32 [tilespmem:s11], [sflag:$0x2], $0x80, s5, s8, $0xb8;
	v63 =	vld [tilespmem:$0x0]  }
0x27a: {  	_ =	swait.ge [sflag:s0], $0x1900  }
0x27b: {  	[sflag:s0] =	ssyncset.done $0x0  }
0x27c: {  	s16 =	simm.s32 $0x280;
	[sflag:s0] =	ssyncadd.s32 $0xFFFFE700  }
0x27d: {  	[tilespmem:s11], [sflag:$0x2] =	stream.indirect.gather [hbm4b:s1+s8], $0x80, s16, s8, $0xb8;
	v63 =	vld [tilespmem:$0x0]  }
0x27e: {  	_ =	swait.ge [sflag:s3], $0x1900  }
0x27f: {  	[sflag:s3] =	ssyncset.done $0x0  }
0x280: {  	s19 =	simm.s32 $0x2900;
	[sflag:s3] =	ssyncadd.s32 $0xFFFFE700  }
0x281: {  	[spmem:s2] =	stream.indirect.scatter.add.f32 [tilespmem:s26], [sflag:$0x3], $0x80, s19, s8, $0xb8;
	v63 =	vld [tilespmem:$0x0]  }
0x282: {  	_ =	swait.ge [sflag:s3], $0x1900  }
0x283: {  	[sflag:s3] =	ssyncset.done $0x0  }
0x284: {  	s20 =	simm.s32 $0x300;
	[sflag:s3] =	ssyncadd.s32 $0xFFFFE700  }
0x285: {  	[tilespmem:s26], [sflag:$0x3] =	stream.indirect.gather [hbm4b:s1+s8], $0x80, s20, s8, $0xb8;
	v63 =	vld [tilespmem:$0x0]  }
0x286: {  	_ =	swait.ge [sflag:s6], $0x1900  }
0x287: {  	[sflag:s6] =	ssyncset.done $0x0  }
0x288: {  	s19 =	simm.s32 $0x2980;
	s20 =	simm.s32 $0x800;
	[sflag:s6] =	ssyncadd.s32 $0xFFFFE700  }
.LBB2_12:
0x289: {  	[spmem:s2] =	stream.indirect.scatter.add.f32 [tilespmem:s13], [sflag:$0x4], $0x80, s19, s8, $0xb8;
	v63 =	vld [tilespmem:$0x0]  }
0x28a: {  	s15 =	smov.u32 s20  }
0x28b: {  	p0 =	sne.s32 s20, $0x4000;
	s20 =	sadd.s32 $0x800, s20;
	_ =	swait.ge [sflag:s6], $0x1900  }
0x28c: {  	s19 =	sshra.s32 s15, $0x2;
	[sflag:s6] =	ssyncset.done $0x0  }
0x28d: {  	s15 =	sadd.s32 $0x180, s19;
	[sflag:s6] =	ssyncadd.s32 $0xFFFFE700  }
0x28e: {  	[tilespmem:s13], [sflag:$0x4] =	stream.indirect.gather [hbm4b:s1+s8], $0x80, s15, s8, $0xb8;
	v63 =	vld [tilespmem:$0x0]  }
0x28f: {  	_ =	swait.ge [sflag:s31], $0x1900  }
0x290: {  	[sflag:s31] =	ssyncset.done $0x0  }
0x291: {  	s15 =	sadd.s32 $0x2800, s19;
	[sflag:s31] =	ssyncadd.s32 $0xFFFFE700  }
0x292: {  	[spmem:s2] =	stream.indirect.scatter.add.f32 [tilespmem:s23], [sflag:$0x1], $0x80, s15, s8, $0xb8;
	v63 =	vld [tilespmem:$0x0]  }
0x293: {  	_ =	swait.ge [sflag:s31], $0x1900  }
0x294: {  	[sflag:s31] =	ssyncset.done $0x0  }
0x295: {  	s15 =	sadd.s32 $0x200, s19;
	[sflag:s31] =	ssyncadd.s32 $0xFFFFE700  }
0x296: {  	[tilespmem:s23], [sflag:$0x1] =	stream.indirect.gather [hbm4b:s1+s8], $0x80, s15, s8, $0xb8;
	v63 =	vld [tilespmem:$0x0]  }
0x297: {  	_ =	swait.ge [sflag:s0], $0x1900  }
0x298: {  	[sflag:s0] =	ssyncset.done $0x0  }
0x299: {  	s15 =	sadd.s32 $0x2880, s19;
	[sflag:s0] =	ssyncadd.s32 $0xFFFFE700  }
0x29a: {  	[spmem:s2] =	stream.indirect.scatter.add.f32 [tilespmem:s11], [sflag:$0x2], $0x80, s15, s8, $0xb8;
	v63 =	vld [tilespmem:$0x0]  }
0x29b: {  	_ =	swait.ge [sflag:s0], $0x1900  }
0x29c: {  	[sflag:s0] =	ssyncset.done $0x0  }
0x29d: {  	s15 =	sadd.s32 $0x280, s19;
	[sflag:s0] =	ssyncadd.s32 $0xFFFFE700  }
0x29e: {  	[tilespmem:s11], [sflag:$0x2] =	stream.indirect.gather [hbm4b:s1+s8], $0x80, s15, s8, $0xb8;
	v63 =	vld [tilespmem:$0x0]  }
0x29f: {  	_ =	swait.ge [sflag:s3], $0x1900  }
0x2a0: {  	[sflag:s3] =	ssyncset.done $0x0  }
0x2a1: {  	s15 =	sadd.s32 $0x2900, s19;
	[sflag:s3] =	ssyncadd.s32 $0xFFFFE700  }
0x2a2: {  	[spmem:s2] =	stream.indirect.scatter.add.f32 [tilespmem:s26], [sflag:$0x3], $0x80, s15, s8, $0xb8;
	v63 =	vld [tilespmem:$0x0]  }
0x2a3: {  	_ =	swait.ge [sflag:s3], $0x1900  }
0x2a4: {  	[sflag:s3] =	ssyncset.done $0x0  }
.Ltmp5:
0x2a5: {  	s15 =	sadd.s32 $0x300, s19;
	[sflag:s3] =	ssyncadd.s32 $0xFFFFE700;
	(pc) =	sbr.rel @p0 .LBB2_12-.Ltmp5, $4  }
0x2a6: {  	[tilespmem:s26], [sflag:$0x3] =	stream.indirect.gather [hbm4b:s1+s8], $0x80, s15, s8, $0xb8;
	v63 =	vld [tilespmem:$0x0]  }
0x2a7: {  	_ =	swait.ge [sflag:s6], $0x1900  }
0x2a8: {  	[sflag:s6] =	ssyncset.done $0x0  }
0x2a9: {  	s19 =	sadd.s32 $0x2980, s19;
	[sflag:s6] =	ssyncadd.s32 $0xFFFFE700  }
0x2aa: {  	[spmem:s2] =	stream.indirect.scatter.add.f32 [tilespmem:s13], [sflag:$0x4], $0x80, s19, s8, $0xb8;
	v63 =	vld [tilespmem:$0x0]  }
0x2ab: {  	_ =	swait.ge [sflag:s6], $0x1900  }
0x2ac: {  	[sflag:s6] =	ssyncset.done $0x0  }
0x2ad: {  	[sflag:s6] =	ssyncadd.s32 $0xFFFFE700  }
0x2ae: {  	[tilespmem:s13], [sflag:$0x4] =	stream.indirect.gather [hbm4b:s1+s8], $0x80, s10, s8, $0xb8;
	v63 =	vld [tilespmem:$0x0]  }
0x2af: {  	_ =	swait.ge [sflag:s31], $0x1900  }
0x2b0: {  	[sflag:s31] =	ssyncset.done $0x0  }
0x2b1: {  	[sflag:s31] =	ssyncadd.s32 $0xFFFFE700  }
0x2b2: {  	[spmem:s2] =	stream.indirect.scatter.add.f32 [tilespmem:s23], [sflag:$0x1], $0x80, s12, s8, $0xb8;
	v63 =	vld [tilespmem:$0x0]  }
0x2b3: {  	_ =	swait.ge [sflag:s31], $0x1900  }
0x2b4: {  	[sflag:s31] =	ssyncset.done $0x0  }
0x2b5: {  	[sflag:s31] =	ssyncadd.s32 $0xFFFFE700  }
0x2b6: {  	_ =	swait.ge [sflag:s0], $0x1900  }
0x2b7: {  	[sflag:s0] =	ssyncset.done $0x0  }
0x2b8: {  	[sflag:s0] =	ssyncadd.s32 $0xFFFFE700  }
0x2b9: {  	[spmem:s2] =	stream.indirect.scatter.add.f32 [tilespmem:s11], [sflag:$0x2], $0x80, s14, s8, $0xb8;
	v63 =	vld [tilespmem:$0x0]  }
0x2ba: {  	_ =	swait.ge [sflag:s0], $0x1900  }
0x2bb: {  	[sflag:s0] =	ssyncset.done $0x0  }
0x2bc: {  	[sflag:s0] =	ssyncadd.s32 $0xFFFFE700  }
0x2bd: {  	_ =	swait.ge [sflag:s3], $0x1900  }
0x2be: {  	[sflag:s3] =	ssyncset.done $0x0  }
0x2bf: {  	[sflag:s3] =	ssyncadd.s32 $0xFFFFE700  }
0x2c0: {  	[spmem:s2] =	stream.indirect.scatter.add.f32 [tilespmem:s26], [sflag:$0x3], $0x80, s30, s8, $0xb8;
	v63 =	vld [tilespmem:$0x0]  }
0x2c1: {  	_ =	swait.ge [sflag:s3], $0x1900  }
0x2c2: {  	[sflag:s3] =	ssyncset.done $0x0  }
0x2c3: {  	[sflag:s3] =	ssyncadd.s32 $0xFFFFE700  }
0x2c4: {  	_ =	swait.ge [sflag:s6], $0x1900  }
0x2c5: {  	[sflag:s6] =	ssyncset.done $0x0  }
0x2c6: {  	[sflag:s6] =	ssyncadd.s32 $0xFFFFE700  }
0x2c7: {  	[spmem:s2] =	stream.indirect.scatter.add.f32 [tilespmem:s13], [sflag:$0x4], $0x80, s17, s8, $0xb8;
	v63 =	vld [tilespmem:$0x0]  }
0x2c8: {  	_ =	swait.ge [sflag:s6], $0x1900  }
0x2c9: {  	[sflag:s6] =	ssyncset.done $0x0  }
0x2ca: {  	s15 =	stileid.u32;
	[sflag:s6] =	ssyncadd.s32 $0xFFFFE700  }
0x2cb: {  	s15 =	sshll.u32 s15, $0x6;
	[bflag:$0x0] =	sbarrier.arrive $0xFFFF  }
0x2cc: {  	s20 =	sshrl.u32 s9, $0x3;
	s19 =	sor.u32 $0x1C01, s15;
	s16 =	rddreg [dreg:$0xa]  }
0x2cd: {  	[hbm:s16], [sflag:s19] =	dma.local [spmem:s20], $0x800  }
0x2ce: {  	s16 =	rddreg [dreg:$0xb]  }
0x2cf: {  	s20 =	sor.u32 $0x1C02, s15;
	s5 =	rddreg [dreg:$0x13]  }
0x2d0: {  	[hbm:s16], [sflag:s20] =	dma.local [spmem:s5], $0x800  }
0x2d1: {  	s16 =	rddreg [dreg:$0xc]  }
0x2d2: {  	s20 =	sor.u32 $0x1C03, s15;
	s5 =	rddreg [dreg:$0x15]  }
0x2d3: {  	[hbm:s16], [sflag:s20] =	dma.local [spmem:s5], $0x800  }
0x2d4: {  	s16 =	rddreg [dreg:$0xd]  }
0x2d5: {  	s15 =	sor.u32 $0x1C04, s15;
	s5 =	rddreg [dreg:$0x16]  }
0x2d6: {  	[hbm:s16], [sflag:s15] =	dma.local [spmem:s5], $0x800  }
0x2d7: {  	s15 =	rddreg [dreg:$0xe]  }
0x2d8: {  	s5 =	rddreg [dreg:$0x17]  }
0x2d9: {  	[hbm:s15], [sflag:s19] =	dma.local [spmem:s5], $0x800  }
0x2da: {  	_ =	swait.ge [sflag:s31], $0x800  }
0x2db: {  	[sflag:s31] =	ssyncset.done $0x0  }
0x2dc: {  	[sflag:s31] =	ssyncadd.s32 $0xFFFFF800  }
0x2dd: {  	_ =	swait.ge [sflag:s0], $0x800  }
0x2de: {  	[sflag:s0] =	ssyncset.done $0x0  }
0x2df: {  	[sflag:s0] =	ssyncadd.s32 $0xFFFFF800  }
0x2e0: {  	_ =	swait.ge [sflag:s3], $0x800  }
0x2e1: {  	[sflag:s3] =	ssyncset.done $0x0  }
0x2e2: {  	[sflag:s3] =	ssyncadd.s32 $0xFFFFF800  }
0x2e3: {  	_ =	swait.ge [sflag:s6], $0x800  }
0x2e4: {  	[sflag:s6] =	ssyncset.done $0x0  }
0x2e5: {  	[sflag:s6] =	ssyncadd.s32 $0xFFFFF800  }
0x2e6: {  	_ =	swait.ge [sflag:s31], $0x800  }
0x2e7: {  	s18 =	sadd.s32 $0x1, s18;
	s20 =	rddreg [dreg:$0x12]  }
0x2e8: {  	p0 =	sne.s32 s18, s20  }
.Ltmp6:
0x2e9: {  	_ = 	snop;
	(pc) =	sbr.rel @p0 .LBB2_1-.Ltmp6, $3  }
0x2ea: {  	_ =	sdelay $0x1  }
0x2eb: {  	[sflag:s31] =	ssyncset.done $0x0  }
0x2ec: {  	[sflag:s31] =	ssyncadd.s32 $0xFFFFF800  }
0x2ed: {  	_ =	sfence.sel $0x180000  }
0x2ee: {  	[bflag:$0x0] =	sbarrier.arrive $0xFFFF  }
0x2ef: {  	_ =	strace $0x90000047  }
0x2f0: {  	s0 =	stileid.u32;
	[bflag:$0x2] =	sbarrier.arrive $0xFFFF  }
0x2f1: {  	p0 =	sne.s32 s0, $0x0;
	s0 =	rddreg [dreg:$0x3]  }
0x2f2: {  	s0 =	sadd.s32 @!p0 $0x100000, s0  }
0x2f3: {  	[sflag:s0] =	ssyncadd.tile.s32 @!p0 $0x1;
	_ =	shalt  }
.Lfunc_end2:
_tile_overlayer_lowered:
.L_overlay_start_2:
0x2f4: {  	(tag) =	ssettag $0x2  }
0x2f5: {  	s0 =	rddreg [dreg:$0x0];
	s2 =	stileid.u32  }
0x2f6: {  	s1 =	rddreg [dreg:$0x1];
	p0 =	sne.s32 s2, $0x0  }
0x2f7: {  	s3 =	rddreg [dreg:$0x2];
	[bflag:$0x3] =	sbarrier.arrive $0xFFFF;
	s2 =	simm.s32 @!p0 $0x1C06  }
0x2f8: {  	[timem:s3], [sflag:s2] =	dma.local @!p0 [hbm:s0], s1  }
0x2f9: {  	s0 =	simm.s32 @!p0 $0x6  }
0x2fa: {  	_ =	swait.ge @!p0 [sflag:s0], s1  }
0x2fb: {  	s1 =	ssub.s32 @!p0 $0x0, s1;
	[sflag:s0] =	ssyncset.done @!p0 $0x0  }
0x2fc: {  	[sflag:s0] =	ssyncadd.s32 @!p0 s1  }
0x2fd: {  	[bflag:$0x3] =	sbarrier.arrive $0xFFFF  }
0x2fe: {  	_ =	shalt  }

</sc_bundles>
